<compile_context>
chip_gen: v7x
topology: tpu7x:2x2x1
jax: 0.10.2.dev20260603
libtpu: 0.0.44.dev20260713+nightly
codegen_flags: <defaults>
</compile_context>

<pallas_src>
import functools

import jax
import jax.numpy as jnp
from jax import lax
from jax.experimental import pallas as pl
from jax.experimental.pallas import tpu as pltpu
from jax.experimental.pallas import tpu_sc as plsc

A = 3
N = 2048
Q = 16
ROWS = A * N
NW = 32
RPW = ROWS // NW
CH = 8
NCH = RPW // CH

_OFF_000 = 0
_OFF_011 = 1
_OFF_101 = 10
_OFF_110 = 19
_OFF_111 = 28
_OFF_112 = 55
CG_LEN = 112

NTILE = N // 8
BN = 256
NB = N // BN


def _build_sc_phases():
    phases = {}

    w_defs, comps = [], []
    w_defs.append([(_OFF_000, 0)])
    comps.append((0, 0, [(0, 0)]))
    entries = []
    for j in range(3):
        w_defs.append([(_OFF_110 + i * 3 + j, 1 + i) for i in range(3)])
        entries.append((len(w_defs) - 1, 1 + j))
    comps.append((0, 256, entries))
    phases[0] = (w_defs, comps)

    w_defs, comps = [], []
    for M in range(3):
        entries = []
        for j in range(3):
            w_defs.append([(_OFF_111 + (i * 3 + j) * 3 + M, 1 + i) for i in range(3)])
            entries.append((len(w_defs) - 1, 1 + j))
        comps.append((M, 0, entries))
    phases[1] = (w_defs, comps)

    return phases


_SC_PHASES = _build_sc_phases()
_SC_ORDER = (1, 0)
_SC_PT = (4, 2)


def _sc_body(xin_hbm, cg_hbm, o01_hbm, o1m1_hbm,
             in_v, cg_v, b01, b1m1,
             sem_in0, sem_in1, sp0, sp1):
    wid = lax.axis_index("s") * 2 + lax.axis_index("c")
    row0 = wid * RPW

    pltpu.sync_copy(cg_hbm, cg_v)
    cgvecs = [cg_v[pl.ds(16 * k, 16)] for k in range(CG_LEN // 16)]

    def cgs(i):
        return cgvecs[i // 16][i % 16]

    iota = lax.iota(jnp.int32, 16)
    colbase = iota * 16
    tilebase = (iota // 8) * 1024 + (iota % 8) * 16

    out_bufs = (b01, b1m1)
    sem_in = (sem_in0, sem_in1)
    sem_ph = (sp0, sp1)

    def start_in(ch, b):
        pltpu.async_copy(xin_hbm.at[pl.ds(row0 + ch * CH, CH)],
                         in_v.at[b], sem_in[b])

    def wait_in(b):
        pltpu.make_async_copy(xin_hbm.at[pl.ds(0, CH)],
                              in_v.at[b], sem_in[b]).wait()

    def phase_copies(ch, key):
        base = row0 + ch * CH
        if key == 0:
            return [(b01, o01_hbm.at[pl.ds(base * 512, CH * 512)])]
        a_sp = base // 2048
        off = (base % 2048) * 128
        return [
            (b1m1.at[pl.ds(m_i * 2048, 2048)],
             o1m1_hbm.at[a_sp, m_i, pl.ds(off * 2, 2048)])
            for m_i in range(3)
        ]

    def start_phase_out(ch, key):
        for src, dst in phase_copies(ch, key):
            pltpu.async_copy(src, dst, sem_ph[key])

    def wait_phase_out(key):
        for src, dst in phase_copies(0, key):
            pltpu.make_async_copy(src, dst, sem_ph[key]).wait()

    def compute_phase(b, key):
        w_defs, comps = _SC_PHASES[key]
        buf = out_bufs[key]

        @pl.loop(0, CH)
        def _row(r):
            avec = [in_v[b, r, pl.ds(16 * c, 16)] for c in range(4)]
            bvec = [in_v[b, r, pl.ds(64 + 16 * c, 16)] for c in range(4)]

            wvecs = []
            for terms in w_defs:
                acc = None
                for cg_idx, a_comp in terms:
                    term = cgs(cg_idx) * avec[a_comp]
                    acc = term if acc is None else acc + term
                wvecs.append(acc)

            vb = (colbase + r * 512) if key == 0 else (tilebase + r * 128)
            for q2 in range(Q):
                bs = [bvec[c][q2] for c in range(4)]
                for m_idx, p_off, entries in comps:
                    acc = None
                    for w_idx, b_comp in entries:
                        term = wvecs[w_idx] * bs[b_comp]
                        acc = term if acc is None else acc + term
                    if key == 0:
                        fvec = vb + (p_off + q2)
                    else:
                        fvec = vb + (m_idx * 2048 + q2)
                    plsc.store_scatter(buf, [fvec], acc)

    start_in(0, 0)

    @pl.loop(0, NCH // 2)
    def _pair(p):
        for b in range(2):
            ch = p * 2 + b
            wait_in(b)

            @pl.when(ch + 1 < NCH)
            def _():
                start_in(ch + 1, 1 - b)

            for key in _SC_ORDER:
                if b == 0:
                    @pl.when(p > 0)
                    def _(key=key):
                        wait_phase_out(key)
                else:
                    wait_phase_out(key)
                compute_phase(b, key)
                start_phase_out(ch, key)

    for key in _SC_ORDER:
        wait_phase_out(key)


def _tc_body(cg_ref, xin_ref, o11_ref, o21_ref):
    x = xin_ref[0]
    qi = lax.broadcasted_iota(jnp.int32, (Q, 256), 0)
    pi = lax.broadcasted_iota(jnp.int32, (Q, 256), 1)
    Rm = (pi // Q == qi).astype(jnp.float32)
    Tm = (pi % Q == qi).astype(jnp.float32)

    x1l1 = x[:, 16:64]
    x2l0 = x[:, 64:80]
    x2l1 = x[:, 80:128]
    x1l0 = x[:, 0:16]

    def mm(a, w):
        return jax.lax.dot_general(
            a, w, (((1,), (0,)), ((), ())),
            preferred_element_type=jnp.float32)

    A0 = mm(x1l0, Rm)
    B0 = mm(x2l0, Tm)
    B1 = [mm(x2l1[:, 16 * j:16 * (j + 1)], Tm) for j in range(3)]

    def wstack(coeffs, base):
        return jnp.concatenate([c * base for c in coeffs], axis=0)

    for M in range(5):
        acc = None
        for j in range(3):
            w = wstack([cg_ref[_OFF_112 + (i * 3 + j) * 5 + M]
                        for i in range(3)], Rm)
            t = mm(x1l1, w) * B1[j]
            acc = t if acc is None else acc + t
        o21_ref[0, M] = acc

    for M in range(3):
        wb = wstack([cg_ref[_OFF_011 + j * 3 + M] for j in range(3)], Tm)
        left = A0 * mm(x2l1, wb)
        wa = wstack([cg_ref[_OFF_101 + i * 3 + M] for i in range(3)], Rm)
        right = mm(x1l1, wa) * B0
        o11_ref[0, M] = jnp.concatenate([left, right], axis=1)


@jax.jit
def _run(xin, cgflat):
    mesh = plsc.VectorSubcoreMesh(core_axis_name="c", subcore_axis_name="s")
    sc = pl.kernel(
        _sc_body,
        out_type=(
            jax.ShapeDtypeStruct((ROWS * 512,), jnp.float32),
            jax.ShapeDtypeStruct((A, 3, NTILE * 2 * 1024), jnp.float32),
        ),
        mesh=mesh,
        compiler_params=pltpu.CompilerParams(
            use_tc_tiling_on_sc=False, needs_layout_passes=False,
            disable_bounds_checks=True),
        scratch_types=[
            pltpu.VMEM((2, CH, 128), jnp.float32),
            pltpu.VMEM((CG_LEN,), jnp.float32),
            pltpu.VMEM((CH * 512,), jnp.float32),
            pltpu.VMEM((3 * 2 * 1024,), jnp.float32),
        ] + [pltpu.SemaphoreType.DMA] * 4,
    )
    o01, o1m1 = sc(xin, cgflat)

    xin3 = xin.reshape(A, N, 128)
    o11t, o21t = pl.pallas_call(
        _tc_body,
        grid=(A, NB),
        in_specs=[
            pl.BlockSpec(memory_space=pltpu.SMEM),
            pl.BlockSpec((1, BN, 128), lambda a, nb: (a, nb, 0)),
        ],
        out_specs=[
            pl.BlockSpec((1, 3, BN, 512), lambda a, nb: (a, 0, nb, 0)),
            pl.BlockSpec((1, 5, BN, 256), lambda a, nb: (a, 0, nb, 0)),
        ],
        out_shape=[
            jax.ShapeDtypeStruct((A, 3, N, 512), jnp.float32),
            jax.ShapeDtypeStruct((A, 5, N, 256), jnp.float32),
        ],
    )(cgflat, xin3)
    return o01, o1m1, o11t, o21t


def _untile(o, m, p):
    pt = p // 128
    return (o.reshape(A, m, NTILE, pt, 8, 128)
             .transpose(0, 2, 4, 1, 3, 5)
             .reshape(A, N, m, p))


def kernel(x1_l0, x1_l1, x2_l0, x2_l1, cg_0_0_0, cg_0_1_1, cg_1_0_1,
           cg_1_1_0, cg_1_1_1, cg_1_1_2, sel):
    del sel
    xin = jnp.concatenate([
        x1_l0.reshape(ROWS, Q),
        x1_l1.reshape(ROWS, 3 * Q),
        x2_l0.reshape(ROWS, Q),
        x2_l1.reshape(ROWS, 3 * Q),
    ], axis=1)
    cgflat = jnp.concatenate([
        cg_0_0_0.ravel(), cg_0_1_1.ravel(), cg_1_0_1.ravel(),
        cg_1_1_0.ravel(), cg_1_1_1.ravel(), cg_1_1_2.ravel(),
        jnp.zeros((CG_LEN - 100,), jnp.float32),
    ])
    o01, o1m1, o11t, o21t = _run(xin, cgflat)
    return (
        o01.reshape(A, N, 1, 512),
        _untile(o1m1, 3, 256),
        o11t.transpose(0, 2, 1, 3),
        o21t.transpose(0, 2, 1, 3),
    )

# --- scband reference (transcript-rebuilt; emitter-appended) ---
"""Pipeline reference for scband-cgiteration-12532714570336 (READ-ONLY COPY).

The authoritative reference and input builder live on the scoring server;
editing this copy changes nothing except your own understanding.
"""

import jax, jax.numpy as jnp
import numpy as np

SPECIES = 3
N = 2048
Q = 16
L_MAX = 2


def _combine(a, b, C, sel):
    # a: [A, N, 2l1+1, q1], b: [A, N, 2l2+1, q2], C: [2l1+1, 2l2+1, 2L+1], sel: [P, 2]
    e1 = jax.nn.one_hot(sel[:, 0], a.shape[-1], dtype=a.dtype)  # [P, q1]
    e2 = jax.nn.one_hot(sel[:, 1], b.shape[-1], dtype=b.dtype)  # [P, q2]
    f1 = jnp.einsum('anlq,pq->anlp', a, e1)  # [A, N, m1, P]
    f2 = jnp.einsum('anlq,pq->anlp', b, e2)  # [A, N, m2, P]
    return jnp.einsum('anip,anjp,ijM->anMp', f1, f2, C)


def setup_inputs(seed: int = 0) -> dict:
    key = jax.random.key(seed)
    ks = jax.random.split(key, 12)
    # full Cartesian feature-pair selection, as built in CGIteration.initialize
    sel = jnp.asarray(np.array([[q1, q2] for q1 in range(Q) for q2 in range(Q)], dtype=np.int32))
    return {
        'x1_l0': jax.random.normal(ks[0], (SPECIES, N, 1, Q), dtype=jnp.float32),
        'x1_l1': jax.random.normal(ks[1], (SPECIES, N, 3, Q), dtype=jnp.float32),
        'x2_l0': jax.random.normal(ks[2], (SPECIES, N, 1, Q), dtype=jnp.float32),
        'x2_l1': jax.random.normal(ks[3], (SPECIES, N, 3, Q), dtype=jnp.float32),
        'cg_0_0_0': jax.random.normal(ks[4], (1, 1, 1), dtype=jnp.float32),
        'cg_0_1_1': jax.random.normal(ks[5], (1, 3, 3), dtype=jnp.float32),
        'cg_1_0_1': jax.random.normal(ks[6], (3, 1, 3), dtype=jnp.float32),
        'cg_1_1_0': jax.random.normal(ks[7], (3, 3, 1), dtype=jnp.float32),
        'cg_1_1_1': jax.random.normal(ks[8], (3, 3, 3), dtype=jnp.float32),
        'cg_1_1_2': jax.random.normal(ks[9], (3, 3, 5), dtype=jnp.float32),
        'sel': sel,
    }


def reference(x1_l0, x1_l1, x2_l0, x2_l1, cg_0_0_0, cg_0_1_1, cg_1_0_1, cg_1_1_0, cg_1_1_1, cg_1_1_2, sel):
    x1 = {0: x1_l0, 1: x1_l1}
    x2 = {0: x2_l0, 1: x2_l1}
    cg = {(0, 0, 0): cg_0_0_0, (0, 1, 1): cg_0_1_1, (1, 0, 1): cg_1_0_1,
          (1, 1, 0): cg_1_1_0, (1, 1, 1): cg_1_1_1, (1, 1, 2): cg_1_1_2}
    block_dict = {}
    for l1 in (0, 1):
        for l2 in (0, 1):
            for L in range(abs(l1 - l2), min(l1 + l2, L_MAX) + 1):
                S = (-1) ** (l1 + l2 + L)
                if (L, S) not in block_dict:
                    block_dict[(L, S)] = []
                block_dict[(L, S)].append(_combine(x1[l1], x2[l2], cg[(l1, l2, L)], sel))
    # concat along properties axis per output (L, S) key, deterministic key order
    return tuple(jnp.concatenate(v, axis=-1) for k, v in sorted(block_dict.items()))

if __name__ == "__main__":
    import jax
    _d = setup_inputs()
    print(jax.jit(kernel)(*tuple(_d.values())))

</pallas_src>

<mosaic_0001>
#map = affine_map<(d0, d1) -> (0, 0)>
#map1 = affine_map<(d0, d1) -> (0)>
#map2 = affine_map<(d0, d1) -> (0, 0, 0)>
module attributes {stable_mosaic.version = 14 : i64} {
  func.func @_sc_body(%arg0: i32, %arg1: i32, %arg2: memref<6144x128xf32, #tpu.memory_space<hbm>>, %arg3: memref<112xf32, #tpu.memory_space<hbm>>, %arg4: memref<3145728xf32, #tpu.memory_space<hbm>>, %arg5: memref<3x3x524288xf32, #tpu.memory_space<hbm>>, %arg6: memref<2x8x128xf32, #tpu.memory_space<vmem>>, %arg7: memref<112xf32, #tpu.memory_space<vmem>>, %arg8: memref<4096xf32, #tpu.memory_space<vmem>>, %arg9: memref<6144xf32, #tpu.memory_space<vmem>>, %arg10: memref<!tpu.dma_semaphore, #tpu.memory_space<semaphore_mem>>, %arg11: memref<!tpu.dma_semaphore, #tpu.memory_space<semaphore_mem>>, %arg12: memref<!tpu.dma_semaphore, #tpu.memory_space<semaphore_mem>>, %arg13: memref<!tpu.dma_semaphore, #tpu.memory_space<semaphore_mem>>) attributes {dimension_semantics = [#tpu.dimension_semantics<core_parallel>, #tpu.dimension_semantics<subcore_parallel>], iteration_bounds = array<i64: 2, 16>, scalar_prefetch = 0 : i64, scratch_operands = 8 : i64, tpu.core_type = #tpu.core_type<sc_vector_subcore>, window_params = [{transform_indices = #map}, {transform_indices = #map1}, {transform_indices = #map1}, {transform_indices = #map2}]} {
    %mul3A = arith.constant 2 : i32
    %mul3A_0 = arith.muli %arg1, %mul3A : i32
    %add3A = arith.addi %mul3A_0, %arg0 : i32
    %mul3A_1 = arith.constant 192 : i32
    %mul3A_2 = arith.muli %add3A, %mul3A_1 : i32
    "tpu.region"() ({
      %run_scoped3A = tpu.sem_alloc : memref<!tpu.dma_semaphore, #tpu.memory_space<semaphore_mem>>
      tpu.enqueue_dma source(%arg3 : memref<112xf32, #tpu.memory_space<hbm>>) target(%arg7 : memref<112xf32, #tpu.memory_space<vmem>>) target_semaphore(%run_scoped3A : memref<!tpu.dma_semaphore, #tpu.memory_space<semaphore_mem>>)
      tpu.wait_dma2 semaphore(%run_scoped3A : memref<!tpu.dma_semaphore, #tpu.memory_space<semaphore_mem>>) src(%arg3 : memref<112xf32, #tpu.memory_space<hbm>>) dst(%arg7 : memref<112xf32, #tpu.memory_space<vmem>>)
      tpu.yield
    }) : () -> ()
    %get3A = arith.constant 0 : index
    %get3A_3 = tpu.vector_load %arg7[%get3A] {strides = array<i32>} : memref<112xf32, #tpu.memory_space<vmem>>, vector<16xf32>,
    %get3A_4 = arith.constant 16 : index
    %get3A_5 = tpu.vector_load %arg7[%get3A_4] {strides = array<i32>} : memref<112xf32, #tpu.memory_space<vmem>>, vector<16xf32>,
    %get3A_6 = arith.constant 32 : index
    %get3A_7 = tpu.vector_load %arg7[%get3A_6] {strides = array<i32>} : memref<112xf32, #tpu.memory_space<vmem>>, vector<16xf32>,
    %get3A_8 = arith.constant 48 : index
    %get3A_9 = tpu.vector_load %arg7[%get3A_8] {strides = array<i32>} : memref<112xf32, #tpu.memory_space<vmem>>, vector<16xf32>,
    %get3A_10 = arith.constant 64 : index
    %get3A_11 = tpu.vector_load %arg7[%get3A_10] {strides = array<i32>} : memref<112xf32, #tpu.memory_space<vmem>>, vector<16xf32>,
    %get3A_12 = arith.constant 80 : index
    %get3A_13 = tpu.vector_load %arg7[%get3A_12] {strides = array<i32>} : memref<112xf32, #tpu.memory_space<vmem>>, vector<16xf32>,
    %get3A_14 = arith.constant 96 : index
    %get3A_15 = tpu.vector_load %arg7[%get3A_14] {strides = array<i32>} : memref<112xf32, #tpu.memory_space<vmem>>, vector<16xf32>,
    %iota3A = tpu.iota {dimensions = array<i32: 0>} : vector<16xi32>
    %mul3A_16 = arith.constant 16 : i32
    %mul3A_17 = vector.broadcast %mul3A_16 : i32 to vector<16xi32>
    %mul3A_18 = arith.muli %iota3A, %mul3A_17 : vector<16xi32>
    %jit3A = arith.constant 8 : i32
    %div3A = vector.broadcast %jit3A : i32 to vector<16xi32>
    %div3A_19 = arith.divsi %iota3A, %div3A : vector<16xi32>
    %sign3A = arith.constant 0 : i32
    %sign3A_20 = vector.broadcast %sign3A : i32 to vector<16xi32>
    %sign3A_21 = arith.cmpi sgt, %iota3A, %sign3A_20 : vector<16xi32>
    %sign3A_22 = arith.extui %sign3A_21 : vector<16xi1> to vector<16xi32>
    %sign3A_23 = arith.constant 0 : i32
    %sign3A_24 = vector.broadcast %sign3A_23 : i32 to vector<16xi32>
    %sign3A_25 = arith.cmpi slt, %iota3A, %sign3A_24 : vector<16xi32>
    %sign3A_26 = arith.extui %sign3A_25 : vector<16xi1> to vector<16xi32>
    %sign3A_27 = arith.subi %sign3A_22, %sign3A_26 : vector<16xi32>
    %sign3A_28 = arith.constant 0 : i32
    %sign3A_29 = arith.cmpi sgt, %jit3A, %sign3A_28 : i32
    %sign3A_30 = arith.extui %sign3A_29 : i1 to i32
    %sign3A_31 = arith.constant 0 : i32
    %sign3A_32 = arith.cmpi slt, %jit3A, %sign3A_31 : i32
    %sign3A_33 = arith.extui %sign3A_32 : i1 to i32
    %sign3A_34 = arith.subi %sign3A_30, %sign3A_33 : i32
    %ne3A = vector.broadcast %sign3A_34 : i32 to vector<16xi32>
    %ne3A_35 = arith.cmpi ne, %sign3A_27, %ne3A : vector<16xi32>
    %rem3A = vector.broadcast %jit3A : i32 to vector<16xi32>
    %rem3A_36 = arith.remsi %iota3A, %rem3A : vector<16xi32>
    %ne3A_37 = arith.constant 0 : i32
    %ne3A_38 = vector.broadcast %ne3A_37 : i32 to vector<16xi32>
    %ne3A_39 = arith.cmpi ne, %rem3A_36, %ne3A_38 : vector<16xi32>
    %and3A = arith.andi %ne3A_35, %ne3A_39 : vector<16xi1>
    %sub3A = arith.constant 1 : i32
    %sub3A_40 = vector.broadcast %sub3A : i32 to vector<16xi32>
    %sub3A_41 = arith.subi %div3A_19, %sub3A_40 : vector<16xi32>
    %select_n3A = arith.select %and3A, %sub3A_41, %div3A_19 : vector<16xi1>, vector<16xi32>
    %mul3A_42 = arith.constant 1024 : i32
    %mul3A_43 = vector.broadcast %mul3A_42 : i32 to vector<16xi32>
    %mul3A_44 = arith.muli %select_n3A, %mul3A_43 : vector<16xi32>
    %jit3A_45 = arith.constant 8 : i32
    %eq3A = arith.constant 0 : i32
    %eq3A_46 = arith.cmpi eq, %jit3A_45, %eq3A : i32
    %jit3A_47 = arith.constant 1 : i32
    %select_n3A_48 = arith.select %eq3A_46, %jit3A_47, %jit3A_45 : i32
    %rem3A_49 = vector.broadcast %select_n3A_48 : i32 to vector<16xi32>
    %rem3A_50 = arith.remsi %iota3A, %rem3A_49 : vector<16xi32>
    %ne3A_51 = arith.constant 0 : i32
    %ne3A_52 = vector.broadcast %ne3A_51 : i32 to vector<16xi32>
    %ne3A_53 = arith.cmpi ne, %rem3A_50, %ne3A_52 : vector<16xi32>
    %lt3A = arith.constant 0 : i32
    %lt3A_54 = vector.broadcast %lt3A : i32 to vector<16xi32>
    %lt3A_55 = arith.cmpi slt, %rem3A_50, %lt3A_54 : vector<16xi32>
    %lt3A_56 = arith.constant 0 : i32
    %lt3A_57 = arith.cmpi slt, %select_n3A_48, %lt3A_56 : i32
    %ne3A_58 = vector.broadcast %lt3A_57 : i1 to vector<16xi1>
    %ne3A_59 = vector.broadcast %ne3A_58 : vector<16xi1> to vector<16xi1>
    %ne3A_60 = arith.xori %lt3A_55, %ne3A_59 : vector<16xi1>
    %and3A_61 = arith.andi %ne3A_60, %ne3A_53 : vector<16xi1>
    %add3A_62 = vector.broadcast %select_n3A_48 : i32 to vector<16xi32>
    %add3A_63 = arith.addi %rem3A_50, %add3A_62 : vector<16xi32>
    %select_n3A_64 = arith.select %and3A_61, %add3A_63, %rem3A_50 : vector<16xi1>, vector<16xi32>
    %mul3A_65 = arith.constant 16 : i32
    %mul3A_66 = vector.broadcast %mul3A_65 : i32 to vector<16xi32>
    %mul3A_67 = arith.muli %select_n3A_64, %mul3A_66 : vector<16xi32>
    %add3A_68 = arith.addi %mul3A_44, %mul3A_67 : vector<16xi32>
    %add3A_69 = arith.constant 0 : i32
    %add3A_70 = arith.addi %mul3A_2, %add3A_69 : i32
    %dma_start3A = arith.constant 0 : i32
    %dma_start3A_71 = arith.constant 0 : i32
    %dma_start3A_72 = arith.constant 0 : i32
    %dma_start3A_73 = tpu.memref_slice %arg6[%dma_start3A, %dma_start3A_71, %dma_start3A_72] : memref<2x8x128xf32, #tpu.memory_space<vmem>> -> memref<1x8x128xf32, #tpu.memory_space<vmem>>
    %dma_start3A_74 = tpu.memref_squeeze %dma_start3A_73 : memref<1x8x128xf32, #tpu.memory_space<vmem>> -> memref<8x128xf32, #tpu.memory_space<vmem>>
    %dma_start3A_75 = arith.constant 0 : i32
    %dma_start3A_76 = tpu.memref_slice %arg2[%add3A_70, %dma_start3A_75] : memref<6144x128xf32, #tpu.memory_space<hbm>> -> memref<8x128xf32, #tpu.memory_space<hbm>>
    %dma_start3A_77 = arith.constant 0 : i32
    %dma_start3A_78 = arith.constant 0 : i32
    %dma_start3A_79 = tpu.memref_slice %arg6[%dma_start3A, %dma_start3A_77, %dma_start3A_78] : memref<2x8x128xf32, #tpu.memory_space<vmem>> -> memref<1x8x128xf32, #tpu.memory_space<vmem>>
    %dma_start3A_80 = tpu.memref_squeeze %dma_start3A_79 : memref<1x8x128xf32, #tpu.memory_space<vmem>> -> memref<8x128xf32, #tpu.memory_space<vmem>>
    %dma_start3A_81 = arith.constant 0 : i32
    %dma_start3A_82 = tpu.memref_slice %arg2[%add3A_70, %dma_start3A_81] : memref<6144x128xf32, #tpu.memory_space<hbm>> -> memref<8x128xf32, #tpu.memory_space<hbm>>
    tpu.enqueue_dma source(%dma_start3A_82 : memref<8x128xf32, #tpu.memory_space<hbm>>) target(%dma_start3A_80 : memref<8x128xf32, #tpu.memory_space<vmem>>) target_semaphore(%arg10 : memref<!tpu.dma_semaphore, #tpu.memory_space<semaphore_mem>>)
    %scan3A = arith.constant 0 : i32
    %scan3A_83 = arith.constant 12 : i32
    %scan3A_84 = arith.addi %scan3A, %scan3A_83 : i32
    %scan3A_85 = arith.constant 1 : i32
    scf.for %scan3A_169 = %scan3A to %scan3A_84 step %scan3A_85  : i32 {
      %mul3A_170 = arith.constant 1 : i32
      %mul3A_171 = arith.muli %scan3A_169, %mul3A_170 : i32
      %add3A_172 = arith.constant 0 : i32
      %add3A_173 = arith.addi %add3A_172, %mul3A_171 : i32
      %mul3A_174 = arith.constant 2 : i32
      %mul3A_175 = arith.muli %add3A_173, %mul3A_174 : i32
      %add3A_176 = arith.constant 0 : i32
      %add3A_177 = arith.addi %mul3A_175, %add3A_176 : i32
      %dma_wait3A_178 = arith.constant 0 : i32
      %dma_wait3A_179 = arith.constant 0 : i32
      %dma_wait3A_180 = arith.constant 0 : i32
      %dma_wait3A_181 = tpu.memref_slice %arg6[%dma_wait3A_178, %dma_wait3A_179, %dma_wait3A_180] : memref<2x8x128xf32, #tpu.memory_space<vmem>> -> memref<1x8x128xf32, #tpu.memory_space<vmem>>
      %dma_wait3A_182 = tpu.memref_squeeze %dma_wait3A_181 : memref<1x8x128xf32, #tpu.memory_space<vmem>> -> memref<8x128xf32, #tpu.memory_space<vmem>>
      %dma_wait3A_183 = arith.constant 0 : i32
      %dma_wait3A_184 = arith.constant 0 : i32
      %dma_wait3A_185 = tpu.memref_slice %arg2[%dma_wait3A_183, %dma_wait3A_184] : memref<6144x128xf32, #tpu.memory_space<hbm>> -> memref<8x128xf32, #tpu.memory_space<hbm>>
      %dma_wait3A_186 = arith.constant 0 : i32
      %dma_wait3A_187 = arith.constant 0 : i32
      %dma_wait3A_188 = tpu.memref_slice %arg6[%dma_wait3A_178, %dma_wait3A_186, %dma_wait3A_187] : memref<2x8x128xf32, #tpu.memory_space<vmem>> -> memref<1x8x128xf32, #tpu.memory_space<vmem>>
      %dma_wait3A_189 = tpu.memref_squeeze %dma_wait3A_188 : memref<1x8x128xf32, #tpu.memory_space<vmem>> -> memref<8x128xf32, #tpu.memory_space<vmem>>
      %dma_wait3A_190 = arith.constant 0 : i32
      %dma_wait3A_191 = arith.constant 0 : i32
      %dma_wait3A_192 = tpu.memref_slice %arg2[%dma_wait3A_190, %dma_wait3A_191] : memref<6144x128xf32, #tpu.memory_space<hbm>> -> memref<8x128xf32, #tpu.memory_space<hbm>>
      tpu.wait_dma2 semaphore(%arg10 : memref<!tpu.dma_semaphore, #tpu.memory_space<semaphore_mem>>) src(%dma_wait3A_192 : memref<8x128xf32, #tpu.memory_space<hbm>>) dst(%dma_wait3A_189 : memref<8x128xf32, #tpu.memory_space<vmem>>)
      %add3A_193 = arith.constant 1 : i32
      %add3A_194 = arith.addi %add3A_177, %add3A_193 : i32
      %lt3A_195 = arith.constant 24 : i32
      %lt3A_196 = arith.cmpi slt, %add3A_194, %lt3A_195 : i32
      %convert_element_type3A = arith.extui %lt3A_196 : i1 to i32
      %cond3A = arith.constant 0 : i32
      %cond3A_197 = arith.cmpi ne, %convert_element_type3A, %cond3A : i32
      scf.if %cond3A_197 {
        %add3A_506 = arith.constant 1 : i32
        %add3A_507 = arith.addi %add3A_177, %add3A_506 : i32
        %mul3A_508 = arith.constant 8 : i32
        %mul3A_509 = arith.muli %add3A_507, %mul3A_508 : i32
        %add3A_510 = arith.addi %mul3A_2, %mul3A_509 : i32
        %dma_start3A_511 = arith.constant 1 : i32
        %dma_start3A_512 = arith.constant 0 : i32
        %dma_start3A_513 = arith.constant 0 : i32
        %dma_start3A_514 = tpu.memref_slice %arg6[%dma_start3A_511, %dma_start3A_512, %dma_start3A_513] : memref<2x8x128xf32, #tpu.memory_space<vmem>> -> memref<1x8x128xf32, #tpu.memory_space<vmem>>
        %dma_start3A_515 = tpu.memref_squeeze %dma_start3A_514 : memref<1x8x128xf32, #tpu.memory_space<vmem>> -> memref<8x128xf32, #tpu.memory_space<vmem>>
        %dma_start3A_516 = arith.constant 0 : i32
        %dma_start3A_517 = tpu.memref_slice %arg2[%add3A_510, %dma_start3A_516] : memref<6144x128xf32, #tpu.memory_space<hbm>> -> memref<8x128xf32, #tpu.memory_space<hbm>>
        %dma_start3A_518 = arith.constant 0 : i32
        %dma_start3A_519 = arith.constant 0 : i32
        %dma_start3A_520 = tpu.memref_slice %arg6[%dma_start3A_511, %dma_start3A_518, %dma_start3A_519] : memref<2x8x128xf32, #tpu.memory_space<vmem>> -> memref<1x8x128xf32, #tpu.memory_space<vmem>>
        %dma_start3A_521 = tpu.memref_squeeze %dma_start3A_520 : memref<1x8x128xf32, #tpu.memory_space<vmem>> -> memref<8x128xf32, #tpu.memory_space<vmem>>
        %dma_start3A_522 = arith.constant 0 : i32
        %dma_start3A_523 = tpu.memref_slice %arg2[%add3A_510, %dma_start3A_522] : memref<6144x128xf32, #tpu.memory_space<hbm>> -> memref<8x128xf32, #tpu.memory_space<hbm>>
        tpu.enqueue_dma source(%dma_start3A_523 : memref<8x128xf32, #tpu.memory_space<hbm>>) target(%dma_start3A_521 : memref<8x128xf32, #tpu.memory_space<vmem>>) target_semaphore(%arg11 : memref<!tpu.dma_semaphore, #tpu.memory_space<semaphore_mem>>)
      } else {
      }
      %gt3A = arith.constant 0 : i32
      %gt3A_198 = arith.cmpi sgt, %add3A_173, %gt3A : i32
      %convert_element_type3A_199 = arith.extui %gt3A_198 : i1 to i32
      %cond3A_200 = arith.constant 0 : i32
      %cond3A_201 = arith.cmpi ne, %convert_element_type3A_199, %cond3A_200 : i32
      scf.if %cond3A_201 {
        %add3A_506 = arith.constant 0 : i32
        %add3A_507 = arith.addi %mul3A_2, %add3A_506 : i32
        %jit3A_508 = arith.constant 2048 : i32
        %div3A_509 = arith.divsi %add3A_507, %jit3A_508 : i32
        %sign3A_510 = arith.constant 0 : i32
        %sign3A_511 = arith.cmpi sgt, %add3A_507, %sign3A_510 : i32
        %sign3A_512 = arith.extui %sign3A_511 : i1 to i32
        %sign3A_513 = arith.constant 0 : i32
        %sign3A_514 = arith.cmpi slt, %add3A_507, %sign3A_513 : i32
        %sign3A_515 = arith.extui %sign3A_514 : i1 to i32
        %sign3A_516 = arith.subi %sign3A_512, %sign3A_515 : i32
        %sign3A_517 = arith.constant 0 : i32
        %sign3A_518 = arith.cmpi sgt, %jit3A_508, %sign3A_517 : i32
        %sign3A_519 = arith.extui %sign3A_518 : i1 to i32
        %sign3A_520 = arith.constant 0 : i32
        %sign3A_521 = arith.cmpi slt, %jit3A_508, %sign3A_520 : i32
        %sign3A_522 = arith.extui %sign3A_521 : i1 to i32
        %sign3A_523 = arith.subi %sign3A_519, %sign3A_522 : i32
        %ne3A_524 = arith.cmpi ne, %sign3A_516, %sign3A_523 : i32
        %rem3A_525 = arith.remsi %add3A_507, %jit3A_508 : i32
        %ne3A_526 = arith.constant 0 : i32
        %ne3A_527 = arith.cmpi ne, %rem3A_525, %ne3A_526 : i32
        %and3A_528 = arith.andi %ne3A_524, %ne3A_527 : i1
        %sub3A_529 = arith.constant 1 : i32
        %sub3A_530 = arith.subi %div3A_509, %sub3A_529 : i32
        %select_n3A_531 = arith.select %and3A_528, %sub3A_530, %div3A_509 : i32
        %jit3A_532 = arith.constant 2048 : i32
        %eq3A_533 = arith.constant 0 : i32
        %eq3A_534 = arith.cmpi eq, %jit3A_532, %eq3A_533 : i32
        %jit3A_535 = arith.constant 1 : i32
        %select_n3A_536 = arith.select %eq3A_534, %jit3A_535, %jit3A_532 : i32
        %rem3A_537 = arith.remsi %add3A_507, %select_n3A_536 : i32
        %ne3A_538 = arith.constant 0 : i32
        %ne3A_539 = arith.cmpi ne, %rem3A_537, %ne3A_538 : i32
        %lt3A_540 = arith.constant 0 : i32
        %lt3A_541 = arith.cmpi slt, %rem3A_537, %lt3A_540 : i32
        %lt3A_542 = arith.constant 0 : i32
        %lt3A_543 = arith.cmpi slt, %select_n3A_536, %lt3A_542 : i32
        %ne3A_544 = arith.xori %lt3A_541, %lt3A_543 : i1
        %and3A_545 = arith.andi %ne3A_544, %ne3A_539 : i1
        %add3A_546 = arith.addi %rem3A_537, %select_n3A_536 : i32
        %select_n3A_547 = arith.select %and3A_545, %add3A_546, %rem3A_537 : i32
        %mul3A_548 = arith.constant 128 : i32
        %mul3A_549 = arith.muli %select_n3A_547, %mul3A_548 : i32
        %mul3A_550 = arith.constant 2 : i32
        %mul3A_551 = arith.muli %mul3A_549, %mul3A_550 : i32
        %mul3A_552 = arith.constant 2 : i32
        %mul3A_553 = arith.muli %mul3A_549, %mul3A_552 : i32
        %mul3A_554 = arith.constant 2 : i32
        %mul3A_555 = arith.muli %mul3A_549, %mul3A_554 : i32
        %dma_wait3A_556 = arith.constant 0 : i32
        %dma_wait3A_557 = arith.constant 0 : i32
        %dma_wait3A_558 = tpu.memref_slice %arg9[%dma_wait3A_557] : memref<6144xf32, #tpu.memory_space<vmem>> -> memref<2048xf32, #tpu.memory_space<vmem>>
        %dma_wait3A_559 = tpu.memref_slice %arg5[%select_n3A_531, %dma_wait3A_556, %mul3A_551] : memref<3x3x524288xf32, #tpu.memory_space<hbm>> -> memref<1x1x2048xf32, #tpu.memory_space<hbm>>
        %dma_wait3A_560 = tpu.memref_squeeze %dma_wait3A_559 : memref<1x1x2048xf32, #tpu.memory_space<hbm>> -> memref<2048xf32, #tpu.memory_space<hbm>>
        %dma_wait3A_561 = tpu.memref_slice %arg5[%select_n3A_531, %dma_wait3A_556, %mul3A_551] : memref<3x3x524288xf32, #tpu.memory_space<hbm>> -> memref<1x1x2048xf32, #tpu.memory_space<hbm>>
        %dma_wait3A_562 = tpu.memref_squeeze %dma_wait3A_561 : memref<1x1x2048xf32, #tpu.memory_space<hbm>> -> memref<2048xf32, #tpu.memory_space<hbm>>
        %dma_wait3A_563 = arith.constant 0 : i32
        %dma_wait3A_564 = tpu.memref_slice %arg9[%dma_wait3A_563] : memref<6144xf32, #tpu.memory_space<vmem>> -> memref<2048xf32, #tpu.memory_space<vmem>>
        tpu.wait_dma2 semaphore(%arg13 : memref<!tpu.dma_semaphore, #tpu.memory_space<semaphore_mem>>) src(%dma_wait3A_564 : memref<2048xf32, #tpu.memory_space<vmem>>) dst(%dma_wait3A_562 : memref<2048xf32, #tpu.memory_space<hbm>>)
        %dma_wait3A_565 = arith.constant 1 : i32
        %dma_wait3A_566 = arith.constant 2048 : i32
        %dma_wait3A_567 = tpu.memref_slice %arg9[%dma_wait3A_566] : memref<6144xf32, #tpu.memory_space<vmem>> -> memref<2048xf32, #tpu.memory_space<vmem>>
        %dma_wait3A_568 = tpu.memref_slice %arg5[%select_n3A_531, %dma_wait3A_565, %mul3A_553] : memref<3x3x524288xf32, #tpu.memory_space<hbm>> -> memref<1x1x2048xf32, #tpu.memory_space<hbm>>
        %dma_wait3A_569 = tpu.memref_squeeze %dma_wait3A_568 : memref<1x1x2048xf32, #tpu.memory_space<hbm>> -> memref<2048xf32, #tpu.memory_space<hbm>>
        %dma_wait3A_570 = tpu.memref_slice %arg5[%select_n3A_531, %dma_wait3A_565, %mul3A_553] : memref<3x3x524288xf32, #tpu.memory_space<hbm>> -> memref<1x1x2048xf32, #tpu.memory_space<hbm>>
        %dma_wait3A_571 = tpu.memref_squeeze %dma_wait3A_570 : memref<1x1x2048xf32, #tpu.memory_space<hbm>> -> memref<2048xf32, #tpu.memory_space<hbm>>
        %dma_wait3A_572 = arith.constant 2048 : i32
        %dma_wait3A_573 = tpu.memref_slice %arg9[%dma_wait3A_572] : memref<6144xf32, #tpu.memory_space<vmem>> -> memref<2048xf32, #tpu.memory_space<vmem>>
        tpu.wait_dma2 semaphore(%arg13 : memref<!tpu.dma_semaphore, #tpu.memory_space<semaphore_mem>>) src(%dma_wait3A_573 : memref<2048xf32, #tpu.memory_space<vmem>>) dst(%dma_wait3A_571 : memref<2048xf32, #tpu.memory_space<hbm>>)
        %dma_wait3A_574 = arith.constant 2 : i32
        %dma_wait3A_575 = arith.constant 4096 : i32
        %dma_wait3A_576 = tpu.memref_slice %arg9[%dma_wait3A_575] : memref<6144xf32, #tpu.memory_space<vmem>> -> memref<2048xf32, #tpu.memory_space<vmem>>
        %dma_wait3A_577 = tpu.memref_slice %arg5[%select_n3A_531, %dma_wait3A_574, %mul3A_555] : memref<3x3x524288xf32, #tpu.memory_space<hbm>> -> memref<1x1x2048xf32, #tpu.memory_space<hbm>>
        %dma_wait3A_578 = tpu.memref_squeeze %dma_wait3A_577 : memref<1x1x2048xf32, #tpu.memory_space<hbm>> -> memref<2048xf32, #tpu.memory_space<hbm>>
        %dma_wait3A_579 = tpu.memref_slice %arg5[%select_n3A_531, %dma_wait3A_574, %mul3A_555] : memref<3x3x524288xf32, #tpu.memory_space<hbm>> -> memref<1x1x2048xf32, #tpu.memory_space<hbm>>
        %dma_wait3A_580 = tpu.memref_squeeze %dma_wait3A_579 : memref<1x1x2048xf32, #tpu.memory_space<hbm>> -> memref<2048xf32, #tpu.memory_space<hbm>>
        %dma_wait3A_581 = arith.constant 4096 : i32
        %dma_wait3A_582 = tpu.memref_slice %arg9[%dma_wait3A_581] : memref<6144xf32, #tpu.memory_space<vmem>> -> memref<2048xf32, #tpu.memory_space<vmem>>
        tpu.wait_dma2 semaphore(%arg13 : memref<!tpu.dma_semaphore, #tpu.memory_space<semaphore_mem>>) src(%dma_wait3A_582 : memref<2048xf32, #tpu.memory_space<vmem>>) dst(%dma_wait3A_580 : memref<2048xf32, #tpu.memory_space<hbm>>)
      } else {
      }
      %scan3A_202 = arith.constant 0 : i32
      %scan3A_203 = arith.constant 8 : i32
      %scan3A_204 = arith.addi %scan3A_202, %scan3A_203 : i32
      %scan3A_205 = arith.constant 1 : i32
      scf.for %scan3A_506 = %scan3A_202 to %scan3A_204 step %scan3A_205  : i32 {
        %mul3A_507 = arith.constant 1 : i32
        %mul3A_508 = arith.muli %scan3A_506, %mul3A_507 : i32
        %add3A_509 = arith.constant 0 : i32
        %add3A_510 = arith.addi %add3A_509, %mul3A_508 : i32
        %get3A_511 = arith.constant 0 : i32
        %get3A_512 = arith.index_cast %get3A_511 : i32 to index
        %get3A_513 = arith.index_cast %add3A_510 : i32 to index
        %get3A_514 = arith.constant 0 : index
        %get3A_515 = tpu.vector_load %arg6[%get3A_512, %get3A_513, %get3A_514] {strides = array<i32>} : memref<2x8x128xf32, #tpu.memory_space<vmem>>, vector<16xf32>,
        %get3A_516 = arith.constant 0 : i32
        %get3A_517 = arith.index_cast %get3A_516 : i32 to index
        %get3A_518 = arith.index_cast %add3A_510 : i32 to index
        %get3A_519 = arith.constant 16 : index
        %get3A_520 = tpu.vector_load %arg6[%get3A_517, %get3A_518, %get3A_519] {strides = array<i32>} : memref<2x8x128xf32, #tpu.memory_space<vmem>>, vector<16xf32>,
        %get3A_521 = arith.constant 0 : i32
        %get3A_522 = arith.index_cast %get3A_521 : i32 to index
        %get3A_523 = arith.index_cast %add3A_510 : i32 to index
        %get3A_524 = arith.constant 32 : index
        %get3A_525 = tpu.vector_load %arg6[%get3A_522, %get3A_523, %get3A_524] {strides = array<i32>} : memref<2x8x128xf32, #tpu.memory_space<vmem>>, vector<16xf32>,
        %get3A_526 = arith.constant 0 : i32
        %get3A_527 = arith.index_cast %get3A_526 : i32 to index
        %get3A_528 = arith.index_cast %add3A_510 : i32 to index
        %get3A_529 = arith.constant 48 : index
        %get3A_530 = tpu.vector_load %arg6[%get3A_527, %get3A_528, %get3A_529] {strides = array<i32>} : memref<2x8x128xf32, #tpu.memory_space<vmem>>, vector<16xf32>,
        %get3A_531 = arith.constant 0 : i32
        %get3A_532 = arith.index_cast %get3A_531 : i32 to index
        %get3A_533 = arith.index_cast %add3A_510 : i32 to index
        %get3A_534 = arith.constant 64 : index
        %get3A_535 = tpu.vector_load %arg6[%get3A_532, %get3A_533, %get3A_534] {strides = array<i32>} : memref<2x8x128xf32, #tpu.memory_space<vmem>>, vector<16xf32>,
        %get3A_536 = arith.constant 0 : i32
        %get3A_537 = arith.index_cast %get3A_536 : i32 to index
        %get3A_538 = arith.index_cast %add3A_510 : i32 to index
        %get3A_539 = arith.constant 80 : index
        %get3A_540 = tpu.vector_load %arg6[%get3A_537, %get3A_538, %get3A_539] {strides = array<i32>} : memref<2x8x128xf32, #tpu.memory_space<vmem>>, vector<16xf32>,
        %get3A_541 = arith.constant 0 : i32
        %get3A_542 = arith.index_cast %get3A_541 : i32 to index
        %get3A_543 = arith.index_cast %add3A_510 : i32 to index
        %get3A_544 = arith.constant 96 : index
        %get3A_545 = tpu.vector_load %arg6[%get3A_542, %get3A_543, %get3A_544] {strides = array<i32>} : memref<2x8x128xf32, #tpu.memory_space<vmem>>, vector<16xf32>,
        %get3A_546 = arith.constant 0 : i32
        %get3A_547 = arith.index_cast %get3A_546 : i32 to index
        %get3A_548 = arith.index_cast %add3A_510 : i32 to index
        %get3A_549 = arith.constant 112 : index
        %get3A_550 = tpu.vector_load %arg6[%get3A_547, %get3A_548, %get3A_549] {strides = array<i32>} : memref<2x8x128xf32, #tpu.memory_space<vmem>>, vector<16xf32>,
        %slice3A = vector.extract_strided_slice %get3A_5 {offsets = [12], sizes = [1], strides = [1]} : vector<16xf32> to vector<1xf32>
        %squeeze3A = vector.extract %slice3A[0] : f32 from vector<1xf32>
        %mul3A_551 = vector.broadcast %squeeze3A : f32 to vector<16xf32>
        %mul3A_552 = arith.mulf %mul3A_551, %get3A_520 : vector<16xf32>
        %slice3A_553 = vector.extract_strided_slice %get3A_7 {offsets = [5], sizes = [1], strides = [1]} : vector<16xf32> to vector<1xf32>
        %squeeze3A_554 = vector.extract %slice3A_553[0] : f32 from vector<1xf32>
        %mul3A_555 = vector.broadcast %squeeze3A_554 : f32 to vector<16xf32>
        %mul3A_556 = arith.mulf %mul3A_555, %get3A_525 : vector<16xf32>
        %add3A_557 = arith.addf %mul3A_552, %mul3A_556 : vector<16xf32>
        %slice3A_558 = vector.extract_strided_slice %get3A_7 {offsets = [14], sizes = [1], strides = [1]} : vector<16xf32> to vector<1xf32>
        %squeeze3A_559 = vector.extract %slice3A_558[0] : f32 from vector<1xf32>
        %mul3A_560 = vector.broadcast %squeeze3A_559 : f32 to vector<16xf32>
        %mul3A_561 = arith.mulf %mul3A_560, %get3A_530 : vector<16xf32>
        %add3A_562 = arith.addf %add3A_557, %mul3A_561 : vector<16xf32>
        %slice3A_563 = vector.extract_strided_slice %get3A_5 {offsets = [15], sizes = [1], strides = [1]} : vector<16xf32> to vector<1xf32>
        %squeeze3A_564 = vector.extract %slice3A_563[0] : f32 from vector<1xf32>
        %mul3A_565 = vector.broadcast %squeeze3A_564 : f32 to vector<16xf32>
        %mul3A_566 = arith.mulf %mul3A_565, %get3A_520 : vector<16xf32>
        %slice3A_567 = vector.extract_strided_slice %get3A_7 {offsets = [8], sizes = [1], strides = [1]} : vector<16xf32> to vector<1xf32>
        %squeeze3A_568 = vector.extract %slice3A_567[0] : f32 from vector<1xf32>
        %mul3A_569 = vector.broadcast %squeeze3A_568 : f32 to vector<16xf32>
        %mul3A_570 = arith.mulf %mul3A_569, %get3A_525 : vector<16xf32>
        %add3A_571 = arith.addf %mul3A_566, %mul3A_570 : vector<16xf32>
        %slice3A_572 = vector.extract_strided_slice %get3A_9 {offsets = [1], sizes = [1], strides = [1]} : vector<16xf32> to vector<1xf32>
        %squeeze3A_573 = vector.extract %slice3A_572[0] : f32 from vector<1xf32>
        %mul3A_574 = vector.broadcast %squeeze3A_573 : f32 to vector<16xf32>
        %mul3A_575 = arith.mulf %mul3A_574, %get3A_530 : vector<16xf32>
        %add3A_576 = arith.addf %add3A_571, %mul3A_575 : vector<16xf32>
        %slice3A_577 = vector.extract_strided_slice %get3A_7 {offsets = [2], sizes = [1], strides = [1]} : vector<16xf32> to vector<1xf32>
        %squeeze3A_578 = vector.extract %slice3A_577[0] : f32 from vector<1xf32>
        %mul3A_579 = vector.broadcast %squeeze3A_578 : f32 to vector<16xf32>
        %mul3A_580 = arith.mulf %mul3A_579, %get3A_520 : vector<16xf32>
        %slice3A_581 = vector.extract_strided_slice %get3A_7 {offsets = [11], sizes = [1], strides = [1]} : vector<16xf32> to vector<1xf32>
        %squeeze3A_582 = vector.extract %slice3A_581[0] : f32 from vector<1xf32>
        %mul3A_583 = vector.broadcast %squeeze3A_582 : f32 to vector<16xf32>
        %mul3A_584 = arith.mulf %mul3A_583, %get3A_525 : vector<16xf32>
        %add3A_585 = arith.addf %mul3A_580, %mul3A_584 : vector<16xf32>
        %slice3A_586 = vector.extract_strided_slice %get3A_9 {offsets = [4], sizes = [1], strides = [1]} : vector<16xf32> to vector<1xf32>
        %squeeze3A_587 = vector.extract %slice3A_586[0] : f32 from vector<1xf32>
        %mul3A_588 = vector.broadcast %squeeze3A_587 : f32 to vector<16xf32>
        %mul3A_589 = arith.mulf %mul3A_588, %get3A_530 : vector<16xf32>
        %add3A_590 = arith.addf %add3A_585, %mul3A_589 : vector<16xf32>
        %slice3A_591 = vector.extract_strided_slice %get3A_5 {offsets = [13], sizes = [1], strides = [1]} : vector<16xf32> to vector<1xf32>
        %squeeze3A_592 = vector.extract %slice3A_591[0] : f32 from vector<1xf32>
        %mul3A_593 = vector.broadcast %squeeze3A_592 : f32 to vector<16xf32>
        %mul3A_594 = arith.mulf %mul3A_593, %get3A_520 : vector<16xf32>
        %slice3A_595 = vector.extract_strided_slice %get3A_7 {offsets = [6], sizes = [1], strides = [1]} : vector<16xf32> to vector<1xf32>
        %squeeze3A_596 = vector.extract %slice3A_595[0] : f32 from vector<1xf32>
        %mul3A_597 = vector.broadcast %squeeze3A_596 : f32 to vector<16xf32>
        %mul3A_598 = arith.mulf %mul3A_597, %get3A_525 : vector<16xf32>
        %add3A_599 = arith.addf %mul3A_594, %mul3A_598 : vector<16xf32>
        %slice3A_600 = vector.extract_strided_slice %get3A_7 {offsets = [15], sizes = [1], strides = [1]} : vector<16xf32> to vector<1xf32>
        %squeeze3A_601 = vector.extract %slice3A_600[0] : f32 from vector<1xf32>
        %mul3A_602 = vector.broadcast %squeeze3A_601 : f32 to vector<16xf32>
        %mul3A_603 = arith.mulf %mul3A_602, %get3A_530 : vector<16xf32>
        %add3A_604 = arith.addf %add3A_599, %mul3A_603 : vector<16xf32>
        %slice3A_605 = vector.extract_strided_slice %get3A_7 {offsets = [0], sizes = [1], strides = [1]} : vector<16xf32> to vector<1xf32>
        %squeeze3A_606 = vector.extract %slice3A_605[0] : f32 from vector<1xf32>
        %mul3A_607 = vector.broadcast %squeeze3A_606 : f32 to vector<16xf32>
        %mul3A_608 = arith.mulf %mul3A_607, %get3A_520 : vector<16xf32>
        %slice3A_609 = vector.extract_strided_slice %get3A_7 {offsets = [9], sizes = [1], strides = [1]} : vector<16xf32> to vector<1xf32>
        %squeeze3A_610 = vector.extract %slice3A_609[0] : f32 from vector<1xf32>
        %mul3A_611 = vector.broadcast %squeeze3A_610 : f32 to vector<16xf32>
        %mul3A_612 = arith.mulf %mul3A_611, %get3A_525 : vector<16xf32>
        %add3A_613 = arith.addf %mul3A_608, %mul3A_612 : vector<16xf32>
        %slice3A_614 = vector.extract_strided_slice %get3A_9 {offsets = [2], sizes = [1], strides = [1]} : vector<16xf32> to vector<1xf32>
        %squeeze3A_615 = vector.extract %slice3A_614[0] : f32 from vector<1xf32>
        %mul3A_616 = vector.broadcast %squeeze3A_615 : f32 to vector<16xf32>
        %mul3A_617 = arith.mulf %mul3A_616, %get3A_530 : vector<16xf32>
        %add3A_618 = arith.addf %add3A_613, %mul3A_617 : vector<16xf32>
        %slice3A_619 = vector.extract_strided_slice %get3A_7 {offsets = [3], sizes = [1], strides = [1]} : vector<16xf32> to vector<1xf32>
        %squeeze3A_620 = vector.extract %slice3A_619[0] : f32 from vector<1xf32>
        %mul3A_621 = vector.broadcast %squeeze3A_620 : f32 to vector<16xf32>
        %mul3A_622 = arith.mulf %mul3A_621, %get3A_520 : vector<16xf32>
        %slice3A_623 = vector.extract_strided_slice %get3A_7 {offsets = [12], sizes = [1], strides = [1]} : vector<16xf32> to vector<1xf32>
        %squeeze3A_624 = vector.extract %slice3A_623[0] : f32 from vector<1xf32>
        %mul3A_625 = vector.broadcast %squeeze3A_624 : f32 to vector<16xf32>
        %mul3A_626 = arith.mulf %mul3A_625, %get3A_525 : vector<16xf32>
        %add3A_627 = arith.addf %mul3A_622, %mul3A_626 : vector<16xf32>
        %slice3A_628 = vector.extract_strided_slice %get3A_9 {offsets = [5], sizes = [1], strides = [1]} : vector<16xf32> to vector<1xf32>
        %squeeze3A_629 = vector.extract %slice3A_628[0] : f32 from vector<1xf32>
        %mul3A_630 = vector.broadcast %squeeze3A_629 : f32 to vector<16xf32>
        %mul3A_631 = arith.mulf %mul3A_630, %get3A_530 : vector<16xf32>
        %add3A_632 = arith.addf %add3A_627, %mul3A_631 : vector<16xf32>
        %slice3A_633 = vector.extract_strided_slice %get3A_5 {offsets = [14], sizes = [1], strides = [1]} : vector<16xf32> to vector<1xf32>
        %squeeze3A_634 = vector.extract %slice3A_633[0] : f32 from vector<1xf32>
        %mul3A_635 = vector.broadcast %squeeze3A_634 : f32 to vector<16xf32>
        %mul3A_636 = arith.mulf %mul3A_635, %get3A_520 : vector<16xf32>
        %slice3A_637 = vector.extract_strided_slice %get3A_7 {offsets = [7], sizes = [1], strides = [1]} : vector<16xf32> to vector<1xf32>
        %squeeze3A_638 = vector.extract %slice3A_637[0] : f32 from vector<1xf32>
        %mul3A_639 = vector.broadcast %squeeze3A_638 : f32 to vector<16xf32>
        %mul3A_640 = arith.mulf %mul3A_639, %get3A_525 : vector<16xf32>
        %add3A_641 = arith.addf %mul3A_636, %mul3A_640 : vector<16xf32>
        %slice3A_642 = vector.extract_strided_slice %get3A_9 {offsets = [0], sizes = [1], strides = [1]} : vector<16xf32> to vector<1xf32>
        %squeeze3A_643 = vector.extract %slice3A_642[0] : f32 from vector<1xf32>
        %mul3A_644 = vector.broadcast %squeeze3A_643 : f32 to vector<16xf32>
        %mul3A_645 = arith.mulf %mul3A_644, %get3A_530 : vector<16xf32>
        %add3A_646 = arith.addf %add3A_641, %mul3A_645 : vector<16xf32>
        %slice3A_647 = vector.extract_strided_slice %get3A_7 {offsets = [1], sizes = [1], strides = [1]} : vector<16xf32> to vector<1xf32>
        %squeeze3A_648 = vector.extract %slice3A_647[0] : f32 from vector<1xf32>
        %mul3A_649 = vector.broadcast %squeeze3A_648 : f32 to vector<16xf32>
        %mul3A_650 = arith.mulf %mul3A_649, %get3A_520 : vector<16xf32>
        %slice3A_651 = vector.extract_strided_slice %get3A_7 {offsets = [10], sizes = [1], strides = [1]} : vector<16xf32> to vector<1xf32>
        %squeeze3A_652 = vector.extract %slice3A_651[0] : f32 from vector<1xf32>
        %mul3A_653 = vector.broadcast %squeeze3A_652 : f32 to vector<16xf32>
        %mul3A_654 = arith.mulf %mul3A_653, %get3A_525 : vector<16xf32>
        %add3A_655 = arith.addf %mul3A_650, %mul3A_654 : vector<16xf32>
        %slice3A_656 = vector.extract_strided_slice %get3A_9 {offsets = [3], sizes = [1], strides = [1]} : vector<16xf32> to vector<1xf32>
        %squeeze3A_657 = vector.extract %slice3A_656[0] : f32 from vector<1xf32>
        %mul3A_658 = vector.broadcast %squeeze3A_657 : f32 to vector<16xf32>
        %mul3A_659 = arith.mulf %mul3A_658, %get3A_530 : vector<16xf32>
        %add3A_660 = arith.addf %add3A_655, %mul3A_659 : vector<16xf32>
        %slice3A_661 = vector.extract_strided_slice %get3A_7 {offsets = [4], sizes = [1], strides = [1]} : vector<16xf32> to vector<1xf32>
        %squeeze3A_662 = vector.extract %slice3A_661[0] : f32 from vector<1xf32>
        %mul3A_663 = vector.broadcast %squeeze3A_662 : f32 to vector<16xf32>
        %mul3A_664 = arith.mulf %mul3A_663, %get3A_520 : vector<16xf32>
        %slice3A_665 = vector.extract_strided_slice %get3A_7 {offsets = [13], sizes = [1], strides = [1]} : vector<16xf32> to vector<1xf32>
        %squeeze3A_666 = vector.extract %slice3A_665[0] : f32 from vector<1xf32>
        %mul3A_667 = vector.broadcast %squeeze3A_666 : f32 to vector<16xf32>
        %mul3A_668 = arith.mulf %mul3A_667, %get3A_525 : vector<16xf32>
        %add3A_669 = arith.addf %mul3A_664, %mul3A_668 : vector<16xf32>
        %slice3A_670 = vector.extract_strided_slice %get3A_9 {offsets = [6], sizes = [1], strides = [1]} : vector<16xf32> to vector<1xf32>
        %squeeze3A_671 = vector.extract %slice3A_670[0] : f32 from vector<1xf32>
        %mul3A_672 = vector.broadcast %squeeze3A_671 : f32 to vector<16xf32>
        %mul3A_673 = arith.mulf %mul3A_672, %get3A_530 : vector<16xf32>
        %add3A_674 = arith.addf %add3A_669, %mul3A_673 : vector<16xf32>
        %mul3A_675 = arith.constant 128 : i32
        %mul3A_676 = arith.muli %add3A_510, %mul3A_675 : i32
        %add3A_677 = vector.broadcast %mul3A_676 : i32 to vector<16xi32>
        %add3A_678 = arith.addi %add3A_68, %add3A_677 : vector<16xi32>
        %slice3A_679 = vector.extract_strided_slice %get3A_535 {offsets = [0], sizes = [1], strides = [1]} : vector<16xf32> to vector<1xf32>
        %squeeze3A_680 = vector.extract %slice3A_679[0] : f32 from vector<1xf32>
        %slice3A_681 = vector.extract_strided_slice %get3A_540 {offsets = [0], sizes = [1], strides = [1]} : vector<16xf32> to vector<1xf32>
        %squeeze3A_682 = vector.extract %slice3A_681[0] : f32 from vector<1xf32>
        %slice3A_683 = vector.extract_strided_slice %get3A_545 {offsets = [0], sizes = [1], strides = [1]} : vector<16xf32> to vector<1xf32>
        %squeeze3A_684 = vector.extract %slice3A_683[0] : f32 from vector<1xf32>
        %slice3A_685 = vector.extract_strided_slice %get3A_550 {offsets = [0], sizes = [1], strides = [1]} : vector<16xf32> to vector<1xf32>
        %squeeze3A_686 = vector.extract %slice3A_685[0] : f32 from vector<1xf32>
        %mul3A_687 = vector.broadcast %squeeze3A_682 : f32 to vector<16xf32>
        %mul3A_688 = arith.mulf %add3A_562, %mul3A_687 : vector<16xf32>
        %mul3A_689 = vector.broadcast %squeeze3A_684 : f32 to vector<16xf32>
        %mul3A_690 = arith.mulf %add3A_576, %mul3A_689 : vector<16xf32>
        %add3A_691 = arith.addf %mul3A_688, %mul3A_690 : vector<16xf32>
        %mul3A_692 = vector.broadcast %squeeze3A_686 : f32 to vector<16xf32>
        %mul3A_693 = arith.mulf %add3A_590, %mul3A_692 : vector<16xf32>
        %add3A_694 = arith.addf %add3A_691, %mul3A_693 : vector<16xf32>
        %add3A_695 = arith.constant 0 : i32
        %add3A_696 = vector.broadcast %add3A_695 : i32 to vector<16xi32>
        %add3A_697 = arith.addi %add3A_678, %add3A_696 : vector<16xi32>
        tpu.vector_store_idx %arg9[%add3A_697], %add3A_694 : memref<6144xf32, #tpu.memory_space<vmem>>[vector<16xi32>], vector<16xf32>,
        %mul3A_698 = vector.broadcast %squeeze3A_682 : f32 to vector<16xf32>
        %mul3A_699 = arith.mulf %add3A_604, %mul3A_698 : vector<16xf32>
        %mul3A_700 = vector.broadcast %squeeze3A_684 : f32 to vector<16xf32>
        %mul3A_701 = arith.mulf %add3A_618, %mul3A_700 : vector<16xf32>
        %add3A_702 = arith.addf %mul3A_699, %mul3A_701 : vector<16xf32>
        %mul3A_703 = vector.broadcast %squeeze3A_686 : f32 to vector<16xf32>
        %mul3A_704 = arith.mulf %add3A_632, %mul3A_703 : vector<16xf32>
        %add3A_705 = arith.addf %add3A_702, %mul3A_704 : vector<16xf32>
        %add3A_706 = arith.constant 2048 : i32
        %add3A_707 = vector.broadcast %add3A_706 : i32 to vector<16xi32>
        %add3A_708 = arith.addi %add3A_678, %add3A_707 : vector<16xi32>
        tpu.vector_store_idx %arg9[%add3A_708], %add3A_705 : memref<6144xf32, #tpu.memory_space<vmem>>[vector<16xi32>], vector<16xf32>,
        %mul3A_709 = vector.broadcast %squeeze3A_682 : f32 to vector<16xf32>
        %mul3A_710 = arith.mulf %add3A_646, %mul3A_709 : vector<16xf32>
        %mul3A_711 = vector.broadcast %squeeze3A_684 : f32 to vector<16xf32>
        %mul3A_712 = arith.mulf %add3A_660, %mul3A_711 : vector<16xf32>
        %add3A_713 = arith.addf %mul3A_710, %mul3A_712 : vector<16xf32>
        %mul3A_714 = vector.broadcast %squeeze3A_686 : f32 to vector<16xf32>
        %mul3A_715 = arith.mulf %add3A_674, %mul3A_714 : vector<16xf32>
        %add3A_716 = arith.addf %add3A_713, %mul3A_715 : vector<16xf32>
        %add3A_717 = arith.constant 4096 : i32
        %add3A_718 = vector.broadcast %add3A_717 : i32 to vector<16xi32>
        %add3A_719 = arith.addi %add3A_678, %add3A_718 : vector<16xi32>
        tpu.vector_store_idx %arg9[%add3A_719], %add3A_716 : memref<6144xf32, #tpu.memory_space<vmem>>[vector<16xi32>], vector<16xf32>,
        %slice3A_720 = vector.extract_strided_slice %get3A_535 {offsets = [1], sizes = [1], strides = [1]} : vector<16xf32> to vector<1xf32>
        %squeeze3A_721 = vector.extract %slice3A_720[0] : f32 from vector<1xf32>
        %slice3A_722 = vector.extract_strided_slice %get3A_540 {offsets = [1], sizes = [1], strides = [1]} : vector<16xf32> to vector<1xf32>
        %squeeze3A_723 = vector.extract %slice3A_722[0] : f32 from vector<1xf32>
        %slice3A_724 = vector.extract_strided_slice %get3A_545 {offsets = [1], sizes = [1], strides = [1]} : vector<16xf32> to vector<1xf32>
        %squeeze3A_725 = vector.extract %slice3A_724[0] : f32 from vector<1xf32>
        %slice3A_726 = vector.extract_strided_slice %get3A_550 {offsets = [1], sizes = [1], strides = [1]} : vector<16xf32> to vector<1xf32>
        %squeeze3A_727 = vector.extract %slice3A_726[0] : f32 from vector<1xf32>
        %mul3A_728 = vector.broadcast %squeeze3A_723 : f32 to vector<16xf32>
        %mul3A_729 = arith.mulf %add3A_562, %mul3A_728 : vector<16xf32>
        %mul3A_730 = vector.broadcast %squeeze3A_725 : f32 to vector<16xf32>
        %mul3A_731 = arith.mulf %add3A_576, %mul3A_730 : vector<16xf32>
        %add3A_732 = arith.addf %mul3A_729, %mul3A_731 : vector<16xf32>
        %mul3A_733 = vector.broadcast %squeeze3A_727 : f32 to vector<16xf32>
        %mul3A_734 = arith.mulf %add3A_590, %mul3A_733 : vector<16xf32>
        %add3A_735 = arith.addf %add3A_732, %mul3A_734 : vector<16xf32>
        %add3A_736 = arith.constant 1 : i32
        %add3A_737 = vector.broadcast %add3A_736 : i32 to vector<16xi32>
        %add3A_738 = arith.addi %add3A_678, %add3A_737 : vector<16xi32>
        tpu.vector_store_idx %arg9[%add3A_738], %add3A_735 : memref<6144xf32, #tpu.memory_space<vmem>>[vector<16xi32>], vector<16xf32>,
        %mul3A_739 = vector.broadcast %squeeze3A_723 : f32 to vector<16xf32>
        %mul3A_740 = arith.mulf %add3A_604, %mul3A_739 : vector<16xf32>
        %mul3A_741 = vector.broadcast %squeeze3A_725 : f32 to vector<16xf32>
        %mul3A_742 = arith.mulf %add3A_618, %mul3A_741 : vector<16xf32>
        %add3A_743 = arith.addf %mul3A_740, %mul3A_742 : vector<16xf32>
        %mul3A_744 = vector.broadcast %squeeze3A_727 : f32 to vector<16xf32>
        %mul3A_745 = arith.mulf %add3A_632, %mul3A_744 : vector<16xf32>
        %add3A_746 = arith.addf %add3A_743, %mul3A_745 : vector<16xf32>
        %add3A_747 = arith.constant 2049 : i32
        %add3A_748 = vector.broadcast %add3A_747 : i32 to vector<16xi32>
        %add3A_749 = arith.addi %add3A_678, %add3A_748 : vector<16xi32>
        tpu.vector_store_idx %arg9[%add3A_749], %add3A_746 : memref<6144xf32, #tpu.memory_space<vmem>>[vector<16xi32>], vector<16xf32>,
        %mul3A_750 = vector.broadcast %squeeze3A_723 : f32 to vector<16xf32>
        %mul3A_751 = arith.mulf %add3A_646, %mul3A_750 : vector<16xf32>
        %mul3A_752 = vector.broadcast %squeeze3A_725 : f32 to vector<16xf32>
        %mul3A_753 = arith.mulf %add3A_660, %mul3A_752 : vector<16xf32>
        %add3A_754 = arith.addf %mul3A_751, %mul3A_753 : vector<16xf32>
        %mul3A_755 = vector.broadcast %squeeze3A_727 : f32 to vector<16xf32>
        %mul3A_756 = arith.mulf %add3A_674, %mul3A_755 : vector<16xf32>
        %add3A_757 = arith.addf %add3A_754, %mul3A_756 : vector<16xf32>
        %add3A_758 = arith.constant 4097 : i32
        %add3A_759 = vector.broadcast %add3A_758 : i32 to vector<16xi32>
        %add3A_760 = arith.addi %add3A_678, %add3A_759 : vector<16xi32>
        tpu.vector_store_idx %arg9[%add3A_760], %add3A_757 : memref<6144xf32, #tpu.memory_space<vmem>>[vector<16xi32>], vector<16xf32>,
        %slice3A_761 = vector.extract_strided_slice %get3A_535 {offsets = [2], sizes = [1], strides = [1]} : vector<16xf32> to vector<1xf32>
        %squeeze3A_762 = vector.extract %slice3A_761[0] : f32 from vector<1xf32>
        %slice3A_763 = vector.extract_strided_slice %get3A_540 {offsets = [2], sizes = [1], strides = [1]} : vector<16xf32> to vector<1xf32>
        %squeeze3A_764 = vector.extract %slice3A_763[0] : f32 from vector<1xf32>
        %slice3A_765 = vector.extract_strided_slice %get3A_545 {offsets = [2], sizes = [1], strides = [1]} : vector<16xf32> to vector<1xf32>
        %squeeze3A_766 = vector.extract %slice3A_765[0] : f32 from vector<1xf32>
        %slice3A_767 = vector.extract_strided_slice %get3A_550 {offsets = [2], sizes = [1], strides = [1]} : vector<16xf32> to vector<1xf32>
        %squeeze3A_768 = vector.extract %slice3A_767[0] : f32 from vector<1xf32>
        %mul3A_769 = vector.broadcast %squeeze3A_764 : f32 to vector<16xf32>
        %mul3A_770 = arith.mulf %add3A_562, %mul3A_769 : vector<16xf32>
        %mul3A_771 = vector.broadcast %squeeze3A_766 : f32 to vector<16xf32>
        %mul3A_772 = arith.mulf %add3A_576, %mul3A_771 : vector<16xf32>
        %add3A_773 = arith.addf %mul3A_770, %mul3A_772 : vector<16xf32>
        %mul3A_774 = vector.broadcast %squeeze3A_768 : f32 to vector<16xf32>
        %mul3A_775 = arith.mulf %add3A_590, %mul3A_774 : vector<16xf32>
        %add3A_776 = arith.addf %add3A_773, %mul3A_775 : vector<16xf32>
        %add3A_777 = arith.constant 2 : i32
        %add3A_778 = vector.broadcast %add3A_777 : i32 to vector<16xi32>
        %add3A_779 = arith.addi %add3A_678, %add3A_778 : vector<16xi32>
        tpu.vector_store_idx %arg9[%add3A_779], %add3A_776 : memref<6144xf32, #tpu.memory_space<vmem>>[vector<16xi32>], vector<16xf32>,
        %mul3A_780 = vector.broadcast %squeeze3A_764 : f32 to vector<16xf32>
        %mul3A_781 = arith.mulf %add3A_604, %mul3A_780 : vector<16xf32>
        %mul3A_782 = vector.broadcast %squeeze3A_766 : f32 to vector<16xf32>
        %mul3A_783 = arith.mulf %add3A_618, %mul3A_782 : vector<16xf32>
        %add3A_784 = arith.addf %mul3A_781, %mul3A_783 : vector<16xf32>
        %mul3A_785 = vector.broadcast %squeeze3A_768 : f32 to vector<16xf32>
        %mul3A_786 = arith.mulf %add3A_632, %mul3A_785 : vector<16xf32>
        %add3A_787 = arith.addf %add3A_784, %mul3A_786 : vector<16xf32>
        %add3A_788 = arith.constant 2050 : i32
        %add3A_789 = vector.broadcast %add3A_788 : i32 to vector<16xi32>
        %add3A_790 = arith.addi %add3A_678, %add3A_789 : vector<16xi32>
        tpu.vector_store_idx %arg9[%add3A_790], %add3A_787 : memref<6144xf32, #tpu.memory_space<vmem>>[vector<16xi32>], vector<16xf32>,
        %mul3A_791 = vector.broadcast %squeeze3A_764 : f32 to vector<16xf32>
        %mul3A_792 = arith.mulf %add3A_646, %mul3A_791 : vector<16xf32>
        %mul3A_793 = vector.broadcast %squeeze3A_766 : f32 to vector<16xf32>
        %mul3A_794 = arith.mulf %add3A_660, %mul3A_793 : vector<16xf32>
        %add3A_795 = arith.addf %mul3A_792, %mul3A_794 : vector<16xf32>
        %mul3A_796 = vector.broadcast %squeeze3A_768 : f32 to vector<16xf32>
        %mul3A_797 = arith.mulf %add3A_674, %mul3A_796 : vector<16xf32>
        %add3A_798 = arith.addf %add3A_795, %mul3A_797 : vector<16xf32>
        %add3A_799 = arith.constant 4098 : i32
        %add3A_800 = vector.broadcast %add3A_799 : i32 to vector<16xi32>
        %add3A_801 = arith.addi %add3A_678, %add3A_800 : vector<16xi32>
        tpu.vector_store_idx %arg9[%add3A_801], %add3A_798 : memref<6144xf32, #tpu.memory_space<vmem>>[vector<16xi32>], vector<16xf32>,
        %slice3A_802 = vector.extract_strided_slice %get3A_535 {offsets = [3], sizes = [1], strides = [1]} : vector<16xf32> to vector<1xf32>
        %squeeze3A_803 = vector.extract %slice3A_802[0] : f32 from vector<1xf32>
        %slice3A_804 = vector.extract_strided_slice %get3A_540 {offsets = [3], sizes = [1], strides = [1]} : vector<16xf32> to vector<1xf32>
        %squeeze3A_805 = vector.extract %slice3A_804[0] : f32 from vector<1xf32>
        %slice3A_806 = vector.extract_strided_slice %get3A_545 {offsets = [3], sizes = [1], strides = [1]} : vector<16xf32> to vector<1xf32>
        %squeeze3A_807 = vector.extract %slice3A_806[0] : f32 from vector<1xf32>
        %slice3A_808 = vector.extract_strided_slice %get3A_550 {offsets = [3], sizes = [1], strides = [1]} : vector<16xf32> to vector<1xf32>
        %squeeze3A_809 = vector.extract %slice3A_808[0] : f32 from vector<1xf32>
        %mul3A_810 = vector.broadcast %squeeze3A_805 : f32 to vector<16xf32>
        %mul3A_811 = arith.mulf %add3A_562, %mul3A_810 : vector<16xf32>
        %mul3A_812 = vector.broadcast %squeeze3A_807 : f32 to vector<16xf32>
        %mul3A_813 = arith.mulf %add3A_576, %mul3A_812 : vector<16xf32>
        %add3A_814 = arith.addf %mul3A_811, %mul3A_813 : vector<16xf32>
        %mul3A_815 = vector.broadcast %squeeze3A_809 : f32 to vector<16xf32>
        %mul3A_816 = arith.mulf %add3A_590, %mul3A_815 : vector<16xf32>
        %add3A_817 = arith.addf %add3A_814, %mul3A_816 : vector<16xf32>
        %add3A_818 = arith.constant 3 : i32
        %add3A_819 = vector.broadcast %add3A_818 : i32 to vector<16xi32>
        %add3A_820 = arith.addi %add3A_678, %add3A_819 : vector<16xi32>
        tpu.vector_store_idx %arg9[%add3A_820], %add3A_817 : memref<6144xf32, #tpu.memory_space<vmem>>[vector<16xi32>], vector<16xf32>,
        %mul3A_821 = vector.broadcast %squeeze3A_805 : f32 to vector<16xf32>
        %mul3A_822 = arith.mulf %add3A_604, %mul3A_821 : vector<16xf32>
        %mul3A_823 = vector.broadcast %squeeze3A_807 : f32 to vector<16xf32>
        %mul3A_824 = arith.mulf %add3A_618, %mul3A_823 : vector<16xf32>
        %add3A_825 = arith.addf %mul3A_822, %mul3A_824 : vector<16xf32>
        %mul3A_826 = vector.broadcast %squeeze3A_809 : f32 to vector<16xf32>
        %mul3A_827 = arith.mulf %add3A_632, %mul3A_826 : vector<16xf32>
        %add3A_828 = arith.addf %add3A_825, %mul3A_827 : vector<16xf32>
        %add3A_829 = arith.constant 2051 : i32
        %add3A_830 = vector.broadcast %add3A_829 : i32 to vector<16xi32>
        %add3A_831 = arith.addi %add3A_678, %add3A_830 : vector<16xi32>
        tpu.vector_store_idx %arg9[%add3A_831], %add3A_828 : memref<6144xf32, #tpu.memory_space<vmem>>[vector<16xi32>], vector<16xf32>,
        %mul3A_832 = vector.broadcast %squeeze3A_805 : f32 to vector<16xf32>
        %mul3A_833 = arith.mulf %add3A_646, %mul3A_832 : vector<16xf32>
        %mul3A_834 = vector.broadcast %squeeze3A_807 : f32 to vector<16xf32>
        %mul3A_835 = arith.mulf %add3A_660, %mul3A_834 : vector<16xf32>
        %add3A_836 = arith.addf %mul3A_833, %mul3A_835 : vector<16xf32>
        %mul3A_837 = vector.broadcast %squeeze3A_809 : f32 to vector<16xf32>
        %mul3A_838 = arith.mulf %add3A_674, %mul3A_837 : vector<16xf32>
        %add3A_839 = arith.addf %add3A_836, %mul3A_838 : vector<16xf32>
        %add3A_840 = arith.constant 4099 : i32
        %add3A_841 = vector.broadcast %add3A_840 : i32 to vector<16xi32>
        %add3A_842 = arith.addi %add3A_678, %add3A_841 : vector<16xi32>
        tpu.vector_store_idx %arg9[%add3A_842], %add3A_839 : memref<6144xf32, #tpu.memory_space<vmem>>[vector<16xi32>], vector<16xf32>,
        %slice3A_843 = vector.extract_strided_slice %get3A_535 {offsets = [4], sizes = [1], strides = [1]} : vector<16xf32> to vector<1xf32>
        %squeeze3A_844 = vector.extract %slice3A_843[0] : f32 from vector<1xf32>
        %slice3A_845 = vector.extract_strided_slice %get3A_540 {offsets = [4], sizes = [1], strides = [1]} : vector<16xf32> to vector<1xf32>
        %squeeze3A_846 = vector.extract %slice3A_845[0] : f32 from vector<1xf32>
        %slice3A_847 = vector.extract_strided_slice %get3A_545 {offsets = [4], sizes = [1], strides = [1]} : vector<16xf32> to vector<1xf32>
        %squeeze3A_848 = vector.extract %slice3A_847[0] : f32 from vector<1xf32>
        %slice3A_849 = vector.extract_strided_slice %get3A_550 {offsets = [4], sizes = [1], strides = [1]} : vector<16xf32> to vector<1xf32>
        %squeeze3A_850 = vector.extract %slice3A_849[0] : f32 from vector<1xf32>
        %mul3A_851 = vector.broadcast %squeeze3A_846 : f32 to vector<16xf32>
        %mul3A_852 = arith.mulf %add3A_562, %mul3A_851 : vector<16xf32>
        %mul3A_853 = vector.broadcast %squeeze3A_848 : f32 to vector<16xf32>
        %mul3A_854 = arith.mulf %add3A_576, %mul3A_853 : vector<16xf32>
        %add3A_855 = arith.addf %mul3A_852, %mul3A_854 : vector<16xf32>
        %mul3A_856 = vector.broadcast %squeeze3A_850 : f32 to vector<16xf32>
        %mul3A_857 = arith.mulf %add3A_590, %mul3A_856 : vector<16xf32>
        %add3A_858 = arith.addf %add3A_855, %mul3A_857 : vector<16xf32>
        %add3A_859 = arith.constant 4 : i32
        %add3A_860 = vector.broadcast %add3A_859 : i32 to vector<16xi32>
        %add3A_861 = arith.addi %add3A_678, %add3A_860 : vector<16xi32>
        tpu.vector_store_idx %arg9[%add3A_861], %add3A_858 : memref<6144xf32, #tpu.memory_space<vmem>>[vector<16xi32>], vector<16xf32>,
        %mul3A_862 = vector.broadcast %squeeze3A_846 : f32 to vector<16xf32>
        %mul3A_863 = arith.mulf %add3A_604, %mul3A_862 : vector<16xf32>
        %mul3A_864 = vector.broadcast %squeeze3A_848 : f32 to vector<16xf32>
        %mul3A_865 = arith.mulf %add3A_618, %mul3A_864 : vector<16xf32>
        %add3A_866 = arith.addf %mul3A_863, %mul3A_865 : vector<16xf32>
        %mul3A_867 = vector.broadcast %squeeze3A_850 : f32 to vector<16xf32>
        %mul3A_868 = arith.mulf %add3A_632, %mul3A_867 : vector<16xf32>
        %add3A_869 = arith.addf %add3A_866, %mul3A_868 : vector<16xf32>
        %add3A_870 = arith.constant 2052 : i32
        %add3A_871 = vector.broadcast %add3A_870 : i32 to vector<16xi32>
        %add3A_872 = arith.addi %add3A_678, %add3A_871 : vector<16xi32>
        tpu.vector_store_idx %arg9[%add3A_872], %add3A_869 : memref<6144xf32, #tpu.memory_space<vmem>>[vector<16xi32>], vector<16xf32>,
        %mul3A_873 = vector.broadcast %squeeze3A_846 : f32 to vector<16xf32>
        %mul3A_874 = arith.mulf %add3A_646, %mul3A_873 : vector<16xf32>
        %mul3A_875 = vector.broadcast %squeeze3A_848 : f32 to vector<16xf32>
        %mul3A_876 = arith.mulf %add3A_660, %mul3A_875 : vector<16xf32>
        %add3A_877 = arith.addf %mul3A_874, %mul3A_876 : vector<16xf32>
        %mul3A_878 = vector.broadcast %squeeze3A_850 : f32 to vector<16xf32>
        %mul3A_879 = arith.mulf %add3A_674, %mul3A_878 : vector<16xf32>
        %add3A_880 = arith.addf %add3A_877, %mul3A_879 : vector<16xf32>
        %add3A_881 = arith.constant 4100 : i32
        %add3A_882 = vector.broadcast %add3A_881 : i32 to vector<16xi32>
        %add3A_883 = arith.addi %add3A_678, %add3A_882 : vector<16xi32>
        tpu.vector_store_idx %arg9[%add3A_883], %add3A_880 : memref<6144xf32, #tpu.memory_space<vmem>>[vector<16xi32>], vector<16xf32>,
        %slice3A_884 = vector.extract_strided_slice %get3A_535 {offsets = [5], sizes = [1], strides = [1]} : vector<16xf32> to vector<1xf32>
        %squeeze3A_885 = vector.extract %slice3A_884[0] : f32 from vector<1xf32>
        %slice3A_886 = vector.extract_strided_slice %get3A_540 {offsets = [5], sizes = [1], strides = [1]} : vector<16xf32> to vector<1xf32>
        %squeeze3A_887 = vector.extract %slice3A_886[0] : f32 from vector<1xf32>
        %slice3A_888 = vector.extract_strided_slice %get3A_545 {offsets = [5], sizes = [1], strides = [1]} : vector<16xf32> to vector<1xf32>
        %squeeze3A_889 = vector.extract %slice3A_888[0] : f32 from vector<1xf32>
        %slice3A_890 = vector.extract_strided_slice %get3A_550 {offsets = [5], sizes = [1], strides = [1]} : vector<16xf32> to vector<1xf32>
        %squeeze3A_891 = vector.extract %slice3A_890[0] : f32 from vector<1xf32>
        %mul3A_892 = vector.broadcast %squeeze3A_887 : f32 to vector<16xf32>
        %mul3A_893 = arith.mulf %add3A_562, %mul3A_892 : vector<16xf32>
        %mul3A_894 = vector.broadcast %squeeze3A_889 : f32 to vector<16xf32>
        %mul3A_895 = arith.mulf %add3A_576, %mul3A_894 : vector<16xf32>
        %add3A_896 = arith.addf %mul3A_893, %mul3A_895 : vector<16xf32>
        %mul3A_897 = vector.broadcast %squeeze3A_891 : f32 to vector<16xf32>
        %mul3A_898 = arith.mulf %add3A_590, %mul3A_897 : vector<16xf32>
        %add3A_899 = arith.addf %add3A_896, %mul3A_898 : vector<16xf32>
        %add3A_900 = arith.constant 5 : i32
        %add3A_901 = vector.broadcast %add3A_900 : i32 to vector<16xi32>
        %add3A_902 = arith.addi %add3A_678, %add3A_901 : vector<16xi32>
        tpu.vector_store_idx %arg9[%add3A_902], %add3A_899 : memref<6144xf32, #tpu.memory_space<vmem>>[vector<16xi32>], vector<16xf32>,
        %mul3A_903 = vector.broadcast %squeeze3A_887 : f32 to vector<16xf32>
        %mul3A_904 = arith.mulf %add3A_604, %mul3A_903 : vector<16xf32>
        %mul3A_905 = vector.broadcast %squeeze3A_889 : f32 to vector<16xf32>
        %mul3A_906 = arith.mulf %add3A_618, %mul3A_905 : vector<16xf32>
        %add3A_907 = arith.addf %mul3A_904, %mul3A_906 : vector<16xf32>
        %mul3A_908 = vector.broadcast %squeeze3A_891 : f32 to vector<16xf32>
        %mul3A_909 = arith.mulf %add3A_632, %mul3A_908 : vector<16xf32>
        %add3A_910 = arith.addf %add3A_907, %mul3A_909 : vector<16xf32>
        %add3A_911 = arith.constant 2053 : i32
        %add3A_912 = vector.broadcast %add3A_911 : i32 to vector<16xi32>
        %add3A_913 = arith.addi %add3A_678, %add3A_912 : vector<16xi32>
        tpu.vector_store_idx %arg9[%add3A_913], %add3A_910 : memref<6144xf32, #tpu.memory_space<vmem>>[vector<16xi32>], vector<16xf32>,
        %mul3A_914 = vector.broadcast %squeeze3A_887 : f32 to vector<16xf32>
        %mul3A_915 = arith.mulf %add3A_646, %mul3A_914 : vector<16xf32>
        %mul3A_916 = vector.broadcast %squeeze3A_889 : f32 to vector<16xf32>
        %mul3A_917 = arith.mulf %add3A_660, %mul3A_916 : vector<16xf32>
        %add3A_918 = arith.addf %mul3A_915, %mul3A_917 : vector<16xf32>
        %mul3A_919 = vector.broadcast %squeeze3A_891 : f32 to vector<16xf32>
        %mul3A_920 = arith.mulf %add3A_674, %mul3A_919 : vector<16xf32>
        %add3A_921 = arith.addf %add3A_918, %mul3A_920 : vector<16xf32>
        %add3A_922 = arith.constant 4101 : i32
        %add3A_923 = vector.broadcast %add3A_922 : i32 to vector<16xi32>
        %add3A_924 = arith.addi %add3A_678, %add3A_923 : vector<16xi32>
        tpu.vector_store_idx %arg9[%add3A_924], %add3A_921 : memref<6144xf32, #tpu.memory_space<vmem>>[vector<16xi32>], vector<16xf32>,
        %slice3A_925 = vector.extract_strided_slice %get3A_535 {offsets = [6], sizes = [1], strides = [1]} : vector<16xf32> to vector<1xf32>
        %squeeze3A_926 = vector.extract %slice3A_925[0] : f32 from vector<1xf32>
        %slice3A_927 = vector.extract_strided_slice %get3A_540 {offsets = [6], sizes = [1], strides = [1]} : vector<16xf32> to vector<1xf32>
        %squeeze3A_928 = vector.extract %slice3A_927[0] : f32 from vector<1xf32>
        %slice3A_929 = vector.extract_strided_slice %get3A_545 {offsets = [6], sizes = [1], strides = [1]} : vector<16xf32> to vector<1xf32>
        %squeeze3A_930 = vector.extract %slice3A_929[0] : f32 from vector<1xf32>
        %slice3A_931 = vector.extract_strided_slice %get3A_550 {offsets = [6], sizes = [1], strides = [1]} : vector<16xf32> to vector<1xf32>
        %squeeze3A_932 = vector.extract %slice3A_931[0] : f32 from vector<1xf32>
        %mul3A_933 = vector.broadcast %squeeze3A_928 : f32 to vector<16xf32>
        %mul3A_934 = arith.mulf %add3A_562, %mul3A_933 : vector<16xf32>
        %mul3A_935 = vector.broadcast %squeeze3A_930 : f32 to vector<16xf32>
        %mul3A_936 = arith.mulf %add3A_576, %mul3A_935 : vector<16xf32>
        %add3A_937 = arith.addf %mul3A_934, %mul3A_936 : vector<16xf32>
        %mul3A_938 = vector.broadcast %squeeze3A_932 : f32 to vector<16xf32>
        %mul3A_939 = arith.mulf %add3A_590, %mul3A_938 : vector<16xf32>
        %add3A_940 = arith.addf %add3A_937, %mul3A_939 : vector<16xf32>
        %add3A_941 = arith.constant 6 : i32
        %add3A_942 = vector.broadcast %add3A_941 : i32 to vector<16xi32>
        %add3A_943 = arith.addi %add3A_678, %add3A_942 : vector<16xi32>
        tpu.vector_store_idx %arg9[%add3A_943], %add3A_940 : memref<6144xf32, #tpu.memory_space<vmem>>[vector<16xi32>], vector<16xf32>,
        %mul3A_944 = vector.broadcast %squeeze3A_928 : f32 to vector<16xf32>
        %mul3A_945 = arith.mulf %add3A_604, %mul3A_944 : vector<16xf32>
        %mul3A_946 = vector.broadcast %squeeze3A_930 : f32 to vector<16xf32>
        %mul3A_947 = arith.mulf %add3A_618, %mul3A_946 : vector<16xf32>
        %add3A_948 = arith.addf %mul3A_945, %mul3A_947 : vector<16xf32>
        %mul3A_949 = vector.broadcast %squeeze3A_932 : f32 to vector<16xf32>
        %mul3A_950 = arith.mulf %add3A_632, %mul3A_949 : vector<16xf32>
        %add3A_951 = arith.addf %add3A_948, %mul3A_950 : vector<16xf32>
        %add3A_952 = arith.constant 2054 : i32
        %add3A_953 = vector.broadcast %add3A_952 : i32 to vector<16xi32>
        %add3A_954 = arith.addi %add3A_678, %add3A_953 : vector<16xi32>
        tpu.vector_store_idx %arg9[%add3A_954], %add3A_951 : memref<6144xf32, #tpu.memory_space<vmem>>[vector<16xi32>], vector<16xf32>,
        %mul3A_955 = vector.broadcast %squeeze3A_928 : f32 to vector<16xf32>
        %mul3A_956 = arith.mulf %add3A_646, %mul3A_955 : vector<16xf32>
        %mul3A_957 = vector.broadcast %squeeze3A_930 : f32 to vector<16xf32>
        %mul3A_958 = arith.mulf %add3A_660, %mul3A_957 : vector<16xf32>
        %add3A_959 = arith.addf %mul3A_956, %mul3A_958 : vector<16xf32>
        %mul3A_960 = vector.broadcast %squeeze3A_932 : f32 to vector<16xf32>
        %mul3A_961 = arith.mulf %add3A_674, %mul3A_960 : vector<16xf32>
        %add3A_962 = arith.addf %add3A_959, %mul3A_961 : vector<16xf32>
        %add3A_963 = arith.constant 4102 : i32
        %add3A_964 = vector.broadcast %add3A_963 : i32 to vector<16xi32>
        %add3A_965 = arith.addi %add3A_678, %add3A_964 : vector<16xi32>
        tpu.vector_store_idx %arg9[%add3A_965], %add3A_962 : memref<6144xf32, #tpu.memory_space<vmem>>[vector<16xi32>], vector<16xf32>,
        %slice3A_966 = vector.extract_strided_slice %get3A_535 {offsets = [7], sizes = [1], strides = [1]} : vector<16xf32> to vector<1xf32>
        %squeeze3A_967 = vector.extract %slice3A_966[0] : f32 from vector<1xf32>
        %slice3A_968 = vector.extract_strided_slice %get3A_540 {offsets = [7], sizes = [1], strides = [1]} : vector<16xf32> to vector<1xf32>
        %squeeze3A_969 = vector.extract %slice3A_968[0] : f32 from vector<1xf32>
        %slice3A_970 = vector.extract_strided_slice %get3A_545 {offsets = [7], sizes = [1], strides = [1]} : vector<16xf32> to vector<1xf32>
        %squeeze3A_971 = vector.extract %slice3A_970[0] : f32 from vector<1xf32>
        %slice3A_972 = vector.extract_strided_slice %get3A_550 {offsets = [7], sizes = [1], strides = [1]} : vector<16xf32> to vector<1xf32>
        %squeeze3A_973 = vector.extract %slice3A_972[0] : f32 from vector<1xf32>
        %mul3A_974 = vector.broadcast %squeeze3A_969 : f32 to vector<16xf32>
        %mul3A_975 = arith.mulf %add3A_562, %mul3A_974 : vector<16xf32>
        %mul3A_976 = vector.broadcast %squeeze3A_971 : f32 to vector<16xf32>
        %mul3A_977 = arith.mulf %add3A_576, %mul3A_976 : vector<16xf32>
        %add3A_978 = arith.addf %mul3A_975, %mul3A_977 : vector<16xf32>
        %mul3A_979 = vector.broadcast %squeeze3A_973 : f32 to vector<16xf32>
        %mul3A_980 = arith.mulf %add3A_590, %mul3A_979 : vector<16xf32>
        %add3A_981 = arith.addf %add3A_978, %mul3A_980 : vector<16xf32>
        %add3A_982 = arith.constant 7 : i32
        %add3A_983 = vector.broadcast %add3A_982 : i32 to vector<16xi32>
        %add3A_984 = arith.addi %add3A_678, %add3A_983 : vector<16xi32>
        tpu.vector_store_idx %arg9[%add3A_984], %add3A_981 : memref<6144xf32, #tpu.memory_space<vmem>>[vector<16xi32>], vector<16xf32>,
        %mul3A_985 = vector.broadcast %squeeze3A_969 : f32 to vector<16xf32>
        %mul3A_986 = arith.mulf %add3A_604, %mul3A_985 : vector<16xf32>
        %mul3A_987 = vector.broadcast %squeeze3A_971 : f32 to vector<16xf32>
        %mul3A_988 = arith.mulf %add3A_618, %mul3A_987 : vector<16xf32>
        %add3A_989 = arith.addf %mul3A_986, %mul3A_988 : vector<16xf32>
        %mul3A_990 = vector.broadcast %squeeze3A_973 : f32 to vector<16xf32>
        %mul3A_991 = arith.mulf %add3A_632, %mul3A_990 : vector<16xf32>
        %add3A_992 = arith.addf %add3A_989, %mul3A_991 : vector<16xf32>
        %add3A_993 = arith.constant 2055 : i32
        %add3A_994 = vector.broadcast %add3A_993 : i32 to vector<16xi32>
        %add3A_995 = arith.addi %add3A_678, %add3A_994 : vector<16xi32>
        tpu.vector_store_idx %arg9[%add3A_995], %add3A_992 : memref<6144xf32, #tpu.memory_space<vmem>>[vector<16xi32>], vector<16xf32>,
        %mul3A_996 = vector.broadcast %squeeze3A_969 : f32 to vector<16xf32>
        %mul3A_997 = arith.mulf %add3A_646, %mul3A_996 : vector<16xf32>
        %mul3A_998 = vector.broadcast %squeeze3A_971 : f32 to vector<16xf32>
        %mul3A_999 = arith.mulf %add3A_660, %mul3A_998 : vector<16xf32>
        %add3A_1000 = arith.addf %mul3A_997, %mul3A_999 : vector<16xf32>
        %mul3A_1001 = vector.broadcast %squeeze3A_973 : f32 to vector<16xf32>
        %mul3A_1002 = arith.mulf %add3A_674, %mul3A_1001 : vector<16xf32>
        %add3A_1003 = arith.addf %add3A_1000, %mul3A_1002 : vector<16xf32>
        %add3A_1004 = arith.constant 4103 : i32
        %add3A_1005 = vector.broadcast %add3A_1004 : i32 to vector<16xi32>
        %add3A_1006 = arith.addi %add3A_678, %add3A_1005 : vector<16xi32>
        tpu.vector_store_idx %arg9[%add3A_1006], %add3A_1003 : memref<6144xf32, #tpu.memory_space<vmem>>[vector<16xi32>], vector<16xf32>,
        %slice3A_1007 = vector.extract_strided_slice %get3A_535 {offsets = [8], sizes = [1], strides = [1]} : vector<16xf32> to vector<1xf32>
        %squeeze3A_1008 = vector.extract %slice3A_1007[0] : f32 from vector<1xf32>
        %slice3A_1009 = vector.extract_strided_slice %get3A_540 {offsets = [8], sizes = [1], strides = [1]} : vector<16xf32> to vector<1xf32>
        %squeeze3A_1010 = vector.extract %slice3A_1009[0] : f32 from vector<1xf32>
        %slice3A_1011 = vector.extract_strided_slice %get3A_545 {offsets = [8], sizes = [1], strides = [1]} : vector<16xf32> to vector<1xf32>
        %squeeze3A_1012 = vector.extract %slice3A_1011[0] : f32 from vector<1xf32>
        %slice3A_1013 = vector.extract_strided_slice %get3A_550 {offsets = [8], sizes = [1], strides = [1]} : vector<16xf32> to vector<1xf32>
        %squeeze3A_1014 = vector.extract %slice3A_1013[0] : f32 from vector<1xf32>
        %mul3A_1015 = vector.broadcast %squeeze3A_1010 : f32 to vector<16xf32>
        %mul3A_1016 = arith.mulf %add3A_562, %mul3A_1015 : vector<16xf32>
        %mul3A_1017 = vector.broadcast %squeeze3A_1012 : f32 to vector<16xf32>
        %mul3A_1018 = arith.mulf %add3A_576, %mul3A_1017 : vector<16xf32>
        %add3A_1019 = arith.addf %mul3A_1016, %mul3A_1018 : vector<16xf32>
        %mul3A_1020 = vector.broadcast %squeeze3A_1014 : f32 to vector<16xf32>
        %mul3A_1021 = arith.mulf %add3A_590, %mul3A_1020 : vector<16xf32>
        %add3A_1022 = arith.addf %add3A_1019, %mul3A_1021 : vector<16xf32>
        %add3A_1023 = arith.constant 8 : i32
        %add3A_1024 = vector.broadcast %add3A_1023 : i32 to vector<16xi32>
        %add3A_1025 = arith.addi %add3A_678, %add3A_1024 : vector<16xi32>
        tpu.vector_store_idx %arg9[%add3A_1025], %add3A_1022 : memref<6144xf32, #tpu.memory_space<vmem>>[vector<16xi32>], vector<16xf32>,
        %mul3A_1026 = vector.broadcast %squeeze3A_1010 : f32 to vector<16xf32>
        %mul3A_1027 = arith.mulf %add3A_604, %mul3A_1026 : vector<16xf32>
        %mul3A_1028 = vector.broadcast %squeeze3A_1012 : f32 to vector<16xf32>
        %mul3A_1029 = arith.mulf %add3A_618, %mul3A_1028 : vector<16xf32>
        %add3A_1030 = arith.addf %mul3A_1027, %mul3A_1029 : vector<16xf32>
        %mul3A_1031 = vector.broadcast %squeeze3A_1014 : f32 to vector<16xf32>
        %mul3A_1032 = arith.mulf %add3A_632, %mul3A_1031 : vector<16xf32>
        %add3A_1033 = arith.addf %add3A_1030, %mul3A_1032 : vector<16xf32>
        %add3A_1034 = arith.constant 2056 : i32
        %add3A_1035 = vector.broadcast %add3A_1034 : i32 to vector<16xi32>
        %add3A_1036 = arith.addi %add3A_678, %add3A_1035 : vector<16xi32>
        tpu.vector_store_idx %arg9[%add3A_1036], %add3A_1033 : memref<6144xf32, #tpu.memory_space<vmem>>[vector<16xi32>], vector<16xf32>,
        %mul3A_1037 = vector.broadcast %squeeze3A_1010 : f32 to vector<16xf32>
        %mul3A_1038 = arith.mulf %add3A_646, %mul3A_1037 : vector<16xf32>
        %mul3A_1039 = vector.broadcast %squeeze3A_1012 : f32 to vector<16xf32>
        %mul3A_1040 = arith.mulf %add3A_660, %mul3A_1039 : vector<16xf32>
        %add3A_1041 = arith.addf %mul3A_1038, %mul3A_1040 : vector<16xf32>
        %mul3A_1042 = vector.broadcast %squeeze3A_1014 : f32 to vector<16xf32>
        %mul3A_1043 = arith.mulf %add3A_674, %mul3A_1042 : vector<16xf32>
        %add3A_1044 = arith.addf %add3A_1041, %mul3A_1043 : vector<16xf32>
        %add3A_1045 = arith.constant 4104 : i32
        %add3A_1046 = vector.broadcast %add3A_1045 : i32 to vector<16xi32>
        %add3A_1047 = arith.addi %add3A_678, %add3A_1046 : vector<16xi32>
        tpu.vector_store_idx %arg9[%add3A_1047], %add3A_1044 : memref<6144xf32, #tpu.memory_space<vmem>>[vector<16xi32>], vector<16xf32>,
        %slice3A_1048 = vector.extract_strided_slice %get3A_535 {offsets = [9], sizes = [1], strides = [1]} : vector<16xf32> to vector<1xf32>
        %squeeze3A_1049 = vector.extract %slice3A_1048[0] : f32 from vector<1xf32>
        %slice3A_1050 = vector.extract_strided_slice %get3A_540 {offsets = [9], sizes = [1], strides = [1]} : vector<16xf32> to vector<1xf32>
        %squeeze3A_1051 = vector.extract %slice3A_1050[0] : f32 from vector<1xf32>
        %slice3A_1052 = vector.extract_strided_slice %get3A_545 {offsets = [9], sizes = [1], strides = [1]} : vector<16xf32> to vector<1xf32>
        %squeeze3A_1053 = vector.extract %slice3A_1052[0] : f32 from vector<1xf32>
        %slice3A_1054 = vector.extract_strided_slice %get3A_550 {offsets = [9], sizes = [1], strides = [1]} : vector<16xf32> to vector<1xf32>
        %squeeze3A_1055 = vector.extract %slice3A_1054[0] : f32 from vector<1xf32>
        %mul3A_1056 = vector.broadcast %squeeze3A_1051 : f32 to vector<16xf32>
        %mul3A_1057 = arith.mulf %add3A_562, %mul3A_1056 : vector<16xf32>
        %mul3A_1058 = vector.broadcast %squeeze3A_1053 : f32 to vector<16xf32>
        %mul3A_1059 = arith.mulf %add3A_576, %mul3A_1058 : vector<16xf32>
        %add3A_1060 = arith.addf %mul3A_1057, %mul3A_1059 : vector<16xf32>
        %mul3A_1061 = vector.broadcast %squeeze3A_1055 : f32 to vector<16xf32>
        %mul3A_1062 = arith.mulf %add3A_590, %mul3A_1061 : vector<16xf32>
        %add3A_1063 = arith.addf %add3A_1060, %mul3A_1062 : vector<16xf32>
        %add3A_1064 = arith.constant 9 : i32
        %add3A_1065 = vector.broadcast %add3A_1064 : i32 to vector<16xi32>
        %add3A_1066 = arith.addi %add3A_678, %add3A_1065 : vector<16xi32>
        tpu.vector_store_idx %arg9[%add3A_1066], %add3A_1063 : memref<6144xf32, #tpu.memory_space<vmem>>[vector<16xi32>], vector<16xf32>,
        %mul3A_1067 = vector.broadcast %squeeze3A_1051 : f32 to vector<16xf32>
        %mul3A_1068 = arith.mulf %add3A_604, %mul3A_1067 : vector<16xf32>
        %mul3A_1069 = vector.broadcast %squeeze3A_1053 : f32 to vector<16xf32>
        %mul3A_1070 = arith.mulf %add3A_618, %mul3A_1069 : vector<16xf32>
        %add3A_1071 = arith.addf %mul3A_1068, %mul3A_1070 : vector<16xf32>
        %mul3A_1072 = vector.broadcast %squeeze3A_1055 : f32 to vector<16xf32>
        %mul3A_1073 = arith.mulf %add3A_632, %mul3A_1072 : vector<16xf32>
        %add3A_1074 = arith.addf %add3A_1071, %mul3A_1073 : vector<16xf32>
        %add3A_1075 = arith.constant 2057 : i32
        %add3A_1076 = vector.broadcast %add3A_1075 : i32 to vector<16xi32>
        %add3A_1077 = arith.addi %add3A_678, %add3A_1076 : vector<16xi32>
        tpu.vector_store_idx %arg9[%add3A_1077], %add3A_1074 : memref<6144xf32, #tpu.memory_space<vmem>>[vector<16xi32>], vector<16xf32>,
        %mul3A_1078 = vector.broadcast %squeeze3A_1051 : f32 to vector<16xf32>
        %mul3A_1079 = arith.mulf %add3A_646, %mul3A_1078 : vector<16xf32>
        %mul3A_1080 = vector.broadcast %squeeze3A_1053 : f32 to vector<16xf32>
        %mul3A_1081 = arith.mulf %add3A_660, %mul3A_1080 : vector<16xf32>
        %add3A_1082 = arith.addf %mul3A_1079, %mul3A_1081 : vector<16xf32>
        %mul3A_1083 = vector.broadcast %squeeze3A_1055 : f32 to vector<16xf32>
        %mul3A_1084 = arith.mulf %add3A_674, %mul3A_1083 : vector<16xf32>
        %add3A_1085 = arith.addf %add3A_1082, %mul3A_1084 : vector<16xf32>
        %add3A_1086 = arith.constant 4105 : i32
        %add3A_1087 = vector.broadcast %add3A_1086 : i32 to vector<16xi32>
        %add3A_1088 = arith.addi %add3A_678, %add3A_1087 : vector<16xi32>
        tpu.vector_store_idx %arg9[%add3A_1088], %add3A_1085 : memref<6144xf32, #tpu.memory_space<vmem>>[vector<16xi32>], vector<16xf32>,
        %slice3A_1089 = vector.extract_strided_slice %get3A_535 {offsets = [10], sizes = [1], strides = [1]} : vector<16xf32> to vector<1xf32>
        %squeeze3A_1090 = vector.extract %slice3A_1089[0] : f32 from vector<1xf32>
        %slice3A_1091 = vector.extract_strided_slice %get3A_540 {offsets = [10], sizes = [1], strides = [1]} : vector<16xf32> to vector<1xf32>
        %squeeze3A_1092 = vector.extract %slice3A_1091[0] : f32 from vector<1xf32>
        %slice3A_1093 = vector.extract_strided_slice %get3A_545 {offsets = [10], sizes = [1], strides = [1]} : vector<16xf32> to vector<1xf32>
        %squeeze3A_1094 = vector.extract %slice3A_1093[0] : f32 from vector<1xf32>
        %slice3A_1095 = vector.extract_strided_slice %get3A_550 {offsets = [10], sizes = [1], strides = [1]} : vector<16xf32> to vector<1xf32>
        %squeeze3A_1096 = vector.extract %slice3A_1095[0] : f32 from vector<1xf32>
        %mul3A_1097 = vector.broadcast %squeeze3A_1092 : f32 to vector<16xf32>
        %mul3A_1098 = arith.mulf %add3A_562, %mul3A_1097 : vector<16xf32>
        %mul3A_1099 = vector.broadcast %squeeze3A_1094 : f32 to vector<16xf32>
        %mul3A_1100 = arith.mulf %add3A_576, %mul3A_1099 : vector<16xf32>
        %add3A_1101 = arith.addf %mul3A_1098, %mul3A_1100 : vector<16xf32>
        %mul3A_1102 = vector.broadcast %squeeze3A_1096 : f32 to vector<16xf32>
        %mul3A_1103 = arith.mulf %add3A_590, %mul3A_1102 : vector<16xf32>
        %add3A_1104 = arith.addf %add3A_1101, %mul3A_1103 : vector<16xf32>
        %add3A_1105 = arith.constant 10 : i32
        %add3A_1106 = vector.broadcast %add3A_1105 : i32 to vector<16xi32>
        %add3A_1107 = arith.addi %add3A_678, %add3A_1106 : vector<16xi32>
        tpu.vector_store_idx %arg9[%add3A_1107], %add3A_1104 : memref<6144xf32, #tpu.memory_space<vmem>>[vector<16xi32>], vector<16xf32>,
        %mul3A_1108 = vector.broadcast %squeeze3A_1092 : f32 to vector<16xf32>
        %mul3A_1109 = arith.mulf %add3A_604, %mul3A_1108 : vector<16xf32>
        %mul3A_1110 = vector.broadcast %squeeze3A_1094 : f32 to vector<16xf32>
        %mul3A_1111 = arith.mulf %add3A_618, %mul3A_1110 : vector<16xf32>
        %add3A_1112 = arith.addf %mul3A_1109, %mul3A_1111 : vector<16xf32>
        %mul3A_1113 = vector.broadcast %squeeze3A_1096 : f32 to vector<16xf32>
        %mul3A_1114 = arith.mulf %add3A_632, %mul3A_1113 : vector<16xf32>
        %add3A_1115 = arith.addf %add3A_1112, %mul3A_1114 : vector<16xf32>
        %add3A_1116 = arith.constant 2058 : i32
        %add3A_1117 = vector.broadcast %add3A_1116 : i32 to vector<16xi32>
        %add3A_1118 = arith.addi %add3A_678, %add3A_1117 : vector<16xi32>
        tpu.vector_store_idx %arg9[%add3A_1118], %add3A_1115 : memref<6144xf32, #tpu.memory_space<vmem>>[vector<16xi32>], vector<16xf32>,
        %mul3A_1119 = vector.broadcast %squeeze3A_1092 : f32 to vector<16xf32>
        %mul3A_1120 = arith.mulf %add3A_646, %mul3A_1119 : vector<16xf32>
        %mul3A_1121 = vector.broadcast %squeeze3A_1094 : f32 to vector<16xf32>
        %mul3A_1122 = arith.mulf %add3A_660, %mul3A_1121 : vector<16xf32>
        %add3A_1123 = arith.addf %mul3A_1120, %mul3A_1122 : vector<16xf32>
        %mul3A_1124 = vector.broadcast %squeeze3A_1096 : f32 to vector<16xf32>
        %mul3A_1125 = arith.mulf %add3A_674, %mul3A_1124 : vector<16xf32>
        %add3A_1126 = arith.addf %add3A_1123, %mul3A_1125 : vector<16xf32>
        %add3A_1127 = arith.constant 4106 : i32
        %add3A_1128 = vector.broadcast %add3A_1127 : i32 to vector<16xi32>
        %add3A_1129 = arith.addi %add3A_678, %add3A_1128 : vector<16xi32>
        tpu.vector_store_idx %arg9[%add3A_1129], %add3A_1126 : memref<6144xf32, #tpu.memory_space<vmem>>[vector<16xi32>], vector<16xf32>,
        %slice3A_1130 = vector.extract_strided_slice %get3A_535 {offsets = [11], sizes = [1], strides = [1]} : vector<16xf32> to vector<1xf32>
        %squeeze3A_1131 = vector.extract %slice3A_1130[0] : f32 from vector<1xf32>
        %slice3A_1132 = vector.extract_strided_slice %get3A_540 {offsets = [11], sizes = [1], strides = [1]} : vector<16xf32> to vector<1xf32>
        %squeeze3A_1133 = vector.extract %slice3A_1132[0] : f32 from vector<1xf32>
        %slice3A_1134 = vector.extract_strided_slice %get3A_545 {offsets = [11], sizes = [1], strides = [1]} : vector<16xf32> to vector<1xf32>
        %squeeze3A_1135 = vector.extract %slice3A_1134[0] : f32 from vector<1xf32>
        %slice3A_1136 = vector.extract_strided_slice %get3A_550 {offsets = [11], sizes = [1], strides = [1]} : vector<16xf32> to vector<1xf32>
        %squeeze3A_1137 = vector.extract %slice3A_1136[0] : f32 from vector<1xf32>
        %mul3A_1138 = vector.broadcast %squeeze3A_1133 : f32 to vector<16xf32>
        %mul3A_1139 = arith.mulf %add3A_562, %mul3A_1138 : vector<16xf32>
        %mul3A_1140 = vector.broadcast %squeeze3A_1135 : f32 to vector<16xf32>
        %mul3A_1141 = arith.mulf %add3A_576, %mul3A_1140 : vector<16xf32>
        %add3A_1142 = arith.addf %mul3A_1139, %mul3A_1141 : vector<16xf32>
        %mul3A_1143 = vector.broadcast %squeeze3A_1137 : f32 to vector<16xf32>
        %mul3A_1144 = arith.mulf %add3A_590, %mul3A_1143 : vector<16xf32>
        %add3A_1145 = arith.addf %add3A_1142, %mul3A_1144 : vector<16xf32>
        %add3A_1146 = arith.constant 11 : i32
        %add3A_1147 = vector.broadcast %add3A_1146 : i32 to vector<16xi32>
        %add3A_1148 = arith.addi %add3A_678, %add3A_1147 : vector<16xi32>
        tpu.vector_store_idx %arg9[%add3A_1148], %add3A_1145 : memref<6144xf32, #tpu.memory_space<vmem>>[vector<16xi32>], vector<16xf32>,
        %mul3A_1149 = vector.broadcast %squeeze3A_1133 : f32 to vector<16xf32>
        %mul3A_1150 = arith.mulf %add3A_604, %mul3A_1149 : vector<16xf32>
        %mul3A_1151 = vector.broadcast %squeeze3A_1135 : f32 to vector<16xf32>
        %mul3A_1152 = arith.mulf %add3A_618, %mul3A_1151 : vector<16xf32>
        %add3A_1153 = arith.addf %mul3A_1150, %mul3A_1152 : vector<16xf32>
        %mul3A_1154 = vector.broadcast %squeeze3A_1137 : f32 to vector<16xf32>
        %mul3A_1155 = arith.mulf %add3A_632, %mul3A_1154 : vector<16xf32>
        %add3A_1156 = arith.addf %add3A_1153, %mul3A_1155 : vector<16xf32>
        %add3A_1157 = arith.constant 2059 : i32
        %add3A_1158 = vector.broadcast %add3A_1157 : i32 to vector<16xi32>
        %add3A_1159 = arith.addi %add3A_678, %add3A_1158 : vector<16xi32>
        tpu.vector_store_idx %arg9[%add3A_1159], %add3A_1156 : memref<6144xf32, #tpu.memory_space<vmem>>[vector<16xi32>], vector<16xf32>,
        %mul3A_1160 = vector.broadcast %squeeze3A_1133 : f32 to vector<16xf32>
        %mul3A_1161 = arith.mulf %add3A_646, %mul3A_1160 : vector<16xf32>
        %mul3A_1162 = vector.broadcast %squeeze3A_1135 : f32 to vector<16xf32>
        %mul3A_1163 = arith.mulf %add3A_660, %mul3A_1162 : vector<16xf32>
        %add3A_1164 = arith.addf %mul3A_1161, %mul3A_1163 : vector<16xf32>
        %mul3A_1165 = vector.broadcast %squeeze3A_1137 : f32 to vector<16xf32>
        %mul3A_1166 = arith.mulf %add3A_674, %mul3A_1165 : vector<16xf32>
        %add3A_1167 = arith.addf %add3A_1164, %mul3A_1166 : vector<16xf32>
        %add3A_1168 = arith.constant 4107 : i32
        %add3A_1169 = vector.broadcast %add3A_1168 : i32 to vector<16xi32>
        %add3A_1170 = arith.addi %add3A_678, %add3A_1169 : vector<16xi32>
        tpu.vector_store_idx %arg9[%add3A_1170], %add3A_1167 : memref<6144xf32, #tpu.memory_space<vmem>>[vector<16xi32>], vector<16xf32>,
        %slice3A_1171 = vector.extract_strided_slice %get3A_535 {offsets = [12], sizes = [1], strides = [1]} : vector<16xf32> to vector<1xf32>
        %squeeze3A_1172 = vector.extract %slice3A_1171[0] : f32 from vector<1xf32>
        %slice3A_1173 = vector.extract_strided_slice %get3A_540 {offsets = [12], sizes = [1], strides = [1]} : vector<16xf32> to vector<1xf32>
        %squeeze3A_1174 = vector.extract %slice3A_1173[0] : f32 from vector<1xf32>
        %slice3A_1175 = vector.extract_strided_slice %get3A_545 {offsets = [12], sizes = [1], strides = [1]} : vector<16xf32> to vector<1xf32>
        %squeeze3A_1176 = vector.extract %slice3A_1175[0] : f32 from vector<1xf32>
        %slice3A_1177 = vector.extract_strided_slice %get3A_550 {offsets = [12], sizes = [1], strides = [1]} : vector<16xf32> to vector<1xf32>
        %squeeze3A_1178 = vector.extract %slice3A_1177[0] : f32 from vector<1xf32>
        %mul3A_1179 = vector.broadcast %squeeze3A_1174 : f32 to vector<16xf32>
        %mul3A_1180 = arith.mulf %add3A_562, %mul3A_1179 : vector<16xf32>
        %mul3A_1181 = vector.broadcast %squeeze3A_1176 : f32 to vector<16xf32>
        %mul3A_1182 = arith.mulf %add3A_576, %mul3A_1181 : vector<16xf32>
        %add3A_1183 = arith.addf %mul3A_1180, %mul3A_1182 : vector<16xf32>
        %mul3A_1184 = vector.broadcast %squeeze3A_1178 : f32 to vector<16xf32>
        %mul3A_1185 = arith.mulf %add3A_590, %mul3A_1184 : vector<16xf32>
        %add3A_1186 = arith.addf %add3A_1183, %mul3A_1185 : vector<16xf32>
        %add3A_1187 = arith.constant 12 : i32
        %add3A_1188 = vector.broadcast %add3A_1187 : i32 to vector<16xi32>
        %add3A_1189 = arith.addi %add3A_678, %add3A_1188 : vector<16xi32>
        tpu.vector_store_idx %arg9[%add3A_1189], %add3A_1186 : memref<6144xf32, #tpu.memory_space<vmem>>[vector<16xi32>], vector<16xf32>,
        %mul3A_1190 = vector.broadcast %squeeze3A_1174 : f32 to vector<16xf32>
        %mul3A_1191 = arith.mulf %add3A_604, %mul3A_1190 : vector<16xf32>
        %mul3A_1192 = vector.broadcast %squeeze3A_1176 : f32 to vector<16xf32>
        %mul3A_1193 = arith.mulf %add3A_618, %mul3A_1192 : vector<16xf32>
        %add3A_1194 = arith.addf %mul3A_1191, %mul3A_1193 : vector<16xf32>
        %mul3A_1195 = vector.broadcast %squeeze3A_1178 : f32 to vector<16xf32>
        %mul3A_1196 = arith.mulf %add3A_632, %mul3A_1195 : vector<16xf32>
        %add3A_1197 = arith.addf %add3A_1194, %mul3A_1196 : vector<16xf32>
        %add3A_1198 = arith.constant 2060 : i32
        %add3A_1199 = vector.broadcast %add3A_1198 : i32 to vector<16xi32>
        %add3A_1200 = arith.addi %add3A_678, %add3A_1199 : vector<16xi32>
        tpu.vector_store_idx %arg9[%add3A_1200], %add3A_1197 : memref<6144xf32, #tpu.memory_space<vmem>>[vector<16xi32>], vector<16xf32>,
        %mul3A_1201 = vector.broadcast %squeeze3A_1174 : f32 to vector<16xf32>
        %mul3A_1202 = arith.mulf %add3A_646, %mul3A_1201 : vector<16xf32>
        %mul3A_1203 = vector.broadcast %squeeze3A_1176 : f32 to vector<16xf32>
        %mul3A_1204 = arith.mulf %add3A_660, %mul3A_1203 : vector<16xf32>
        %add3A_1205 = arith.addf %mul3A_1202, %mul3A_1204 : vector<16xf32>
        %mul3A_1206 = vector.broadcast %squeeze3A_1178 : f32 to vector<16xf32>
        %mul3A_1207 = arith.mulf %add3A_674, %mul3A_1206 : vector<16xf32>
        %add3A_1208 = arith.addf %add3A_1205, %mul3A_1207 : vector<16xf32>
        %add3A_1209 = arith.constant 4108 : i32
        %add3A_1210 = vector.broadcast %add3A_1209 : i32 to vector<16xi32>
        %add3A_1211 = arith.addi %add3A_678, %add3A_1210 : vector<16xi32>
        tpu.vector_store_idx %arg9[%add3A_1211], %add3A_1208 : memref<6144xf32, #tpu.memory_space<vmem>>[vector<16xi32>], vector<16xf32>,
        %slice3A_1212 = vector.extract_strided_slice %get3A_535 {offsets = [13], sizes = [1], strides = [1]} : vector<16xf32> to vector<1xf32>
        %squeeze3A_1213 = vector.extract %slice3A_1212[0] : f32 from vector<1xf32>
        %slice3A_1214 = vector.extract_strided_slice %get3A_540 {offsets = [13], sizes = [1], strides = [1]} : vector<16xf32> to vector<1xf32>
        %squeeze3A_1215 = vector.extract %slice3A_1214[0] : f32 from vector<1xf32>
        %slice3A_1216 = vector.extract_strided_slice %get3A_545 {offsets = [13], sizes = [1], strides = [1]} : vector<16xf32> to vector<1xf32>
        %squeeze3A_1217 = vector.extract %slice3A_1216[0] : f32 from vector<1xf32>
        %slice3A_1218 = vector.extract_strided_slice %get3A_550 {offsets = [13], sizes = [1], strides = [1]} : vector<16xf32> to vector<1xf32>
        %squeeze3A_1219 = vector.extract %slice3A_1218[0] : f32 from vector<1xf32>
        %mul3A_1220 = vector.broadcast %squeeze3A_1215 : f32 to vector<16xf32>
        %mul3A_1221 = arith.mulf %add3A_562, %mul3A_1220 : vector<16xf32>
        %mul3A_1222 = vector.broadcast %squeeze3A_1217 : f32 to vector<16xf32>
        %mul3A_1223 = arith.mulf %add3A_576, %mul3A_1222 : vector<16xf32>
        %add3A_1224 = arith.addf %mul3A_1221, %mul3A_1223 : vector<16xf32>
        %mul3A_1225 = vector.broadcast %squeeze3A_1219 : f32 to vector<16xf32>
        %mul3A_1226 = arith.mulf %add3A_590, %mul3A_1225 : vector<16xf32>
        %add3A_1227 = arith.addf %add3A_1224, %mul3A_1226 : vector<16xf32>
        %add3A_1228 = arith.constant 13 : i32
        %add3A_1229 = vector.broadcast %add3A_1228 : i32 to vector<16xi32>
        %add3A_1230 = arith.addi %add3A_678, %add3A_1229 : vector<16xi32>
        tpu.vector_store_idx %arg9[%add3A_1230], %add3A_1227 : memref<6144xf32, #tpu.memory_space<vmem>>[vector<16xi32>], vector<16xf32>,
        %mul3A_1231 = vector.broadcast %squeeze3A_1215 : f32 to vector<16xf32>
        %mul3A_1232 = arith.mulf %add3A_604, %mul3A_1231 : vector<16xf32>
        %mul3A_1233 = vector.broadcast %squeeze3A_1217 : f32 to vector<16xf32>
        %mul3A_1234 = arith.mulf %add3A_618, %mul3A_1233 : vector<16xf32>
        %add3A_1235 = arith.addf %mul3A_1232, %mul3A_1234 : vector<16xf32>
        %mul3A_1236 = vector.broadcast %squeeze3A_1219 : f32 to vector<16xf32>
        %mul3A_1237 = arith.mulf %add3A_632, %mul3A_1236 : vector<16xf32>
        %add3A_1238 = arith.addf %add3A_1235, %mul3A_1237 : vector<16xf32>
        %add3A_1239 = arith.constant 2061 : i32
        %add3A_1240 = vector.broadcast %add3A_1239 : i32 to vector<16xi32>
        %add3A_1241 = arith.addi %add3A_678, %add3A_1240 : vector<16xi32>
        tpu.vector_store_idx %arg9[%add3A_1241], %add3A_1238 : memref<6144xf32, #tpu.memory_space<vmem>>[vector<16xi32>], vector<16xf32>,
        %mul3A_1242 = vector.broadcast %squeeze3A_1215 : f32 to vector<16xf32>
        %mul3A_1243 = arith.mulf %add3A_646, %mul3A_1242 : vector<16xf32>
        %mul3A_1244 = vector.broadcast %squeeze3A_1217 : f32 to vector<16xf32>
        %mul3A_1245 = arith.mulf %add3A_660, %mul3A_1244 : vector<16xf32>
        %add3A_1246 = arith.addf %mul3A_1243, %mul3A_1245 : vector<16xf32>
        %mul3A_1247 = vector.broadcast %squeeze3A_1219 : f32 to vector<16xf32>
        %mul3A_1248 = arith.mulf %add3A_674, %mul3A_1247 : vector<16xf32>
        %add3A_1249 = arith.addf %add3A_1246, %mul3A_1248 : vector<16xf32>
        %add3A_1250 = arith.constant 4109 : i32
        %add3A_1251 = vector.broadcast %add3A_1250 : i32 to vector<16xi32>
        %add3A_1252 = arith.addi %add3A_678, %add3A_1251 : vector<16xi32>
        tpu.vector_store_idx %arg9[%add3A_1252], %add3A_1249 : memref<6144xf32, #tpu.memory_space<vmem>>[vector<16xi32>], vector<16xf32>,
        %slice3A_1253 = vector.extract_strided_slice %get3A_535 {offsets = [14], sizes = [1], strides = [1]} : vector<16xf32> to vector<1xf32>
        %squeeze3A_1254 = vector.extract %slice3A_1253[0] : f32 from vector<1xf32>
        %slice3A_1255 = vector.extract_strided_slice %get3A_540 {offsets = [14], sizes = [1], strides = [1]} : vector<16xf32> to vector<1xf32>
        %squeeze3A_1256 = vector.extract %slice3A_1255[0] : f32 from vector<1xf32>
        %slice3A_1257 = vector.extract_strided_slice %get3A_545 {offsets = [14], sizes = [1], strides = [1]} : vector<16xf32> to vector<1xf32>
        %squeeze3A_1258 = vector.extract %slice3A_1257[0] : f32 from vector<1xf32>
        %slice3A_1259 = vector.extract_strided_slice %get3A_550 {offsets = [14], sizes = [1], strides = [1]} : vector<16xf32> to vector<1xf32>
        %squeeze3A_1260 = vector.extract %slice3A_1259[0] : f32 from vector<1xf32>
        %mul3A_1261 = vector.broadcast %squeeze3A_1256 : f32 to vector<16xf32>
        %mul3A_1262 = arith.mulf %add3A_562, %mul3A_1261 : vector<16xf32>
        %mul3A_1263 = vector.broadcast %squeeze3A_1258 : f32 to vector<16xf32>
        %mul3A_1264 = arith.mulf %add3A_576, %mul3A_1263 : vector<16xf32>
        %add3A_1265 = arith.addf %mul3A_1262, %mul3A_1264 : vector<16xf32>
        %mul3A_1266 = vector.broadcast %squeeze3A_1260 : f32 to vector<16xf32>
        %mul3A_1267 = arith.mulf %add3A_590, %mul3A_1266 : vector<16xf32>
        %add3A_1268 = arith.addf %add3A_1265, %mul3A_1267 : vector<16xf32>
        %add3A_1269 = arith.constant 14 : i32
        %add3A_1270 = vector.broadcast %add3A_1269 : i32 to vector<16xi32>
        %add3A_1271 = arith.addi %add3A_678, %add3A_1270 : vector<16xi32>
        tpu.vector_store_idx %arg9[%add3A_1271], %add3A_1268 : memref<6144xf32, #tpu.memory_space<vmem>>[vector<16xi32>], vector<16xf32>,
        %mul3A_1272 = vector.broadcast %squeeze3A_1256 : f32 to vector<16xf32>
        %mul3A_1273 = arith.mulf %add3A_604, %mul3A_1272 : vector<16xf32>
        %mul3A_1274 = vector.broadcast %squeeze3A_1258 : f32 to vector<16xf32>
        %mul3A_1275 = arith.mulf %add3A_618, %mul3A_1274 : vector<16xf32>
        %add3A_1276 = arith.addf %mul3A_1273, %mul3A_1275 : vector<16xf32>
        %mul3A_1277 = vector.broadcast %squeeze3A_1260 : f32 to vector<16xf32>
        %mul3A_1278 = arith.mulf %add3A_632, %mul3A_1277 : vector<16xf32>
        %add3A_1279 = arith.addf %add3A_1276, %mul3A_1278 : vector<16xf32>
        %add3A_1280 = arith.constant 2062 : i32
        %add3A_1281 = vector.broadcast %add3A_1280 : i32 to vector<16xi32>
        %add3A_1282 = arith.addi %add3A_678, %add3A_1281 : vector<16xi32>
        tpu.vector_store_idx %arg9[%add3A_1282], %add3A_1279 : memref<6144xf32, #tpu.memory_space<vmem>>[vector<16xi32>], vector<16xf32>,
        %mul3A_1283 = vector.broadcast %squeeze3A_1256 : f32 to vector<16xf32>
        %mul3A_1284 = arith.mulf %add3A_646, %mul3A_1283 : vector<16xf32>
        %mul3A_1285 = vector.broadcast %squeeze3A_1258 : f32 to vector<16xf32>
        %mul3A_1286 = arith.mulf %add3A_660, %mul3A_1285 : vector<16xf32>
        %add3A_1287 = arith.addf %mul3A_1284, %mul3A_1286 : vector<16xf32>
        %mul3A_1288 = vector.broadcast %squeeze3A_1260 : f32 to vector<16xf32>
        %mul3A_1289 = arith.mulf %add3A_674, %mul3A_1288 : vector<16xf32>
        %add3A_1290 = arith.addf %add3A_1287, %mul3A_1289 : vector<16xf32>
        %add3A_1291 = arith.constant 4110 : i32
        %add3A_1292 = vector.broadcast %add3A_1291 : i32 to vector<16xi32>
        %add3A_1293 = arith.addi %add3A_678, %add3A_1292 : vector<16xi32>
        tpu.vector_store_idx %arg9[%add3A_1293], %add3A_1290 : memref<6144xf32, #tpu.memory_space<vmem>>[vector<16xi32>], vector<16xf32>,
        %slice3A_1294 = vector.extract_strided_slice %get3A_535 {offsets = [15], sizes = [1], strides = [1]} : vector<16xf32> to vector<1xf32>
        %squeeze3A_1295 = vector.extract %slice3A_1294[0] : f32 from vector<1xf32>
        %slice3A_1296 = vector.extract_strided_slice %get3A_540 {offsets = [15], sizes = [1], strides = [1]} : vector<16xf32> to vector<1xf32>
        %squeeze3A_1297 = vector.extract %slice3A_1296[0] : f32 from vector<1xf32>
        %slice3A_1298 = vector.extract_strided_slice %get3A_545 {offsets = [15], sizes = [1], strides = [1]} : vector<16xf32> to vector<1xf32>
        %squeeze3A_1299 = vector.extract %slice3A_1298[0] : f32 from vector<1xf32>
        %slice3A_1300 = vector.extract_strided_slice %get3A_550 {offsets = [15], sizes = [1], strides = [1]} : vector<16xf32> to vector<1xf32>
        %squeeze3A_1301 = vector.extract %slice3A_1300[0] : f32 from vector<1xf32>
        %mul3A_1302 = vector.broadcast %squeeze3A_1297 : f32 to vector<16xf32>
        %mul3A_1303 = arith.mulf %add3A_562, %mul3A_1302 : vector<16xf32>
        %mul3A_1304 = vector.broadcast %squeeze3A_1299 : f32 to vector<16xf32>
        %mul3A_1305 = arith.mulf %add3A_576, %mul3A_1304 : vector<16xf32>
        %add3A_1306 = arith.addf %mul3A_1303, %mul3A_1305 : vector<16xf32>
        %mul3A_1307 = vector.broadcast %squeeze3A_1301 : f32 to vector<16xf32>
        %mul3A_1308 = arith.mulf %add3A_590, %mul3A_1307 : vector<16xf32>
        %add3A_1309 = arith.addf %add3A_1306, %mul3A_1308 : vector<16xf32>
        %add3A_1310 = arith.constant 15 : i32
        %add3A_1311 = vector.broadcast %add3A_1310 : i32 to vector<16xi32>
        %add3A_1312 = arith.addi %add3A_678, %add3A_1311 : vector<16xi32>
        tpu.vector_store_idx %arg9[%add3A_1312], %add3A_1309 : memref<6144xf32, #tpu.memory_space<vmem>>[vector<16xi32>], vector<16xf32>,
        %mul3A_1313 = vector.broadcast %squeeze3A_1297 : f32 to vector<16xf32>
        %mul3A_1314 = arith.mulf %add3A_604, %mul3A_1313 : vector<16xf32>
        %mul3A_1315 = vector.broadcast %squeeze3A_1299 : f32 to vector<16xf32>
        %mul3A_1316 = arith.mulf %add3A_618, %mul3A_1315 : vector<16xf32>
        %add3A_1317 = arith.addf %mul3A_1314, %mul3A_1316 : vector<16xf32>
        %mul3A_1318 = vector.broadcast %squeeze3A_1301 : f32 to vector<16xf32>
        %mul3A_1319 = arith.mulf %add3A_632, %mul3A_1318 : vector<16xf32>
        %add3A_1320 = arith.addf %add3A_1317, %mul3A_1319 : vector<16xf32>
        %add3A_1321 = arith.constant 2063 : i32
        %add3A_1322 = vector.broadcast %add3A_1321 : i32 to vector<16xi32>
        %add3A_1323 = arith.addi %add3A_678, %add3A_1322 : vector<16xi32>
        tpu.vector_store_idx %arg9[%add3A_1323], %add3A_1320 : memref<6144xf32, #tpu.memory_space<vmem>>[vector<16xi32>], vector<16xf32>,
        %mul3A_1324 = vector.broadcast %squeeze3A_1297 : f32 to vector<16xf32>
        %mul3A_1325 = arith.mulf %add3A_646, %mul3A_1324 : vector<16xf32>
        %mul3A_1326 = vector.broadcast %squeeze3A_1299 : f32 to vector<16xf32>
        %mul3A_1327 = arith.mulf %add3A_660, %mul3A_1326 : vector<16xf32>
        %add3A_1328 = arith.addf %mul3A_1325, %mul3A_1327 : vector<16xf32>
        %mul3A_1329 = vector.broadcast %squeeze3A_1301 : f32 to vector<16xf32>
        %mul3A_1330 = arith.mulf %add3A_674, %mul3A_1329 : vector<16xf32>
        %add3A_1331 = arith.addf %add3A_1328, %mul3A_1330 : vector<16xf32>
        %add3A_1332 = arith.constant 4111 : i32
        %add3A_1333 = vector.broadcast %add3A_1332 : i32 to vector<16xi32>
        %add3A_1334 = arith.addi %add3A_678, %add3A_1333 : vector<16xi32>
        tpu.vector_store_idx %arg9[%add3A_1334], %add3A_1331 : memref<6144xf32, #tpu.memory_space<vmem>>[vector<16xi32>], vector<16xf32>,
      }
      %scan3A_206 = arith.constant 8 : i32
      %mul3A_207 = arith.constant 8 : i32
      %mul3A_208 = arith.muli %add3A_177, %mul3A_207 : i32
      %add3A_209 = arith.addi %mul3A_2, %mul3A_208 : i32
      %jit3A_210 = arith.constant 2048 : i32
      %div3A_211 = arith.divsi %add3A_209, %jit3A_210 : i32
      %sign3A_212 = arith.constant 0 : i32
      %sign3A_213 = arith.cmpi sgt, %add3A_209, %sign3A_212 : i32
      %sign3A_214 = arith.extui %sign3A_213 : i1 to i32
      %sign3A_215 = arith.constant 0 : i32
      %sign3A_216 = arith.cmpi slt, %add3A_209, %sign3A_215 : i32
      %sign3A_217 = arith.extui %sign3A_216 : i1 to i32
      %sign3A_218 = arith.subi %sign3A_214, %sign3A_217 : i32
      %sign3A_219 = arith.constant 0 : i32
      %sign3A_220 = arith.cmpi sgt, %jit3A_210, %sign3A_219 : i32
      %sign3A_221 = arith.extui %sign3A_220 : i1 to i32
      %sign3A_222 = arith.constant 0 : i32
      %sign3A_223 = arith.cmpi slt, %jit3A_210, %sign3A_222 : i32
      %sign3A_224 = arith.extui %sign3A_223 : i1 to i32
      %sign3A_225 = arith.subi %sign3A_221, %sign3A_224 : i32
      %ne3A_226 = arith.cmpi ne, %sign3A_218, %sign3A_225 : i32
      %rem3A_227 = arith.remsi %add3A_209, %jit3A_210 : i32
      %ne3A_228 = arith.constant 0 : i32
      %ne3A_229 = arith.cmpi ne, %rem3A_227, %ne3A_228 : i32
      %and3A_230 = arith.andi %ne3A_226, %ne3A_229 : i1
      %sub3A_231 = arith.constant 1 : i32
      %sub3A_232 = arith.subi %div3A_211, %sub3A_231 : i32
      %select_n3A_233 = arith.select %and3A_230, %sub3A_232, %div3A_211 : i32
      %jit3A_234 = arith.constant 2048 : i32
      %eq3A_235 = arith.constant 0 : i32
      %eq3A_236 = arith.cmpi eq, %jit3A_234, %eq3A_235 : i32
      %jit3A_237 = arith.constant 1 : i32
      %select_n3A_238 = arith.select %eq3A_236, %jit3A_237, %jit3A_234 : i32
      %rem3A_239 = arith.remsi %add3A_209, %select_n3A_238 : i32
      %ne3A_240 = arith.constant 0 : i32
      %ne3A_241 = arith.cmpi ne, %rem3A_239, %ne3A_240 : i32
      %lt3A_242 = arith.constant 0 : i32
      %lt3A_243 = arith.cmpi slt, %rem3A_239, %lt3A_242 : i32
      %lt3A_244 = arith.constant 0 : i32
      %lt3A_245 = arith.cmpi slt, %select_n3A_238, %lt3A_244 : i32
      %ne3A_246 = arith.xori %lt3A_243, %lt3A_245 : i1
      %and3A_247 = arith.andi %ne3A_246, %ne3A_241 : i1
      %add3A_248 = arith.addi %rem3A_239, %select_n3A_238 : i32
      %select_n3A_249 = arith.select %and3A_247, %add3A_248, %rem3A_239 : i32
      %mul3A_250 = arith.constant 128 : i32
      %mul3A_251 = arith.muli %select_n3A_249, %mul3A_250 : i32
      %mul3A_252 = arith.constant 2 : i32
      %mul3A_253 = arith.muli %mul3A_251, %mul3A_252 : i32
      %mul3A_254 = arith.constant 2 : i32
      %mul3A_255 = arith.muli %mul3A_251, %mul3A_254 : i32
      %mul3A_256 = arith.constant 2 : i32
      %mul3A_257 = arith.muli %mul3A_251, %mul3A_256 : i32
      %dma_start3A_258 = arith.constant 0 : i32
      %dma_start3A_259 = arith.constant 0 : i32
      %dma_start3A_260 = tpu.memref_slice %arg9[%dma_start3A_259] : memref<6144xf32, #tpu.memory_space<vmem>> -> memref<2048xf32, #tpu.memory_space<vmem>>
      %dma_start3A_261 = tpu.memref_slice %arg5[%select_n3A_233, %dma_start3A_258, %mul3A_253] : memref<3x3x524288xf32, #tpu.memory_space<hbm>> -> memref<1x1x2048xf32, #tpu.memory_space<hbm>>
      %dma_start3A_262 = tpu.memref_squeeze %dma_start3A_261 : memref<1x1x2048xf32, #tpu.memory_space<hbm>> -> memref<2048xf32, #tpu.memory_space<hbm>>
      %dma_start3A_263 = tpu.memref_slice %arg5[%select_n3A_233, %dma_start3A_258, %mul3A_253] : memref<3x3x524288xf32, #tpu.memory_space<hbm>> -> memref<1x1x2048xf32, #tpu.memory_space<hbm>>
      %dma_start3A_264 = tpu.memref_squeeze %dma_start3A_263 : memref<1x1x2048xf32, #tpu.memory_space<hbm>> -> memref<2048xf32, #tpu.memory_space<hbm>>
      %dma_start3A_265 = arith.constant 0 : i32
      %dma_start3A_266 = tpu.memref_slice %arg9[%dma_start3A_265] : memref<6144xf32, #tpu.memory_space<vmem>> -> memref<2048xf32, #tpu.memory_space<vmem>>
      tpu.enqueue_dma source(%dma_start3A_266 : memref<2048xf32, #tpu.memory_space<vmem>>) target(%dma_start3A_264 : memref<2048xf32, #tpu.memory_space<hbm>>) target_semaphore(%arg13 : memref<!tpu.dma_semaphore, #tpu.memory_space<semaphore_mem>>)
      %dma_start3A_267 = arith.constant 1 : i32
      %dma_start3A_268 = arith.constant 2048 : i32
      %dma_start3A_269 = tpu.memref_slice %arg9[%dma_start3A_268] : memref<6144xf32, #tpu.memory_space<vmem>> -> memref<2048xf32, #tpu.memory_space<vmem>>
      %dma_start3A_270 = tpu.memref_slice %arg5[%select_n3A_233, %dma_start3A_267, %mul3A_255] : memref<3x3x524288xf32, #tpu.memory_space<hbm>> -> memref<1x1x2048xf32, #tpu.memory_space<hbm>>
      %dma_start3A_271 = tpu.memref_squeeze %dma_start3A_270 : memref<1x1x2048xf32, #tpu.memory_space<hbm>> -> memref<2048xf32, #tpu.memory_space<hbm>>
      %dma_start3A_272 = tpu.memref_slice %arg5[%select_n3A_233, %dma_start3A_267, %mul3A_255] : memref<3x3x524288xf32, #tpu.memory_space<hbm>> -> memref<1x1x2048xf32, #tpu.memory_space<hbm>>
      %dma_start3A_273 = tpu.memref_squeeze %dma_start3A_272 : memref<1x1x2048xf32, #tpu.memory_space<hbm>> -> memref<2048xf32, #tpu.memory_space<hbm>>
      %dma_start3A_274 = arith.constant 2048 : i32
      %dma_start3A_275 = tpu.memref_slice %arg9[%dma_start3A_274] : memref<6144xf32, #tpu.memory_space<vmem>> -> memref<2048xf32, #tpu.memory_space<vmem>>
      tpu.enqueue_dma source(%dma_start3A_275 : memref<2048xf32, #tpu.memory_space<vmem>>) target(%dma_start3A_273 : memref<2048xf32, #tpu.memory_space<hbm>>) target_semaphore(%arg13 : memref<!tpu.dma_semaphore, #tpu.memory_space<semaphore_mem>>)
      %dma_start3A_276 = arith.constant 2 : i32
      %dma_start3A_277 = arith.constant 4096 : i32
      %dma_start3A_278 = tpu.memref_slice %arg9[%dma_start3A_277] : memref<6144xf32, #tpu.memory_space<vmem>> -> memref<2048xf32, #tpu.memory_space<vmem>>
      %dma_start3A_279 = tpu.memref_slice %arg5[%select_n3A_233, %dma_start3A_276, %mul3A_257] : memref<3x3x524288xf32, #tpu.memory_space<hbm>> -> memref<1x1x2048xf32, #tpu.memory_space<hbm>>
      %dma_start3A_280 = tpu.memref_squeeze %dma_start3A_279 : memref<1x1x2048xf32, #tpu.memory_space<hbm>> -> memref<2048xf32, #tpu.memory_space<hbm>>
      %dma_start3A_281 = tpu.memref_slice %arg5[%select_n3A_233, %dma_start3A_276, %mul3A_257] : memref<3x3x524288xf32, #tpu.memory_space<hbm>> -> memref<1x1x2048xf32, #tpu.memory_space<hbm>>
      %dma_start3A_282 = tpu.memref_squeeze %dma_start3A_281 : memref<1x1x2048xf32, #tpu.memory_space<hbm>> -> memref<2048xf32, #tpu.memory_space<hbm>>
      %dma_start3A_283 = arith.constant 4096 : i32
      %dma_start3A_284 = tpu.memref_slice %arg9[%dma_start3A_283] : memref<6144xf32, #tpu.memory_space<vmem>> -> memref<2048xf32, #tpu.memory_space<vmem>>
      tpu.enqueue_dma source(%dma_start3A_284 : memref<2048xf32, #tpu.memory_space<vmem>>) target(%dma_start3A_282 : memref<2048xf32, #tpu.memory_space<hbm>>) target_semaphore(%arg13 : memref<!tpu.dma_semaphore, #tpu.memory_space<semaphore_mem>>)
      %gt3A_285 = arith.constant 0 : i32
      %gt3A_286 = arith.cmpi sgt, %add3A_173, %gt3A_285 : i32
      %convert_element_type3A_287 = arith.extui %gt3A_286 : i1 to i32
      %cond3A_288 = arith.constant 0 : i32
      %cond3A_289 = arith.cmpi ne, %convert_element_type3A_287, %cond3A_288 : i32
      scf.if %cond3A_289 {
        %add3A_506 = arith.constant 0 : i32
        %add3A_507 = arith.addi %mul3A_2, %add3A_506 : i32
        %mul3A_508 = arith.constant 512 : i32
        %mul3A_509 = arith.muli %add3A_507, %mul3A_508 : i32
        %dma_wait3A_510 = tpu.memref_slice %arg4[%mul3A_509] : memref<3145728xf32, #tpu.memory_space<hbm>> -> memref<4096xf32, #tpu.memory_space<hbm>>
        %dma_wait3A_511 = tpu.memref_slice %arg4[%mul3A_509] : memref<3145728xf32, #tpu.memory_space<hbm>> -> memref<4096xf32, #tpu.memory_space<hbm>>
        tpu.wait_dma2 semaphore(%arg12 : memref<!tpu.dma_semaphore, #tpu.memory_space<semaphore_mem>>) src(%arg8 : memref<4096xf32, #tpu.memory_space<vmem>>) dst(%dma_wait3A_511 : memref<4096xf32, #tpu.memory_space<hbm>>)
      } else {
      }
      %scan3A_290 = arith.constant 0 : i32
      %scan3A_291 = arith.constant 8 : i32
      %scan3A_292 = arith.addi %scan3A_290, %scan3A_291 : i32
      %scan3A_293 = arith.constant 1 : i32
      scf.for %scan3A_506 = %scan3A_290 to %scan3A_292 step %scan3A_293  : i32 {
        %mul3A_507 = arith.constant 1 : i32
        %mul3A_508 = arith.muli %scan3A_506, %mul3A_507 : i32
        %add3A_509 = arith.constant 0 : i32
        %add3A_510 = arith.addi %add3A_509, %mul3A_508 : i32
        %get3A_511 = arith.constant 0 : i32
        %get3A_512 = arith.index_cast %get3A_511 : i32 to index
        %get3A_513 = arith.index_cast %add3A_510 : i32 to index
        %get3A_514 = arith.constant 0 : index
        %get3A_515 = tpu.vector_load %arg6[%get3A_512, %get3A_513, %get3A_514] {strides = array<i32>} : memref<2x8x128xf32, #tpu.memory_space<vmem>>, vector<16xf32>,
        %get3A_516 = arith.constant 0 : i32
        %get3A_517 = arith.index_cast %get3A_516 : i32 to index
        %get3A_518 = arith.index_cast %add3A_510 : i32 to index
        %get3A_519 = arith.constant 16 : index
        %get3A_520 = tpu.vector_load %arg6[%get3A_517, %get3A_518, %get3A_519] {strides = array<i32>} : memref<2x8x128xf32, #tpu.memory_space<vmem>>, vector<16xf32>,
        %get3A_521 = arith.constant 0 : i32
        %get3A_522 = arith.index_cast %get3A_521 : i32 to index
        %get3A_523 = arith.index_cast %add3A_510 : i32 to index
        %get3A_524 = arith.constant 32 : index
        %get3A_525 = tpu.vector_load %arg6[%get3A_522, %get3A_523, %get3A_524] {strides = array<i32>} : memref<2x8x128xf32, #tpu.memory_space<vmem>>, vector<16xf32>,
        %get3A_526 = arith.constant 0 : i32
        %get3A_527 = arith.index_cast %get3A_526 : i32 to index
        %get3A_528 = arith.index_cast %add3A_510 : i32 to index
        %get3A_529 = arith.constant 48 : index
        %get3A_530 = tpu.vector_load %arg6[%get3A_527, %get3A_528, %get3A_529] {strides = array<i32>} : memref<2x8x128xf32, #tpu.memory_space<vmem>>, vector<16xf32>,
        %get3A_531 = arith.constant 0 : i32
        %get3A_532 = arith.index_cast %get3A_531 : i32 to index
        %get3A_533 = arith.index_cast %add3A_510 : i32 to index
        %get3A_534 = arith.constant 64 : index
        %get3A_535 = tpu.vector_load %arg6[%get3A_532, %get3A_533, %get3A_534] {strides = array<i32>} : memref<2x8x128xf32, #tpu.memory_space<vmem>>, vector<16xf32>,
        %get3A_536 = arith.constant 0 : i32
        %get3A_537 = arith.index_cast %get3A_536 : i32 to index
        %get3A_538 = arith.index_cast %add3A_510 : i32 to index
        %get3A_539 = arith.constant 80 : index
        %get3A_540 = tpu.vector_load %arg6[%get3A_537, %get3A_538, %get3A_539] {strides = array<i32>} : memref<2x8x128xf32, #tpu.memory_space<vmem>>, vector<16xf32>,
        %get3A_541 = arith.constant 0 : i32
        %get3A_542 = arith.index_cast %get3A_541 : i32 to index
        %get3A_543 = arith.index_cast %add3A_510 : i32 to index
        %get3A_544 = arith.constant 96 : index
        %get3A_545 = tpu.vector_load %arg6[%get3A_542, %get3A_543, %get3A_544] {strides = array<i32>} : memref<2x8x128xf32, #tpu.memory_space<vmem>>, vector<16xf32>,
        %get3A_546 = arith.constant 0 : i32
        %get3A_547 = arith.index_cast %get3A_546 : i32 to index
        %get3A_548 = arith.index_cast %add3A_510 : i32 to index
        %get3A_549 = arith.constant 112 : index
        %get3A_550 = tpu.vector_load %arg6[%get3A_547, %get3A_548, %get3A_549] {strides = array<i32>} : memref<2x8x128xf32, #tpu.memory_space<vmem>>, vector<16xf32>,
        %slice3A = vector.extract_strided_slice %get3A_3 {offsets = [0], sizes = [1], strides = [1]} : vector<16xf32> to vector<1xf32>
        %squeeze3A = vector.extract %slice3A[0] : f32 from vector<1xf32>
        %mul3A_551 = vector.broadcast %squeeze3A : f32 to vector<16xf32>
        %mul3A_552 = arith.mulf %mul3A_551, %get3A_515 : vector<16xf32>
        %slice3A_553 = vector.extract_strided_slice %get3A_5 {offsets = [3], sizes = [1], strides = [1]} : vector<16xf32> to vector<1xf32>
        %squeeze3A_554 = vector.extract %slice3A_553[0] : f32 from vector<1xf32>
        %mul3A_555 = vector.broadcast %squeeze3A_554 : f32 to vector<16xf32>
        %mul3A_556 = arith.mulf %mul3A_555, %get3A_520 : vector<16xf32>
        %slice3A_557 = vector.extract_strided_slice %get3A_5 {offsets = [6], sizes = [1], strides = [1]} : vector<16xf32> to vector<1xf32>
        %squeeze3A_558 = vector.extract %slice3A_557[0] : f32 from vector<1xf32>
        %mul3A_559 = vector.broadcast %squeeze3A_558 : f32 to vector<16xf32>
        %mul3A_560 = arith.mulf %mul3A_559, %get3A_525 : vector<16xf32>
        %add3A_561 = arith.addf %mul3A_556, %mul3A_560 : vector<16xf32>
        %slice3A_562 = vector.extract_strided_slice %get3A_5 {offsets = [9], sizes = [1], strides = [1]} : vector<16xf32> to vector<1xf32>
        %squeeze3A_563 = vector.extract %slice3A_562[0] : f32 from vector<1xf32>
        %mul3A_564 = vector.broadcast %squeeze3A_563 : f32 to vector<16xf32>
        %mul3A_565 = arith.mulf %mul3A_564, %get3A_530 : vector<16xf32>
        %add3A_566 = arith.addf %add3A_561, %mul3A_565 : vector<16xf32>
        %slice3A_567 = vector.extract_strided_slice %get3A_5 {offsets = [4], sizes = [1], strides = [1]} : vector<16xf32> to vector<1xf32>
        %squeeze3A_568 = vector.extract %slice3A_567[0] : f32 from vector<1xf32>
        %mul3A_569 = vector.broadcast %squeeze3A_568 : f32 to vector<16xf32>
        %mul3A_570 = arith.mulf %mul3A_569, %get3A_520 : vector<16xf32>
        %slice3A_571 = vector.extract_strided_slice %get3A_5 {offsets = [7], sizes = [1], strides = [1]} : vector<16xf32> to vector<1xf32>
        %squeeze3A_572 = vector.extract %slice3A_571[0] : f32 from vector<1xf32>
        %mul3A_573 = vector.broadcast %squeeze3A_572 : f32 to vector<16xf32>
        %mul3A_574 = arith.mulf %mul3A_573, %get3A_525 : vector<16xf32>
        %add3A_575 = arith.addf %mul3A_570, %mul3A_574 : vector<16xf32>
        %slice3A_576 = vector.extract_strided_slice %get3A_5 {offsets = [10], sizes = [1], strides = [1]} : vector<16xf32> to vector<1xf32>
        %squeeze3A_577 = vector.extract %slice3A_576[0] : f32 from vector<1xf32>
        %mul3A_578 = vector.broadcast %squeeze3A_577 : f32 to vector<16xf32>
        %mul3A_579 = arith.mulf %mul3A_578, %get3A_530 : vector<16xf32>
        %add3A_580 = arith.addf %add3A_575, %mul3A_579 : vector<16xf32>
        %slice3A_581 = vector.extract_strided_slice %get3A_5 {offsets = [5], sizes = [1], strides = [1]} : vector<16xf32> to vector<1xf32>
        %squeeze3A_582 = vector.extract %slice3A_581[0] : f32 from vector<1xf32>
        %mul3A_583 = vector.broadcast %squeeze3A_582 : f32 to vector<16xf32>
        %mul3A_584 = arith.mulf %mul3A_583, %get3A_520 : vector<16xf32>
        %slice3A_585 = vector.extract_strided_slice %get3A_5 {offsets = [8], sizes = [1], strides = [1]} : vector<16xf32> to vector<1xf32>
        %squeeze3A_586 = vector.extract %slice3A_585[0] : f32 from vector<1xf32>
        %mul3A_587 = vector.broadcast %squeeze3A_586 : f32 to vector<16xf32>
        %mul3A_588 = arith.mulf %mul3A_587, %get3A_525 : vector<16xf32>
        %add3A_589 = arith.addf %mul3A_584, %mul3A_588 : vector<16xf32>
        %slice3A_590 = vector.extract_strided_slice %get3A_5 {offsets = [11], sizes = [1], strides = [1]} : vector<16xf32> to vector<1xf32>
        %squeeze3A_591 = vector.extract %slice3A_590[0] : f32 from vector<1xf32>
        %mul3A_592 = vector.broadcast %squeeze3A_591 : f32 to vector<16xf32>
        %mul3A_593 = arith.mulf %mul3A_592, %get3A_530 : vector<16xf32>
        %add3A_594 = arith.addf %add3A_589, %mul3A_593 : vector<16xf32>
        %mul3A_595 = arith.constant 512 : i32
        %mul3A_596 = arith.muli %add3A_510, %mul3A_595 : i32
        %add3A_597 = vector.broadcast %mul3A_596 : i32 to vector<16xi32>
        %add3A_598 = arith.addi %mul3A_18, %add3A_597 : vector<16xi32>
        %slice3A_599 = vector.extract_strided_slice %get3A_535 {offsets = [0], sizes = [1], strides = [1]} : vector<16xf32> to vector<1xf32>
        %squeeze3A_600 = vector.extract %slice3A_599[0] : f32 from vector<1xf32>
        %slice3A_601 = vector.extract_strided_slice %get3A_540 {offsets = [0], sizes = [1], strides = [1]} : vector<16xf32> to vector<1xf32>
        %squeeze3A_602 = vector.extract %slice3A_601[0] : f32 from vector<1xf32>
        %slice3A_603 = vector.extract_strided_slice %get3A_545 {offsets = [0], sizes = [1], strides = [1]} : vector<16xf32> to vector<1xf32>
        %squeeze3A_604 = vector.extract %slice3A_603[0] : f32 from vector<1xf32>
        %slice3A_605 = vector.extract_strided_slice %get3A_550 {offsets = [0], sizes = [1], strides = [1]} : vector<16xf32> to vector<1xf32>
        %squeeze3A_606 = vector.extract %slice3A_605[0] : f32 from vector<1xf32>
        %mul3A_607 = vector.broadcast %squeeze3A_600 : f32 to vector<16xf32>
        %mul3A_608 = arith.mulf %mul3A_552, %mul3A_607 : vector<16xf32>
        %add3A_609 = arith.constant 0 : i32
        %add3A_610 = vector.broadcast %add3A_609 : i32 to vector<16xi32>
        %add3A_611 = arith.addi %add3A_598, %add3A_610 : vector<16xi32>
        tpu.vector_store_idx %arg8[%add3A_611], %mul3A_608 : memref<4096xf32, #tpu.memory_space<vmem>>[vector<16xi32>], vector<16xf32>,
        %mul3A_612 = vector.broadcast %squeeze3A_602 : f32 to vector<16xf32>
        %mul3A_613 = arith.mulf %add3A_566, %mul3A_612 : vector<16xf32>
        %mul3A_614 = vector.broadcast %squeeze3A_604 : f32 to vector<16xf32>
        %mul3A_615 = arith.mulf %add3A_580, %mul3A_614 : vector<16xf32>
        %add3A_616 = arith.addf %mul3A_613, %mul3A_615 : vector<16xf32>
        %mul3A_617 = vector.broadcast %squeeze3A_606 : f32 to vector<16xf32>
        %mul3A_618 = arith.mulf %add3A_594, %mul3A_617 : vector<16xf32>
        %add3A_619 = arith.addf %add3A_616, %mul3A_618 : vector<16xf32>
        %add3A_620 = arith.constant 256 : i32
        %add3A_621 = vector.broadcast %add3A_620 : i32 to vector<16xi32>
        %add3A_622 = arith.addi %add3A_598, %add3A_621 : vector<16xi32>
        tpu.vector_store_idx %arg8[%add3A_622], %add3A_619 : memref<4096xf32, #tpu.memory_space<vmem>>[vector<16xi32>], vector<16xf32>,
        %slice3A_623 = vector.extract_strided_slice %get3A_535 {offsets = [1], sizes = [1], strides = [1]} : vector<16xf32> to vector<1xf32>
        %squeeze3A_624 = vector.extract %slice3A_623[0] : f32 from vector<1xf32>
        %slice3A_625 = vector.extract_strided_slice %get3A_540 {offsets = [1], sizes = [1], strides = [1]} : vector<16xf32> to vector<1xf32>
        %squeeze3A_626 = vector.extract %slice3A_625[0] : f32 from vector<1xf32>
        %slice3A_627 = vector.extract_strided_slice %get3A_545 {offsets = [1], sizes = [1], strides = [1]} : vector<16xf32> to vector<1xf32>
        %squeeze3A_628 = vector.extract %slice3A_627[0] : f32 from vector<1xf32>
        %slice3A_629 = vector.extract_strided_slice %get3A_550 {offsets = [1], sizes = [1], strides = [1]} : vector<16xf32> to vector<1xf32>
        %squeeze3A_630 = vector.extract %slice3A_629[0] : f32 from vector<1xf32>
        %mul3A_631 = vector.broadcast %squeeze3A_624 : f32 to vector<16xf32>
        %mul3A_632 = arith.mulf %mul3A_552, %mul3A_631 : vector<16xf32>
        %add3A_633 = arith.constant 1 : i32
        %add3A_634 = vector.broadcast %add3A_633 : i32 to vector<16xi32>
        %add3A_635 = arith.addi %add3A_598, %add3A_634 : vector<16xi32>
        tpu.vector_store_idx %arg8[%add3A_635], %mul3A_632 : memref<4096xf32, #tpu.memory_space<vmem>>[vector<16xi32>], vector<16xf32>,
        %mul3A_636 = vector.broadcast %squeeze3A_626 : f32 to vector<16xf32>
        %mul3A_637 = arith.mulf %add3A_566, %mul3A_636 : vector<16xf32>
        %mul3A_638 = vector.broadcast %squeeze3A_628 : f32 to vector<16xf32>
        %mul3A_639 = arith.mulf %add3A_580, %mul3A_638 : vector<16xf32>
        %add3A_640 = arith.addf %mul3A_637, %mul3A_639 : vector<16xf32>
        %mul3A_641 = vector.broadcast %squeeze3A_630 : f32 to vector<16xf32>
        %mul3A_642 = arith.mulf %add3A_594, %mul3A_641 : vector<16xf32>
        %add3A_643 = arith.addf %add3A_640, %mul3A_642 : vector<16xf32>
        %add3A_644 = arith.constant 257 : i32
        %add3A_645 = vector.broadcast %add3A_644 : i32 to vector<16xi32>
        %add3A_646 = arith.addi %add3A_598, %add3A_645 : vector<16xi32>
        tpu.vector_store_idx %arg8[%add3A_646], %add3A_643 : memref<4096xf32, #tpu.memory_space<vmem>>[vector<16xi32>], vector<16xf32>,
        %slice3A_647 = vector.extract_strided_slice %get3A_535 {offsets = [2], sizes = [1], strides = [1]} : vector<16xf32> to vector<1xf32>
        %squeeze3A_648 = vector.extract %slice3A_647[0] : f32 from vector<1xf32>
        %slice3A_649 = vector.extract_strided_slice %get3A_540 {offsets = [2], sizes = [1], strides = [1]} : vector<16xf32> to vector<1xf32>
        %squeeze3A_650 = vector.extract %slice3A_649[0] : f32 from vector<1xf32>
        %slice3A_651 = vector.extract_strided_slice %get3A_545 {offsets = [2], sizes = [1], strides = [1]} : vector<16xf32> to vector<1xf32>
        %squeeze3A_652 = vector.extract %slice3A_651[0] : f32 from vector<1xf32>
        %slice3A_653 = vector.extract_strided_slice %get3A_550 {offsets = [2], sizes = [1], strides = [1]} : vector<16xf32> to vector<1xf32>
        %squeeze3A_654 = vector.extract %slice3A_653[0] : f32 from vector<1xf32>
        %mul3A_655 = vector.broadcast %squeeze3A_648 : f32 to vector<16xf32>
        %mul3A_656 = arith.mulf %mul3A_552, %mul3A_655 : vector<16xf32>
        %add3A_657 = arith.constant 2 : i32
        %add3A_658 = vector.broadcast %add3A_657 : i32 to vector<16xi32>
        %add3A_659 = arith.addi %add3A_598, %add3A_658 : vector<16xi32>
        tpu.vector_store_idx %arg8[%add3A_659], %mul3A_656 : memref<4096xf32, #tpu.memory_space<vmem>>[vector<16xi32>], vector<16xf32>,
        %mul3A_660 = vector.broadcast %squeeze3A_650 : f32 to vector<16xf32>
        %mul3A_661 = arith.mulf %add3A_566, %mul3A_660 : vector<16xf32>
        %mul3A_662 = vector.broadcast %squeeze3A_652 : f32 to vector<16xf32>
        %mul3A_663 = arith.mulf %add3A_580, %mul3A_662 : vector<16xf32>
        %add3A_664 = arith.addf %mul3A_661, %mul3A_663 : vector<16xf32>
        %mul3A_665 = vector.broadcast %squeeze3A_654 : f32 to vector<16xf32>
        %mul3A_666 = arith.mulf %add3A_594, %mul3A_665 : vector<16xf32>
        %add3A_667 = arith.addf %add3A_664, %mul3A_666 : vector<16xf32>
        %add3A_668 = arith.constant 258 : i32
        %add3A_669 = vector.broadcast %add3A_668 : i32 to vector<16xi32>
        %add3A_670 = arith.addi %add3A_598, %add3A_669 : vector<16xi32>
        tpu.vector_store_idx %arg8[%add3A_670], %add3A_667 : memref<4096xf32, #tpu.memory_space<vmem>>[vector<16xi32>], vector<16xf32>,
        %slice3A_671 = vector.extract_strided_slice %get3A_535 {offsets = [3], sizes = [1], strides = [1]} : vector<16xf32> to vector<1xf32>
        %squeeze3A_672 = vector.extract %slice3A_671[0] : f32 from vector<1xf32>
        %slice3A_673 = vector.extract_strided_slice %get3A_540 {offsets = [3], sizes = [1], strides = [1]} : vector<16xf32> to vector<1xf32>
        %squeeze3A_674 = vector.extract %slice3A_673[0] : f32 from vector<1xf32>
        %slice3A_675 = vector.extract_strided_slice %get3A_545 {offsets = [3], sizes = [1], strides = [1]} : vector<16xf32> to vector<1xf32>
        %squeeze3A_676 = vector.extract %slice3A_675[0] : f32 from vector<1xf32>
        %slice3A_677 = vector.extract_strided_slice %get3A_550 {offsets = [3], sizes = [1], strides = [1]} : vector<16xf32> to vector<1xf32>
        %squeeze3A_678 = vector.extract %slice3A_677[0] : f32 from vector<1xf32>
        %mul3A_679 = vector.broadcast %squeeze3A_672 : f32 to vector<16xf32>
        %mul3A_680 = arith.mulf %mul3A_552, %mul3A_679 : vector<16xf32>
        %add3A_681 = arith.constant 3 : i32
        %add3A_682 = vector.broadcast %add3A_681 : i32 to vector<16xi32>
        %add3A_683 = arith.addi %add3A_598, %add3A_682 : vector<16xi32>
        tpu.vector_store_idx %arg8[%add3A_683], %mul3A_680 : memref<4096xf32, #tpu.memory_space<vmem>>[vector<16xi32>], vector<16xf32>,
        %mul3A_684 = vector.broadcast %squeeze3A_674 : f32 to vector<16xf32>
        %mul3A_685 = arith.mulf %add3A_566, %mul3A_684 : vector<16xf32>
        %mul3A_686 = vector.broadcast %squeeze3A_676 : f32 to vector<16xf32>
        %mul3A_687 = arith.mulf %add3A_580, %mul3A_686 : vector<16xf32>
        %add3A_688 = arith.addf %mul3A_685, %mul3A_687 : vector<16xf32>
        %mul3A_689 = vector.broadcast %squeeze3A_678 : f32 to vector<16xf32>
        %mul3A_690 = arith.mulf %add3A_594, %mul3A_689 : vector<16xf32>
        %add3A_691 = arith.addf %add3A_688, %mul3A_690 : vector<16xf32>
        %add3A_692 = arith.constant 259 : i32
        %add3A_693 = vector.broadcast %add3A_692 : i32 to vector<16xi32>
        %add3A_694 = arith.addi %add3A_598, %add3A_693 : vector<16xi32>
        tpu.vector_store_idx %arg8[%add3A_694], %add3A_691 : memref<4096xf32, #tpu.memory_space<vmem>>[vector<16xi32>], vector<16xf32>,
        %slice3A_695 = vector.extract_strided_slice %get3A_535 {offsets = [4], sizes = [1], strides = [1]} : vector<16xf32> to vector<1xf32>
        %squeeze3A_696 = vector.extract %slice3A_695[0] : f32 from vector<1xf32>
        %slice3A_697 = vector.extract_strided_slice %get3A_540 {offsets = [4], sizes = [1], strides = [1]} : vector<16xf32> to vector<1xf32>
        %squeeze3A_698 = vector.extract %slice3A_697[0] : f32 from vector<1xf32>
        %slice3A_699 = vector.extract_strided_slice %get3A_545 {offsets = [4], sizes = [1], strides = [1]} : vector<16xf32> to vector<1xf32>
        %squeeze3A_700 = vector.extract %slice3A_699[0] : f32 from vector<1xf32>
        %slice3A_701 = vector.extract_strided_slice %get3A_550 {offsets = [4], sizes = [1], strides = [1]} : vector<16xf32> to vector<1xf32>
        %squeeze3A_702 = vector.extract %slice3A_701[0] : f32 from vector<1xf32>
        %mul3A_703 = vector.broadcast %squeeze3A_696 : f32 to vector<16xf32>
        %mul3A_704 = arith.mulf %mul3A_552, %mul3A_703 : vector<16xf32>
        %add3A_705 = arith.constant 4 : i32
        %add3A_706 = vector.broadcast %add3A_705 : i32 to vector<16xi32>
        %add3A_707 = arith.addi %add3A_598, %add3A_706 : vector<16xi32>
        tpu.vector_store_idx %arg8[%add3A_707], %mul3A_704 : memref<4096xf32, #tpu.memory_space<vmem>>[vector<16xi32>], vector<16xf32>,
        %mul3A_708 = vector.broadcast %squeeze3A_698 : f32 to vector<16xf32>
        %mul3A_709 = arith.mulf %add3A_566, %mul3A_708 : vector<16xf32>
        %mul3A_710 = vector.broadcast %squeeze3A_700 : f32 to vector<16xf32>
        %mul3A_711 = arith.mulf %add3A_580, %mul3A_710 : vector<16xf32>
        %add3A_712 = arith.addf %mul3A_709, %mul3A_711 : vector<16xf32>
        %mul3A_713 = vector.broadcast %squeeze3A_702 : f32 to vector<16xf32>
        %mul3A_714 = arith.mulf %add3A_594, %mul3A_713 : vector<16xf32>
        %add3A_715 = arith.addf %add3A_712, %mul3A_714 : vector<16xf32>
        %add3A_716 = arith.constant 260 : i32
        %add3A_717 = vector.broadcast %add3A_716 : i32 to vector<16xi32>
        %add3A_718 = arith.addi %add3A_598, %add3A_717 : vector<16xi32>
        tpu.vector_store_idx %arg8[%add3A_718], %add3A_715 : memref<4096xf32, #tpu.memory_space<vmem>>[vector<16xi32>], vector<16xf32>,
        %slice3A_719 = vector.extract_strided_slice %get3A_535 {offsets = [5], sizes = [1], strides = [1]} : vector<16xf32> to vector<1xf32>
        %squeeze3A_720 = vector.extract %slice3A_719[0] : f32 from vector<1xf32>
        %slice3A_721 = vector.extract_strided_slice %get3A_540 {offsets = [5], sizes = [1], strides = [1]} : vector<16xf32> to vector<1xf32>
        %squeeze3A_722 = vector.extract %slice3A_721[0] : f32 from vector<1xf32>
        %slice3A_723 = vector.extract_strided_slice %get3A_545 {offsets = [5], sizes = [1], strides = [1]} : vector<16xf32> to vector<1xf32>
        %squeeze3A_724 = vector.extract %slice3A_723[0] : f32 from vector<1xf32>
        %slice3A_725 = vector.extract_strided_slice %get3A_550 {offsets = [5], sizes = [1], strides = [1]} : vector<16xf32> to vector<1xf32>
        %squeeze3A_726 = vector.extract %slice3A_725[0] : f32 from vector<1xf32>
        %mul3A_727 = vector.broadcast %squeeze3A_720 : f32 to vector<16xf32>
        %mul3A_728 = arith.mulf %mul3A_552, %mul3A_727 : vector<16xf32>
        %add3A_729 = arith.constant 5 : i32
        %add3A_730 = vector.broadcast %add3A_729 : i32 to vector<16xi32>
        %add3A_731 = arith.addi %add3A_598, %add3A_730 : vector<16xi32>
        tpu.vector_store_idx %arg8[%add3A_731], %mul3A_728 : memref<4096xf32, #tpu.memory_space<vmem>>[vector<16xi32>], vector<16xf32>,
        %mul3A_732 = vector.broadcast %squeeze3A_722 : f32 to vector<16xf32>
        %mul3A_733 = arith.mulf %add3A_566, %mul3A_732 : vector<16xf32>
        %mul3A_734 = vector.broadcast %squeeze3A_724 : f32 to vector<16xf32>
        %mul3A_735 = arith.mulf %add3A_580, %mul3A_734 : vector<16xf32>
        %add3A_736 = arith.addf %mul3A_733, %mul3A_735 : vector<16xf32>
        %mul3A_737 = vector.broadcast %squeeze3A_726 : f32 to vector<16xf32>
        %mul3A_738 = arith.mulf %add3A_594, %mul3A_737 : vector<16xf32>
        %add3A_739 = arith.addf %add3A_736, %mul3A_738 : vector<16xf32>
        %add3A_740 = arith.constant 261 : i32
        %add3A_741 = vector.broadcast %add3A_740 : i32 to vector<16xi32>
        %add3A_742 = arith.addi %add3A_598, %add3A_741 : vector<16xi32>
        tpu.vector_store_idx %arg8[%add3A_742], %add3A_739 : memref<4096xf32, #tpu.memory_space<vmem>>[vector<16xi32>], vector<16xf32>,
        %slice3A_743 = vector.extract_strided_slice %get3A_535 {offsets = [6], sizes = [1], strides = [1]} : vector<16xf32> to vector<1xf32>
        %squeeze3A_744 = vector.extract %slice3A_743[0] : f32 from vector<1xf32>
        %slice3A_745 = vector.extract_strided_slice %get3A_540 {offsets = [6], sizes = [1], strides = [1]} : vector<16xf32> to vector<1xf32>
        %squeeze3A_746 = vector.extract %slice3A_745[0] : f32 from vector<1xf32>
        %slice3A_747 = vector.extract_strided_slice %get3A_545 {offsets = [6], sizes = [1], strides = [1]} : vector<16xf32> to vector<1xf32>
        %squeeze3A_748 = vector.extract %slice3A_747[0] : f32 from vector<1xf32>
        %slice3A_749 = vector.extract_strided_slice %get3A_550 {offsets = [6], sizes = [1], strides = [1]} : vector<16xf32> to vector<1xf32>
        %squeeze3A_750 = vector.extract %slice3A_749[0] : f32 from vector<1xf32>
        %mul3A_751 = vector.broadcast %squeeze3A_744 : f32 to vector<16xf32>
        %mul3A_752 = arith.mulf %mul3A_552, %mul3A_751 : vector<16xf32>
        %add3A_753 = arith.constant 6 : i32
        %add3A_754 = vector.broadcast %add3A_753 : i32 to vector<16xi32>
        %add3A_755 = arith.addi %add3A_598, %add3A_754 : vector<16xi32>
        tpu.vector_store_idx %arg8[%add3A_755], %mul3A_752 : memref<4096xf32, #tpu.memory_space<vmem>>[vector<16xi32>], vector<16xf32>,
        %mul3A_756 = vector.broadcast %squeeze3A_746 : f32 to vector<16xf32>
        %mul3A_757 = arith.mulf %add3A_566, %mul3A_756 : vector<16xf32>
        %mul3A_758 = vector.broadcast %squeeze3A_748 : f32 to vector<16xf32>
        %mul3A_759 = arith.mulf %add3A_580, %mul3A_758 : vector<16xf32>
        %add3A_760 = arith.addf %mul3A_757, %mul3A_759 : vector<16xf32>
        %mul3A_761 = vector.broadcast %squeeze3A_750 : f32 to vector<16xf32>
        %mul3A_762 = arith.mulf %add3A_594, %mul3A_761 : vector<16xf32>
        %add3A_763 = arith.addf %add3A_760, %mul3A_762 : vector<16xf32>
        %add3A_764 = arith.constant 262 : i32
        %add3A_765 = vector.broadcast %add3A_764 : i32 to vector<16xi32>
        %add3A_766 = arith.addi %add3A_598, %add3A_765 : vector<16xi32>
        tpu.vector_store_idx %arg8[%add3A_766], %add3A_763 : memref<4096xf32, #tpu.memory_space<vmem>>[vector<16xi32>], vector<16xf32>,
        %slice3A_767 = vector.extract_strided_slice %get3A_535 {offsets = [7], sizes = [1], strides = [1]} : vector<16xf32> to vector<1xf32>
        %squeeze3A_768 = vector.extract %slice3A_767[0] : f32 from vector<1xf32>
        %slice3A_769 = vector.extract_strided_slice %get3A_540 {offsets = [7], sizes = [1], strides = [1]} : vector<16xf32> to vector<1xf32>
        %squeeze3A_770 = vector.extract %slice3A_769[0] : f32 from vector<1xf32>
        %slice3A_771 = vector.extract_strided_slice %get3A_545 {offsets = [7], sizes = [1], strides = [1]} : vector<16xf32> to vector<1xf32>
        %squeeze3A_772 = vector.extract %slice3A_771[0] : f32 from vector<1xf32>
        %slice3A_773 = vector.extract_strided_slice %get3A_550 {offsets = [7], sizes = [1], strides = [1]} : vector<16xf32> to vector<1xf32>
        %squeeze3A_774 = vector.extract %slice3A_773[0] : f32 from vector<1xf32>
        %mul3A_775 = vector.broadcast %squeeze3A_768 : f32 to vector<16xf32>
        %mul3A_776 = arith.mulf %mul3A_552, %mul3A_775 : vector<16xf32>
        %add3A_777 = arith.constant 7 : i32
        %add3A_778 = vector.broadcast %add3A_777 : i32 to vector<16xi32>
        %add3A_779 = arith.addi %add3A_598, %add3A_778 : vector<16xi32>
        tpu.vector_store_idx %arg8[%add3A_779], %mul3A_776 : memref<4096xf32, #tpu.memory_space<vmem>>[vector<16xi32>], vector<16xf32>,
        %mul3A_780 = vector.broadcast %squeeze3A_770 : f32 to vector<16xf32>
        %mul3A_781 = arith.mulf %add3A_566, %mul3A_780 : vector<16xf32>
        %mul3A_782 = vector.broadcast %squeeze3A_772 : f32 to vector<16xf32>
        %mul3A_783 = arith.mulf %add3A_580, %mul3A_782 : vector<16xf32>
        %add3A_784 = arith.addf %mul3A_781, %mul3A_783 : vector<16xf32>
        %mul3A_785 = vector.broadcast %squeeze3A_774 : f32 to vector<16xf32>
        %mul3A_786 = arith.mulf %add3A_594, %mul3A_785 : vector<16xf32>
        %add3A_787 = arith.addf %add3A_784, %mul3A_786 : vector<16xf32>
        %add3A_788 = arith.constant 263 : i32
        %add3A_789 = vector.broadcast %add3A_788 : i32 to vector<16xi32>
        %add3A_790 = arith.addi %add3A_598, %add3A_789 : vector<16xi32>
        tpu.vector_store_idx %arg8[%add3A_790], %add3A_787 : memref<4096xf32, #tpu.memory_space<vmem>>[vector<16xi32>], vector<16xf32>,
        %slice3A_791 = vector.extract_strided_slice %get3A_535 {offsets = [8], sizes = [1], strides = [1]} : vector<16xf32> to vector<1xf32>
        %squeeze3A_792 = vector.extract %slice3A_791[0] : f32 from vector<1xf32>
        %slice3A_793 = vector.extract_strided_slice %get3A_540 {offsets = [8], sizes = [1], strides = [1]} : vector<16xf32> to vector<1xf32>
        %squeeze3A_794 = vector.extract %slice3A_793[0] : f32 from vector<1xf32>
        %slice3A_795 = vector.extract_strided_slice %get3A_545 {offsets = [8], sizes = [1], strides = [1]} : vector<16xf32> to vector<1xf32>
        %squeeze3A_796 = vector.extract %slice3A_795[0] : f32 from vector<1xf32>
        %slice3A_797 = vector.extract_strided_slice %get3A_550 {offsets = [8], sizes = [1], strides = [1]} : vector<16xf32> to vector<1xf32>
        %squeeze3A_798 = vector.extract %slice3A_797[0] : f32 from vector<1xf32>
        %mul3A_799 = vector.broadcast %squeeze3A_792 : f32 to vector<16xf32>
        %mul3A_800 = arith.mulf %mul3A_552, %mul3A_799 : vector<16xf32>
        %add3A_801 = arith.constant 8 : i32
        %add3A_802 = vector.broadcast %add3A_801 : i32 to vector<16xi32>
        %add3A_803 = arith.addi %add3A_598, %add3A_802 : vector<16xi32>
        tpu.vector_store_idx %arg8[%add3A_803], %mul3A_800 : memref<4096xf32, #tpu.memory_space<vmem>>[vector<16xi32>], vector<16xf32>,
        %mul3A_804 = vector.broadcast %squeeze3A_794 : f32 to vector<16xf32>
        %mul3A_805 = arith.mulf %add3A_566, %mul3A_804 : vector<16xf32>
        %mul3A_806 = vector.broadcast %squeeze3A_796 : f32 to vector<16xf32>
        %mul3A_807 = arith.mulf %add3A_580, %mul3A_806 : vector<16xf32>
        %add3A_808 = arith.addf %mul3A_805, %mul3A_807 : vector<16xf32>
        %mul3A_809 = vector.broadcast %squeeze3A_798 : f32 to vector<16xf32>
        %mul3A_810 = arith.mulf %add3A_594, %mul3A_809 : vector<16xf32>
        %add3A_811 = arith.addf %add3A_808, %mul3A_810 : vector<16xf32>
        %add3A_812 = arith.constant 264 : i32
        %add3A_813 = vector.broadcast %add3A_812 : i32 to vector<16xi32>
        %add3A_814 = arith.addi %add3A_598, %add3A_813 : vector<16xi32>
        tpu.vector_store_idx %arg8[%add3A_814], %add3A_811 : memref<4096xf32, #tpu.memory_space<vmem>>[vector<16xi32>], vector<16xf32>,
        %slice3A_815 = vector.extract_strided_slice %get3A_535 {offsets = [9], sizes = [1], strides = [1]} : vector<16xf32> to vector<1xf32>
        %squeeze3A_816 = vector.extract %slice3A_815[0] : f32 from vector<1xf32>
        %slice3A_817 = vector.extract_strided_slice %get3A_540 {offsets = [9], sizes = [1], strides = [1]} : vector<16xf32> to vector<1xf32>
        %squeeze3A_818 = vector.extract %slice3A_817[0] : f32 from vector<1xf32>
        %slice3A_819 = vector.extract_strided_slice %get3A_545 {offsets = [9], sizes = [1], strides = [1]} : vector<16xf32> to vector<1xf32>
        %squeeze3A_820 = vector.extract %slice3A_819[0] : f32 from vector<1xf32>
        %slice3A_821 = vector.extract_strided_slice %get3A_550 {offsets = [9], sizes = [1], strides = [1]} : vector<16xf32> to vector<1xf32>
        %squeeze3A_822 = vector.extract %slice3A_821[0] : f32 from vector<1xf32>
        %mul3A_823 = vector.broadcast %squeeze3A_816 : f32 to vector<16xf32>
        %mul3A_824 = arith.mulf %mul3A_552, %mul3A_823 : vector<16xf32>
        %add3A_825 = arith.constant 9 : i32
        %add3A_826 = vector.broadcast %add3A_825 : i32 to vector<16xi32>
        %add3A_827 = arith.addi %add3A_598, %add3A_826 : vector<16xi32>
        tpu.vector_store_idx %arg8[%add3A_827], %mul3A_824 : memref<4096xf32, #tpu.memory_space<vmem>>[vector<16xi32>], vector<16xf32>,
        %mul3A_828 = vector.broadcast %squeeze3A_818 : f32 to vector<16xf32>
        %mul3A_829 = arith.mulf %add3A_566, %mul3A_828 : vector<16xf32>
        %mul3A_830 = vector.broadcast %squeeze3A_820 : f32 to vector<16xf32>
        %mul3A_831 = arith.mulf %add3A_580, %mul3A_830 : vector<16xf32>
        %add3A_832 = arith.addf %mul3A_829, %mul3A_831 : vector<16xf32>
        %mul3A_833 = vector.broadcast %squeeze3A_822 : f32 to vector<16xf32>
        %mul3A_834 = arith.mulf %add3A_594, %mul3A_833 : vector<16xf32>
        %add3A_835 = arith.addf %add3A_832, %mul3A_834 : vector<16xf32>
        %add3A_836 = arith.constant 265 : i32
        %add3A_837 = vector.broadcast %add3A_836 : i32 to vector<16xi32>
        %add3A_838 = arith.addi %add3A_598, %add3A_837 : vector<16xi32>
        tpu.vector_store_idx %arg8[%add3A_838], %add3A_835 : memref<4096xf32, #tpu.memory_space<vmem>>[vector<16xi32>], vector<16xf32>,
        %slice3A_839 = vector.extract_strided_slice %get3A_535 {offsets = [10], sizes = [1], strides = [1]} : vector<16xf32> to vector<1xf32>
        %squeeze3A_840 = vector.extract %slice3A_839[0] : f32 from vector<1xf32>
        %slice3A_841 = vector.extract_strided_slice %get3A_540 {offsets = [10], sizes = [1], strides = [1]} : vector<16xf32> to vector<1xf32>
        %squeeze3A_842 = vector.extract %slice3A_841[0] : f32 from vector<1xf32>
        %slice3A_843 = vector.extract_strided_slice %get3A_545 {offsets = [10], sizes = [1], strides = [1]} : vector<16xf32> to vector<1xf32>
        %squeeze3A_844 = vector.extract %slice3A_843[0] : f32 from vector<1xf32>
        %slice3A_845 = vector.extract_strided_slice %get3A_550 {offsets = [10], sizes = [1], strides = [1]} : vector<16xf32> to vector<1xf32>
        %squeeze3A_846 = vector.extract %slice3A_845[0] : f32 from vector<1xf32>
        %mul3A_847 = vector.broadcast %squeeze3A_840 : f32 to vector<16xf32>
        %mul3A_848 = arith.mulf %mul3A_552, %mul3A_847 : vector<16xf32>
        %add3A_849 = arith.constant 10 : i32
        %add3A_850 = vector.broadcast %add3A_849 : i32 to vector<16xi32>
        %add3A_851 = arith.addi %add3A_598, %add3A_850 : vector<16xi32>
        tpu.vector_store_idx %arg8[%add3A_851], %mul3A_848 : memref<4096xf32, #tpu.memory_space<vmem>>[vector<16xi32>], vector<16xf32>,
        %mul3A_852 = vector.broadcast %squeeze3A_842 : f32 to vector<16xf32>
        %mul3A_853 = arith.mulf %add3A_566, %mul3A_852 : vector<16xf32>
        %mul3A_854 = vector.broadcast %squeeze3A_844 : f32 to vector<16xf32>
        %mul3A_855 = arith.mulf %add3A_580, %mul3A_854 : vector<16xf32>
        %add3A_856 = arith.addf %mul3A_853, %mul3A_855 : vector<16xf32>
        %mul3A_857 = vector.broadcast %squeeze3A_846 : f32 to vector<16xf32>
        %mul3A_858 = arith.mulf %add3A_594, %mul3A_857 : vector<16xf32>
        %add3A_859 = arith.addf %add3A_856, %mul3A_858 : vector<16xf32>
        %add3A_860 = arith.constant 266 : i32
        %add3A_861 = vector.broadcast %add3A_860 : i32 to vector<16xi32>
        %add3A_862 = arith.addi %add3A_598, %add3A_861 : vector<16xi32>
        tpu.vector_store_idx %arg8[%add3A_862], %add3A_859 : memref<4096xf32, #tpu.memory_space<vmem>>[vector<16xi32>], vector<16xf32>,
        %slice3A_863 = vector.extract_strided_slice %get3A_535 {offsets = [11], sizes = [1], strides = [1]} : vector<16xf32> to vector<1xf32>
        %squeeze3A_864 = vector.extract %slice3A_863[0] : f32 from vector<1xf32>
        %slice3A_865 = vector.extract_strided_slice %get3A_540 {offsets = [11], sizes = [1], strides = [1]} : vector<16xf32> to vector<1xf32>
        %squeeze3A_866 = vector.extract %slice3A_865[0] : f32 from vector<1xf32>
        %slice3A_867 = vector.extract_strided_slice %get3A_545 {offsets = [11], sizes = [1], strides = [1]} : vector<16xf32> to vector<1xf32>
        %squeeze3A_868 = vector.extract %slice3A_867[0] : f32 from vector<1xf32>
        %slice3A_869 = vector.extract_strided_slice %get3A_550 {offsets = [11], sizes = [1], strides = [1]} : vector<16xf32> to vector<1xf32>
        %squeeze3A_870 = vector.extract %slice3A_869[0] : f32 from vector<1xf32>
        %mul3A_871 = vector.broadcast %squeeze3A_864 : f32 to vector<16xf32>
        %mul3A_872 = arith.mulf %mul3A_552, %mul3A_871 : vector<16xf32>
        %add3A_873 = arith.constant 11 : i32
        %add3A_874 = vector.broadcast %add3A_873 : i32 to vector<16xi32>
        %add3A_875 = arith.addi %add3A_598, %add3A_874 : vector<16xi32>
        tpu.vector_store_idx %arg8[%add3A_875], %mul3A_872 : memref<4096xf32, #tpu.memory_space<vmem>>[vector<16xi32>], vector<16xf32>,
        %mul3A_876 = vector.broadcast %squeeze3A_866 : f32 to vector<16xf32>
        %mul3A_877 = arith.mulf %add3A_566, %mul3A_876 : vector<16xf32>
        %mul3A_878 = vector.broadcast %squeeze3A_868 : f32 to vector<16xf32>
        %mul3A_879 = arith.mulf %add3A_580, %mul3A_878 : vector<16xf32>
        %add3A_880 = arith.addf %mul3A_877, %mul3A_879 : vector<16xf32>
        %mul3A_881 = vector.broadcast %squeeze3A_870 : f32 to vector<16xf32>
        %mul3A_882 = arith.mulf %add3A_594, %mul3A_881 : vector<16xf32>
        %add3A_883 = arith.addf %add3A_880, %mul3A_882 : vector<16xf32>
        %add3A_884 = arith.constant 267 : i32
        %add3A_885 = vector.broadcast %add3A_884 : i32 to vector<16xi32>
        %add3A_886 = arith.addi %add3A_598, %add3A_885 : vector<16xi32>
        tpu.vector_store_idx %arg8[%add3A_886], %add3A_883 : memref<4096xf32, #tpu.memory_space<vmem>>[vector<16xi32>], vector<16xf32>,
        %slice3A_887 = vector.extract_strided_slice %get3A_535 {offsets = [12], sizes = [1], strides = [1]} : vector<16xf32> to vector<1xf32>
        %squeeze3A_888 = vector.extract %slice3A_887[0] : f32 from vector<1xf32>
        %slice3A_889 = vector.extract_strided_slice %get3A_540 {offsets = [12], sizes = [1], strides = [1]} : vector<16xf32> to vector<1xf32>
        %squeeze3A_890 = vector.extract %slice3A_889[0] : f32 from vector<1xf32>
        %slice3A_891 = vector.extract_strided_slice %get3A_545 {offsets = [12], sizes = [1], strides = [1]} : vector<16xf32> to vector<1xf32>
        %squeeze3A_892 = vector.extract %slice3A_891[0] : f32 from vector<1xf32>
        %slice3A_893 = vector.extract_strided_slice %get3A_550 {offsets = [12], sizes = [1], strides = [1]} : vector<16xf32> to vector<1xf32>
        %squeeze3A_894 = vector.extract %slice3A_893[0] : f32 from vector<1xf32>
        %mul3A_895 = vector.broadcast %squeeze3A_888 : f32 to vector<16xf32>
        %mul3A_896 = arith.mulf %mul3A_552, %mul3A_895 : vector<16xf32>
        %add3A_897 = arith.constant 12 : i32
        %add3A_898 = vector.broadcast %add3A_897 : i32 to vector<16xi32>
        %add3A_899 = arith.addi %add3A_598, %add3A_898 : vector<16xi32>
        tpu.vector_store_idx %arg8[%add3A_899], %mul3A_896 : memref<4096xf32, #tpu.memory_space<vmem>>[vector<16xi32>], vector<16xf32>,
        %mul3A_900 = vector.broadcast %squeeze3A_890 : f32 to vector<16xf32>
        %mul3A_901 = arith.mulf %add3A_566, %mul3A_900 : vector<16xf32>
        %mul3A_902 = vector.broadcast %squeeze3A_892 : f32 to vector<16xf32>
        %mul3A_903 = arith.mulf %add3A_580, %mul3A_902 : vector<16xf32>
        %add3A_904 = arith.addf %mul3A_901, %mul3A_903 : vector<16xf32>
        %mul3A_905 = vector.broadcast %squeeze3A_894 : f32 to vector<16xf32>
        %mul3A_906 = arith.mulf %add3A_594, %mul3A_905 : vector<16xf32>
        %add3A_907 = arith.addf %add3A_904, %mul3A_906 : vector<16xf32>
        %add3A_908 = arith.constant 268 : i32
        %add3A_909 = vector.broadcast %add3A_908 : i32 to vector<16xi32>
        %add3A_910 = arith.addi %add3A_598, %add3A_909 : vector<16xi32>
        tpu.vector_store_idx %arg8[%add3A_910], %add3A_907 : memref<4096xf32, #tpu.memory_space<vmem>>[vector<16xi32>], vector<16xf32>,
        %slice3A_911 = vector.extract_strided_slice %get3A_535 {offsets = [13], sizes = [1], strides = [1]} : vector<16xf32> to vector<1xf32>
        %squeeze3A_912 = vector.extract %slice3A_911[0] : f32 from vector<1xf32>
        %slice3A_913 = vector.extract_strided_slice %get3A_540 {offsets = [13], sizes = [1], strides = [1]} : vector<16xf32> to vector<1xf32>
        %squeeze3A_914 = vector.extract %slice3A_913[0] : f32 from vector<1xf32>
        %slice3A_915 = vector.extract_strided_slice %get3A_545 {offsets = [13], sizes = [1], strides = [1]} : vector<16xf32> to vector<1xf32>
        %squeeze3A_916 = vector.extract %slice3A_915[0] : f32 from vector<1xf32>
        %slice3A_917 = vector.extract_strided_slice %get3A_550 {offsets = [13], sizes = [1], strides = [1]} : vector<16xf32> to vector<1xf32>
        %squeeze3A_918 = vector.extract %slice3A_917[0] : f32 from vector<1xf32>
        %mul3A_919 = vector.broadcast %squeeze3A_912 : f32 to vector<16xf32>
        %mul3A_920 = arith.mulf %mul3A_552, %mul3A_919 : vector<16xf32>
        %add3A_921 = arith.constant 13 : i32
        %add3A_922 = vector.broadcast %add3A_921 : i32 to vector<16xi32>
        %add3A_923 = arith.addi %add3A_598, %add3A_922 : vector<16xi32>
        tpu.vector_store_idx %arg8[%add3A_923], %mul3A_920 : memref<4096xf32, #tpu.memory_space<vmem>>[vector<16xi32>], vector<16xf32>,
        %mul3A_924 = vector.broadcast %squeeze3A_914 : f32 to vector<16xf32>
        %mul3A_925 = arith.mulf %add3A_566, %mul3A_924 : vector<16xf32>
        %mul3A_926 = vector.broadcast %squeeze3A_916 : f32 to vector<16xf32>
        %mul3A_927 = arith.mulf %add3A_580, %mul3A_926 : vector<16xf32>
        %add3A_928 = arith.addf %mul3A_925, %mul3A_927 : vector<16xf32>
        %mul3A_929 = vector.broadcast %squeeze3A_918 : f32 to vector<16xf32>
        %mul3A_930 = arith.mulf %add3A_594, %mul3A_929 : vector<16xf32>
        %add3A_931 = arith.addf %add3A_928, %mul3A_930 : vector<16xf32>
        %add3A_932 = arith.constant 269 : i32
        %add3A_933 = vector.broadcast %add3A_932 : i32 to vector<16xi32>
        %add3A_934 = arith.addi %add3A_598, %add3A_933 : vector<16xi32>
        tpu.vector_store_idx %arg8[%add3A_934], %add3A_931 : memref<4096xf32, #tpu.memory_space<vmem>>[vector<16xi32>], vector<16xf32>,
        %slice3A_935 = vector.extract_strided_slice %get3A_535 {offsets = [14], sizes = [1], strides = [1]} : vector<16xf32> to vector<1xf32>
        %squeeze3A_936 = vector.extract %slice3A_935[0] : f32 from vector<1xf32>
        %slice3A_937 = vector.extract_strided_slice %get3A_540 {offsets = [14], sizes = [1], strides = [1]} : vector<16xf32> to vector<1xf32>
        %squeeze3A_938 = vector.extract %slice3A_937[0] : f32 from vector<1xf32>
        %slice3A_939 = vector.extract_strided_slice %get3A_545 {offsets = [14], sizes = [1], strides = [1]} : vector<16xf32> to vector<1xf32>
        %squeeze3A_940 = vector.extract %slice3A_939[0] : f32 from vector<1xf32>
        %slice3A_941 = vector.extract_strided_slice %get3A_550 {offsets = [14], sizes = [1], strides = [1]} : vector<16xf32> to vector<1xf32>
        %squeeze3A_942 = vector.extract %slice3A_941[0] : f32 from vector<1xf32>
        %mul3A_943 = vector.broadcast %squeeze3A_936 : f32 to vector<16xf32>
        %mul3A_944 = arith.mulf %mul3A_552, %mul3A_943 : vector<16xf32>
        %add3A_945 = arith.constant 14 : i32
        %add3A_946 = vector.broadcast %add3A_945 : i32 to vector<16xi32>
        %add3A_947 = arith.addi %add3A_598, %add3A_946 : vector<16xi32>
        tpu.vector_store_idx %arg8[%add3A_947], %mul3A_944 : memref<4096xf32, #tpu.memory_space<vmem>>[vector<16xi32>], vector<16xf32>,
        %mul3A_948 = vector.broadcast %squeeze3A_938 : f32 to vector<16xf32>
        %mul3A_949 = arith.mulf %add3A_566, %mul3A_948 : vector<16xf32>
        %mul3A_950 = vector.broadcast %squeeze3A_940 : f32 to vector<16xf32>
        %mul3A_951 = arith.mulf %add3A_580, %mul3A_950 : vector<16xf32>
        %add3A_952 = arith.addf %mul3A_949, %mul3A_951 : vector<16xf32>
        %mul3A_953 = vector.broadcast %squeeze3A_942 : f32 to vector<16xf32>
        %mul3A_954 = arith.mulf %add3A_594, %mul3A_953 : vector<16xf32>
        %add3A_955 = arith.addf %add3A_952, %mul3A_954 : vector<16xf32>
        %add3A_956 = arith.constant 270 : i32
        %add3A_957 = vector.broadcast %add3A_956 : i32 to vector<16xi32>
        %add3A_958 = arith.addi %add3A_598, %add3A_957 : vector<16xi32>
        tpu.vector_store_idx %arg8[%add3A_958], %add3A_955 : memref<4096xf32, #tpu.memory_space<vmem>>[vector<16xi32>], vector<16xf32>,
        %slice3A_959 = vector.extract_strided_slice %get3A_535 {offsets = [15], sizes = [1], strides = [1]} : vector<16xf32> to vector<1xf32>
        %squeeze3A_960 = vector.extract %slice3A_959[0] : f32 from vector<1xf32>
        %slice3A_961 = vector.extract_strided_slice %get3A_540 {offsets = [15], sizes = [1], strides = [1]} : vector<16xf32> to vector<1xf32>
        %squeeze3A_962 = vector.extract %slice3A_961[0] : f32 from vector<1xf32>
        %slice3A_963 = vector.extract_strided_slice %get3A_545 {offsets = [15], sizes = [1], strides = [1]} : vector<16xf32> to vector<1xf32>
        %squeeze3A_964 = vector.extract %slice3A_963[0] : f32 from vector<1xf32>
        %slice3A_965 = vector.extract_strided_slice %get3A_550 {offsets = [15], sizes = [1], strides = [1]} : vector<16xf32> to vector<1xf32>
        %squeeze3A_966 = vector.extract %slice3A_965[0] : f32 from vector<1xf32>
        %mul3A_967 = vector.broadcast %squeeze3A_960 : f32 to vector<16xf32>
        %mul3A_968 = arith.mulf %mul3A_552, %mul3A_967 : vector<16xf32>
        %add3A_969 = arith.constant 15 : i32
        %add3A_970 = vector.broadcast %add3A_969 : i32 to vector<16xi32>
        %add3A_971 = arith.addi %add3A_598, %add3A_970 : vector<16xi32>
        tpu.vector_store_idx %arg8[%add3A_971], %mul3A_968 : memref<4096xf32, #tpu.memory_space<vmem>>[vector<16xi32>], vector<16xf32>,
        %mul3A_972 = vector.broadcast %squeeze3A_962 : f32 to vector<16xf32>
        %mul3A_973 = arith.mulf %add3A_566, %mul3A_972 : vector<16xf32>
        %mul3A_974 = vector.broadcast %squeeze3A_964 : f32 to vector<16xf32>
        %mul3A_975 = arith.mulf %add3A_580, %mul3A_974 : vector<16xf32>
        %add3A_976 = arith.addf %mul3A_973, %mul3A_975 : vector<16xf32>
        %mul3A_977 = vector.broadcast %squeeze3A_966 : f32 to vector<16xf32>
        %mul3A_978 = arith.mulf %add3A_594, %mul3A_977 : vector<16xf32>
        %add3A_979 = arith.addf %add3A_976, %mul3A_978 : vector<16xf32>
        %add3A_980 = arith.constant 271 : i32
        %add3A_981 = vector.broadcast %add3A_980 : i32 to vector<16xi32>
        %add3A_982 = arith.addi %add3A_598, %add3A_981 : vector<16xi32>
        tpu.vector_store_idx %arg8[%add3A_982], %add3A_979 : memref<4096xf32, #tpu.memory_space<vmem>>[vector<16xi32>], vector<16xf32>,
      }
      %scan3A_294 = arith.constant 8 : i32
      %mul3A_295 = arith.constant 8 : i32
      %mul3A_296 = arith.muli %add3A_177, %mul3A_295 : i32
      %add3A_297 = arith.addi %mul3A_2, %mul3A_296 : i32
      %mul3A_298 = arith.constant 512 : i32
      %mul3A_299 = arith.muli %add3A_297, %mul3A_298 : i32
      %dma_start3A_300 = tpu.memref_slice %arg4[%mul3A_299] : memref<3145728xf32, #tpu.memory_space<hbm>> -> memref<4096xf32, #tpu.memory_space<hbm>>
      %dma_start3A_301 = tpu.memref_slice %arg4[%mul3A_299] : memref<3145728xf32, #tpu.memory_space<hbm>> -> memref<4096xf32, #tpu.memory_space<hbm>>
      tpu.enqueue_dma source(%arg8 : memref<4096xf32, #tpu.memory_space<vmem>>) target(%dma_start3A_301 : memref<4096xf32, #tpu.memory_space<hbm>>) target_semaphore(%arg12 : memref<!tpu.dma_semaphore, #tpu.memory_space<semaphore_mem>>)
      %mul3A_302 = arith.constant 2 : i32
      %mul3A_303 = arith.muli %add3A_173, %mul3A_302 : i32
      %add3A_304 = arith.constant 1 : i32
      %add3A_305 = arith.addi %mul3A_303, %add3A_304 : i32
      %dma_wait3A_306 = arith.constant 1 : i32
      %dma_wait3A_307 = arith.constant 0 : i32
      %dma_wait3A_308 = arith.constant 0 : i32
      %dma_wait3A_309 = tpu.memref_slice %arg6[%dma_wait3A_306, %dma_wait3A_307, %dma_wait3A_308] : memref<2x8x128xf32, #tpu.memory_space<vmem>> -> memref<1x8x128xf32, #tpu.memory_space<vmem>>
      %dma_wait3A_310 = tpu.memref_squeeze %dma_wait3A_309 : memref<1x8x128xf32, #tpu.memory_space<vmem>> -> memref<8x128xf32, #tpu.memory_space<vmem>>
      %dma_wait3A_311 = arith.constant 0 : i32
      %dma_wait3A_312 = arith.constant 0 : i32
      %dma_wait3A_313 = tpu.memref_slice %arg2[%dma_wait3A_311, %dma_wait3A_312] : memref<6144x128xf32, #tpu.memory_space<hbm>> -> memref<8x128xf32, #tpu.memory_space<hbm>>
      %dma_wait3A_314 = arith.constant 0 : i32
      %dma_wait3A_315 = arith.constant 0 : i32
      %dma_wait3A_316 = tpu.memref_slice %arg6[%dma_wait3A_306, %dma_wait3A_314, %dma_wait3A_315] : memref<2x8x128xf32, #tpu.memory_space<vmem>> -> memref<1x8x128xf32, #tpu.memory_space<vmem>>
      %dma_wait3A_317 = tpu.memref_squeeze %dma_wait3A_316 : memref<1x8x128xf32, #tpu.memory_space<vmem>> -> memref<8x128xf32, #tpu.memory_space<vmem>>
      %dma_wait3A_318 = arith.constant 0 : i32
      %dma_wait3A_319 = arith.constant 0 : i32
      %dma_wait3A_320 = tpu.memref_slice %arg2[%dma_wait3A_318, %dma_wait3A_319] : memref<6144x128xf32, #tpu.memory_space<hbm>> -> memref<8x128xf32, #tpu.memory_space<hbm>>
      tpu.wait_dma2 semaphore(%arg11 : memref<!tpu.dma_semaphore, #tpu.memory_space<semaphore_mem>>) src(%dma_wait3A_320 : memref<8x128xf32, #tpu.memory_space<hbm>>) dst(%dma_wait3A_317 : memref<8x128xf32, #tpu.memory_space<vmem>>)
      %add3A_321 = arith.constant 1 : i32
      %add3A_322 = arith.addi %add3A_305, %add3A_321 : i32
      %lt3A_323 = arith.constant 24 : i32
      %lt3A_324 = arith.cmpi slt, %add3A_322, %lt3A_323 : i32
      %convert_element_type3A_325 = arith.extui %lt3A_324 : i1 to i32
      %cond3A_326 = arith.constant 0 : i32
      %cond3A_327 = arith.cmpi ne, %convert_element_type3A_325, %cond3A_326 : i32
      scf.if %cond3A_327 {
        %add3A_506 = arith.constant 1 : i32
        %add3A_507 = arith.addi %add3A_305, %add3A_506 : i32
        %mul3A_508 = arith.constant 8 : i32
        %mul3A_509 = arith.muli %add3A_507, %mul3A_508 : i32
        %add3A_510 = arith.addi %mul3A_2, %mul3A_509 : i32
        %dma_start3A_511 = arith.constant 0 : i32
        %dma_start3A_512 = arith.constant 0 : i32
        %dma_start3A_513 = arith.constant 0 : i32
        %dma_start3A_514 = tpu.memref_slice %arg6[%dma_start3A_511, %dma_start3A_512, %dma_start3A_513] : memref<2x8x128xf32, #tpu.memory_space<vmem>> -> memref<1x8x128xf32, #tpu.memory_space<vmem>>
        %dma_start3A_515 = tpu.memref_squeeze %dma_start3A_514 : memref<1x8x128xf32, #tpu.memory_space<vmem>> -> memref<8x128xf32, #tpu.memory_space<vmem>>
        %dma_start3A_516 = arith.constant 0 : i32
        %dma_start3A_517 = tpu.memref_slice %arg2[%add3A_510, %dma_start3A_516] : memref<6144x128xf32, #tpu.memory_space<hbm>> -> memref<8x128xf32, #tpu.memory_space<hbm>>
        %dma_start3A_518 = arith.constant 0 : i32
        %dma_start3A_519 = arith.constant 0 : i32
        %dma_start3A_520 = tpu.memref_slice %arg6[%dma_start3A_511, %dma_start3A_518, %dma_start3A_519] : memref<2x8x128xf32, #tpu.memory_space<vmem>> -> memref<1x8x128xf32, #tpu.memory_space<vmem>>
        %dma_start3A_521 = tpu.memref_squeeze %dma_start3A_520 : memref<1x8x128xf32, #tpu.memory_space<vmem>> -> memref<8x128xf32, #tpu.memory_space<vmem>>
        %dma_start3A_522 = arith.constant 0 : i32
        %dma_start3A_523 = tpu.memref_slice %arg2[%add3A_510, %dma_start3A_522] : memref<6144x128xf32, #tpu.memory_space<hbm>> -> memref<8x128xf32, #tpu.memory_space<hbm>>
        tpu.enqueue_dma source(%dma_start3A_523 : memref<8x128xf32, #tpu.memory_space<hbm>>) target(%dma_start3A_521 : memref<8x128xf32, #tpu.memory_space<vmem>>) target_semaphore(%arg10 : memref<!tpu.dma_semaphore, #tpu.memory_space<semaphore_mem>>)
      } else {
      }
      %add3A_328 = arith.constant 0 : i32
      %add3A_329 = arith.addi %mul3A_2, %add3A_328 : i32
      %jit3A_330 = arith.constant 2048 : i32
      %div3A_331 = arith.divsi %add3A_329, %jit3A_330 : i32
      %sign3A_332 = arith.constant 0 : i32
      %sign3A_333 = arith.cmpi sgt, %add3A_329, %sign3A_332 : i32
      %sign3A_334 = arith.extui %sign3A_333 : i1 to i32
      %sign3A_335 = arith.constant 0 : i32
      %sign3A_336 = arith.cmpi slt, %add3A_329, %sign3A_335 : i32
      %sign3A_337 = arith.extui %sign3A_336 : i1 to i32
      %sign3A_338 = arith.subi %sign3A_334, %sign3A_337 : i32
      %sign3A_339 = arith.constant 0 : i32
      %sign3A_340 = arith.cmpi sgt, %jit3A_330, %sign3A_339 : i32
      %sign3A_341 = arith.extui %sign3A_340 : i1 to i32
      %sign3A_342 = arith.constant 0 : i32
      %sign3A_343 = arith.cmpi slt, %jit3A_330, %sign3A_342 : i32
      %sign3A_344 = arith.extui %sign3A_343 : i1 to i32
      %sign3A_345 = arith.subi %sign3A_341, %sign3A_344 : i32
      %ne3A_346 = arith.cmpi ne, %sign3A_338, %sign3A_345 : i32
      %rem3A_347 = arith.remsi %add3A_329, %jit3A_330 : i32
      %ne3A_348 = arith.constant 0 : i32
      %ne3A_349 = arith.cmpi ne, %rem3A_347, %ne3A_348 : i32
      %and3A_350 = arith.andi %ne3A_346, %ne3A_349 : i1
      %sub3A_351 = arith.constant 1 : i32
      %sub3A_352 = arith.subi %div3A_331, %sub3A_351 : i32
      %select_n3A_353 = arith.select %and3A_350, %sub3A_352, %div3A_331 : i32
      %jit3A_354 = arith.constant 2048 : i32
      %eq3A_355 = arith.constant 0 : i32
      %eq3A_356 = arith.cmpi eq, %jit3A_354, %eq3A_355 : i32
      %jit3A_357 = arith.constant 1 : i32
      %select_n3A_358 = arith.select %eq3A_356, %jit3A_357, %jit3A_354 : i32
      %rem3A_359 = arith.remsi %add3A_329, %select_n3A_358 : i32
      %ne3A_360 = arith.constant 0 : i32
      %ne3A_361 = arith.cmpi ne, %rem3A_359, %ne3A_360 : i32
      %lt3A_362 = arith.constant 0 : i32
      %lt3A_363 = arith.cmpi slt, %rem3A_359, %lt3A_362 : i32
      %lt3A_364 = arith.constant 0 : i32
      %lt3A_365 = arith.cmpi slt, %select_n3A_358, %lt3A_364 : i32
      %ne3A_366 = arith.xori %lt3A_363, %lt3A_365 : i1
      %and3A_367 = arith.andi %ne3A_366, %ne3A_361 : i1
      %add3A_368 = arith.addi %rem3A_359, %select_n3A_358 : i32
      %select_n3A_369 = arith.select %and3A_367, %add3A_368, %rem3A_359 : i32
      %mul3A_370 = arith.constant 128 : i32
      %mul3A_371 = arith.muli %select_n3A_369, %mul3A_370 : i32
      %mul3A_372 = arith.constant 2 : i32
      %mul3A_373 = arith.muli %mul3A_371, %mul3A_372 : i32
      %mul3A_374 = arith.constant 2 : i32
      %mul3A_375 = arith.muli %mul3A_371, %mul3A_374 : i32
      %mul3A_376 = arith.constant 2 : i32
      %mul3A_377 = arith.muli %mul3A_371, %mul3A_376 : i32
      %dma_wait3A_378 = arith.constant 0 : i32
      %dma_wait3A_379 = arith.constant 0 : i32
      %dma_wait3A_380 = tpu.memref_slice %arg9[%dma_wait3A_379] : memref<6144xf32, #tpu.memory_space<vmem>> -> memref<2048xf32, #tpu.memory_space<vmem>>
      %dma_wait3A_381 = tpu.memref_slice %arg5[%select_n3A_353, %dma_wait3A_378, %mul3A_373] : memref<3x3x524288xf32, #tpu.memory_space<hbm>> -> memref<1x1x2048xf32, #tpu.memory_space<hbm>>
      %dma_wait3A_382 = tpu.memref_squeeze %dma_wait3A_381 : memref<1x1x2048xf32, #tpu.memory_space<hbm>> -> memref<2048xf32, #tpu.memory_space<hbm>>
      %dma_wait3A_383 = tpu.memref_slice %arg5[%select_n3A_353, %dma_wait3A_378, %mul3A_373] : memref<3x3x524288xf32, #tpu.memory_space<hbm>> -> memref<1x1x2048xf32, #tpu.memory_space<hbm>>
      %dma_wait3A_384 = tpu.memref_squeeze %dma_wait3A_383 : memref<1x1x2048xf32, #tpu.memory_space<hbm>> -> memref<2048xf32, #tpu.memory_space<hbm>>
      %dma_wait3A_385 = arith.constant 0 : i32
      %dma_wait3A_386 = tpu.memref_slice %arg9[%dma_wait3A_385] : memref<6144xf32, #tpu.memory_space<vmem>> -> memref<2048xf32, #tpu.memory_space<vmem>>
      tpu.wait_dma2 semaphore(%arg13 : memref<!tpu.dma_semaphore, #tpu.memory_space<semaphore_mem>>) src(%dma_wait3A_386 : memref<2048xf32, #tpu.memory_space<vmem>>) dst(%dma_wait3A_384 : memref<2048xf32, #tpu.memory_space<hbm>>)
      %dma_wait3A_387 = arith.constant 1 : i32
      %dma_wait3A_388 = arith.constant 2048 : i32
      %dma_wait3A_389 = tpu.memref_slice %arg9[%dma_wait3A_388] : memref<6144xf32, #tpu.memory_space<vmem>> -> memref<2048xf32, #tpu.memory_space<vmem>>
      %dma_wait3A_390 = tpu.memref_slice %arg5[%select_n3A_353, %dma_wait3A_387, %mul3A_375] : memref<3x3x524288xf32, #tpu.memory_space<hbm>> -> memref<1x1x2048xf32, #tpu.memory_space<hbm>>
      %dma_wait3A_391 = tpu.memref_squeeze %dma_wait3A_390 : memref<1x1x2048xf32, #tpu.memory_space<hbm>> -> memref<2048xf32, #tpu.memory_space<hbm>>
      %dma_wait3A_392 = tpu.memref_slice %arg5[%select_n3A_353, %dma_wait3A_387, %mul3A_375] : memref<3x3x524288xf32, #tpu.memory_space<hbm>> -> memref<1x1x2048xf32, #tpu.memory_space<hbm>>
      %dma_wait3A_393 = tpu.memref_squeeze %dma_wait3A_392 : memref<1x1x2048xf32, #tpu.memory_space<hbm>> -> memref<2048xf32, #tpu.memory_space<hbm>>
      %dma_wait3A_394 = arith.constant 2048 : i32
      %dma_wait3A_395 = tpu.memref_slice %arg9[%dma_wait3A_394] : memref<6144xf32, #tpu.memory_space<vmem>> -> memref<2048xf32, #tpu.memory_space<vmem>>
      tpu.wait_dma2 semaphore(%arg13 : memref<!tpu.dma_semaphore, #tpu.memory_space<semaphore_mem>>) src(%dma_wait3A_395 : memref<2048xf32, #tpu.memory_space<vmem>>) dst(%dma_wait3A_393 : memref<2048xf32, #tpu.memory_space<hbm>>)
      %dma_wait3A_396 = arith.constant 2 : i32
      %dma_wait3A_397 = arith.constant 4096 : i32
      %dma_wait3A_398 = tpu.memref_slice %arg9[%dma_wait3A_397] : memref<6144xf32, #tpu.memory_space<vmem>> -> memref<2048xf32, #tpu.memory_space<vmem>>
      %dma_wait3A_399 = tpu.memref_slice %arg5[%select_n3A_353, %dma_wait3A_396, %mul3A_377] : memref<3x3x524288xf32, #tpu.memory_space<hbm>> -> memref<1x1x2048xf32, #tpu.memory_space<hbm>>
      %dma_wait3A_400 = tpu.memref_squeeze %dma_wait3A_399 : memref<1x1x2048xf32, #tpu.memory_space<hbm>> -> memref<2048xf32, #tpu.memory_space<hbm>>
      %dma_wait3A_401 = tpu.memref_slice %arg5[%select_n3A_353, %dma_wait3A_396, %mul3A_377] : memref<3x3x524288xf32, #tpu.memory_space<hbm>> -> memref<1x1x2048xf32, #tpu.memory_space<hbm>>
      %dma_wait3A_402 = tpu.memref_squeeze %dma_wait3A_401 : memref<1x1x2048xf32, #tpu.memory_space<hbm>> -> memref<2048xf32, #tpu.memory_space<hbm>>
      %dma_wait3A_403 = arith.constant 4096 : i32
      %dma_wait3A_404 = tpu.memref_slice %arg9[%dma_wait3A_403] : memref<6144xf32, #tpu.memory_space<vmem>> -> memref<2048xf32, #tpu.memory_space<vmem>>
      tpu.wait_dma2 semaphore(%arg13 : memref<!tpu.dma_semaphore, #tpu.memory_space<semaphore_mem>>) src(%dma_wait3A_404 : memref<2048xf32, #tpu.memory_space<vmem>>) dst(%dma_wait3A_402 : memref<2048xf32, #tpu.memory_space<hbm>>)
      %scan3A_405 = arith.constant 0 : i32
      %scan3A_406 = arith.constant 8 : i32
      %scan3A_407 = arith.addi %scan3A_405, %scan3A_406 : i32
      %scan3A_408 = arith.constant 1 : i32
      scf.for %scan3A_506 = %scan3A_405 to %scan3A_407 step %scan3A_408  : i32 {
        %mul3A_507 = arith.constant 1 : i32
        %mul3A_508 = arith.muli %scan3A_506, %mul3A_507 : i32
        %add3A_509 = arith.constant 0 : i32
        %add3A_510 = arith.addi %add3A_509, %mul3A_508 : i32
        %get3A_511 = arith.constant 1 : i32
        %get3A_512 = arith.index_cast %get3A_511 : i32 to index
        %get3A_513 = arith.index_cast %add3A_510 : i32 to index
        %get3A_514 = arith.constant 0 : index
        %get3A_515 = tpu.vector_load %arg6[%get3A_512, %get3A_513, %get3A_514] {strides = array<i32>} : memref<2x8x128xf32, #tpu.memory_space<vmem>>, vector<16xf32>,
        %get3A_516 = arith.constant 1 : i32
        %get3A_517 = arith.index_cast %get3A_516 : i32 to index
        %get3A_518 = arith.index_cast %add3A_510 : i32 to index
        %get3A_519 = arith.constant 16 : index
        %get3A_520 = tpu.vector_load %arg6[%get3A_517, %get3A_518, %get3A_519] {strides = array<i32>} : memref<2x8x128xf32, #tpu.memory_space<vmem>>, vector<16xf32>,
        %get3A_521 = arith.constant 1 : i32
        %get3A_522 = arith.index_cast %get3A_521 : i32 to index
        %get3A_523 = arith.index_cast %add3A_510 : i32 to index
        %get3A_524 = arith.constant 32 : index
        %get3A_525 = tpu.vector_load %arg6[%get3A_522, %get3A_523, %get3A_524] {strides = array<i32>} : memref<2x8x128xf32, #tpu.memory_space<vmem>>, vector<16xf32>,
        %get3A_526 = arith.constant 1 : i32
        %get3A_527 = arith.index_cast %get3A_526 : i32 to index
        %get3A_528 = arith.index_cast %add3A_510 : i32 to index
        %get3A_529 = arith.constant 48 : index
        %get3A_530 = tpu.vector_load %arg6[%get3A_527, %get3A_528, %get3A_529] {strides = array<i32>} : memref<2x8x128xf32, #tpu.memory_space<vmem>>, vector<16xf32>,
        %get3A_531 = arith.constant 1 : i32
        %get3A_532 = arith.index_cast %get3A_531 : i32 to index
        %get3A_533 = arith.index_cast %add3A_510 : i32 to index
        %get3A_534 = arith.constant 64 : index
        %get3A_535 = tpu.vector_load %arg6[%get3A_532, %get3A_533, %get3A_534] {strides = array<i32>} : memref<2x8x128xf32, #tpu.memory_space<vmem>>, vector<16xf32>,
        %get3A_536 = arith.constant 1 : i32
        %get3A_537 = arith.index_cast %get3A_536 : i32 to index
        %get3A_538 = arith.index_cast %add3A_510 : i32 to index
        %get3A_539 = arith.constant 80 : index
        %get3A_540 = tpu.vector_load %arg6[%get3A_537, %get3A_538, %get3A_539] {strides = array<i32>} : memref<2x8x128xf32, #tpu.memory_space<vmem>>, vector<16xf32>,
        %get3A_541 = arith.constant 1 : i32
        %get3A_542 = arith.index_cast %get3A_541 : i32 to index
        %get3A_543 = arith.index_cast %add3A_510 : i32 to index
        %get3A_544 = arith.constant 96 : index
        %get3A_545 = tpu.vector_load %arg6[%get3A_542, %get3A_543, %get3A_544] {strides = array<i32>} : memref<2x8x128xf32, #tpu.memory_space<vmem>>, vector<16xf32>,
        %get3A_546 = arith.constant 1 : i32
        %get3A_547 = arith.index_cast %get3A_546 : i32 to index
        %get3A_548 = arith.index_cast %add3A_510 : i32 to index
        %get3A_549 = arith.constant 112 : index
        %get3A_550 = tpu.vector_load %arg6[%get3A_547, %get3A_548, %get3A_549] {strides = array<i32>} : memref<2x8x128xf32, #tpu.memory_space<vmem>>, vector<16xf32>,
        %slice3A = vector.extract_strided_slice %get3A_5 {offsets = [12], sizes = [1], strides = [1]} : vector<16xf32> to vector<1xf32>
        %squeeze3A = vector.extract %slice3A[0] : f32 from vector<1xf32>
        %mul3A_551 = vector.broadcast %squeeze3A : f32 to vector<16xf32>
        %mul3A_552 = arith.mulf %mul3A_551, %get3A_520 : vector<16xf32>
        %slice3A_553 = vector.extract_strided_slice %get3A_7 {offsets = [5], sizes = [1], strides = [1]} : vector<16xf32> to vector<1xf32>
        %squeeze3A_554 = vector.extract %slice3A_553[0] : f32 from vector<1xf32>
        %mul3A_555 = vector.broadcast %squeeze3A_554 : f32 to vector<16xf32>
        %mul3A_556 = arith.mulf %mul3A_555, %get3A_525 : vector<16xf32>
        %add3A_557 = arith.addf %mul3A_552, %mul3A_556 : vector<16xf32>
        %slice3A_558 = vector.extract_strided_slice %get3A_7 {offsets = [14], sizes = [1], strides = [1]} : vector<16xf32> to vector<1xf32>
        %squeeze3A_559 = vector.extract %slice3A_558[0] : f32 from vector<1xf32>
        %mul3A_560 = vector.broadcast %squeeze3A_559 : f32 to vector<16xf32>
        %mul3A_561 = arith.mulf %mul3A_560, %get3A_530 : vector<16xf32>
        %add3A_562 = arith.addf %add3A_557, %mul3A_561 : vector<16xf32>
        %slice3A_563 = vector.extract_strided_slice %get3A_5 {offsets = [15], sizes = [1], strides = [1]} : vector<16xf32> to vector<1xf32>
        %squeeze3A_564 = vector.extract %slice3A_563[0] : f32 from vector<1xf32>
        %mul3A_565 = vector.broadcast %squeeze3A_564 : f32 to vector<16xf32>
        %mul3A_566 = arith.mulf %mul3A_565, %get3A_520 : vector<16xf32>
        %slice3A_567 = vector.extract_strided_slice %get3A_7 {offsets = [8], sizes = [1], strides = [1]} : vector<16xf32> to vector<1xf32>
        %squeeze3A_568 = vector.extract %slice3A_567[0] : f32 from vector<1xf32>
        %mul3A_569 = vector.broadcast %squeeze3A_568 : f32 to vector<16xf32>
        %mul3A_570 = arith.mulf %mul3A_569, %get3A_525 : vector<16xf32>
        %add3A_571 = arith.addf %mul3A_566, %mul3A_570 : vector<16xf32>
        %slice3A_572 = vector.extract_strided_slice %get3A_9 {offsets = [1], sizes = [1], strides = [1]} : vector<16xf32> to vector<1xf32>
        %squeeze3A_573 = vector.extract %slice3A_572[0] : f32 from vector<1xf32>
        %mul3A_574 = vector.broadcast %squeeze3A_573 : f32 to vector<16xf32>
        %mul3A_575 = arith.mulf %mul3A_574, %get3A_530 : vector<16xf32>
        %add3A_576 = arith.addf %add3A_571, %mul3A_575 : vector<16xf32>
        %slice3A_577 = vector.extract_strided_slice %get3A_7 {offsets = [2], sizes = [1], strides = [1]} : vector<16xf32> to vector<1xf32>
        %squeeze3A_578 = vector.extract %slice3A_577[0] : f32 from vector<1xf32>
        %mul3A_579 = vector.broadcast %squeeze3A_578 : f32 to vector<16xf32>
        %mul3A_580 = arith.mulf %mul3A_579, %get3A_520 : vector<16xf32>
        %slice3A_581 = vector.extract_strided_slice %get3A_7 {offsets = [11], sizes = [1], strides = [1]} : vector<16xf32> to vector<1xf32>
        %squeeze3A_582 = vector.extract %slice3A_581[0] : f32 from vector<1xf32>
        %mul3A_583 = vector.broadcast %squeeze3A_582 : f32 to vector<16xf32>
        %mul3A_584 = arith.mulf %mul3A_583, %get3A_525 : vector<16xf32>
        %add3A_585 = arith.addf %mul3A_580, %mul3A_584 : vector<16xf32>
        %slice3A_586 = vector.extract_strided_slice %get3A_9 {offsets = [4], sizes = [1], strides = [1]} : vector<16xf32> to vector<1xf32>
        %squeeze3A_587 = vector.extract %slice3A_586[0] : f32 from vector<1xf32>
        %mul3A_588 = vector.broadcast %squeeze3A_587 : f32 to vector<16xf32>
        %mul3A_589 = arith.mulf %mul3A_588, %get3A_530 : vector<16xf32>
        %add3A_590 = arith.addf %add3A_585, %mul3A_589 : vector<16xf32>
        %slice3A_591 = vector.extract_strided_slice %get3A_5 {offsets = [13], sizes = [1], strides = [1]} : vector<16xf32> to vector<1xf32>
        %squeeze3A_592 = vector.extract %slice3A_591[0] : f32 from vector<1xf32>
        %mul3A_593 = vector.broadcast %squeeze3A_592 : f32 to vector<16xf32>
        %mul3A_594 = arith.mulf %mul3A_593, %get3A_520 : vector<16xf32>
        %slice3A_595 = vector.extract_strided_slice %get3A_7 {offsets = [6], sizes = [1], strides = [1]} : vector<16xf32> to vector<1xf32>
        %squeeze3A_596 = vector.extract %slice3A_595[0] : f32 from vector<1xf32>
        %mul3A_597 = vector.broadcast %squeeze3A_596 : f32 to vector<16xf32>
        %mul3A_598 = arith.mulf %mul3A_597, %get3A_525 : vector<16xf32>
        %add3A_599 = arith.addf %mul3A_594, %mul3A_598 : vector<16xf32>
        %slice3A_600 = vector.extract_strided_slice %get3A_7 {offsets = [15], sizes = [1], strides = [1]} : vector<16xf32> to vector<1xf32>
        %squeeze3A_601 = vector.extract %slice3A_600[0] : f32 from vector<1xf32>
        %mul3A_602 = vector.broadcast %squeeze3A_601 : f32 to vector<16xf32>
        %mul3A_603 = arith.mulf %mul3A_602, %get3A_530 : vector<16xf32>
        %add3A_604 = arith.addf %add3A_599, %mul3A_603 : vector<16xf32>
        %slice3A_605 = vector.extract_strided_slice %get3A_7 {offsets = [0], sizes = [1], strides = [1]} : vector<16xf32> to vector<1xf32>
        %squeeze3A_606 = vector.extract %slice3A_605[0] : f32 from vector<1xf32>
        %mul3A_607 = vector.broadcast %squeeze3A_606 : f32 to vector<16xf32>
        %mul3A_608 = arith.mulf %mul3A_607, %get3A_520 : vector<16xf32>
        %slice3A_609 = vector.extract_strided_slice %get3A_7 {offsets = [9], sizes = [1], strides = [1]} : vector<16xf32> to vector<1xf32>
        %squeeze3A_610 = vector.extract %slice3A_609[0] : f32 from vector<1xf32>
        %mul3A_611 = vector.broadcast %squeeze3A_610 : f32 to vector<16xf32>
        %mul3A_612 = arith.mulf %mul3A_611, %get3A_525 : vector<16xf32>
        %add3A_613 = arith.addf %mul3A_608, %mul3A_612 : vector<16xf32>
        %slice3A_614 = vector.extract_strided_slice %get3A_9 {offsets = [2], sizes = [1], strides = [1]} : vector<16xf32> to vector<1xf32>
        %squeeze3A_615 = vector.extract %slice3A_614[0] : f32 from vector<1xf32>
        %mul3A_616 = vector.broadcast %squeeze3A_615 : f32 to vector<16xf32>
        %mul3A_617 = arith.mulf %mul3A_616, %get3A_530 : vector<16xf32>
        %add3A_618 = arith.addf %add3A_613, %mul3A_617 : vector<16xf32>
        %slice3A_619 = vector.extract_strided_slice %get3A_7 {offsets = [3], sizes = [1], strides = [1]} : vector<16xf32> to vector<1xf32>
        %squeeze3A_620 = vector.extract %slice3A_619[0] : f32 from vector<1xf32>
        %mul3A_621 = vector.broadcast %squeeze3A_620 : f32 to vector<16xf32>
        %mul3A_622 = arith.mulf %mul3A_621, %get3A_520 : vector<16xf32>
        %slice3A_623 = vector.extract_strided_slice %get3A_7 {offsets = [12], sizes = [1], strides = [1]} : vector<16xf32> to vector<1xf32>
        %squeeze3A_624 = vector.extract %slice3A_623[0] : f32 from vector<1xf32>
        %mul3A_625 = vector.broadcast %squeeze3A_624 : f32 to vector<16xf32>
        %mul3A_626 = arith.mulf %mul3A_625, %get3A_525 : vector<16xf32>
        %add3A_627 = arith.addf %mul3A_622, %mul3A_626 : vector<16xf32>
        %slice3A_628 = vector.extract_strided_slice %get3A_9 {offsets = [5], sizes = [1], strides = [1]} : vector<16xf32> to vector<1xf32>
        %squeeze3A_629 = vector.extract %slice3A_628[0] : f32 from vector<1xf32>
        %mul3A_630 = vector.broadcast %squeeze3A_629 : f32 to vector<16xf32>
        %mul3A_631 = arith.mulf %mul3A_630, %get3A_530 : vector<16xf32>
        %add3A_632 = arith.addf %add3A_627, %mul3A_631 : vector<16xf32>
        %slice3A_633 = vector.extract_strided_slice %get3A_5 {offsets = [14], sizes = [1], strides = [1]} : vector<16xf32> to vector<1xf32>
        %squeeze3A_634 = vector.extract %slice3A_633[0] : f32 from vector<1xf32>
        %mul3A_635 = vector.broadcast %squeeze3A_634 : f32 to vector<16xf32>
        %mul3A_636 = arith.mulf %mul3A_635, %get3A_520 : vector<16xf32>
        %slice3A_637 = vector.extract_strided_slice %get3A_7 {offsets = [7], sizes = [1], strides = [1]} : vector<16xf32> to vector<1xf32>
        %squeeze3A_638 = vector.extract %slice3A_637[0] : f32 from vector<1xf32>
        %mul3A_639 = vector.broadcast %squeeze3A_638 : f32 to vector<16xf32>
        %mul3A_640 = arith.mulf %mul3A_639, %get3A_525 : vector<16xf32>
        %add3A_641 = arith.addf %mul3A_636, %mul3A_640 : vector<16xf32>
        %slice3A_642 = vector.extract_strided_slice %get3A_9 {offsets = [0], sizes = [1], strides = [1]} : vector<16xf32> to vector<1xf32>
        %squeeze3A_643 = vector.extract %slice3A_642[0] : f32 from vector<1xf32>
        %mul3A_644 = vector.broadcast %squeeze3A_643 : f32 to vector<16xf32>
        %mul3A_645 = arith.mulf %mul3A_644, %get3A_530 : vector<16xf32>
        %add3A_646 = arith.addf %add3A_641, %mul3A_645 : vector<16xf32>
        %slice3A_647 = vector.extract_strided_slice %get3A_7 {offsets = [1], sizes = [1], strides = [1]} : vector<16xf32> to vector<1xf32>
        %squeeze3A_648 = vector.extract %slice3A_647[0] : f32 from vector<1xf32>
        %mul3A_649 = vector.broadcast %squeeze3A_648 : f32 to vector<16xf32>
        %mul3A_650 = arith.mulf %mul3A_649, %get3A_520 : vector<16xf32>
        %slice3A_651 = vector.extract_strided_slice %get3A_7 {offsets = [10], sizes = [1], strides = [1]} : vector<16xf32> to vector<1xf32>
        %squeeze3A_652 = vector.extract %slice3A_651[0] : f32 from vector<1xf32>
        %mul3A_653 = vector.broadcast %squeeze3A_652 : f32 to vector<16xf32>
        %mul3A_654 = arith.mulf %mul3A_653, %get3A_525 : vector<16xf32>
        %add3A_655 = arith.addf %mul3A_650, %mul3A_654 : vector<16xf32>
        %slice3A_656 = vector.extract_strided_slice %get3A_9 {offsets = [3], sizes = [1], strides = [1]} : vector<16xf32> to vector<1xf32>
        %squeeze3A_657 = vector.extract %slice3A_656[0] : f32 from vector<1xf32>
        %mul3A_658 = vector.broadcast %squeeze3A_657 : f32 to vector<16xf32>
        %mul3A_659 = arith.mulf %mul3A_658, %get3A_530 : vector<16xf32>
        %add3A_660 = arith.addf %add3A_655, %mul3A_659 : vector<16xf32>
        %slice3A_661 = vector.extract_strided_slice %get3A_7 {offsets = [4], sizes = [1], strides = [1]} : vector<16xf32> to vector<1xf32>
        %squeeze3A_662 = vector.extract %slice3A_661[0] : f32 from vector<1xf32>
        %mul3A_663 = vector.broadcast %squeeze3A_662 : f32 to vector<16xf32>
        %mul3A_664 = arith.mulf %mul3A_663, %get3A_520 : vector<16xf32>
        %slice3A_665 = vector.extract_strided_slice %get3A_7 {offsets = [13], sizes = [1], strides = [1]} : vector<16xf32> to vector<1xf32>
        %squeeze3A_666 = vector.extract %slice3A_665[0] : f32 from vector<1xf32>
        %mul3A_667 = vector.broadcast %squeeze3A_666 : f32 to vector<16xf32>
        %mul3A_668 = arith.mulf %mul3A_667, %get3A_525 : vector<16xf32>
        %add3A_669 = arith.addf %mul3A_664, %mul3A_668 : vector<16xf32>
        %slice3A_670 = vector.extract_strided_slice %get3A_9 {offsets = [6], sizes = [1], strides = [1]} : vector<16xf32> to vector<1xf32>
        %squeeze3A_671 = vector.extract %slice3A_670[0] : f32 from vector<1xf32>
        %mul3A_672 = vector.broadcast %squeeze3A_671 : f32 to vector<16xf32>
        %mul3A_673 = arith.mulf %mul3A_672, %get3A_530 : vector<16xf32>
        %add3A_674 = arith.addf %add3A_669, %mul3A_673 : vector<16xf32>
        %mul3A_675 = arith.constant 128 : i32
        %mul3A_676 = arith.muli %add3A_510, %mul3A_675 : i32
        %add3A_677 = vector.broadcast %mul3A_676 : i32 to vector<16xi32>
        %add3A_678 = arith.addi %add3A_68, %add3A_677 : vector<16xi32>
        %slice3A_679 = vector.extract_strided_slice %get3A_535 {offsets = [0], sizes = [1], strides = [1]} : vector<16xf32> to vector<1xf32>
        %squeeze3A_680 = vector.extract %slice3A_679[0] : f32 from vector<1xf32>
        %slice3A_681 = vector.extract_strided_slice %get3A_540 {offsets = [0], sizes = [1], strides = [1]} : vector<16xf32> to vector<1xf32>
        %squeeze3A_682 = vector.extract %slice3A_681[0] : f32 from vector<1xf32>
        %slice3A_683 = vector.extract_strided_slice %get3A_545 {offsets = [0], sizes = [1], strides = [1]} : vector<16xf32> to vector<1xf32>
        %squeeze3A_684 = vector.extract %slice3A_683[0] : f32 from vector<1xf32>
        %slice3A_685 = vector.extract_strided_slice %get3A_550 {offsets = [0], sizes = [1], strides = [1]} : vector<16xf32> to vector<1xf32>
        %squeeze3A_686 = vector.extract %slice3A_685[0] : f32 from vector<1xf32>
        %mul3A_687 = vector.broadcast %squeeze3A_682 : f32 to vector<16xf32>
        %mul3A_688 = arith.mulf %add3A_562, %mul3A_687 : vector<16xf32>
        %mul3A_689 = vector.broadcast %squeeze3A_684 : f32 to vector<16xf32>
        %mul3A_690 = arith.mulf %add3A_576, %mul3A_689 : vector<16xf32>
        %add3A_691 = arith.addf %mul3A_688, %mul3A_690 : vector<16xf32>
        %mul3A_692 = vector.broadcast %squeeze3A_686 : f32 to vector<16xf32>
        %mul3A_693 = arith.mulf %add3A_590, %mul3A_692 : vector<16xf32>
        %add3A_694 = arith.addf %add3A_691, %mul3A_693 : vector<16xf32>
        %add3A_695 = arith.constant 0 : i32
        %add3A_696 = vector.broadcast %add3A_695 : i32 to vector<16xi32>
        %add3A_697 = arith.addi %add3A_678, %add3A_696 : vector<16xi32>
        tpu.vector_store_idx %arg9[%add3A_697], %add3A_694 : memref<6144xf32, #tpu.memory_space<vmem>>[vector<16xi32>], vector<16xf32>,
        %mul3A_698 = vector.broadcast %squeeze3A_682 : f32 to vector<16xf32>
        %mul3A_699 = arith.mulf %add3A_604, %mul3A_698 : vector<16xf32>
        %mul3A_700 = vector.broadcast %squeeze3A_684 : f32 to vector<16xf32>
        %mul3A_701 = arith.mulf %add3A_618, %mul3A_700 : vector<16xf32>
        %add3A_702 = arith.addf %mul3A_699, %mul3A_701 : vector<16xf32>
        %mul3A_703 = vector.broadcast %squeeze3A_686 : f32 to vector<16xf32>
        %mul3A_704 = arith.mulf %add3A_632, %mul3A_703 : vector<16xf32>
        %add3A_705 = arith.addf %add3A_702, %mul3A_704 : vector<16xf32>
        %add3A_706 = arith.constant 2048 : i32
        %add3A_707 = vector.broadcast %add3A_706 : i32 to vector<16xi32>
        %add3A_708 = arith.addi %add3A_678, %add3A_707 : vector<16xi32>
        tpu.vector_store_idx %arg9[%add3A_708], %add3A_705 : memref<6144xf32, #tpu.memory_space<vmem>>[vector<16xi32>], vector<16xf32>,
        %mul3A_709 = vector.broadcast %squeeze3A_682 : f32 to vector<16xf32>
        %mul3A_710 = arith.mulf %add3A_646, %mul3A_709 : vector<16xf32>
        %mul3A_711 = vector.broadcast %squeeze3A_684 : f32 to vector<16xf32>
        %mul3A_712 = arith.mulf %add3A_660, %mul3A_711 : vector<16xf32>
        %add3A_713 = arith.addf %mul3A_710, %mul3A_712 : vector<16xf32>
        %mul3A_714 = vector.broadcast %squeeze3A_686 : f32 to vector<16xf32>
        %mul3A_715 = arith.mulf %add3A_674, %mul3A_714 : vector<16xf32>
        %add3A_716 = arith.addf %add3A_713, %mul3A_715 : vector<16xf32>
        %add3A_717 = arith.constant 4096 : i32
        %add3A_718 = vector.broadcast %add3A_717 : i32 to vector<16xi32>
        %add3A_719 = arith.addi %add3A_678, %add3A_718 : vector<16xi32>
        tpu.vector_store_idx %arg9[%add3A_719], %add3A_716 : memref<6144xf32, #tpu.memory_space<vmem>>[vector<16xi32>], vector<16xf32>,
        %slice3A_720 = vector.extract_strided_slice %get3A_535 {offsets = [1], sizes = [1], strides = [1]} : vector<16xf32> to vector<1xf32>
        %squeeze3A_721 = vector.extract %slice3A_720[0] : f32 from vector<1xf32>
        %slice3A_722 = vector.extract_strided_slice %get3A_540 {offsets = [1], sizes = [1], strides = [1]} : vector<16xf32> to vector<1xf32>
        %squeeze3A_723 = vector.extract %slice3A_722[0] : f32 from vector<1xf32>
        %slice3A_724 = vector.extract_strided_slice %get3A_545 {offsets = [1], sizes = [1], strides = [1]} : vector<16xf32> to vector<1xf32>
        %squeeze3A_725 = vector.extract %slice3A_724[0] : f32 from vector<1xf32>
        %slice3A_726 = vector.extract_strided_slice %get3A_550 {offsets = [1], sizes = [1], strides = [1]} : vector<16xf32> to vector<1xf32>
        %squeeze3A_727 = vector.extract %slice3A_726[0] : f32 from vector<1xf32>
        %mul3A_728 = vector.broadcast %squeeze3A_723 : f32 to vector<16xf32>
        %mul3A_729 = arith.mulf %add3A_562, %mul3A_728 : vector<16xf32>
        %mul3A_730 = vector.broadcast %squeeze3A_725 : f32 to vector<16xf32>
        %mul3A_731 = arith.mulf %add3A_576, %mul3A_730 : vector<16xf32>
        %add3A_732 = arith.addf %mul3A_729, %mul3A_731 : vector<16xf32>
        %mul3A_733 = vector.broadcast %squeeze3A_727 : f32 to vector<16xf32>
        %mul3A_734 = arith.mulf %add3A_590, %mul3A_733 : vector<16xf32>
        %add3A_735 = arith.addf %add3A_732, %mul3A_734 : vector<16xf32>
        %add3A_736 = arith.constant 1 : i32
        %add3A_737 = vector.broadcast %add3A_736 : i32 to vector<16xi32>
        %add3A_738 = arith.addi %add3A_678, %add3A_737 : vector<16xi32>
        tpu.vector_store_idx %arg9[%add3A_738], %add3A_735 : memref<6144xf32, #tpu.memory_space<vmem>>[vector<16xi32>], vector<16xf32>,
        %mul3A_739 = vector.broadcast %squeeze3A_723 : f32 to vector<16xf32>
        %mul3A_740 = arith.mulf %add3A_604, %mul3A_739 : vector<16xf32>
        %mul3A_741 = vector.broadcast %squeeze3A_725 : f32 to vector<16xf32>
        %mul3A_742 = arith.mulf %add3A_618, %mul3A_741 : vector<16xf32>
        %add3A_743 = arith.addf %mul3A_740, %mul3A_742 : vector<16xf32>
        %mul3A_744 = vector.broadcast %squeeze3A_727 : f32 to vector<16xf32>
        %mul3A_745 = arith.mulf %add3A_632, %mul3A_744 : vector<16xf32>
        %add3A_746 = arith.addf %add3A_743, %mul3A_745 : vector<16xf32>
        %add3A_747 = arith.constant 2049 : i32
        %add3A_748 = vector.broadcast %add3A_747 : i32 to vector<16xi32>
        %add3A_749 = arith.addi %add3A_678, %add3A_748 : vector<16xi32>
        tpu.vector_store_idx %arg9[%add3A_749], %add3A_746 : memref<6144xf32, #tpu.memory_space<vmem>>[vector<16xi32>], vector<16xf32>,
        %mul3A_750 = vector.broadcast %squeeze3A_723 : f32 to vector<16xf32>
        %mul3A_751 = arith.mulf %add3A_646, %mul3A_750 : vector<16xf32>
        %mul3A_752 = vector.broadcast %squeeze3A_725 : f32 to vector<16xf32>
        %mul3A_753 = arith.mulf %add3A_660, %mul3A_752 : vector<16xf32>
        %add3A_754 = arith.addf %mul3A_751, %mul3A_753 : vector<16xf32>
        %mul3A_755 = vector.broadcast %squeeze3A_727 : f32 to vector<16xf32>
        %mul3A_756 = arith.mulf %add3A_674, %mul3A_755 : vector<16xf32>
        %add3A_757 = arith.addf %add3A_754, %mul3A_756 : vector<16xf32>
        %add3A_758 = arith.constant 4097 : i32
        %add3A_759 = vector.broadcast %add3A_758 : i32 to vector<16xi32>
        %add3A_760 = arith.addi %add3A_678, %add3A_759 : vector<16xi32>
        tpu.vector_store_idx %arg9[%add3A_760], %add3A_757 : memref<6144xf32, #tpu.memory_space<vmem>>[vector<16xi32>], vector<16xf32>,
        %slice3A_761 = vector.extract_strided_slice %get3A_535 {offsets = [2], sizes = [1], strides = [1]} : vector<16xf32> to vector<1xf32>
        %squeeze3A_762 = vector.extract %slice3A_761[0] : f32 from vector<1xf32>
        %slice3A_763 = vector.extract_strided_slice %get3A_540 {offsets = [2], sizes = [1], strides = [1]} : vector<16xf32> to vector<1xf32>
        %squeeze3A_764 = vector.extract %slice3A_763[0] : f32 from vector<1xf32>
        %slice3A_765 = vector.extract_strided_slice %get3A_545 {offsets = [2], sizes = [1], strides = [1]} : vector<16xf32> to vector<1xf32>
        %squeeze3A_766 = vector.extract %slice3A_765[0] : f32 from vector<1xf32>
        %slice3A_767 = vector.extract_strided_slice %get3A_550 {offsets = [2], sizes = [1], strides = [1]} : vector<16xf32> to vector<1xf32>
        %squeeze3A_768 = vector.extract %slice3A_767[0] : f32 from vector<1xf32>
        %mul3A_769 = vector.broadcast %squeeze3A_764 : f32 to vector<16xf32>
        %mul3A_770 = arith.mulf %add3A_562, %mul3A_769 : vector<16xf32>
        %mul3A_771 = vector.broadcast %squeeze3A_766 : f32 to vector<16xf32>
        %mul3A_772 = arith.mulf %add3A_576, %mul3A_771 : vector<16xf32>
        %add3A_773 = arith.addf %mul3A_770, %mul3A_772 : vector<16xf32>
        %mul3A_774 = vector.broadcast %squeeze3A_768 : f32 to vector<16xf32>
        %mul3A_775 = arith.mulf %add3A_590, %mul3A_774 : vector<16xf32>
        %add3A_776 = arith.addf %add3A_773, %mul3A_775 : vector<16xf32>
        %add3A_777 = arith.constant 2 : i32
        %add3A_778 = vector.broadcast %add3A_777 : i32 to vector<16xi32>
        %add3A_779 = arith.addi %add3A_678, %add3A_778 : vector<16xi32>
        tpu.vector_store_idx %arg9[%add3A_779], %add3A_776 : memref<6144xf32, #tpu.memory_space<vmem>>[vector<16xi32>], vector<16xf32>,
        %mul3A_780 = vector.broadcast %squeeze3A_764 : f32 to vector<16xf32>
        %mul3A_781 = arith.mulf %add3A_604, %mul3A_780 : vector<16xf32>
        %mul3A_782 = vector.broadcast %squeeze3A_766 : f32 to vector<16xf32>
        %mul3A_783 = arith.mulf %add3A_618, %mul3A_782 : vector<16xf32>
        %add3A_784 = arith.addf %mul3A_781, %mul3A_783 : vector<16xf32>
        %mul3A_785 = vector.broadcast %squeeze3A_768 : f32 to vector<16xf32>
        %mul3A_786 = arith.mulf %add3A_632, %mul3A_785 : vector<16xf32>
        %add3A_787 = arith.addf %add3A_784, %mul3A_786 : vector<16xf32>
        %add3A_788 = arith.constant 2050 : i32
        %add3A_789 = vector.broadcast %add3A_788 : i32 to vector<16xi32>
        %add3A_790 = arith.addi %add3A_678, %add3A_789 : vector<16xi32>
        tpu.vector_store_idx %arg9[%add3A_790], %add3A_787 : memref<6144xf32, #tpu.memory_space<vmem>>[vector<16xi32>], vector<16xf32>,
        %mul3A_791 = vector.broadcast %squeeze3A_764 : f32 to vector<16xf32>
        %mul3A_792 = arith.mulf %add3A_646, %mul3A_791 : vector<16xf32>
        %mul3A_793 = vector.broadcast %squeeze3A_766 : f32 to vector<16xf32>
        %mul3A_794 = arith.mulf %add3A_660, %mul3A_793 : vector<16xf32>
        %add3A_795 = arith.addf %mul3A_792, %mul3A_794 : vector<16xf32>
        %mul3A_796 = vector.broadcast %squeeze3A_768 : f32 to vector<16xf32>
        %mul3A_797 = arith.mulf %add3A_674, %mul3A_796 : vector<16xf32>
        %add3A_798 = arith.addf %add3A_795, %mul3A_797 : vector<16xf32>
        %add3A_799 = arith.constant 4098 : i32
        %add3A_800 = vector.broadcast %add3A_799 : i32 to vector<16xi32>
        %add3A_801 = arith.addi %add3A_678, %add3A_800 : vector<16xi32>
        tpu.vector_store_idx %arg9[%add3A_801], %add3A_798 : memref<6144xf32, #tpu.memory_space<vmem>>[vector<16xi32>], vector<16xf32>,
        %slice3A_802 = vector.extract_strided_slice %get3A_535 {offsets = [3], sizes = [1], strides = [1]} : vector<16xf32> to vector<1xf32>
        %squeeze3A_803 = vector.extract %slice3A_802[0] : f32 from vector<1xf32>
        %slice3A_804 = vector.extract_strided_slice %get3A_540 {offsets = [3], sizes = [1], strides = [1]} : vector<16xf32> to vector<1xf32>
        %squeeze3A_805 = vector.extract %slice3A_804[0] : f32 from vector<1xf32>
        %slice3A_806 = vector.extract_strided_slice %get3A_545 {offsets = [3], sizes = [1], strides = [1]} : vector<16xf32> to vector<1xf32>
        %squeeze3A_807 = vector.extract %slice3A_806[0] : f32 from vector<1xf32>
        %slice3A_808 = vector.extract_strided_slice %get3A_550 {offsets = [3], sizes = [1], strides = [1]} : vector<16xf32> to vector<1xf32>
        %squeeze3A_809 = vector.extract %slice3A_808[0] : f32 from vector<1xf32>
        %mul3A_810 = vector.broadcast %squeeze3A_805 : f32 to vector<16xf32>
        %mul3A_811 = arith.mulf %add3A_562, %mul3A_810 : vector<16xf32>
        %mul3A_812 = vector.broadcast %squeeze3A_807 : f32 to vector<16xf32>
        %mul3A_813 = arith.mulf %add3A_576, %mul3A_812 : vector<16xf32>
        %add3A_814 = arith.addf %mul3A_811, %mul3A_813 : vector<16xf32>
        %mul3A_815 = vector.broadcast %squeeze3A_809 : f32 to vector<16xf32>
        %mul3A_816 = arith.mulf %add3A_590, %mul3A_815 : vector<16xf32>
        %add3A_817 = arith.addf %add3A_814, %mul3A_816 : vector<16xf32>
        %add3A_818 = arith.constant 3 : i32
        %add3A_819 = vector.broadcast %add3A_818 : i32 to vector<16xi32>
        %add3A_820 = arith.addi %add3A_678, %add3A_819 : vector<16xi32>
        tpu.vector_store_idx %arg9[%add3A_820], %add3A_817 : memref<6144xf32, #tpu.memory_space<vmem>>[vector<16xi32>], vector<16xf32>,
        %mul3A_821 = vector.broadcast %squeeze3A_805 : f32 to vector<16xf32>
        %mul3A_822 = arith.mulf %add3A_604, %mul3A_821 : vector<16xf32>
        %mul3A_823 = vector.broadcast %squeeze3A_807 : f32 to vector<16xf32>
        %mul3A_824 = arith.mulf %add3A_618, %mul3A_823 : vector<16xf32>
        %add3A_825 = arith.addf %mul3A_822, %mul3A_824 : vector<16xf32>
        %mul3A_826 = vector.broadcast %squeeze3A_809 : f32 to vector<16xf32>
        %mul3A_827 = arith.mulf %add3A_632, %mul3A_826 : vector<16xf32>
        %add3A_828 = arith.addf %add3A_825, %mul3A_827 : vector<16xf32>
        %add3A_829 = arith.constant 2051 : i32
        %add3A_830 = vector.broadcast %add3A_829 : i32 to vector<16xi32>
        %add3A_831 = arith.addi %add3A_678, %add3A_830 : vector<16xi32>
        tpu.vector_store_idx %arg9[%add3A_831], %add3A_828 : memref<6144xf32, #tpu.memory_space<vmem>>[vector<16xi32>], vector<16xf32>,
        %mul3A_832 = vector.broadcast %squeeze3A_805 : f32 to vector<16xf32>
        %mul3A_833 = arith.mulf %add3A_646, %mul3A_832 : vector<16xf32>
        %mul3A_834 = vector.broadcast %squeeze3A_807 : f32 to vector<16xf32>
        %mul3A_835 = arith.mulf %add3A_660, %mul3A_834 : vector<16xf32>
        %add3A_836 = arith.addf %mul3A_833, %mul3A_835 : vector<16xf32>
        %mul3A_837 = vector.broadcast %squeeze3A_809 : f32 to vector<16xf32>
        %mul3A_838 = arith.mulf %add3A_674, %mul3A_837 : vector<16xf32>
        %add3A_839 = arith.addf %add3A_836, %mul3A_838 : vector<16xf32>
        %add3A_840 = arith.constant 4099 : i32
        %add3A_841 = vector.broadcast %add3A_840 : i32 to vector<16xi32>
        %add3A_842 = arith.addi %add3A_678, %add3A_841 : vector<16xi32>
        tpu.vector_store_idx %arg9[%add3A_842], %add3A_839 : memref<6144xf32, #tpu.memory_space<vmem>>[vector<16xi32>], vector<16xf32>,
        %slice3A_843 = vector.extract_strided_slice %get3A_535 {offsets = [4], sizes = [1], strides = [1]} : vector<16xf32> to vector<1xf32>
        %squeeze3A_844 = vector.extract %slice3A_843[0] : f32 from vector<1xf32>
        %slice3A_845 = vector.extract_strided_slice %get3A_540 {offsets = [4], sizes = [1], strides = [1]} : vector<16xf32> to vector<1xf32>
        %squeeze3A_846 = vector.extract %slice3A_845[0] : f32 from vector<1xf32>
        %slice3A_847 = vector.extract_strided_slice %get3A_545 {offsets = [4], sizes = [1], strides = [1]} : vector<16xf32> to vector<1xf32>
        %squeeze3A_848 = vector.extract %slice3A_847[0] : f32 from vector<1xf32>
        %slice3A_849 = vector.extract_strided_slice %get3A_550 {offsets = [4], sizes = [1], strides = [1]} : vector<16xf32> to vector<1xf32>
        %squeeze3A_850 = vector.extract %slice3A_849[0] : f32 from vector<1xf32>
        %mul3A_851 = vector.broadcast %squeeze3A_846 : f32 to vector<16xf32>
        %mul3A_852 = arith.mulf %add3A_562, %mul3A_851 : vector<16xf32>
        %mul3A_853 = vector.broadcast %squeeze3A_848 : f32 to vector<16xf32>
        %mul3A_854 = arith.mulf %add3A_576, %mul3A_853 : vector<16xf32>
        %add3A_855 = arith.addf %mul3A_852, %mul3A_854 : vector<16xf32>
        %mul3A_856 = vector.broadcast %squeeze3A_850 : f32 to vector<16xf32>
        %mul3A_857 = arith.mulf %add3A_590, %mul3A_856 : vector<16xf32>
        %add3A_858 = arith.addf %add3A_855, %mul3A_857 : vector<16xf32>
        %add3A_859 = arith.constant 4 : i32
        %add3A_860 = vector.broadcast %add3A_859 : i32 to vector<16xi32>
        %add3A_861 = arith.addi %add3A_678, %add3A_860 : vector<16xi32>
        tpu.vector_store_idx %arg9[%add3A_861], %add3A_858 : memref<6144xf32, #tpu.memory_space<vmem>>[vector<16xi32>], vector<16xf32>,
        %mul3A_862 = vector.broadcast %squeeze3A_846 : f32 to vector<16xf32>
        %mul3A_863 = arith.mulf %add3A_604, %mul3A_862 : vector<16xf32>
        %mul3A_864 = vector.broadcast %squeeze3A_848 : f32 to vector<16xf32>
        %mul3A_865 = arith.mulf %add3A_618, %mul3A_864 : vector<16xf32>
        %add3A_866 = arith.addf %mul3A_863, %mul3A_865 : vector<16xf32>
        %mul3A_867 = vector.broadcast %squeeze3A_850 : f32 to vector<16xf32>
        %mul3A_868 = arith.mulf %add3A_632, %mul3A_867 : vector<16xf32>
        %add3A_869 = arith.addf %add3A_866, %mul3A_868 : vector<16xf32>
        %add3A_870 = arith.constant 2052 : i32
        %add3A_871 = vector.broadcast %add3A_870 : i32 to vector<16xi32>
        %add3A_872 = arith.addi %add3A_678, %add3A_871 : vector<16xi32>
        tpu.vector_store_idx %arg9[%add3A_872], %add3A_869 : memref<6144xf32, #tpu.memory_space<vmem>>[vector<16xi32>], vector<16xf32>,
        %mul3A_873 = vector.broadcast %squeeze3A_846 : f32 to vector<16xf32>
        %mul3A_874 = arith.mulf %add3A_646, %mul3A_873 : vector<16xf32>
        %mul3A_875 = vector.broadcast %squeeze3A_848 : f32 to vector<16xf32>
        %mul3A_876 = arith.mulf %add3A_660, %mul3A_875 : vector<16xf32>
        %add3A_877 = arith.addf %mul3A_874, %mul3A_876 : vector<16xf32>
        %mul3A_878 = vector.broadcast %squeeze3A_850 : f32 to vector<16xf32>
        %mul3A_879 = arith.mulf %add3A_674, %mul3A_878 : vector<16xf32>
        %add3A_880 = arith.addf %add3A_877, %mul3A_879 : vector<16xf32>
        %add3A_881 = arith.constant 4100 : i32
        %add3A_882 = vector.broadcast %add3A_881 : i32 to vector<16xi32>
        %add3A_883 = arith.addi %add3A_678, %add3A_882 : vector<16xi32>
        tpu.vector_store_idx %arg9[%add3A_883], %add3A_880 : memref<6144xf32, #tpu.memory_space<vmem>>[vector<16xi32>], vector<16xf32>,
        %slice3A_884 = vector.extract_strided_slice %get3A_535 {offsets = [5], sizes = [1], strides = [1]} : vector<16xf32> to vector<1xf32>
        %squeeze3A_885 = vector.extract %slice3A_884[0] : f32 from vector<1xf32>
        %slice3A_886 = vector.extract_strided_slice %get3A_540 {offsets = [5], sizes = [1], strides = [1]} : vector<16xf32> to vector<1xf32>
        %squeeze3A_887 = vector.extract %slice3A_886[0] : f32 from vector<1xf32>
        %slice3A_888 = vector.extract_strided_slice %get3A_545 {offsets = [5], sizes = [1], strides = [1]} : vector<16xf32> to vector<1xf32>
        %squeeze3A_889 = vector.extract %slice3A_888[0] : f32 from vector<1xf32>
        %slice3A_890 = vector.extract_strided_slice %get3A_550 {offsets = [5], sizes = [1], strides = [1]} : vector<16xf32> to vector<1xf32>
        %squeeze3A_891 = vector.extract %slice3A_890[0] : f32 from vector<1xf32>
        %mul3A_892 = vector.broadcast %squeeze3A_887 : f32 to vector<16xf32>
        %mul3A_893 = arith.mulf %add3A_562, %mul3A_892 : vector<16xf32>
        %mul3A_894 = vector.broadcast %squeeze3A_889 : f32 to vector<16xf32>
        %mul3A_895 = arith.mulf %add3A_576, %mul3A_894 : vector<16xf32>
        %add3A_896 = arith.addf %mul3A_893, %mul3A_895 : vector<16xf32>
        %mul3A_897 = vector.broadcast %squeeze3A_891 : f32 to vector<16xf32>
        %mul3A_898 = arith.mulf %add3A_590, %mul3A_897 : vector<16xf32>
        %add3A_899 = arith.addf %add3A_896, %mul3A_898 : vector<16xf32>
        %add3A_900 = arith.constant 5 : i32
        %add3A_901 = vector.broadcast %add3A_900 : i32 to vector<16xi32>
        %add3A_902 = arith.addi %add3A_678, %add3A_901 : vector<16xi32>
        tpu.vector_store_idx %arg9[%add3A_902], %add3A_899 : memref<6144xf32, #tpu.memory_space<vmem>>[vector<16xi32>], vector<16xf32>,
        %mul3A_903 = vector.broadcast %squeeze3A_887 : f32 to vector<16xf32>
        %mul3A_904 = arith.mulf %add3A_604, %mul3A_903 : vector<16xf32>
        %mul3A_905 = vector.broadcast %squeeze3A_889 : f32 to vector<16xf32>
        %mul3A_906 = arith.mulf %add3A_618, %mul3A_905 : vector<16xf32>
        %add3A_907 = arith.addf %mul3A_904, %mul3A_906 : vector<16xf32>
        %mul3A_908 = vector.broadcast %squeeze3A_891 : f32 to vector<16xf32>
        %mul3A_909 = arith.mulf %add3A_632, %mul3A_908 : vector<16xf32>
        %add3A_910 = arith.addf %add3A_907, %mul3A_909 : vector<16xf32>
        %add3A_911 = arith.constant 2053 : i32
        %add3A_912 = vector.broadcast %add3A_911 : i32 to vector<16xi32>
        %add3A_913 = arith.addi %add3A_678, %add3A_912 : vector<16xi32>
        tpu.vector_store_idx %arg9[%add3A_913], %add3A_910 : memref<6144xf32, #tpu.memory_space<vmem>>[vector<16xi32>], vector<16xf32>,
        %mul3A_914 = vector.broadcast %squeeze3A_887 : f32 to vector<16xf32>
        %mul3A_915 = arith.mulf %add3A_646, %mul3A_914 : vector<16xf32>
        %mul3A_916 = vector.broadcast %squeeze3A_889 : f32 to vector<16xf32>
        %mul3A_917 = arith.mulf %add3A_660, %mul3A_916 : vector<16xf32>
        %add3A_918 = arith.addf %mul3A_915, %mul3A_917 : vector<16xf32>
        %mul3A_919 = vector.broadcast %squeeze3A_891 : f32 to vector<16xf32>
        %mul3A_920 = arith.mulf %add3A_674, %mul3A_919 : vector<16xf32>
        %add3A_921 = arith.addf %add3A_918, %mul3A_920 : vector<16xf32>
        %add3A_922 = arith.constant 4101 : i32
        %add3A_923 = vector.broadcast %add3A_922 : i32 to vector<16xi32>
        %add3A_924 = arith.addi %add3A_678, %add3A_923 : vector<16xi32>
        tpu.vector_store_idx %arg9[%add3A_924], %add3A_921 : memref<6144xf32, #tpu.memory_space<vmem>>[vector<16xi32>], vector<16xf32>,
        %slice3A_925 = vector.extract_strided_slice %get3A_535 {offsets = [6], sizes = [1], strides = [1]} : vector<16xf32> to vector<1xf32>
        %squeeze3A_926 = vector.extract %slice3A_925[0] : f32 from vector<1xf32>
        %slice3A_927 = vector.extract_strided_slice %get3A_540 {offsets = [6], sizes = [1], strides = [1]} : vector<16xf32> to vector<1xf32>
        %squeeze3A_928 = vector.extract %slice3A_927[0] : f32 from vector<1xf32>
        %slice3A_929 = vector.extract_strided_slice %get3A_545 {offsets = [6], sizes = [1], strides = [1]} : vector<16xf32> to vector<1xf32>
        %squeeze3A_930 = vector.extract %slice3A_929[0] : f32 from vector<1xf32>
        %slice3A_931 = vector.extract_strided_slice %get3A_550 {offsets = [6], sizes = [1], strides = [1]} : vector<16xf32> to vector<1xf32>
        %squeeze3A_932 = vector.extract %slice3A_931[0] : f32 from vector<1xf32>
        %mul3A_933 = vector.broadcast %squeeze3A_928 : f32 to vector<16xf32>
        %mul3A_934 = arith.mulf %add3A_562, %mul3A_933 : vector<16xf32>
        %mul3A_935 = vector.broadcast %squeeze3A_930 : f32 to vector<16xf32>
        %mul3A_936 = arith.mulf %add3A_576, %mul3A_935 : vector<16xf32>
        %add3A_937 = arith.addf %mul3A_934, %mul3A_936 : vector<16xf32>
        %mul3A_938 = vector.broadcast %squeeze3A_932 : f32 to vector<16xf32>
        %mul3A_939 = arith.mulf %add3A_590, %mul3A_938 : vector<16xf32>
        %add3A_940 = arith.addf %add3A_937, %mul3A_939 : vector<16xf32>
        %add3A_941 = arith.constant 6 : i32
        %add3A_942 = vector.broadcast %add3A_941 : i32 to vector<16xi32>
        %add3A_943 = arith.addi %add3A_678, %add3A_942 : vector<16xi32>
        tpu.vector_store_idx %arg9[%add3A_943], %add3A_940 : memref<6144xf32, #tpu.memory_space<vmem>>[vector<16xi32>], vector<16xf32>,
        %mul3A_944 = vector.broadcast %squeeze3A_928 : f32 to vector<16xf32>
        %mul3A_945 = arith.mulf %add3A_604, %mul3A_944 : vector<16xf32>
        %mul3A_946 = vector.broadcast %squeeze3A_930 : f32 to vector<16xf32>
        %mul3A_947 = arith.mulf %add3A_618, %mul3A_946 : vector<16xf32>
        %add3A_948 = arith.addf %mul3A_945, %mul3A_947 : vector<16xf32>
        %mul3A_949 = vector.broadcast %squeeze3A_932 : f32 to vector<16xf32>
        %mul3A_950 = arith.mulf %add3A_632, %mul3A_949 : vector<16xf32>
        %add3A_951 = arith.addf %add3A_948, %mul3A_950 : vector<16xf32>
        %add3A_952 = arith.constant 2054 : i32
        %add3A_953 = vector.broadcast %add3A_952 : i32 to vector<16xi32>
        %add3A_954 = arith.addi %add3A_678, %add3A_953 : vector<16xi32>
        tpu.vector_store_idx %arg9[%add3A_954], %add3A_951 : memref<6144xf32, #tpu.memory_space<vmem>>[vector<16xi32>], vector<16xf32>,
        %mul3A_955 = vector.broadcast %squeeze3A_928 : f32 to vector<16xf32>
        %mul3A_956 = arith.mulf %add3A_646, %mul3A_955 : vector<16xf32>
        %mul3A_957 = vector.broadcast %squeeze3A_930 : f32 to vector<16xf32>
        %mul3A_958 = arith.mulf %add3A_660, %mul3A_957 : vector<16xf32>
        %add3A_959 = arith.addf %mul3A_956, %mul3A_958 : vector<16xf32>
        %mul3A_960 = vector.broadcast %squeeze3A_932 : f32 to vector<16xf32>
        %mul3A_961 = arith.mulf %add3A_674, %mul3A_960 : vector<16xf32>
        %add3A_962 = arith.addf %add3A_959, %mul3A_961 : vector<16xf32>
        %add3A_963 = arith.constant 4102 : i32
        %add3A_964 = vector.broadcast %add3A_963 : i32 to vector<16xi32>
        %add3A_965 = arith.addi %add3A_678, %add3A_964 : vector<16xi32>
        tpu.vector_store_idx %arg9[%add3A_965], %add3A_962 : memref<6144xf32, #tpu.memory_space<vmem>>[vector<16xi32>], vector<16xf32>,
        %slice3A_966 = vector.extract_strided_slice %get3A_535 {offsets = [7], sizes = [1], strides = [1]} : vector<16xf32> to vector<1xf32>
        %squeeze3A_967 = vector.extract %slice3A_966[0] : f32 from vector<1xf32>
        %slice3A_968 = vector.extract_strided_slice %get3A_540 {offsets = [7], sizes = [1], strides = [1]} : vector<16xf32> to vector<1xf32>
        %squeeze3A_969 = vector.extract %slice3A_968[0] : f32 from vector<1xf32>
        %slice3A_970 = vector.extract_strided_slice %get3A_545 {offsets = [7], sizes = [1], strides = [1]} : vector<16xf32> to vector<1xf32>
        %squeeze3A_971 = vector.extract %slice3A_970[0] : f32 from vector<1xf32>
        %slice3A_972 = vector.extract_strided_slice %get3A_550 {offsets = [7], sizes = [1], strides = [1]} : vector<16xf32> to vector<1xf32>
        %squeeze3A_973 = vector.extract %slice3A_972[0] : f32 from vector<1xf32>
        %mul3A_974 = vector.broadcast %squeeze3A_969 : f32 to vector<16xf32>
        %mul3A_975 = arith.mulf %add3A_562, %mul3A_974 : vector<16xf32>
        %mul3A_976 = vector.broadcast %squeeze3A_971 : f32 to vector<16xf32>
        %mul3A_977 = arith.mulf %add3A_576, %mul3A_976 : vector<16xf32>
        %add3A_978 = arith.addf %mul3A_975, %mul3A_977 : vector<16xf32>
        %mul3A_979 = vector.broadcast %squeeze3A_973 : f32 to vector<16xf32>
        %mul3A_980 = arith.mulf %add3A_590, %mul3A_979 : vector<16xf32>
        %add3A_981 = arith.addf %add3A_978, %mul3A_980 : vector<16xf32>
        %add3A_982 = arith.constant 7 : i32
        %add3A_983 = vector.broadcast %add3A_982 : i32 to vector<16xi32>
        %add3A_984 = arith.addi %add3A_678, %add3A_983 : vector<16xi32>
        tpu.vector_store_idx %arg9[%add3A_984], %add3A_981 : memref<6144xf32, #tpu.memory_space<vmem>>[vector<16xi32>], vector<16xf32>,
        %mul3A_985 = vector.broadcast %squeeze3A_969 : f32 to vector<16xf32>
        %mul3A_986 = arith.mulf %add3A_604, %mul3A_985 : vector<16xf32>
        %mul3A_987 = vector.broadcast %squeeze3A_971 : f32 to vector<16xf32>
        %mul3A_988 = arith.mulf %add3A_618, %mul3A_987 : vector<16xf32>
        %add3A_989 = arith.addf %mul3A_986, %mul3A_988 : vector<16xf32>
        %mul3A_990 = vector.broadcast %squeeze3A_973 : f32 to vector<16xf32>
        %mul3A_991 = arith.mulf %add3A_632, %mul3A_990 : vector<16xf32>
        %add3A_992 = arith.addf %add3A_989, %mul3A_991 : vector<16xf32>
        %add3A_993 = arith.constant 2055 : i32
        %add3A_994 = vector.broadcast %add3A_993 : i32 to vector<16xi32>
        %add3A_995 = arith.addi %add3A_678, %add3A_994 : vector<16xi32>
        tpu.vector_store_idx %arg9[%add3A_995], %add3A_992 : memref<6144xf32, #tpu.memory_space<vmem>>[vector<16xi32>], vector<16xf32>,
        %mul3A_996 = vector.broadcast %squeeze3A_969 : f32 to vector<16xf32>
        %mul3A_997 = arith.mulf %add3A_646, %mul3A_996 : vector<16xf32>
        %mul3A_998 = vector.broadcast %squeeze3A_971 : f32 to vector<16xf32>
        %mul3A_999 = arith.mulf %add3A_660, %mul3A_998 : vector<16xf32>
        %add3A_1000 = arith.addf %mul3A_997, %mul3A_999 : vector<16xf32>
        %mul3A_1001 = vector.broadcast %squeeze3A_973 : f32 to vector<16xf32>
        %mul3A_1002 = arith.mulf %add3A_674, %mul3A_1001 : vector<16xf32>
        %add3A_1003 = arith.addf %add3A_1000, %mul3A_1002 : vector<16xf32>
        %add3A_1004 = arith.constant 4103 : i32
        %add3A_1005 = vector.broadcast %add3A_1004 : i32 to vector<16xi32>
        %add3A_1006 = arith.addi %add3A_678, %add3A_1005 : vector<16xi32>
        tpu.vector_store_idx %arg9[%add3A_1006], %add3A_1003 : memref<6144xf32, #tpu.memory_space<vmem>>[vector<16xi32>], vector<16xf32>,
        %slice3A_1007 = vector.extract_strided_slice %get3A_535 {offsets = [8], sizes = [1], strides = [1]} : vector<16xf32> to vector<1xf32>
        %squeeze3A_1008 = vector.extract %slice3A_1007[0] : f32 from vector<1xf32>
        %slice3A_1009 = vector.extract_strided_slice %get3A_540 {offsets = [8], sizes = [1], strides = [1]} : vector<16xf32> to vector<1xf32>
        %squeeze3A_1010 = vector.extract %slice3A_1009[0] : f32 from vector<1xf32>
        %slice3A_1011 = vector.extract_strided_slice %get3A_545 {offsets = [8], sizes = [1], strides = [1]} : vector<16xf32> to vector<1xf32>
        %squeeze3A_1012 = vector.extract %slice3A_1011[0] : f32 from vector<1xf32>
        %slice3A_1013 = vector.extract_strided_slice %get3A_550 {offsets = [8], sizes = [1], strides = [1]} : vector<16xf32> to vector<1xf32>
        %squeeze3A_1014 = vector.extract %slice3A_1013[0] : f32 from vector<1xf32>
        %mul3A_1015 = vector.broadcast %squeeze3A_1010 : f32 to vector<16xf32>
        %mul3A_1016 = arith.mulf %add3A_562, %mul3A_1015 : vector<16xf32>
        %mul3A_1017 = vector.broadcast %squeeze3A_1012 : f32 to vector<16xf32>
        %mul3A_1018 = arith.mulf %add3A_576, %mul3A_1017 : vector<16xf32>
        %add3A_1019 = arith.addf %mul3A_1016, %mul3A_1018 : vector<16xf32>
        %mul3A_1020 = vector.broadcast %squeeze3A_1014 : f32 to vector<16xf32>
        %mul3A_1021 = arith.mulf %add3A_590, %mul3A_1020 : vector<16xf32>
        %add3A_1022 = arith.addf %add3A_1019, %mul3A_1021 : vector<16xf32>
        %add3A_1023 = arith.constant 8 : i32
        %add3A_1024 = vector.broadcast %add3A_1023 : i32 to vector<16xi32>
        %add3A_1025 = arith.addi %add3A_678, %add3A_1024 : vector<16xi32>
        tpu.vector_store_idx %arg9[%add3A_1025], %add3A_1022 : memref<6144xf32, #tpu.memory_space<vmem>>[vector<16xi32>], vector<16xf32>,
        %mul3A_1026 = vector.broadcast %squeeze3A_1010 : f32 to vector<16xf32>
        %mul3A_1027 = arith.mulf %add3A_604, %mul3A_1026 : vector<16xf32>
        %mul3A_1028 = vector.broadcast %squeeze3A_1012 : f32 to vector<16xf32>
        %mul3A_1029 = arith.mulf %add3A_618, %mul3A_1028 : vector<16xf32>
        %add3A_1030 = arith.addf %mul3A_1027, %mul3A_1029 : vector<16xf32>
        %mul3A_1031 = vector.broadcast %squeeze3A_1014 : f32 to vector<16xf32>
        %mul3A_1032 = arith.mulf %add3A_632, %mul3A_1031 : vector<16xf32>
        %add3A_1033 = arith.addf %add3A_1030, %mul3A_1032 : vector<16xf32>
        %add3A_1034 = arith.constant 2056 : i32
        %add3A_1035 = vector.broadcast %add3A_1034 : i32 to vector<16xi32>
        %add3A_1036 = arith.addi %add3A_678, %add3A_1035 : vector<16xi32>
        tpu.vector_store_idx %arg9[%add3A_1036], %add3A_1033 : memref<6144xf32, #tpu.memory_space<vmem>>[vector<16xi32>], vector<16xf32>,
        %mul3A_1037 = vector.broadcast %squeeze3A_1010 : f32 to vector<16xf32>
        %mul3A_1038 = arith.mulf %add3A_646, %mul3A_1037 : vector<16xf32>
        %mul3A_1039 = vector.broadcast %squeeze3A_1012 : f32 to vector<16xf32>
        %mul3A_1040 = arith.mulf %add3A_660, %mul3A_1039 : vector<16xf32>
        %add3A_1041 = arith.addf %mul3A_1038, %mul3A_1040 : vector<16xf32>
        %mul3A_1042 = vector.broadcast %squeeze3A_1014 : f32 to vector<16xf32>
        %mul3A_1043 = arith.mulf %add3A_674, %mul3A_1042 : vector<16xf32>
        %add3A_1044 = arith.addf %add3A_1041, %mul3A_1043 : vector<16xf32>
        %add3A_1045 = arith.constant 4104 : i32
        %add3A_1046 = vector.broadcast %add3A_1045 : i32 to vector<16xi32>
        %add3A_1047 = arith.addi %add3A_678, %add3A_1046 : vector<16xi32>
        tpu.vector_store_idx %arg9[%add3A_1047], %add3A_1044 : memref<6144xf32, #tpu.memory_space<vmem>>[vector<16xi32>], vector<16xf32>,
        %slice3A_1048 = vector.extract_strided_slice %get3A_535 {offsets = [9], sizes = [1], strides = [1]} : vector<16xf32> to vector<1xf32>
        %squeeze3A_1049 = vector.extract %slice3A_1048[0] : f32 from vector<1xf32>
        %slice3A_1050 = vector.extract_strided_slice %get3A_540 {offsets = [9], sizes = [1], strides = [1]} : vector<16xf32> to vector<1xf32>
        %squeeze3A_1051 = vector.extract %slice3A_1050[0] : f32 from vector<1xf32>
        %slice3A_1052 = vector.extract_strided_slice %get3A_545 {offsets = [9], sizes = [1], strides = [1]} : vector<16xf32> to vector<1xf32>
        %squeeze3A_1053 = vector.extract %slice3A_1052[0] : f32 from vector<1xf32>
        %slice3A_1054 = vector.extract_strided_slice %get3A_550 {offsets = [9], sizes = [1], strides = [1]} : vector<16xf32> to vector<1xf32>
        %squeeze3A_1055 = vector.extract %slice3A_1054[0] : f32 from vector<1xf32>
        %mul3A_1056 = vector.broadcast %squeeze3A_1051 : f32 to vector<16xf32>
        %mul3A_1057 = arith.mulf %add3A_562, %mul3A_1056 : vector<16xf32>
        %mul3A_1058 = vector.broadcast %squeeze3A_1053 : f32 to vector<16xf32>
        %mul3A_1059 = arith.mulf %add3A_576, %mul3A_1058 : vector<16xf32>
        %add3A_1060 = arith.addf %mul3A_1057, %mul3A_1059 : vector<16xf32>
        %mul3A_1061 = vector.broadcast %squeeze3A_1055 : f32 to vector<16xf32>
        %mul3A_1062 = arith.mulf %add3A_590, %mul3A_1061 : vector<16xf32>
        %add3A_1063 = arith.addf %add3A_1060, %mul3A_1062 : vector<16xf32>
        %add3A_1064 = arith.constant 9 : i32
        %add3A_1065 = vector.broadcast %add3A_1064 : i32 to vector<16xi32>
        %add3A_1066 = arith.addi %add3A_678, %add3A_1065 : vector<16xi32>
        tpu.vector_store_idx %arg9[%add3A_1066], %add3A_1063 : memref<6144xf32, #tpu.memory_space<vmem>>[vector<16xi32>], vector<16xf32>,
        %mul3A_1067 = vector.broadcast %squeeze3A_1051 : f32 to vector<16xf32>
        %mul3A_1068 = arith.mulf %add3A_604, %mul3A_1067 : vector<16xf32>
        %mul3A_1069 = vector.broadcast %squeeze3A_1053 : f32 to vector<16xf32>
        %mul3A_1070 = arith.mulf %add3A_618, %mul3A_1069 : vector<16xf32>
        %add3A_1071 = arith.addf %mul3A_1068, %mul3A_1070 : vector<16xf32>
        %mul3A_1072 = vector.broadcast %squeeze3A_1055 : f32 to vector<16xf32>
        %mul3A_1073 = arith.mulf %add3A_632, %mul3A_1072 : vector<16xf32>
        %add3A_1074 = arith.addf %add3A_1071, %mul3A_1073 : vector<16xf32>
        %add3A_1075 = arith.constant 2057 : i32
        %add3A_1076 = vector.broadcast %add3A_1075 : i32 to vector<16xi32>
        %add3A_1077 = arith.addi %add3A_678, %add3A_1076 : vector<16xi32>
        tpu.vector_store_idx %arg9[%add3A_1077], %add3A_1074 : memref<6144xf32, #tpu.memory_space<vmem>>[vector<16xi32>], vector<16xf32>,
        %mul3A_1078 = vector.broadcast %squeeze3A_1051 : f32 to vector<16xf32>
        %mul3A_1079 = arith.mulf %add3A_646, %mul3A_1078 : vector<16xf32>
        %mul3A_1080 = vector.broadcast %squeeze3A_1053 : f32 to vector<16xf32>
        %mul3A_1081 = arith.mulf %add3A_660, %mul3A_1080 : vector<16xf32>
        %add3A_1082 = arith.addf %mul3A_1079, %mul3A_1081 : vector<16xf32>
        %mul3A_1083 = vector.broadcast %squeeze3A_1055 : f32 to vector<16xf32>
        %mul3A_1084 = arith.mulf %add3A_674, %mul3A_1083 : vector<16xf32>
        %add3A_1085 = arith.addf %add3A_1082, %mul3A_1084 : vector<16xf32>
        %add3A_1086 = arith.constant 4105 : i32
        %add3A_1087 = vector.broadcast %add3A_1086 : i32 to vector<16xi32>
        %add3A_1088 = arith.addi %add3A_678, %add3A_1087 : vector<16xi32>
        tpu.vector_store_idx %arg9[%add3A_1088], %add3A_1085 : memref<6144xf32, #tpu.memory_space<vmem>>[vector<16xi32>], vector<16xf32>,
        %slice3A_1089 = vector.extract_strided_slice %get3A_535 {offsets = [10], sizes = [1], strides = [1]} : vector<16xf32> to vector<1xf32>
        %squeeze3A_1090 = vector.extract %slice3A_1089[0] : f32 from vector<1xf32>
        %slice3A_1091 = vector.extract_strided_slice %get3A_540 {offsets = [10], sizes = [1], strides = [1]} : vector<16xf32> to vector<1xf32>
        %squeeze3A_1092 = vector.extract %slice3A_1091[0] : f32 from vector<1xf32>
        %slice3A_1093 = vector.extract_strided_slice %get3A_545 {offsets = [10], sizes = [1], strides = [1]} : vector<16xf32> to vector<1xf32>
        %squeeze3A_1094 = vector.extract %slice3A_1093[0] : f32 from vector<1xf32>
        %slice3A_1095 = vector.extract_strided_slice %get3A_550 {offsets = [10], sizes = [1], strides = [1]} : vector<16xf32> to vector<1xf32>
        %squeeze3A_1096 = vector.extract %slice3A_1095[0] : f32 from vector<1xf32>
        %mul3A_1097 = vector.broadcast %squeeze3A_1092 : f32 to vector<16xf32>
        %mul3A_1098 = arith.mulf %add3A_562, %mul3A_1097 : vector<16xf32>
        %mul3A_1099 = vector.broadcast %squeeze3A_1094 : f32 to vector<16xf32>
        %mul3A_1100 = arith.mulf %add3A_576, %mul3A_1099 : vector<16xf32>
        %add3A_1101 = arith.addf %mul3A_1098, %mul3A_1100 : vector<16xf32>
        %mul3A_1102 = vector.broadcast %squeeze3A_1096 : f32 to vector<16xf32>
        %mul3A_1103 = arith.mulf %add3A_590, %mul3A_1102 : vector<16xf32>
        %add3A_1104 = arith.addf %add3A_1101, %mul3A_1103 : vector<16xf32>
        %add3A_1105 = arith.constant 10 : i32
        %add3A_1106 = vector.broadcast %add3A_1105 : i32 to vector<16xi32>
        %add3A_1107 = arith.addi %add3A_678, %add3A_1106 : vector<16xi32>
        tpu.vector_store_idx %arg9[%add3A_1107], %add3A_1104 : memref<6144xf32, #tpu.memory_space<vmem>>[vector<16xi32>], vector<16xf32>,
        %mul3A_1108 = vector.broadcast %squeeze3A_1092 : f32 to vector<16xf32>
        %mul3A_1109 = arith.mulf %add3A_604, %mul3A_1108 : vector<16xf32>
        %mul3A_1110 = vector.broadcast %squeeze3A_1094 : f32 to vector<16xf32>
        %mul3A_1111 = arith.mulf %add3A_618, %mul3A_1110 : vector<16xf32>
        %add3A_1112 = arith.addf %mul3A_1109, %mul3A_1111 : vector<16xf32>
        %mul3A_1113 = vector.broadcast %squeeze3A_1096 : f32 to vector<16xf32>
        %mul3A_1114 = arith.mulf %add3A_632, %mul3A_1113 : vector<16xf32>
        %add3A_1115 = arith.addf %add3A_1112, %mul3A_1114 : vector<16xf32>
        %add3A_1116 = arith.constant 2058 : i32
        %add3A_1117 = vector.broadcast %add3A_1116 : i32 to vector<16xi32>
        %add3A_1118 = arith.addi %add3A_678, %add3A_1117 : vector<16xi32>
        tpu.vector_store_idx %arg9[%add3A_1118], %add3A_1115 : memref<6144xf32, #tpu.memory_space<vmem>>[vector<16xi32>], vector<16xf32>,
        %mul3A_1119 = vector.broadcast %squeeze3A_1092 : f32 to vector<16xf32>
        %mul3A_1120 = arith.mulf %add3A_646, %mul3A_1119 : vector<16xf32>
        %mul3A_1121 = vector.broadcast %squeeze3A_1094 : f32 to vector<16xf32>
        %mul3A_1122 = arith.mulf %add3A_660, %mul3A_1121 : vector<16xf32>
        %add3A_1123 = arith.addf %mul3A_1120, %mul3A_1122 : vector<16xf32>
        %mul3A_1124 = vector.broadcast %squeeze3A_1096 : f32 to vector<16xf32>
        %mul3A_1125 = arith.mulf %add3A_674, %mul3A_1124 : vector<16xf32>
        %add3A_1126 = arith.addf %add3A_1123, %mul3A_1125 : vector<16xf32>
        %add3A_1127 = arith.constant 4106 : i32
        %add3A_1128 = vector.broadcast %add3A_1127 : i32 to vector<16xi32>
        %add3A_1129 = arith.addi %add3A_678, %add3A_1128 : vector<16xi32>
        tpu.vector_store_idx %arg9[%add3A_1129], %add3A_1126 : memref<6144xf32, #tpu.memory_space<vmem>>[vector<16xi32>], vector<16xf32>,
        %slice3A_1130 = vector.extract_strided_slice %get3A_535 {offsets = [11], sizes = [1], strides = [1]} : vector<16xf32> to vector<1xf32>
        %squeeze3A_1131 = vector.extract %slice3A_1130[0] : f32 from vector<1xf32>
        %slice3A_1132 = vector.extract_strided_slice %get3A_540 {offsets = [11], sizes = [1], strides = [1]} : vector<16xf32> to vector<1xf32>
        %squeeze3A_1133 = vector.extract %slice3A_1132[0] : f32 from vector<1xf32>
        %slice3A_1134 = vector.extract_strided_slice %get3A_545 {offsets = [11], sizes = [1], strides = [1]} : vector<16xf32> to vector<1xf32>
        %squeeze3A_1135 = vector.extract %slice3A_1134[0] : f32 from vector<1xf32>
        %slice3A_1136 = vector.extract_strided_slice %get3A_550 {offsets = [11], sizes = [1], strides = [1]} : vector<16xf32> to vector<1xf32>
        %squeeze3A_1137 = vector.extract %slice3A_1136[0] : f32 from vector<1xf32>
        %mul3A_1138 = vector.broadcast %squeeze3A_1133 : f32 to vector<16xf32>
        %mul3A_1139 = arith.mulf %add3A_562, %mul3A_1138 : vector<16xf32>
        %mul3A_1140 = vector.broadcast %squeeze3A_1135 : f32 to vector<16xf32>
        %mul3A_1141 = arith.mulf %add3A_576, %mul3A_1140 : vector<16xf32>
        %add3A_1142 = arith.addf %mul3A_1139, %mul3A_1141 : vector<16xf32>
        %mul3A_1143 = vector.broadcast %squeeze3A_1137 : f32 to vector<16xf32>
        %mul3A_1144 = arith.mulf %add3A_590, %mul3A_1143 : vector<16xf32>
        %add3A_1145 = arith.addf %add3A_1142, %mul3A_1144 : vector<16xf32>
        %add3A_1146 = arith.constant 11 : i32
        %add3A_1147 = vector.broadcast %add3A_1146 : i32 to vector<16xi32>
        %add3A_1148 = arith.addi %add3A_678, %add3A_1147 : vector<16xi32>
        tpu.vector_store_idx %arg9[%add3A_1148], %add3A_1145 : memref<6144xf32, #tpu.memory_space<vmem>>[vector<16xi32>], vector<16xf32>,
        %mul3A_1149 = vector.broadcast %squeeze3A_1133 : f32 to vector<16xf32>
        %mul3A_1150 = arith.mulf %add3A_604, %mul3A_1149 : vector<16xf32>
        %mul3A_1151 = vector.broadcast %squeeze3A_1135 : f32 to vector<16xf32>
        %mul3A_1152 = arith.mulf %add3A_618, %mul3A_1151 : vector<16xf32>
        %add3A_1153 = arith.addf %mul3A_1150, %mul3A_1152 : vector<16xf32>
        %mul3A_1154 = vector.broadcast %squeeze3A_1137 : f32 to vector<16xf32>
        %mul3A_1155 = arith.mulf %add3A_632, %mul3A_1154 : vector<16xf32>
        %add3A_1156 = arith.addf %add3A_1153, %mul3A_1155 : vector<16xf32>
        %add3A_1157 = arith.constant 2059 : i32
        %add3A_1158 = vector.broadcast %add3A_1157 : i32 to vector<16xi32>
        %add3A_1159 = arith.addi %add3A_678, %add3A_1158 : vector<16xi32>
        tpu.vector_store_idx %arg9[%add3A_1159], %add3A_1156 : memref<6144xf32, #tpu.memory_space<vmem>>[vector<16xi32>], vector<16xf32>,
        %mul3A_1160 = vector.broadcast %squeeze3A_1133 : f32 to vector<16xf32>
        %mul3A_1161 = arith.mulf %add3A_646, %mul3A_1160 : vector<16xf32>
        %mul3A_1162 = vector.broadcast %squeeze3A_1135 : f32 to vector<16xf32>
        %mul3A_1163 = arith.mulf %add3A_660, %mul3A_1162 : vector<16xf32>
        %add3A_1164 = arith.addf %mul3A_1161, %mul3A_1163 : vector<16xf32>
        %mul3A_1165 = vector.broadcast %squeeze3A_1137 : f32 to vector<16xf32>
        %mul3A_1166 = arith.mulf %add3A_674, %mul3A_1165 : vector<16xf32>
        %add3A_1167 = arith.addf %add3A_1164, %mul3A_1166 : vector<16xf32>
        %add3A_1168 = arith.constant 4107 : i32
        %add3A_1169 = vector.broadcast %add3A_1168 : i32 to vector<16xi32>
        %add3A_1170 = arith.addi %add3A_678, %add3A_1169 : vector<16xi32>
        tpu.vector_store_idx %arg9[%add3A_1170], %add3A_1167 : memref<6144xf32, #tpu.memory_space<vmem>>[vector<16xi32>], vector<16xf32>,
        %slice3A_1171 = vector.extract_strided_slice %get3A_535 {offsets = [12], sizes = [1], strides = [1]} : vector<16xf32> to vector<1xf32>
        %squeeze3A_1172 = vector.extract %slice3A_1171[0] : f32 from vector<1xf32>
        %slice3A_1173 = vector.extract_strided_slice %get3A_540 {offsets = [12], sizes = [1], strides = [1]} : vector<16xf32> to vector<1xf32>
        %squeeze3A_1174 = vector.extract %slice3A_1173[0] : f32 from vector<1xf32>
        %slice3A_1175 = vector.extract_strided_slice %get3A_545 {offsets = [12], sizes = [1], strides = [1]} : vector<16xf32> to vector<1xf32>
        %squeeze3A_1176 = vector.extract %slice3A_1175[0] : f32 from vector<1xf32>
        %slice3A_1177 = vector.extract_strided_slice %get3A_550 {offsets = [12], sizes = [1], strides = [1]} : vector<16xf32> to vector<1xf32>
        %squeeze3A_1178 = vector.extract %slice3A_1177[0] : f32 from vector<1xf32>
        %mul3A_1179 = vector.broadcast %squeeze3A_1174 : f32 to vector<16xf32>
        %mul3A_1180 = arith.mulf %add3A_562, %mul3A_1179 : vector<16xf32>
        %mul3A_1181 = vector.broadcast %squeeze3A_1176 : f32 to vector<16xf32>
        %mul3A_1182 = arith.mulf %add3A_576, %mul3A_1181 : vector<16xf32>
        %add3A_1183 = arith.addf %mul3A_1180, %mul3A_1182 : vector<16xf32>
        %mul3A_1184 = vector.broadcast %squeeze3A_1178 : f32 to vector<16xf32>
        %mul3A_1185 = arith.mulf %add3A_590, %mul3A_1184 : vector<16xf32>
        %add3A_1186 = arith.addf %add3A_1183, %mul3A_1185 : vector<16xf32>
        %add3A_1187 = arith.constant 12 : i32
        %add3A_1188 = vector.broadcast %add3A_1187 : i32 to vector<16xi32>
        %add3A_1189 = arith.addi %add3A_678, %add3A_1188 : vector<16xi32>
        tpu.vector_store_idx %arg9[%add3A_1189], %add3A_1186 : memref<6144xf32, #tpu.memory_space<vmem>>[vector<16xi32>], vector<16xf32>,
        %mul3A_1190 = vector.broadcast %squeeze3A_1174 : f32 to vector<16xf32>
        %mul3A_1191 = arith.mulf %add3A_604, %mul3A_1190 : vector<16xf32>
        %mul3A_1192 = vector.broadcast %squeeze3A_1176 : f32 to vector<16xf32>
        %mul3A_1193 = arith.mulf %add3A_618, %mul3A_1192 : vector<16xf32>
        %add3A_1194 = arith.addf %mul3A_1191, %mul3A_1193 : vector<16xf32>
        %mul3A_1195 = vector.broadcast %squeeze3A_1178 : f32 to vector<16xf32>
        %mul3A_1196 = arith.mulf %add3A_632, %mul3A_1195 : vector<16xf32>
        %add3A_1197 = arith.addf %add3A_1194, %mul3A_1196 : vector<16xf32>
        %add3A_1198 = arith.constant 2060 : i32
        %add3A_1199 = vector.broadcast %add3A_1198 : i32 to vector<16xi32>
        %add3A_1200 = arith.addi %add3A_678, %add3A_1199 : vector<16xi32>
        tpu.vector_store_idx %arg9[%add3A_1200], %add3A_1197 : memref<6144xf32, #tpu.memory_space<vmem>>[vector<16xi32>], vector<16xf32>,
        %mul3A_1201 = vector.broadcast %squeeze3A_1174 : f32 to vector<16xf32>
        %mul3A_1202 = arith.mulf %add3A_646, %mul3A_1201 : vector<16xf32>
        %mul3A_1203 = vector.broadcast %squeeze3A_1176 : f32 to vector<16xf32>
        %mul3A_1204 = arith.mulf %add3A_660, %mul3A_1203 : vector<16xf32>
        %add3A_1205 = arith.addf %mul3A_1202, %mul3A_1204 : vector<16xf32>
        %mul3A_1206 = vector.broadcast %squeeze3A_1178 : f32 to vector<16xf32>
        %mul3A_1207 = arith.mulf %add3A_674, %mul3A_1206 : vector<16xf32>
        %add3A_1208 = arith.addf %add3A_1205, %mul3A_1207 : vector<16xf32>
        %add3A_1209 = arith.constant 4108 : i32
        %add3A_1210 = vector.broadcast %add3A_1209 : i32 to vector<16xi32>
        %add3A_1211 = arith.addi %add3A_678, %add3A_1210 : vector<16xi32>
        tpu.vector_store_idx %arg9[%add3A_1211], %add3A_1208 : memref<6144xf32, #tpu.memory_space<vmem>>[vector<16xi32>], vector<16xf32>,
        %slice3A_1212 = vector.extract_strided_slice %get3A_535 {offsets = [13], sizes = [1], strides = [1]} : vector<16xf32> to vector<1xf32>
        %squeeze3A_1213 = vector.extract %slice3A_1212[0] : f32 from vector<1xf32>
        %slice3A_1214 = vector.extract_strided_slice %get3A_540 {offsets = [13], sizes = [1], strides = [1]} : vector<16xf32> to vector<1xf32>
        %squeeze3A_1215 = vector.extract %slice3A_1214[0] : f32 from vector<1xf32>
        %slice3A_1216 = vector.extract_strided_slice %get3A_545 {offsets = [13], sizes = [1], strides = [1]} : vector<16xf32> to vector<1xf32>
        %squeeze3A_1217 = vector.extract %slice3A_1216[0] : f32 from vector<1xf32>
        %slice3A_1218 = vector.extract_strided_slice %get3A_550 {offsets = [13], sizes = [1], strides = [1]} : vector<16xf32> to vector<1xf32>
        %squeeze3A_1219 = vector.extract %slice3A_1218[0] : f32 from vector<1xf32>
        %mul3A_1220 = vector.broadcast %squeeze3A_1215 : f32 to vector<16xf32>
        %mul3A_1221 = arith.mulf %add3A_562, %mul3A_1220 : vector<16xf32>
        %mul3A_1222 = vector.broadcast %squeeze3A_1217 : f32 to vector<16xf32>
        %mul3A_1223 = arith.mulf %add3A_576, %mul3A_1222 : vector<16xf32>
        %add3A_1224 = arith.addf %mul3A_1221, %mul3A_1223 : vector<16xf32>
        %mul3A_1225 = vector.broadcast %squeeze3A_1219 : f32 to vector<16xf32>
        %mul3A_1226 = arith.mulf %add3A_590, %mul3A_1225 : vector<16xf32>
        %add3A_1227 = arith.addf %add3A_1224, %mul3A_1226 : vector<16xf32>
        %add3A_1228 = arith.constant 13 : i32
        %add3A_1229 = vector.broadcast %add3A_1228 : i32 to vector<16xi32>
        %add3A_1230 = arith.addi %add3A_678, %add3A_1229 : vector<16xi32>
        tpu.vector_store_idx %arg9[%add3A_1230], %add3A_1227 : memref<6144xf32, #tpu.memory_space<vmem>>[vector<16xi32>], vector<16xf32>,
        %mul3A_1231 = vector.broadcast %squeeze3A_1215 : f32 to vector<16xf32>
        %mul3A_1232 = arith.mulf %add3A_604, %mul3A_1231 : vector<16xf32>
        %mul3A_1233 = vector.broadcast %squeeze3A_1217 : f32 to vector<16xf32>
        %mul3A_1234 = arith.mulf %add3A_618, %mul3A_1233 : vector<16xf32>
        %add3A_1235 = arith.addf %mul3A_1232, %mul3A_1234 : vector<16xf32>
        %mul3A_1236 = vector.broadcast %squeeze3A_1219 : f32 to vector<16xf32>
        %mul3A_1237 = arith.mulf %add3A_632, %mul3A_1236 : vector<16xf32>
        %add3A_1238 = arith.addf %add3A_1235, %mul3A_1237 : vector<16xf32>
        %add3A_1239 = arith.constant 2061 : i32
        %add3A_1240 = vector.broadcast %add3A_1239 : i32 to vector<16xi32>
        %add3A_1241 = arith.addi %add3A_678, %add3A_1240 : vector<16xi32>
        tpu.vector_store_idx %arg9[%add3A_1241], %add3A_1238 : memref<6144xf32, #tpu.memory_space<vmem>>[vector<16xi32>], vector<16xf32>,
        %mul3A_1242 = vector.broadcast %squeeze3A_1215 : f32 to vector<16xf32>
        %mul3A_1243 = arith.mulf %add3A_646, %mul3A_1242 : vector<16xf32>
        %mul3A_1244 = vector.broadcast %squeeze3A_1217 : f32 to vector<16xf32>
        %mul3A_1245 = arith.mulf %add3A_660, %mul3A_1244 : vector<16xf32>
        %add3A_1246 = arith.addf %mul3A_1243, %mul3A_1245 : vector<16xf32>
        %mul3A_1247 = vector.broadcast %squeeze3A_1219 : f32 to vector<16xf32>
        %mul3A_1248 = arith.mulf %add3A_674, %mul3A_1247 : vector<16xf32>
        %add3A_1249 = arith.addf %add3A_1246, %mul3A_1248 : vector<16xf32>
        %add3A_1250 = arith.constant 4109 : i32
        %add3A_1251 = vector.broadcast %add3A_1250 : i32 to vector<16xi32>
        %add3A_1252 = arith.addi %add3A_678, %add3A_1251 : vector<16xi32>
        tpu.vector_store_idx %arg9[%add3A_1252], %add3A_1249 : memref<6144xf32, #tpu.memory_space<vmem>>[vector<16xi32>], vector<16xf32>,
        %slice3A_1253 = vector.extract_strided_slice %get3A_535 {offsets = [14], sizes = [1], strides = [1]} : vector<16xf32> to vector<1xf32>
        %squeeze3A_1254 = vector.extract %slice3A_1253[0] : f32 from vector<1xf32>
        %slice3A_1255 = vector.extract_strided_slice %get3A_540 {offsets = [14], sizes = [1], strides = [1]} : vector<16xf32> to vector<1xf32>
        %squeeze3A_1256 = vector.extract %slice3A_1255[0] : f32 from vector<1xf32>
        %slice3A_1257 = vector.extract_strided_slice %get3A_545 {offsets = [14], sizes = [1], strides = [1]} : vector<16xf32> to vector<1xf32>
        %squeeze3A_1258 = vector.extract %slice3A_1257[0] : f32 from vector<1xf32>
        %slice3A_1259 = vector.extract_strided_slice %get3A_550 {offsets = [14], sizes = [1], strides = [1]} : vector<16xf32> to vector<1xf32>
        %squeeze3A_1260 = vector.extract %slice3A_1259[0] : f32 from vector<1xf32>
        %mul3A_1261 = vector.broadcast %squeeze3A_1256 : f32 to vector<16xf32>
        %mul3A_1262 = arith.mulf %add3A_562, %mul3A_1261 : vector<16xf32>
        %mul3A_1263 = vector.broadcast %squeeze3A_1258 : f32 to vector<16xf32>
        %mul3A_1264 = arith.mulf %add3A_576, %mul3A_1263 : vector<16xf32>
        %add3A_1265 = arith.addf %mul3A_1262, %mul3A_1264 : vector<16xf32>
        %mul3A_1266 = vector.broadcast %squeeze3A_1260 : f32 to vector<16xf32>
        %mul3A_1267 = arith.mulf %add3A_590, %mul3A_1266 : vector<16xf32>
        %add3A_1268 = arith.addf %add3A_1265, %mul3A_1267 : vector<16xf32>
        %add3A_1269 = arith.constant 14 : i32
        %add3A_1270 = vector.broadcast %add3A_1269 : i32 to vector<16xi32>
        %add3A_1271 = arith.addi %add3A_678, %add3A_1270 : vector<16xi32>
        tpu.vector_store_idx %arg9[%add3A_1271], %add3A_1268 : memref<6144xf32, #tpu.memory_space<vmem>>[vector<16xi32>], vector<16xf32>,
        %mul3A_1272 = vector.broadcast %squeeze3A_1256 : f32 to vector<16xf32>
        %mul3A_1273 = arith.mulf %add3A_604, %mul3A_1272 : vector<16xf32>
        %mul3A_1274 = vector.broadcast %squeeze3A_1258 : f32 to vector<16xf32>
        %mul3A_1275 = arith.mulf %add3A_618, %mul3A_1274 : vector<16xf32>
        %add3A_1276 = arith.addf %mul3A_1273, %mul3A_1275 : vector<16xf32>
        %mul3A_1277 = vector.broadcast %squeeze3A_1260 : f32 to vector<16xf32>
        %mul3A_1278 = arith.mulf %add3A_632, %mul3A_1277 : vector<16xf32>
        %add3A_1279 = arith.addf %add3A_1276, %mul3A_1278 : vector<16xf32>
        %add3A_1280 = arith.constant 2062 : i32
        %add3A_1281 = vector.broadcast %add3A_1280 : i32 to vector<16xi32>
        %add3A_1282 = arith.addi %add3A_678, %add3A_1281 : vector<16xi32>
        tpu.vector_store_idx %arg9[%add3A_1282], %add3A_1279 : memref<6144xf32, #tpu.memory_space<vmem>>[vector<16xi32>], vector<16xf32>,
        %mul3A_1283 = vector.broadcast %squeeze3A_1256 : f32 to vector<16xf32>
        %mul3A_1284 = arith.mulf %add3A_646, %mul3A_1283 : vector<16xf32>
        %mul3A_1285 = vector.broadcast %squeeze3A_1258 : f32 to vector<16xf32>
        %mul3A_1286 = arith.mulf %add3A_660, %mul3A_1285 : vector<16xf32>
        %add3A_1287 = arith.addf %mul3A_1284, %mul3A_1286 : vector<16xf32>
        %mul3A_1288 = vector.broadcast %squeeze3A_1260 : f32 to vector<16xf32>
        %mul3A_1289 = arith.mulf %add3A_674, %mul3A_1288 : vector<16xf32>
        %add3A_1290 = arith.addf %add3A_1287, %mul3A_1289 : vector<16xf32>
        %add3A_1291 = arith.constant 4110 : i32
        %add3A_1292 = vector.broadcast %add3A_1291 : i32 to vector<16xi32>
        %add3A_1293 = arith.addi %add3A_678, %add3A_1292 : vector<16xi32>
        tpu.vector_store_idx %arg9[%add3A_1293], %add3A_1290 : memref<6144xf32, #tpu.memory_space<vmem>>[vector<16xi32>], vector<16xf32>,
        %slice3A_1294 = vector.extract_strided_slice %get3A_535 {offsets = [15], sizes = [1], strides = [1]} : vector<16xf32> to vector<1xf32>
        %squeeze3A_1295 = vector.extract %slice3A_1294[0] : f32 from vector<1xf32>
        %slice3A_1296 = vector.extract_strided_slice %get3A_540 {offsets = [15], sizes = [1], strides = [1]} : vector<16xf32> to vector<1xf32>
        %squeeze3A_1297 = vector.extract %slice3A_1296[0] : f32 from vector<1xf32>
        %slice3A_1298 = vector.extract_strided_slice %get3A_545 {offsets = [15], sizes = [1], strides = [1]} : vector<16xf32> to vector<1xf32>
        %squeeze3A_1299 = vector.extract %slice3A_1298[0] : f32 from vector<1xf32>
        %slice3A_1300 = vector.extract_strided_slice %get3A_550 {offsets = [15], sizes = [1], strides = [1]} : vector<16xf32> to vector<1xf32>
        %squeeze3A_1301 = vector.extract %slice3A_1300[0] : f32 from vector<1xf32>
        %mul3A_1302 = vector.broadcast %squeeze3A_1297 : f32 to vector<16xf32>
        %mul3A_1303 = arith.mulf %add3A_562, %mul3A_1302 : vector<16xf32>
        %mul3A_1304 = vector.broadcast %squeeze3A_1299 : f32 to vector<16xf32>
        %mul3A_1305 = arith.mulf %add3A_576, %mul3A_1304 : vector<16xf32>
        %add3A_1306 = arith.addf %mul3A_1303, %mul3A_1305 : vector<16xf32>
        %mul3A_1307 = vector.broadcast %squeeze3A_1301 : f32 to vector<16xf32>
        %mul3A_1308 = arith.mulf %add3A_590, %mul3A_1307 : vector<16xf32>
        %add3A_1309 = arith.addf %add3A_1306, %mul3A_1308 : vector<16xf32>
        %add3A_1310 = arith.constant 15 : i32
        %add3A_1311 = vector.broadcast %add3A_1310 : i32 to vector<16xi32>
        %add3A_1312 = arith.addi %add3A_678, %add3A_1311 : vector<16xi32>
        tpu.vector_store_idx %arg9[%add3A_1312], %add3A_1309 : memref<6144xf32, #tpu.memory_space<vmem>>[vector<16xi32>], vector<16xf32>,
        %mul3A_1313 = vector.broadcast %squeeze3A_1297 : f32 to vector<16xf32>
        %mul3A_1314 = arith.mulf %add3A_604, %mul3A_1313 : vector<16xf32>
        %mul3A_1315 = vector.broadcast %squeeze3A_1299 : f32 to vector<16xf32>
        %mul3A_1316 = arith.mulf %add3A_618, %mul3A_1315 : vector<16xf32>
        %add3A_1317 = arith.addf %mul3A_1314, %mul3A_1316 : vector<16xf32>
        %mul3A_1318 = vector.broadcast %squeeze3A_1301 : f32 to vector<16xf32>
        %mul3A_1319 = arith.mulf %add3A_632, %mul3A_1318 : vector<16xf32>
        %add3A_1320 = arith.addf %add3A_1317, %mul3A_1319 : vector<16xf32>
        %add3A_1321 = arith.constant 2063 : i32
        %add3A_1322 = vector.broadcast %add3A_1321 : i32 to vector<16xi32>
        %add3A_1323 = arith.addi %add3A_678, %add3A_1322 : vector<16xi32>
        tpu.vector_store_idx %arg9[%add3A_1323], %add3A_1320 : memref<6144xf32, #tpu.memory_space<vmem>>[vector<16xi32>], vector<16xf32>,
        %mul3A_1324 = vector.broadcast %squeeze3A_1297 : f32 to vector<16xf32>
        %mul3A_1325 = arith.mulf %add3A_646, %mul3A_1324 : vector<16xf32>
        %mul3A_1326 = vector.broadcast %squeeze3A_1299 : f32 to vector<16xf32>
        %mul3A_1327 = arith.mulf %add3A_660, %mul3A_1326 : vector<16xf32>
        %add3A_1328 = arith.addf %mul3A_1325, %mul3A_1327 : vector<16xf32>
        %mul3A_1329 = vector.broadcast %squeeze3A_1301 : f32 to vector<16xf32>
        %mul3A_1330 = arith.mulf %add3A_674, %mul3A_1329 : vector<16xf32>
        %add3A_1331 = arith.addf %add3A_1328, %mul3A_1330 : vector<16xf32>
        %add3A_1332 = arith.constant 4111 : i32
        %add3A_1333 = vector.broadcast %add3A_1332 : i32 to vector<16xi32>
        %add3A_1334 = arith.addi %add3A_678, %add3A_1333 : vector<16xi32>
        tpu.vector_store_idx %arg9[%add3A_1334], %add3A_1331 : memref<6144xf32, #tpu.memory_space<vmem>>[vector<16xi32>], vector<16xf32>,
      }
      %scan3A_409 = arith.constant 8 : i32
      %mul3A_410 = arith.constant 8 : i32
      %mul3A_411 = arith.muli %add3A_305, %mul3A_410 : i32
      %add3A_412 = arith.addi %mul3A_2, %mul3A_411 : i32
      %jit3A_413 = arith.constant 2048 : i32
      %div3A_414 = arith.divsi %add3A_412, %jit3A_413 : i32
      %sign3A_415 = arith.constant 0 : i32
      %sign3A_416 = arith.cmpi sgt, %add3A_412, %sign3A_415 : i32
      %sign3A_417 = arith.extui %sign3A_416 : i1 to i32
      %sign3A_418 = arith.constant 0 : i32
      %sign3A_419 = arith.cmpi slt, %add3A_412, %sign3A_418 : i32
      %sign3A_420 = arith.extui %sign3A_419 : i1 to i32
      %sign3A_421 = arith.subi %sign3A_417, %sign3A_420 : i32
      %sign3A_422 = arith.constant 0 : i32
      %sign3A_423 = arith.cmpi sgt, %jit3A_413, %sign3A_422 : i32
      %sign3A_424 = arith.extui %sign3A_423 : i1 to i32
      %sign3A_425 = arith.constant 0 : i32
      %sign3A_426 = arith.cmpi slt, %jit3A_413, %sign3A_425 : i32
      %sign3A_427 = arith.extui %sign3A_426 : i1 to i32
      %sign3A_428 = arith.subi %sign3A_424, %sign3A_427 : i32
      %ne3A_429 = arith.cmpi ne, %sign3A_421, %sign3A_428 : i32
      %rem3A_430 = arith.remsi %add3A_412, %jit3A_413 : i32
      %ne3A_431 = arith.constant 0 : i32
      %ne3A_432 = arith.cmpi ne, %rem3A_430, %ne3A_431 : i32
      %and3A_433 = arith.andi %ne3A_429, %ne3A_432 : i1
      %sub3A_434 = arith.constant 1 : i32
      %sub3A_435 = arith.subi %div3A_414, %sub3A_434 : i32
      %select_n3A_436 = arith.select %and3A_433, %sub3A_435, %div3A_414 : i32
      %jit3A_437 = arith.constant 2048 : i32
      %eq3A_438 = arith.constant 0 : i32
      %eq3A_439 = arith.cmpi eq, %jit3A_437, %eq3A_438 : i32
      %jit3A_440 = arith.constant 1 : i32
      %select_n3A_441 = arith.select %eq3A_439, %jit3A_440, %jit3A_437 : i32
      %rem3A_442 = arith.remsi %add3A_412, %select_n3A_441 : i32
      %ne3A_443 = arith.constant 0 : i32
      %ne3A_444 = arith.cmpi ne, %rem3A_442, %ne3A_443 : i32
      %lt3A_445 = arith.constant 0 : i32
      %lt3A_446 = arith.cmpi slt, %rem3A_442, %lt3A_445 : i32
      %lt3A_447 = arith.constant 0 : i32
      %lt3A_448 = arith.cmpi slt, %select_n3A_441, %lt3A_447 : i32
      %ne3A_449 = arith.xori %lt3A_446, %lt3A_448 : i1
      %and3A_450 = arith.andi %ne3A_449, %ne3A_444 : i1
      %add3A_451 = arith.addi %rem3A_442, %select_n3A_441 : i32
      %select_n3A_452 = arith.select %and3A_450, %add3A_451, %rem3A_442 : i32
      %mul3A_453 = arith.constant 128 : i32
      %mul3A_454 = arith.muli %select_n3A_452, %mul3A_453 : i32
      %mul3A_455 = arith.constant 2 : i32
      %mul3A_456 = arith.muli %mul3A_454, %mul3A_455 : i32
      %mul3A_457 = arith.constant 2 : i32
      %mul3A_458 = arith.muli %mul3A_454, %mul3A_457 : i32
      %mul3A_459 = arith.constant 2 : i32
      %mul3A_460 = arith.muli %mul3A_454, %mul3A_459 : i32
      %dma_start3A_461 = arith.constant 0 : i32
      %dma_start3A_462 = arith.constant 0 : i32
      %dma_start3A_463 = tpu.memref_slice %arg9[%dma_start3A_462] : memref<6144xf32, #tpu.memory_space<vmem>> -> memref<2048xf32, #tpu.memory_space<vmem>>
      %dma_start3A_464 = tpu.memref_slice %arg5[%select_n3A_436, %dma_start3A_461, %mul3A_456] : memref<3x3x524288xf32, #tpu.memory_space<hbm>> -> memref<1x1x2048xf32, #tpu.memory_space<hbm>>
      %dma_start3A_465 = tpu.memref_squeeze %dma_start3A_464 : memref<1x1x2048xf32, #tpu.memory_space<hbm>> -> memref<2048xf32, #tpu.memory_space<hbm>>
      %dma_start3A_466 = tpu.memref_slice %arg5[%select_n3A_436, %dma_start3A_461, %mul3A_456] : memref<3x3x524288xf32, #tpu.memory_space<hbm>> -> memref<1x1x2048xf32, #tpu.memory_space<hbm>>
      %dma_start3A_467 = tpu.memref_squeeze %dma_start3A_466 : memref<1x1x2048xf32, #tpu.memory_space<hbm>> -> memref<2048xf32, #tpu.memory_space<hbm>>
      %dma_start3A_468 = arith.constant 0 : i32
      %dma_start3A_469 = tpu.memref_slice %arg9[%dma_start3A_468] : memref<6144xf32, #tpu.memory_space<vmem>> -> memref<2048xf32, #tpu.memory_space<vmem>>
      tpu.enqueue_dma source(%dma_start3A_469 : memref<2048xf32, #tpu.memory_space<vmem>>) target(%dma_start3A_467 : memref<2048xf32, #tpu.memory_space<hbm>>) target_semaphore(%arg13 : memref<!tpu.dma_semaphore, #tpu.memory_space<semaphore_mem>>)
      %dma_start3A_470 = arith.constant 1 : i32
      %dma_start3A_471 = arith.constant 2048 : i32
      %dma_start3A_472 = tpu.memref_slice %arg9[%dma_start3A_471] : memref<6144xf32, #tpu.memory_space<vmem>> -> memref<2048xf32, #tpu.memory_space<vmem>>
      %dma_start3A_473 = tpu.memref_slice %arg5[%select_n3A_436, %dma_start3A_470, %mul3A_458] : memref<3x3x524288xf32, #tpu.memory_space<hbm>> -> memref<1x1x2048xf32, #tpu.memory_space<hbm>>
      %dma_start3A_474 = tpu.memref_squeeze %dma_start3A_473 : memref<1x1x2048xf32, #tpu.memory_space<hbm>> -> memref<2048xf32, #tpu.memory_space<hbm>>
      %dma_start3A_475 = tpu.memref_slice %arg5[%select_n3A_436, %dma_start3A_470, %mul3A_458] : memref<3x3x524288xf32, #tpu.memory_space<hbm>> -> memref<1x1x2048xf32, #tpu.memory_space<hbm>>
      %dma_start3A_476 = tpu.memref_squeeze %dma_start3A_475 : memref<1x1x2048xf32, #tpu.memory_space<hbm>> -> memref<2048xf32, #tpu.memory_space<hbm>>
      %dma_start3A_477 = arith.constant 2048 : i32
      %dma_start3A_478 = tpu.memref_slice %arg9[%dma_start3A_477] : memref<6144xf32, #tpu.memory_space<vmem>> -> memref<2048xf32, #tpu.memory_space<vmem>>
      tpu.enqueue_dma source(%dma_start3A_478 : memref<2048xf32, #tpu.memory_space<vmem>>) target(%dma_start3A_476 : memref<2048xf32, #tpu.memory_space<hbm>>) target_semaphore(%arg13 : memref<!tpu.dma_semaphore, #tpu.memory_space<semaphore_mem>>)
      %dma_start3A_479 = arith.constant 2 : i32
      %dma_start3A_480 = arith.constant 4096 : i32
      %dma_start3A_481 = tpu.memref_slice %arg9[%dma_start3A_480] : memref<6144xf32, #tpu.memory_space<vmem>> -> memref<2048xf32, #tpu.memory_space<vmem>>
      %dma_start3A_482 = tpu.memref_slice %arg5[%select_n3A_436, %dma_start3A_479, %mul3A_460] : memref<3x3x524288xf32, #tpu.memory_space<hbm>> -> memref<1x1x2048xf32, #tpu.memory_space<hbm>>
      %dma_start3A_483 = tpu.memref_squeeze %dma_start3A_482 : memref<1x1x2048xf32, #tpu.memory_space<hbm>> -> memref<2048xf32, #tpu.memory_space<hbm>>
      %dma_start3A_484 = tpu.memref_slice %arg5[%select_n3A_436, %dma_start3A_479, %mul3A_460] : memref<3x3x524288xf32, #tpu.memory_space<hbm>> -> memref<1x1x2048xf32, #tpu.memory_space<hbm>>
      %dma_start3A_485 = tpu.memref_squeeze %dma_start3A_484 : memref<1x1x2048xf32, #tpu.memory_space<hbm>> -> memref<2048xf32, #tpu.memory_space<hbm>>
      %dma_start3A_486 = arith.constant 4096 : i32
      %dma_start3A_487 = tpu.memref_slice %arg9[%dma_start3A_486] : memref<6144xf32, #tpu.memory_space<vmem>> -> memref<2048xf32, #tpu.memory_space<vmem>>
      tpu.enqueue_dma source(%dma_start3A_487 : memref<2048xf32, #tpu.memory_space<vmem>>) target(%dma_start3A_485 : memref<2048xf32, #tpu.memory_space<hbm>>) target_semaphore(%arg13 : memref<!tpu.dma_semaphore, #tpu.memory_space<semaphore_mem>>)
      %add3A_488 = arith.constant 0 : i32
      %add3A_489 = arith.addi %mul3A_2, %add3A_488 : i32
      %mul3A_490 = arith.constant 512 : i32
      %mul3A_491 = arith.muli %add3A_489, %mul3A_490 : i32
      %dma_wait3A_492 = tpu.memref_slice %arg4[%mul3A_491] : memref<3145728xf32, #tpu.memory_space<hbm>> -> memref<4096xf32, #tpu.memory_space<hbm>>
      %dma_wait3A_493 = tpu.memref_slice %arg4[%mul3A_491] : memref<3145728xf32, #tpu.memory_space<hbm>> -> memref<4096xf32, #tpu.memory_space<hbm>>
      tpu.wait_dma2 semaphore(%arg12 : memref<!tpu.dma_semaphore, #tpu.memory_space<semaphore_mem>>) src(%arg8 : memref<4096xf32, #tpu.memory_space<vmem>>) dst(%dma_wait3A_493 : memref<4096xf32, #tpu.memory_space<hbm>>)
      %scan3A_494 = arith.constant 0 : i32
      %scan3A_495 = arith.constant 8 : i32
      %scan3A_496 = arith.addi %scan3A_494, %scan3A_495 : i32
      %scan3A_497 = arith.constant 1 : i32
      scf.for %scan3A_506 = %scan3A_494 to %scan3A_496 step %scan3A_497  : i32 {
        %mul3A_507 = arith.constant 1 : i32
        %mul3A_508 = arith.muli %scan3A_506, %mul3A_507 : i32
        %add3A_509 = arith.constant 0 : i32
        %add3A_510 = arith.addi %add3A_509, %mul3A_508 : i32
        %get3A_511 = arith.constant 1 : i32
        %get3A_512 = arith.index_cast %get3A_511 : i32 to index
        %get3A_513 = arith.index_cast %add3A_510 : i32 to index
        %get3A_514 = arith.constant 0 : index
        %get3A_515 = tpu.vector_load %arg6[%get3A_512, %get3A_513, %get3A_514] {strides = array<i32>} : memref<2x8x128xf32, #tpu.memory_space<vmem>>, vector<16xf32>,
        %get3A_516 = arith.constant 1 : i32
        %get3A_517 = arith.index_cast %get3A_516 : i32 to index
        %get3A_518 = arith.index_cast %add3A_510 : i32 to index
        %get3A_519 = arith.constant 16 : index
        %get3A_520 = tpu.vector_load %arg6[%get3A_517, %get3A_518, %get3A_519] {strides = array<i32>} : memref<2x8x128xf32, #tpu.memory_space<vmem>>, vector<16xf32>,
        %get3A_521 = arith.constant 1 : i32
        %get3A_522 = arith.index_cast %get3A_521 : i32 to index
        %get3A_523 = arith.index_cast %add3A_510 : i32 to index
        %get3A_524 = arith.constant 32 : index
        %get3A_525 = tpu.vector_load %arg6[%get3A_522, %get3A_523, %get3A_524] {strides = array<i32>} : memref<2x8x128xf32, #tpu.memory_space<vmem>>, vector<16xf32>,
        %get3A_526 = arith.constant 1 : i32
        %get3A_527 = arith.index_cast %get3A_526 : i32 to index
        %get3A_528 = arith.index_cast %add3A_510 : i32 to index
        %get3A_529 = arith.constant 48 : index
        %get3A_530 = tpu.vector_load %arg6[%get3A_527, %get3A_528, %get3A_529] {strides = array<i32>} : memref<2x8x128xf32, #tpu.memory_space<vmem>>, vector<16xf32>,
        %get3A_531 = arith.constant 1 : i32
        %get3A_532 = arith.index_cast %get3A_531 : i32 to index
        %get3A_533 = arith.index_cast %add3A_510 : i32 to index
        %get3A_534 = arith.constant 64 : index
        %get3A_535 = tpu.vector_load %arg6[%get3A_532, %get3A_533, %get3A_534] {strides = array<i32>} : memref<2x8x128xf32, #tpu.memory_space<vmem>>, vector<16xf32>,
        %get3A_536 = arith.constant 1 : i32
        %get3A_537 = arith.index_cast %get3A_536 : i32 to index
        %get3A_538 = arith.index_cast %add3A_510 : i32 to index
        %get3A_539 = arith.constant 80 : index
        %get3A_540 = tpu.vector_load %arg6[%get3A_537, %get3A_538, %get3A_539] {strides = array<i32>} : memref<2x8x128xf32, #tpu.memory_space<vmem>>, vector<16xf32>,
        %get3A_541 = arith.constant 1 : i32
        %get3A_542 = arith.index_cast %get3A_541 : i32 to index
        %get3A_543 = arith.index_cast %add3A_510 : i32 to index
        %get3A_544 = arith.constant 96 : index
        %get3A_545 = tpu.vector_load %arg6[%get3A_542, %get3A_543, %get3A_544] {strides = array<i32>} : memref<2x8x128xf32, #tpu.memory_space<vmem>>, vector<16xf32>,
        %get3A_546 = arith.constant 1 : i32
        %get3A_547 = arith.index_cast %get3A_546 : i32 to index
        %get3A_548 = arith.index_cast %add3A_510 : i32 to index
        %get3A_549 = arith.constant 112 : index
        %get3A_550 = tpu.vector_load %arg6[%get3A_547, %get3A_548, %get3A_549] {strides = array<i32>} : memref<2x8x128xf32, #tpu.memory_space<vmem>>, vector<16xf32>,
        %slice3A = vector.extract_strided_slice %get3A_3 {offsets = [0], sizes = [1], strides = [1]} : vector<16xf32> to vector<1xf32>
        %squeeze3A = vector.extract %slice3A[0] : f32 from vector<1xf32>
        %mul3A_551 = vector.broadcast %squeeze3A : f32 to vector<16xf32>
        %mul3A_552 = arith.mulf %mul3A_551, %get3A_515 : vector<16xf32>
        %slice3A_553 = vector.extract_strided_slice %get3A_5 {offsets = [3], sizes = [1], strides = [1]} : vector<16xf32> to vector<1xf32>
        %squeeze3A_554 = vector.extract %slice3A_553[0] : f32 from vector<1xf32>
        %mul3A_555 = vector.broadcast %squeeze3A_554 : f32 to vector<16xf32>
        %mul3A_556 = arith.mulf %mul3A_555, %get3A_520 : vector<16xf32>
        %slice3A_557 = vector.extract_strided_slice %get3A_5 {offsets = [6], sizes = [1], strides = [1]} : vector<16xf32> to vector<1xf32>
        %squeeze3A_558 = vector.extract %slice3A_557[0] : f32 from vector<1xf32>
        %mul3A_559 = vector.broadcast %squeeze3A_558 : f32 to vector<16xf32>
        %mul3A_560 = arith.mulf %mul3A_559, %get3A_525 : vector<16xf32>
        %add3A_561 = arith.addf %mul3A_556, %mul3A_560 : vector<16xf32>
        %slice3A_562 = vector.extract_strided_slice %get3A_5 {offsets = [9], sizes = [1], strides = [1]} : vector<16xf32> to vector<1xf32>
        %squeeze3A_563 = vector.extract %slice3A_562[0] : f32 from vector<1xf32>
        %mul3A_564 = vector.broadcast %squeeze3A_563 : f32 to vector<16xf32>
        %mul3A_565 = arith.mulf %mul3A_564, %get3A_530 : vector<16xf32>
        %add3A_566 = arith.addf %add3A_561, %mul3A_565 : vector<16xf32>
        %slice3A_567 = vector.extract_strided_slice %get3A_5 {offsets = [4], sizes = [1], strides = [1]} : vector<16xf32> to vector<1xf32>
        %squeeze3A_568 = vector.extract %slice3A_567[0] : f32 from vector<1xf32>
        %mul3A_569 = vector.broadcast %squeeze3A_568 : f32 to vector<16xf32>
        %mul3A_570 = arith.mulf %mul3A_569, %get3A_520 : vector<16xf32>
        %slice3A_571 = vector.extract_strided_slice %get3A_5 {offsets = [7], sizes = [1], strides = [1]} : vector<16xf32> to vector<1xf32>
        %squeeze3A_572 = vector.extract %slice3A_571[0] : f32 from vector<1xf32>
        %mul3A_573 = vector.broadcast %squeeze3A_572 : f32 to vector<16xf32>
        %mul3A_574 = arith.mulf %mul3A_573, %get3A_525 : vector<16xf32>
        %add3A_575 = arith.addf %mul3A_570, %mul3A_574 : vector<16xf32>
        %slice3A_576 = vector.extract_strided_slice %get3A_5 {offsets = [10], sizes = [1], strides = [1]} : vector<16xf32> to vector<1xf32>
        %squeeze3A_577 = vector.extract %slice3A_576[0] : f32 from vector<1xf32>
        %mul3A_578 = vector.broadcast %squeeze3A_577 : f32 to vector<16xf32>
        %mul3A_579 = arith.mulf %mul3A_578, %get3A_530 : vector<16xf32>
        %add3A_580 = arith.addf %add3A_575, %mul3A_579 : vector<16xf32>
        %slice3A_581 = vector.extract_strided_slice %get3A_5 {offsets = [5], sizes = [1], strides = [1]} : vector<16xf32> to vector<1xf32>
        %squeeze3A_582 = vector.extract %slice3A_581[0] : f32 from vector<1xf32>
        %mul3A_583 = vector.broadcast %squeeze3A_582 : f32 to vector<16xf32>
        %mul3A_584 = arith.mulf %mul3A_583, %get3A_520 : vector<16xf32>
        %slice3A_585 = vector.extract_strided_slice %get3A_5 {offsets = [8], sizes = [1], strides = [1]} : vector<16xf32> to vector<1xf32>
        %squeeze3A_586 = vector.extract %slice3A_585[0] : f32 from vector<1xf32>
        %mul3A_587 = vector.broadcast %squeeze3A_586 : f32 to vector<16xf32>
        %mul3A_588 = arith.mulf %mul3A_587, %get3A_525 : vector<16xf32>
        %add3A_589 = arith.addf %mul3A_584, %mul3A_588 : vector<16xf32>
        %slice3A_590 = vector.extract_strided_slice %get3A_5 {offsets = [11], sizes = [1], strides = [1]} : vector<16xf32> to vector<1xf32>
        %squeeze3A_591 = vector.extract %slice3A_590[0] : f32 from vector<1xf32>
        %mul3A_592 = vector.broadcast %squeeze3A_591 : f32 to vector<16xf32>
        %mul3A_593 = arith.mulf %mul3A_592, %get3A_530 : vector<16xf32>
        %add3A_594 = arith.addf %add3A_589, %mul3A_593 : vector<16xf32>
        %mul3A_595 = arith.constant 512 : i32
        %mul3A_596 = arith.muli %add3A_510, %mul3A_595 : i32
        %add3A_597 = vector.broadcast %mul3A_596 : i32 to vector<16xi32>
        %add3A_598 = arith.addi %mul3A_18, %add3A_597 : vector<16xi32>
        %slice3A_599 = vector.extract_strided_slice %get3A_535 {offsets = [0], sizes = [1], strides = [1]} : vector<16xf32> to vector<1xf32>
        %squeeze3A_600 = vector.extract %slice3A_599[0] : f32 from vector<1xf32>
        %slice3A_601 = vector.extract_strided_slice %get3A_540 {offsets = [0], sizes = [1], strides = [1]} : vector<16xf32> to vector<1xf32>
        %squeeze3A_602 = vector.extract %slice3A_601[0] : f32 from vector<1xf32>
        %slice3A_603 = vector.extract_strided_slice %get3A_545 {offsets = [0], sizes = [1], strides = [1]} : vector<16xf32> to vector<1xf32>
        %squeeze3A_604 = vector.extract %slice3A_603[0] : f32 from vector<1xf32>
        %slice3A_605 = vector.extract_strided_slice %get3A_550 {offsets = [0], sizes = [1], strides = [1]} : vector<16xf32> to vector<1xf32>
        %squeeze3A_606 = vector.extract %slice3A_605[0] : f32 from vector<1xf32>
        %mul3A_607 = vector.broadcast %squeeze3A_600 : f32 to vector<16xf32>
        %mul3A_608 = arith.mulf %mul3A_552, %mul3A_607 : vector<16xf32>
        %add3A_609 = arith.constant 0 : i32
        %add3A_610 = vector.broadcast %add3A_609 : i32 to vector<16xi32>
        %add3A_611 = arith.addi %add3A_598, %add3A_610 : vector<16xi32>
        tpu.vector_store_idx %arg8[%add3A_611], %mul3A_608 : memref<4096xf32, #tpu.memory_space<vmem>>[vector<16xi32>], vector<16xf32>,
        %mul3A_612 = vector.broadcast %squeeze3A_602 : f32 to vector<16xf32>
        %mul3A_613 = arith.mulf %add3A_566, %mul3A_612 : vector<16xf32>
        %mul3A_614 = vector.broadcast %squeeze3A_604 : f32 to vector<16xf32>
        %mul3A_615 = arith.mulf %add3A_580, %mul3A_614 : vector<16xf32>
        %add3A_616 = arith.addf %mul3A_613, %mul3A_615 : vector<16xf32>
        %mul3A_617 = vector.broadcast %squeeze3A_606 : f32 to vector<16xf32>
        %mul3A_618 = arith.mulf %add3A_594, %mul3A_617 : vector<16xf32>
        %add3A_619 = arith.addf %add3A_616, %mul3A_618 : vector<16xf32>
        %add3A_620 = arith.constant 256 : i32
        %add3A_621 = vector.broadcast %add3A_620 : i32 to vector<16xi32>
        %add3A_622 = arith.addi %add3A_598, %add3A_621 : vector<16xi32>
        tpu.vector_store_idx %arg8[%add3A_622], %add3A_619 : memref<4096xf32, #tpu.memory_space<vmem>>[vector<16xi32>], vector<16xf32>,
        %slice3A_623 = vector.extract_strided_slice %get3A_535 {offsets = [1], sizes = [1], strides = [1]} : vector<16xf32> to vector<1xf32>
        %squeeze3A_624 = vector.extract %slice3A_623[0] : f32 from vector<1xf32>
        %slice3A_625 = vector.extract_strided_slice %get3A_540 {offsets = [1], sizes = [1], strides = [1]} : vector<16xf32> to vector<1xf32>
        %squeeze3A_626 = vector.extract %slice3A_625[0] : f32 from vector<1xf32>
        %slice3A_627 = vector.extract_strided_slice %get3A_545 {offsets = [1], sizes = [1], strides = [1]} : vector<16xf32> to vector<1xf32>
        %squeeze3A_628 = vector.extract %slice3A_627[0] : f32 from vector<1xf32>
        %slice3A_629 = vector.extract_strided_slice %get3A_550 {offsets = [1], sizes = [1], strides = [1]} : vector<16xf32> to vector<1xf32>
        %squeeze3A_630 = vector.extract %slice3A_629[0] : f32 from vector<1xf32>
        %mul3A_631 = vector.broadcast %squeeze3A_624 : f32 to vector<16xf32>
        %mul3A_632 = arith.mulf %mul3A_552, %mul3A_631 : vector<16xf32>
        %add3A_633 = arith.constant 1 : i32
        %add3A_634 = vector.broadcast %add3A_633 : i32 to vector<16xi32>
        %add3A_635 = arith.addi %add3A_598, %add3A_634 : vector<16xi32>
        tpu.vector_store_idx %arg8[%add3A_635], %mul3A_632 : memref<4096xf32, #tpu.memory_space<vmem>>[vector<16xi32>], vector<16xf32>,
        %mul3A_636 = vector.broadcast %squeeze3A_626 : f32 to vector<16xf32>
        %mul3A_637 = arith.mulf %add3A_566, %mul3A_636 : vector<16xf32>
        %mul3A_638 = vector.broadcast %squeeze3A_628 : f32 to vector<16xf32>
        %mul3A_639 = arith.mulf %add3A_580, %mul3A_638 : vector<16xf32>
        %add3A_640 = arith.addf %mul3A_637, %mul3A_639 : vector<16xf32>
        %mul3A_641 = vector.broadcast %squeeze3A_630 : f32 to vector<16xf32>
        %mul3A_642 = arith.mulf %add3A_594, %mul3A_641 : vector<16xf32>
        %add3A_643 = arith.addf %add3A_640, %mul3A_642 : vector<16xf32>
        %add3A_644 = arith.constant 257 : i32
        %add3A_645 = vector.broadcast %add3A_644 : i32 to vector<16xi32>
        %add3A_646 = arith.addi %add3A_598, %add3A_645 : vector<16xi32>
        tpu.vector_store_idx %arg8[%add3A_646], %add3A_643 : memref<4096xf32, #tpu.memory_space<vmem>>[vector<16xi32>], vector<16xf32>,
        %slice3A_647 = vector.extract_strided_slice %get3A_535 {offsets = [2], sizes = [1], strides = [1]} : vector<16xf32> to vector<1xf32>
        %squeeze3A_648 = vector.extract %slice3A_647[0] : f32 from vector<1xf32>
        %slice3A_649 = vector.extract_strided_slice %get3A_540 {offsets = [2], sizes = [1], strides = [1]} : vector<16xf32> to vector<1xf32>
        %squeeze3A_650 = vector.extract %slice3A_649[0] : f32 from vector<1xf32>
        %slice3A_651 = vector.extract_strided_slice %get3A_545 {offsets = [2], sizes = [1], strides = [1]} : vector<16xf32> to vector<1xf32>
        %squeeze3A_652 = vector.extract %slice3A_651[0] : f32 from vector<1xf32>
        %slice3A_653 = vector.extract_strided_slice %get3A_550 {offsets = [2], sizes = [1], strides = [1]} : vector<16xf32> to vector<1xf32>
        %squeeze3A_654 = vector.extract %slice3A_653[0] : f32 from vector<1xf32>
        %mul3A_655 = vector.broadcast %squeeze3A_648 : f32 to vector<16xf32>
        %mul3A_656 = arith.mulf %mul3A_552, %mul3A_655 : vector<16xf32>
        %add3A_657 = arith.constant 2 : i32
        %add3A_658 = vector.broadcast %add3A_657 : i32 to vector<16xi32>
        %add3A_659 = arith.addi %add3A_598, %add3A_658 : vector<16xi32>
        tpu.vector_store_idx %arg8[%add3A_659], %mul3A_656 : memref<4096xf32, #tpu.memory_space<vmem>>[vector<16xi32>], vector<16xf32>,
        %mul3A_660 = vector.broadcast %squeeze3A_650 : f32 to vector<16xf32>
        %mul3A_661 = arith.mulf %add3A_566, %mul3A_660 : vector<16xf32>
        %mul3A_662 = vector.broadcast %squeeze3A_652 : f32 to vector<16xf32>
        %mul3A_663 = arith.mulf %add3A_580, %mul3A_662 : vector<16xf32>
        %add3A_664 = arith.addf %mul3A_661, %mul3A_663 : vector<16xf32>
        %mul3A_665 = vector.broadcast %squeeze3A_654 : f32 to vector<16xf32>
        %mul3A_666 = arith.mulf %add3A_594, %mul3A_665 : vector<16xf32>
        %add3A_667 = arith.addf %add3A_664, %mul3A_666 : vector<16xf32>
        %add3A_668 = arith.constant 258 : i32
        %add3A_669 = vector.broadcast %add3A_668 : i32 to vector<16xi32>
        %add3A_670 = arith.addi %add3A_598, %add3A_669 : vector<16xi32>
        tpu.vector_store_idx %arg8[%add3A_670], %add3A_667 : memref<4096xf32, #tpu.memory_space<vmem>>[vector<16xi32>], vector<16xf32>,
        %slice3A_671 = vector.extract_strided_slice %get3A_535 {offsets = [3], sizes = [1], strides = [1]} : vector<16xf32> to vector<1xf32>
        %squeeze3A_672 = vector.extract %slice3A_671[0] : f32 from vector<1xf32>
        %slice3A_673 = vector.extract_strided_slice %get3A_540 {offsets = [3], sizes = [1], strides = [1]} : vector<16xf32> to vector<1xf32>
        %squeeze3A_674 = vector.extract %slice3A_673[0] : f32 from vector<1xf32>
        %slice3A_675 = vector.extract_strided_slice %get3A_545 {offsets = [3], sizes = [1], strides = [1]} : vector<16xf32> to vector<1xf32>
        %squeeze3A_676 = vector.extract %slice3A_675[0] : f32 from vector<1xf32>
        %slice3A_677 = vector.extract_strided_slice %get3A_550 {offsets = [3], sizes = [1], strides = [1]} : vector<16xf32> to vector<1xf32>
        %squeeze3A_678 = vector.extract %slice3A_677[0] : f32 from vector<1xf32>
        %mul3A_679 = vector.broadcast %squeeze3A_672 : f32 to vector<16xf32>
        %mul3A_680 = arith.mulf %mul3A_552, %mul3A_679 : vector<16xf32>
        %add3A_681 = arith.constant 3 : i32
        %add3A_682 = vector.broadcast %add3A_681 : i32 to vector<16xi32>
        %add3A_683 = arith.addi %add3A_598, %add3A_682 : vector<16xi32>
        tpu.vector_store_idx %arg8[%add3A_683], %mul3A_680 : memref<4096xf32, #tpu.memory_space<vmem>>[vector<16xi32>], vector<16xf32>,
        %mul3A_684 = vector.broadcast %squeeze3A_674 : f32 to vector<16xf32>
        %mul3A_685 = arith.mulf %add3A_566, %mul3A_684 : vector<16xf32>
        %mul3A_686 = vector.broadcast %squeeze3A_676 : f32 to vector<16xf32>
        %mul3A_687 = arith.mulf %add3A_580, %mul3A_686 : vector<16xf32>
        %add3A_688 = arith.addf %mul3A_685, %mul3A_687 : vector<16xf32>
        %mul3A_689 = vector.broadcast %squeeze3A_678 : f32 to vector<16xf32>
        %mul3A_690 = arith.mulf %add3A_594, %mul3A_689 : vector<16xf32>
        %add3A_691 = arith.addf %add3A_688, %mul3A_690 : vector<16xf32>
        %add3A_692 = arith.constant 259 : i32
        %add3A_693 = vector.broadcast %add3A_692 : i32 to vector<16xi32>
        %add3A_694 = arith.addi %add3A_598, %add3A_693 : vector<16xi32>
        tpu.vector_store_idx %arg8[%add3A_694], %add3A_691 : memref<4096xf32, #tpu.memory_space<vmem>>[vector<16xi32>], vector<16xf32>,
        %slice3A_695 = vector.extract_strided_slice %get3A_535 {offsets = [4], sizes = [1], strides = [1]} : vector<16xf32> to vector<1xf32>
        %squeeze3A_696 = vector.extract %slice3A_695[0] : f32 from vector<1xf32>
        %slice3A_697 = vector.extract_strided_slice %get3A_540 {offsets = [4], sizes = [1], strides = [1]} : vector<16xf32> to vector<1xf32>
        %squeeze3A_698 = vector.extract %slice3A_697[0] : f32 from vector<1xf32>
        %slice3A_699 = vector.extract_strided_slice %get3A_545 {offsets = [4], sizes = [1], strides = [1]} : vector<16xf32> to vector<1xf32>
        %squeeze3A_700 = vector.extract %slice3A_699[0] : f32 from vector<1xf32>
        %slice3A_701 = vector.extract_strided_slice %get3A_550 {offsets = [4], sizes = [1], strides = [1]} : vector<16xf32> to vector<1xf32>
        %squeeze3A_702 = vector.extract %slice3A_701[0] : f32 from vector<1xf32>
        %mul3A_703 = vector.broadcast %squeeze3A_696 : f32 to vector<16xf32>
        %mul3A_704 = arith.mulf %mul3A_552, %mul3A_703 : vector<16xf32>
        %add3A_705 = arith.constant 4 : i32
        %add3A_706 = vector.broadcast %add3A_705 : i32 to vector<16xi32>
        %add3A_707 = arith.addi %add3A_598, %add3A_706 : vector<16xi32>
        tpu.vector_store_idx %arg8[%add3A_707], %mul3A_704 : memref<4096xf32, #tpu.memory_space<vmem>>[vector<16xi32>], vector<16xf32>,
        %mul3A_708 = vector.broadcast %squeeze3A_698 : f32 to vector<16xf32>
        %mul3A_709 = arith.mulf %add3A_566, %mul3A_708 : vector<16xf32>
        %mul3A_710 = vector.broadcast %squeeze3A_700 : f32 to vector<16xf32>
        %mul3A_711 = arith.mulf %add3A_580, %mul3A_710 : vector<16xf32>
        %add3A_712 = arith.addf %mul3A_709, %mul3A_711 : vector<16xf32>
        %mul3A_713 = vector.broadcast %squeeze3A_702 : f32 to vector<16xf32>
        %mul3A_714 = arith.mulf %add3A_594, %mul3A_713 : vector<16xf32>
        %add3A_715 = arith.addf %add3A_712, %mul3A_714 : vector<16xf32>
        %add3A_716 = arith.constant 260 : i32
        %add3A_717 = vector.broadcast %add3A_716 : i32 to vector<16xi32>
        %add3A_718 = arith.addi %add3A_598, %add3A_717 : vector<16xi32>
        tpu.vector_store_idx %arg8[%add3A_718], %add3A_715 : memref<4096xf32, #tpu.memory_space<vmem>>[vector<16xi32>], vector<16xf32>,
        %slice3A_719 = vector.extract_strided_slice %get3A_535 {offsets = [5], sizes = [1], strides = [1]} : vector<16xf32> to vector<1xf32>
        %squeeze3A_720 = vector.extract %slice3A_719[0] : f32 from vector<1xf32>
        %slice3A_721 = vector.extract_strided_slice %get3A_540 {offsets = [5], sizes = [1], strides = [1]} : vector<16xf32> to vector<1xf32>
        %squeeze3A_722 = vector.extract %slice3A_721[0] : f32 from vector<1xf32>
        %slice3A_723 = vector.extract_strided_slice %get3A_545 {offsets = [5], sizes = [1], strides = [1]} : vector<16xf32> to vector<1xf32>
        %squeeze3A_724 = vector.extract %slice3A_723[0] : f32 from vector<1xf32>
        %slice3A_725 = vector.extract_strided_slice %get3A_550 {offsets = [5], sizes = [1], strides = [1]} : vector<16xf32> to vector<1xf32>
        %squeeze3A_726 = vector.extract %slice3A_725[0] : f32 from vector<1xf32>
        %mul3A_727 = vector.broadcast %squeeze3A_720 : f32 to vector<16xf32>
        %mul3A_728 = arith.mulf %mul3A_552, %mul3A_727 : vector<16xf32>
        %add3A_729 = arith.constant 5 : i32
        %add3A_730 = vector.broadcast %add3A_729 : i32 to vector<16xi32>
        %add3A_731 = arith.addi %add3A_598, %add3A_730 : vector<16xi32>
        tpu.vector_store_idx %arg8[%add3A_731], %mul3A_728 : memref<4096xf32, #tpu.memory_space<vmem>>[vector<16xi32>], vector<16xf32>,
        %mul3A_732 = vector.broadcast %squeeze3A_722 : f32 to vector<16xf32>
        %mul3A_733 = arith.mulf %add3A_566, %mul3A_732 : vector<16xf32>
        %mul3A_734 = vector.broadcast %squeeze3A_724 : f32 to vector<16xf32>
        %mul3A_735 = arith.mulf %add3A_580, %mul3A_734 : vector<16xf32>
        %add3A_736 = arith.addf %mul3A_733, %mul3A_735 : vector<16xf32>
        %mul3A_737 = vector.broadcast %squeeze3A_726 : f32 to vector<16xf32>
        %mul3A_738 = arith.mulf %add3A_594, %mul3A_737 : vector<16xf32>
        %add3A_739 = arith.addf %add3A_736, %mul3A_738 : vector<16xf32>
        %add3A_740 = arith.constant 261 : i32
        %add3A_741 = vector.broadcast %add3A_740 : i32 to vector<16xi32>
        %add3A_742 = arith.addi %add3A_598, %add3A_741 : vector<16xi32>
        tpu.vector_store_idx %arg8[%add3A_742], %add3A_739 : memref<4096xf32, #tpu.memory_space<vmem>>[vector<16xi32>], vector<16xf32>,
        %slice3A_743 = vector.extract_strided_slice %get3A_535 {offsets = [6], sizes = [1], strides = [1]} : vector<16xf32> to vector<1xf32>
        %squeeze3A_744 = vector.extract %slice3A_743[0] : f32 from vector<1xf32>
        %slice3A_745 = vector.extract_strided_slice %get3A_540 {offsets = [6], sizes = [1], strides = [1]} : vector<16xf32> to vector<1xf32>
        %squeeze3A_746 = vector.extract %slice3A_745[0] : f32 from vector<1xf32>
        %slice3A_747 = vector.extract_strided_slice %get3A_545 {offsets = [6], sizes = [1], strides = [1]} : vector<16xf32> to vector<1xf32>
        %squeeze3A_748 = vector.extract %slice3A_747[0] : f32 from vector<1xf32>
        %slice3A_749 = vector.extract_strided_slice %get3A_550 {offsets = [6], sizes = [1], strides = [1]} : vector<16xf32> to vector<1xf32>
        %squeeze3A_750 = vector.extract %slice3A_749[0] : f32 from vector<1xf32>
        %mul3A_751 = vector.broadcast %squeeze3A_744 : f32 to vector<16xf32>
        %mul3A_752 = arith.mulf %mul3A_552, %mul3A_751 : vector<16xf32>
        %add3A_753 = arith.constant 6 : i32
        %add3A_754 = vector.broadcast %add3A_753 : i32 to vector<16xi32>
        %add3A_755 = arith.addi %add3A_598, %add3A_754 : vector<16xi32>
        tpu.vector_store_idx %arg8[%add3A_755], %mul3A_752 : memref<4096xf32, #tpu.memory_space<vmem>>[vector<16xi32>], vector<16xf32>,
        %mul3A_756 = vector.broadcast %squeeze3A_746 : f32 to vector<16xf32>
        %mul3A_757 = arith.mulf %add3A_566, %mul3A_756 : vector<16xf32>
        %mul3A_758 = vector.broadcast %squeeze3A_748 : f32 to vector<16xf32>
        %mul3A_759 = arith.mulf %add3A_580, %mul3A_758 : vector<16xf32>
        %add3A_760 = arith.addf %mul3A_757, %mul3A_759 : vector<16xf32>
        %mul3A_761 = vector.broadcast %squeeze3A_750 : f32 to vector<16xf32>
        %mul3A_762 = arith.mulf %add3A_594, %mul3A_761 : vector<16xf32>
        %add3A_763 = arith.addf %add3A_760, %mul3A_762 : vector<16xf32>
        %add3A_764 = arith.constant 262 : i32
        %add3A_765 = vector.broadcast %add3A_764 : i32 to vector<16xi32>
        %add3A_766 = arith.addi %add3A_598, %add3A_765 : vector<16xi32>
        tpu.vector_store_idx %arg8[%add3A_766], %add3A_763 : memref<4096xf32, #tpu.memory_space<vmem>>[vector<16xi32>], vector<16xf32>,
        %slice3A_767 = vector.extract_strided_slice %get3A_535 {offsets = [7], sizes = [1], strides = [1]} : vector<16xf32> to vector<1xf32>
        %squeeze3A_768 = vector.extract %slice3A_767[0] : f32 from vector<1xf32>
        %slice3A_769 = vector.extract_strided_slice %get3A_540 {offsets = [7], sizes = [1], strides = [1]} : vector<16xf32> to vector<1xf32>
        %squeeze3A_770 = vector.extract %slice3A_769[0] : f32 from vector<1xf32>
        %slice3A_771 = vector.extract_strided_slice %get3A_545 {offsets = [7], sizes = [1], strides = [1]} : vector<16xf32> to vector<1xf32>
        %squeeze3A_772 = vector.extract %slice3A_771[0] : f32 from vector<1xf32>
        %slice3A_773 = vector.extract_strided_slice %get3A_550 {offsets = [7], sizes = [1], strides = [1]} : vector<16xf32> to vector<1xf32>
        %squeeze3A_774 = vector.extract %slice3A_773[0] : f32 from vector<1xf32>
        %mul3A_775 = vector.broadcast %squeeze3A_768 : f32 to vector<16xf32>
        %mul3A_776 = arith.mulf %mul3A_552, %mul3A_775 : vector<16xf32>
        %add3A_777 = arith.constant 7 : i32
        %add3A_778 = vector.broadcast %add3A_777 : i32 to vector<16xi32>
        %add3A_779 = arith.addi %add3A_598, %add3A_778 : vector<16xi32>
        tpu.vector_store_idx %arg8[%add3A_779], %mul3A_776 : memref<4096xf32, #tpu.memory_space<vmem>>[vector<16xi32>], vector<16xf32>,
        %mul3A_780 = vector.broadcast %squeeze3A_770 : f32 to vector<16xf32>
        %mul3A_781 = arith.mulf %add3A_566, %mul3A_780 : vector<16xf32>
        %mul3A_782 = vector.broadcast %squeeze3A_772 : f32 to vector<16xf32>
        %mul3A_783 = arith.mulf %add3A_580, %mul3A_782 : vector<16xf32>
        %add3A_784 = arith.addf %mul3A_781, %mul3A_783 : vector<16xf32>
        %mul3A_785 = vector.broadcast %squeeze3A_774 : f32 to vector<16xf32>
        %mul3A_786 = arith.mulf %add3A_594, %mul3A_785 : vector<16xf32>
        %add3A_787 = arith.addf %add3A_784, %mul3A_786 : vector<16xf32>
        %add3A_788 = arith.constant 263 : i32
        %add3A_789 = vector.broadcast %add3A_788 : i32 to vector<16xi32>
        %add3A_790 = arith.addi %add3A_598, %add3A_789 : vector<16xi32>
        tpu.vector_store_idx %arg8[%add3A_790], %add3A_787 : memref<4096xf32, #tpu.memory_space<vmem>>[vector<16xi32>], vector<16xf32>,
        %slice3A_791 = vector.extract_strided_slice %get3A_535 {offsets = [8], sizes = [1], strides = [1]} : vector<16xf32> to vector<1xf32>
        %squeeze3A_792 = vector.extract %slice3A_791[0] : f32 from vector<1xf32>
        %slice3A_793 = vector.extract_strided_slice %get3A_540 {offsets = [8], sizes = [1], strides = [1]} : vector<16xf32> to vector<1xf32>
        %squeeze3A_794 = vector.extract %slice3A_793[0] : f32 from vector<1xf32>
        %slice3A_795 = vector.extract_strided_slice %get3A_545 {offsets = [8], sizes = [1], strides = [1]} : vector<16xf32> to vector<1xf32>
        %squeeze3A_796 = vector.extract %slice3A_795[0] : f32 from vector<1xf32>
        %slice3A_797 = vector.extract_strided_slice %get3A_550 {offsets = [8], sizes = [1], strides = [1]} : vector<16xf32> to vector<1xf32>
        %squeeze3A_798 = vector.extract %slice3A_797[0] : f32 from vector<1xf32>
        %mul3A_799 = vector.broadcast %squeeze3A_792 : f32 to vector<16xf32>
        %mul3A_800 = arith.mulf %mul3A_552, %mul3A_799 : vector<16xf32>
        %add3A_801 = arith.constant 8 : i32
        %add3A_802 = vector.broadcast %add3A_801 : i32 to vector<16xi32>
        %add3A_803 = arith.addi %add3A_598, %add3A_802 : vector<16xi32>
        tpu.vector_store_idx %arg8[%add3A_803], %mul3A_800 : memref<4096xf32, #tpu.memory_space<vmem>>[vector<16xi32>], vector<16xf32>,
        %mul3A_804 = vector.broadcast %squeeze3A_794 : f32 to vector<16xf32>
        %mul3A_805 = arith.mulf %add3A_566, %mul3A_804 : vector<16xf32>
        %mul3A_806 = vector.broadcast %squeeze3A_796 : f32 to vector<16xf32>
        %mul3A_807 = arith.mulf %add3A_580, %mul3A_806 : vector<16xf32>
        %add3A_808 = arith.addf %mul3A_805, %mul3A_807 : vector<16xf32>
        %mul3A_809 = vector.broadcast %squeeze3A_798 : f32 to vector<16xf32>
        %mul3A_810 = arith.mulf %add3A_594, %mul3A_809 : vector<16xf32>
        %add3A_811 = arith.addf %add3A_808, %mul3A_810 : vector<16xf32>
        %add3A_812 = arith.constant 264 : i32
        %add3A_813 = vector.broadcast %add3A_812 : i32 to vector<16xi32>
        %add3A_814 = arith.addi %add3A_598, %add3A_813 : vector<16xi32>
        tpu.vector_store_idx %arg8[%add3A_814], %add3A_811 : memref<4096xf32, #tpu.memory_space<vmem>>[vector<16xi32>], vector<16xf32>,
        %slice3A_815 = vector.extract_strided_slice %get3A_535 {offsets = [9], sizes = [1], strides = [1]} : vector<16xf32> to vector<1xf32>
        %squeeze3A_816 = vector.extract %slice3A_815[0] : f32 from vector<1xf32>
        %slice3A_817 = vector.extract_strided_slice %get3A_540 {offsets = [9], sizes = [1], strides = [1]} : vector<16xf32> to vector<1xf32>
        %squeeze3A_818 = vector.extract %slice3A_817[0] : f32 from vector<1xf32>
        %slice3A_819 = vector.extract_strided_slice %get3A_545 {offsets = [9], sizes = [1], strides = [1]} : vector<16xf32> to vector<1xf32>
        %squeeze3A_820 = vector.extract %slice3A_819[0] : f32 from vector<1xf32>
        %slice3A_821 = vector.extract_strided_slice %get3A_550 {offsets = [9], sizes = [1], strides = [1]} : vector<16xf32> to vector<1xf32>
        %squeeze3A_822 = vector.extract %slice3A_821[0] : f32 from vector<1xf32>
        %mul3A_823 = vector.broadcast %squeeze3A_816 : f32 to vector<16xf32>
        %mul3A_824 = arith.mulf %mul3A_552, %mul3A_823 : vector<16xf32>
        %add3A_825 = arith.constant 9 : i32
        %add3A_826 = vector.broadcast %add3A_825 : i32 to vector<16xi32>
        %add3A_827 = arith.addi %add3A_598, %add3A_826 : vector<16xi32>
        tpu.vector_store_idx %arg8[%add3A_827], %mul3A_824 : memref<4096xf32, #tpu.memory_space<vmem>>[vector<16xi32>], vector<16xf32>,
        %mul3A_828 = vector.broadcast %squeeze3A_818 : f32 to vector<16xf32>
        %mul3A_829 = arith.mulf %add3A_566, %mul3A_828 : vector<16xf32>
        %mul3A_830 = vector.broadcast %squeeze3A_820 : f32 to vector<16xf32>
        %mul3A_831 = arith.mulf %add3A_580, %mul3A_830 : vector<16xf32>
        %add3A_832 = arith.addf %mul3A_829, %mul3A_831 : vector<16xf32>
        %mul3A_833 = vector.broadcast %squeeze3A_822 : f32 to vector<16xf32>
        %mul3A_834 = arith.mulf %add3A_594, %mul3A_833 : vector<16xf32>
        %add3A_835 = arith.addf %add3A_832, %mul3A_834 : vector<16xf32>
        %add3A_836 = arith.constant 265 : i32
        %add3A_837 = vector.broadcast %add3A_836 : i32 to vector<16xi32>
        %add3A_838 = arith.addi %add3A_598, %add3A_837 : vector<16xi32>
        tpu.vector_store_idx %arg8[%add3A_838], %add3A_835 : memref<4096xf32, #tpu.memory_space<vmem>>[vector<16xi32>], vector<16xf32>,
        %slice3A_839 = vector.extract_strided_slice %get3A_535 {offsets = [10], sizes = [1], strides = [1]} : vector<16xf32> to vector<1xf32>
        %squeeze3A_840 = vector.extract %slice3A_839[0] : f32 from vector<1xf32>
        %slice3A_841 = vector.extract_strided_slice %get3A_540 {offsets = [10], sizes = [1], strides = [1]} : vector<16xf32> to vector<1xf32>
        %squeeze3A_842 = vector.extract %slice3A_841[0] : f32 from vector<1xf32>
        %slice3A_843 = vector.extract_strided_slice %get3A_545 {offsets = [10], sizes = [1], strides = [1]} : vector<16xf32> to vector<1xf32>
        %squeeze3A_844 = vector.extract %slice3A_843[0] : f32 from vector<1xf32>
        %slice3A_845 = vector.extract_strided_slice %get3A_550 {offsets = [10], sizes = [1], strides = [1]} : vector<16xf32> to vector<1xf32>
        %squeeze3A_846 = vector.extract %slice3A_845[0] : f32 from vector<1xf32>
        %mul3A_847 = vector.broadcast %squeeze3A_840 : f32 to vector<16xf32>
        %mul3A_848 = arith.mulf %mul3A_552, %mul3A_847 : vector<16xf32>
        %add3A_849 = arith.constant 10 : i32
        %add3A_850 = vector.broadcast %add3A_849 : i32 to vector<16xi32>
        %add3A_851 = arith.addi %add3A_598, %add3A_850 : vector<16xi32>
        tpu.vector_store_idx %arg8[%add3A_851], %mul3A_848 : memref<4096xf32, #tpu.memory_space<vmem>>[vector<16xi32>], vector<16xf32>,
        %mul3A_852 = vector.broadcast %squeeze3A_842 : f32 to vector<16xf32>
        %mul3A_853 = arith.mulf %add3A_566, %mul3A_852 : vector<16xf32>
        %mul3A_854 = vector.broadcast %squeeze3A_844 : f32 to vector<16xf32>
        %mul3A_855 = arith.mulf %add3A_580, %mul3A_854 : vector<16xf32>
        %add3A_856 = arith.addf %mul3A_853, %mul3A_855 : vector<16xf32>
        %mul3A_857 = vector.broadcast %squeeze3A_846 : f32 to vector<16xf32>
        %mul3A_858 = arith.mulf %add3A_594, %mul3A_857 : vector<16xf32>
        %add3A_859 = arith.addf %add3A_856, %mul3A_858 : vector<16xf32>
        %add3A_860 = arith.constant 266 : i32
        %add3A_861 = vector.broadcast %add3A_860 : i32 to vector<16xi32>
        %add3A_862 = arith.addi %add3A_598, %add3A_861 : vector<16xi32>
        tpu.vector_store_idx %arg8[%add3A_862], %add3A_859 : memref<4096xf32, #tpu.memory_space<vmem>>[vector<16xi32>], vector<16xf32>,
        %slice3A_863 = vector.extract_strided_slice %get3A_535 {offsets = [11], sizes = [1], strides = [1]} : vector<16xf32> to vector<1xf32>
        %squeeze3A_864 = vector.extract %slice3A_863[0] : f32 from vector<1xf32>
        %slice3A_865 = vector.extract_strided_slice %get3A_540 {offsets = [11], sizes = [1], strides = [1]} : vector<16xf32> to vector<1xf32>
        %squeeze3A_866 = vector.extract %slice3A_865[0] : f32 from vector<1xf32>
        %slice3A_867 = vector.extract_strided_slice %get3A_545 {offsets = [11], sizes = [1], strides = [1]} : vector<16xf32> to vector<1xf32>
        %squeeze3A_868 = vector.extract %slice3A_867[0] : f32 from vector<1xf32>
        %slice3A_869 = vector.extract_strided_slice %get3A_550 {offsets = [11], sizes = [1], strides = [1]} : vector<16xf32> to vector<1xf32>
        %squeeze3A_870 = vector.extract %slice3A_869[0] : f32 from vector<1xf32>
        %mul3A_871 = vector.broadcast %squeeze3A_864 : f32 to vector<16xf32>
        %mul3A_872 = arith.mulf %mul3A_552, %mul3A_871 : vector<16xf32>
        %add3A_873 = arith.constant 11 : i32
        %add3A_874 = vector.broadcast %add3A_873 : i32 to vector<16xi32>
        %add3A_875 = arith.addi %add3A_598, %add3A_874 : vector<16xi32>
        tpu.vector_store_idx %arg8[%add3A_875], %mul3A_872 : memref<4096xf32, #tpu.memory_space<vmem>>[vector<16xi32>], vector<16xf32>,
        %mul3A_876 = vector.broadcast %squeeze3A_866 : f32 to vector<16xf32>
        %mul3A_877 = arith.mulf %add3A_566, %mul3A_876 : vector<16xf32>
        %mul3A_878 = vector.broadcast %squeeze3A_868 : f32 to vector<16xf32>
        %mul3A_879 = arith.mulf %add3A_580, %mul3A_878 : vector<16xf32>
        %add3A_880 = arith.addf %mul3A_877, %mul3A_879 : vector<16xf32>
        %mul3A_881 = vector.broadcast %squeeze3A_870 : f32 to vector<16xf32>
        %mul3A_882 = arith.mulf %add3A_594, %mul3A_881 : vector<16xf32>
        %add3A_883 = arith.addf %add3A_880, %mul3A_882 : vector<16xf32>
        %add3A_884 = arith.constant 267 : i32
        %add3A_885 = vector.broadcast %add3A_884 : i32 to vector<16xi32>
        %add3A_886 = arith.addi %add3A_598, %add3A_885 : vector<16xi32>
        tpu.vector_store_idx %arg8[%add3A_886], %add3A_883 : memref<4096xf32, #tpu.memory_space<vmem>>[vector<16xi32>], vector<16xf32>,
        %slice3A_887 = vector.extract_strided_slice %get3A_535 {offsets = [12], sizes = [1], strides = [1]} : vector<16xf32> to vector<1xf32>
        %squeeze3A_888 = vector.extract %slice3A_887[0] : f32 from vector<1xf32>
        %slice3A_889 = vector.extract_strided_slice %get3A_540 {offsets = [12], sizes = [1], strides = [1]} : vector<16xf32> to vector<1xf32>
        %squeeze3A_890 = vector.extract %slice3A_889[0] : f32 from vector<1xf32>
        %slice3A_891 = vector.extract_strided_slice %get3A_545 {offsets = [12], sizes = [1], strides = [1]} : vector<16xf32> to vector<1xf32>
        %squeeze3A_892 = vector.extract %slice3A_891[0] : f32 from vector<1xf32>
        %slice3A_893 = vector.extract_strided_slice %get3A_550 {offsets = [12], sizes = [1], strides = [1]} : vector<16xf32> to vector<1xf32>
        %squeeze3A_894 = vector.extract %slice3A_893[0] : f32 from vector<1xf32>
        %mul3A_895 = vector.broadcast %squeeze3A_888 : f32 to vector<16xf32>
        %mul3A_896 = arith.mulf %mul3A_552, %mul3A_895 : vector<16xf32>
        %add3A_897 = arith.constant 12 : i32
        %add3A_898 = vector.broadcast %add3A_897 : i32 to vector<16xi32>
        %add3A_899 = arith.addi %add3A_598, %add3A_898 : vector<16xi32>
        tpu.vector_store_idx %arg8[%add3A_899], %mul3A_896 : memref<4096xf32, #tpu.memory_space<vmem>>[vector<16xi32>], vector<16xf32>,
        %mul3A_900 = vector.broadcast %squeeze3A_890 : f32 to vector<16xf32>
        %mul3A_901 = arith.mulf %add3A_566, %mul3A_900 : vector<16xf32>
        %mul3A_902 = vector.broadcast %squeeze3A_892 : f32 to vector<16xf32>
        %mul3A_903 = arith.mulf %add3A_580, %mul3A_902 : vector<16xf32>
        %add3A_904 = arith.addf %mul3A_901, %mul3A_903 : vector<16xf32>
        %mul3A_905 = vector.broadcast %squeeze3A_894 : f32 to vector<16xf32>
        %mul3A_906 = arith.mulf %add3A_594, %mul3A_905 : vector<16xf32>
        %add3A_907 = arith.addf %add3A_904, %mul3A_906 : vector<16xf32>
        %add3A_908 = arith.constant 268 : i32
        %add3A_909 = vector.broadcast %add3A_908 : i32 to vector<16xi32>
        %add3A_910 = arith.addi %add3A_598, %add3A_909 : vector<16xi32>
        tpu.vector_store_idx %arg8[%add3A_910], %add3A_907 : memref<4096xf32, #tpu.memory_space<vmem>>[vector<16xi32>], vector<16xf32>,
        %slice3A_911 = vector.extract_strided_slice %get3A_535 {offsets = [13], sizes = [1], strides = [1]} : vector<16xf32> to vector<1xf32>
        %squeeze3A_912 = vector.extract %slice3A_911[0] : f32 from vector<1xf32>
        %slice3A_913 = vector.extract_strided_slice %get3A_540 {offsets = [13], sizes = [1], strides = [1]} : vector<16xf32> to vector<1xf32>
        %squeeze3A_914 = vector.extract %slice3A_913[0] : f32 from vector<1xf32>
        %slice3A_915 = vector.extract_strided_slice %get3A_545 {offsets = [13], sizes = [1], strides = [1]} : vector<16xf32> to vector<1xf32>
        %squeeze3A_916 = vector.extract %slice3A_915[0] : f32 from vector<1xf32>
        %slice3A_917 = vector.extract_strided_slice %get3A_550 {offsets = [13], sizes = [1], strides = [1]} : vector<16xf32> to vector<1xf32>
        %squeeze3A_918 = vector.extract %slice3A_917[0] : f32 from vector<1xf32>
        %mul3A_919 = vector.broadcast %squeeze3A_912 : f32 to vector<16xf32>
        %mul3A_920 = arith.mulf %mul3A_552, %mul3A_919 : vector<16xf32>
        %add3A_921 = arith.constant 13 : i32
        %add3A_922 = vector.broadcast %add3A_921 : i32 to vector<16xi32>
        %add3A_923 = arith.addi %add3A_598, %add3A_922 : vector<16xi32>
        tpu.vector_store_idx %arg8[%add3A_923], %mul3A_920 : memref<4096xf32, #tpu.memory_space<vmem>>[vector<16xi32>], vector<16xf32>,
        %mul3A_924 = vector.broadcast %squeeze3A_914 : f32 to vector<16xf32>
        %mul3A_925 = arith.mulf %add3A_566, %mul3A_924 : vector<16xf32>
        %mul3A_926 = vector.broadcast %squeeze3A_916 : f32 to vector<16xf32>
        %mul3A_927 = arith.mulf %add3A_580, %mul3A_926 : vector<16xf32>
        %add3A_928 = arith.addf %mul3A_925, %mul3A_927 : vector<16xf32>
        %mul3A_929 = vector.broadcast %squeeze3A_918 : f32 to vector<16xf32>
        %mul3A_930 = arith.mulf %add3A_594, %mul3A_929 : vector<16xf32>
        %add3A_931 = arith.addf %add3A_928, %mul3A_930 : vector<16xf32>
        %add3A_932 = arith.constant 269 : i32
        %add3A_933 = vector.broadcast %add3A_932 : i32 to vector<16xi32>
        %add3A_934 = arith.addi %add3A_598, %add3A_933 : vector<16xi32>
        tpu.vector_store_idx %arg8[%add3A_934], %add3A_931 : memref<4096xf32, #tpu.memory_space<vmem>>[vector<16xi32>], vector<16xf32>,
        %slice3A_935 = vector.extract_strided_slice %get3A_535 {offsets = [14], sizes = [1], strides = [1]} : vector<16xf32> to vector<1xf32>
        %squeeze3A_936 = vector.extract %slice3A_935[0] : f32 from vector<1xf32>
        %slice3A_937 = vector.extract_strided_slice %get3A_540 {offsets = [14], sizes = [1], strides = [1]} : vector<16xf32> to vector<1xf32>
        %squeeze3A_938 = vector.extract %slice3A_937[0] : f32 from vector<1xf32>
        %slice3A_939 = vector.extract_strided_slice %get3A_545 {offsets = [14], sizes = [1], strides = [1]} : vector<16xf32> to vector<1xf32>
        %squeeze3A_940 = vector.extract %slice3A_939[0] : f32 from vector<1xf32>
        %slice3A_941 = vector.extract_strided_slice %get3A_550 {offsets = [14], sizes = [1], strides = [1]} : vector<16xf32> to vector<1xf32>
        %squeeze3A_942 = vector.extract %slice3A_941[0] : f32 from vector<1xf32>
        %mul3A_943 = vector.broadcast %squeeze3A_936 : f32 to vector<16xf32>
        %mul3A_944 = arith.mulf %mul3A_552, %mul3A_943 : vector<16xf32>
        %add3A_945 = arith.constant 14 : i32
        %add3A_946 = vector.broadcast %add3A_945 : i32 to vector<16xi32>
        %add3A_947 = arith.addi %add3A_598, %add3A_946 : vector<16xi32>
        tpu.vector_store_idx %arg8[%add3A_947], %mul3A_944 : memref<4096xf32, #tpu.memory_space<vmem>>[vector<16xi32>], vector<16xf32>,
        %mul3A_948 = vector.broadcast %squeeze3A_938 : f32 to vector<16xf32>
        %mul3A_949 = arith.mulf %add3A_566, %mul3A_948 : vector<16xf32>
        %mul3A_950 = vector.broadcast %squeeze3A_940 : f32 to vector<16xf32>
        %mul3A_951 = arith.mulf %add3A_580, %mul3A_950 : vector<16xf32>
        %add3A_952 = arith.addf %mul3A_949, %mul3A_951 : vector<16xf32>
        %mul3A_953 = vector.broadcast %squeeze3A_942 : f32 to vector<16xf32>
        %mul3A_954 = arith.mulf %add3A_594, %mul3A_953 : vector<16xf32>
        %add3A_955 = arith.addf %add3A_952, %mul3A_954 : vector<16xf32>
        %add3A_956 = arith.constant 270 : i32
        %add3A_957 = vector.broadcast %add3A_956 : i32 to vector<16xi32>
        %add3A_958 = arith.addi %add3A_598, %add3A_957 : vector<16xi32>
        tpu.vector_store_idx %arg8[%add3A_958], %add3A_955 : memref<4096xf32, #tpu.memory_space<vmem>>[vector<16xi32>], vector<16xf32>,
        %slice3A_959 = vector.extract_strided_slice %get3A_535 {offsets = [15], sizes = [1], strides = [1]} : vector<16xf32> to vector<1xf32>
        %squeeze3A_960 = vector.extract %slice3A_959[0] : f32 from vector<1xf32>
        %slice3A_961 = vector.extract_strided_slice %get3A_540 {offsets = [15], sizes = [1], strides = [1]} : vector<16xf32> to vector<1xf32>
        %squeeze3A_962 = vector.extract %slice3A_961[0] : f32 from vector<1xf32>
        %slice3A_963 = vector.extract_strided_slice %get3A_545 {offsets = [15], sizes = [1], strides = [1]} : vector<16xf32> to vector<1xf32>
        %squeeze3A_964 = vector.extract %slice3A_963[0] : f32 from vector<1xf32>
        %slice3A_965 = vector.extract_strided_slice %get3A_550 {offsets = [15], sizes = [1], strides = [1]} : vector<16xf32> to vector<1xf32>
        %squeeze3A_966 = vector.extract %slice3A_965[0] : f32 from vector<1xf32>
        %mul3A_967 = vector.broadcast %squeeze3A_960 : f32 to vector<16xf32>
        %mul3A_968 = arith.mulf %mul3A_552, %mul3A_967 : vector<16xf32>
        %add3A_969 = arith.constant 15 : i32
        %add3A_970 = vector.broadcast %add3A_969 : i32 to vector<16xi32>
        %add3A_971 = arith.addi %add3A_598, %add3A_970 : vector<16xi32>
        tpu.vector_store_idx %arg8[%add3A_971], %mul3A_968 : memref<4096xf32, #tpu.memory_space<vmem>>[vector<16xi32>], vector<16xf32>,
        %mul3A_972 = vector.broadcast %squeeze3A_962 : f32 to vector<16xf32>
        %mul3A_973 = arith.mulf %add3A_566, %mul3A_972 : vector<16xf32>
        %mul3A_974 = vector.broadcast %squeeze3A_964 : f32 to vector<16xf32>
        %mul3A_975 = arith.mulf %add3A_580, %mul3A_974 : vector<16xf32>
        %add3A_976 = arith.addf %mul3A_973, %mul3A_975 : vector<16xf32>
        %mul3A_977 = vector.broadcast %squeeze3A_966 : f32 to vector<16xf32>
        %mul3A_978 = arith.mulf %add3A_594, %mul3A_977 : vector<16xf32>
        %add3A_979 = arith.addf %add3A_976, %mul3A_978 : vector<16xf32>
        %add3A_980 = arith.constant 271 : i32
        %add3A_981 = vector.broadcast %add3A_980 : i32 to vector<16xi32>
        %add3A_982 = arith.addi %add3A_598, %add3A_981 : vector<16xi32>
        tpu.vector_store_idx %arg8[%add3A_982], %add3A_979 : memref<4096xf32, #tpu.memory_space<vmem>>[vector<16xi32>], vector<16xf32>,
      }
      %scan3A_498 = arith.constant 8 : i32
      %mul3A_499 = arith.constant 8 : i32
      %mul3A_500 = arith.muli %add3A_305, %mul3A_499 : i32
      %add3A_501 = arith.addi %mul3A_2, %mul3A_500 : i32
      %mul3A_502 = arith.constant 512 : i32
      %mul3A_503 = arith.muli %add3A_501, %mul3A_502 : i32
      %dma_start3A_504 = tpu.memref_slice %arg4[%mul3A_503] : memref<3145728xf32, #tpu.memory_space<hbm>> -> memref<4096xf32, #tpu.memory_space<hbm>>
      %dma_start3A_505 = tpu.memref_slice %arg4[%mul3A_503] : memref<3145728xf32, #tpu.memory_space<hbm>> -> memref<4096xf32, #tpu.memory_space<hbm>>
      tpu.enqueue_dma source(%arg8 : memref<4096xf32, #tpu.memory_space<vmem>>) target(%dma_start3A_505 : memref<4096xf32, #tpu.memory_space<hbm>>) target_semaphore(%arg12 : memref<!tpu.dma_semaphore, #tpu.memory_space<semaphore_mem>>)
    }
    %scan3A_86 = arith.constant 12 : i32
    %add3A_87 = arith.constant 0 : i32
    %add3A_88 = arith.addi %mul3A_2, %add3A_87 : i32
    %jit3A_89 = arith.constant 2048 : i32
    %div3A_90 = arith.divsi %add3A_88, %jit3A_89 : i32
    %sign3A_91 = arith.constant 0 : i32
    %sign3A_92 = arith.cmpi sgt, %add3A_88, %sign3A_91 : i32
    %sign3A_93 = arith.extui %sign3A_92 : i1 to i32
    %sign3A_94 = arith.constant 0 : i32
    %sign3A_95 = arith.cmpi slt, %add3A_88, %sign3A_94 : i32
    %sign3A_96 = arith.extui %sign3A_95 : i1 to i32
    %sign3A_97 = arith.subi %sign3A_93, %sign3A_96 : i32
    %sign3A_98 = arith.constant 0 : i32
    %sign3A_99 = arith.cmpi sgt, %jit3A_89, %sign3A_98 : i32
    %sign3A_100 = arith.extui %sign3A_99 : i1 to i32
    %sign3A_101 = arith.constant 0 : i32
    %sign3A_102 = arith.cmpi slt, %jit3A_89, %sign3A_101 : i32
    %sign3A_103 = arith.extui %sign3A_102 : i1 to i32
    %sign3A_104 = arith.subi %sign3A_100, %sign3A_103 : i32
    %ne3A_105 = arith.cmpi ne, %sign3A_97, %sign3A_104 : i32
    %rem3A_106 = arith.remsi %add3A_88, %jit3A_89 : i32
    %ne3A_107 = arith.constant 0 : i32
    %ne3A_108 = arith.cmpi ne, %rem3A_106, %ne3A_107 : i32
    %and3A_109 = arith.andi %ne3A_105, %ne3A_108 : i1
    %sub3A_110 = arith.constant 1 : i32
    %sub3A_111 = arith.subi %div3A_90, %sub3A_110 : i32
    %select_n3A_112 = arith.select %and3A_109, %sub3A_111, %div3A_90 : i32
    %jit3A_113 = arith.constant 2048 : i32
    %eq3A_114 = arith.constant 0 : i32
    %eq3A_115 = arith.cmpi eq, %jit3A_113, %eq3A_114 : i32
    %jit3A_116 = arith.constant 1 : i32
    %select_n3A_117 = arith.select %eq3A_115, %jit3A_116, %jit3A_113 : i32
    %rem3A_118 = arith.remsi %add3A_88, %select_n3A_117 : i32
    %ne3A_119 = arith.constant 0 : i32
    %ne3A_120 = arith.cmpi ne, %rem3A_118, %ne3A_119 : i32
    %lt3A_121 = arith.constant 0 : i32
    %lt3A_122 = arith.cmpi slt, %rem3A_118, %lt3A_121 : i32
    %lt3A_123 = arith.constant 0 : i32
    %lt3A_124 = arith.cmpi slt, %select_n3A_117, %lt3A_123 : i32
    %ne3A_125 = arith.xori %lt3A_122, %lt3A_124 : i1
    %and3A_126 = arith.andi %ne3A_125, %ne3A_120 : i1
    %add3A_127 = arith.addi %rem3A_118, %select_n3A_117 : i32
    %select_n3A_128 = arith.select %and3A_126, %add3A_127, %rem3A_118 : i32
    %mul3A_129 = arith.constant 128 : i32
    %mul3A_130 = arith.muli %select_n3A_128, %mul3A_129 : i32
    %mul3A_131 = arith.constant 2 : i32
    %mul3A_132 = arith.muli %mul3A_130, %mul3A_131 : i32
    %mul3A_133 = arith.constant 2 : i32
    %mul3A_134 = arith.muli %mul3A_130, %mul3A_133 : i32
    %mul3A_135 = arith.constant 2 : i32
    %mul3A_136 = arith.muli %mul3A_130, %mul3A_135 : i32
    %dma_wait3A = arith.constant 0 : i32
    %dma_wait3A_137 = arith.constant 0 : i32
    %dma_wait3A_138 = tpu.memref_slice %arg9[%dma_wait3A_137] : memref<6144xf32, #tpu.memory_space<vmem>> -> memref<2048xf32, #tpu.memory_space<vmem>>
    %dma_wait3A_139 = tpu.memref_slice %arg5[%select_n3A_112, %dma_wait3A, %mul3A_132] : memref<3x3x524288xf32, #tpu.memory_space<hbm>> -> memref<1x1x2048xf32, #tpu.memory_space<hbm>>
    %dma_wait3A_140 = tpu.memref_squeeze %dma_wait3A_139 : memref<1x1x2048xf32, #tpu.memory_space<hbm>> -> memref<2048xf32, #tpu.memory_space<hbm>>
    %dma_wait3A_141 = tpu.memref_slice %arg5[%select_n3A_112, %dma_wait3A, %mul3A_132] : memref<3x3x524288xf32, #tpu.memory_space<hbm>> -> memref<1x1x2048xf32, #tpu.memory_space<hbm>>
    %dma_wait3A_142 = tpu.memref_squeeze %dma_wait3A_141 : memref<1x1x2048xf32, #tpu.memory_space<hbm>> -> memref<2048xf32, #tpu.memory_space<hbm>>
    %dma_wait3A_143 = arith.constant 0 : i32
    %dma_wait3A_144 = tpu.memref_slice %arg9[%dma_wait3A_143] : memref<6144xf32, #tpu.memory_space<vmem>> -> memref<2048xf32, #tpu.memory_space<vmem>>
    tpu.wait_dma2 semaphore(%arg13 : memref<!tpu.dma_semaphore, #tpu.memory_space<semaphore_mem>>) src(%dma_wait3A_144 : memref<2048xf32, #tpu.memory_space<vmem>>) dst(%dma_wait3A_142 : memref<2048xf32, #tpu.memory_space<hbm>>)
    %dma_wait3A_145 = arith.constant 1 : i32
    %dma_wait3A_146 = arith.constant 2048 : i32
    %dma_wait3A_147 = tpu.memref_slice %arg9[%dma_wait3A_146] : memref<6144xf32, #tpu.memory_space<vmem>> -> memref<2048xf32, #tpu.memory_space<vmem>>
    %dma_wait3A_148 = tpu.memref_slice %arg5[%select_n3A_112, %dma_wait3A_145, %mul3A_134] : memref<3x3x524288xf32, #tpu.memory_space<hbm>> -> memref<1x1x2048xf32, #tpu.memory_space<hbm>>
    %dma_wait3A_149 = tpu.memref_squeeze %dma_wait3A_148 : memref<1x1x2048xf32, #tpu.memory_space<hbm>> -> memref<2048xf32, #tpu.memory_space<hbm>>
    %dma_wait3A_150 = tpu.memref_slice %arg5[%select_n3A_112, %dma_wait3A_145, %mul3A_134] : memref<3x3x524288xf32, #tpu.memory_space<hbm>> -> memref<1x1x2048xf32, #tpu.memory_space<hbm>>
    %dma_wait3A_151 = tpu.memref_squeeze %dma_wait3A_150 : memref<1x1x2048xf32, #tpu.memory_space<hbm>> -> memref<2048xf32, #tpu.memory_space<hbm>>
    %dma_wait3A_152 = arith.constant 2048 : i32
    %dma_wait3A_153 = tpu.memref_slice %arg9[%dma_wait3A_152] : memref<6144xf32, #tpu.memory_space<vmem>> -> memref<2048xf32, #tpu.memory_space<vmem>>
    tpu.wait_dma2 semaphore(%arg13 : memref<!tpu.dma_semaphore, #tpu.memory_space<semaphore_mem>>) src(%dma_wait3A_153 : memref<2048xf32, #tpu.memory_space<vmem>>) dst(%dma_wait3A_151 : memref<2048xf32, #tpu.memory_space<hbm>>)
    %dma_wait3A_154 = arith.constant 2 : i32
    %dma_wait3A_155 = arith.constant 4096 : i32
    %dma_wait3A_156 = tpu.memref_slice %arg9[%dma_wait3A_155] : memref<6144xf32, #tpu.memory_space<vmem>> -> memref<2048xf32, #tpu.memory_space<vmem>>
    %dma_wait3A_157 = tpu.memref_slice %arg5[%select_n3A_112, %dma_wait3A_154, %mul3A_136] : memref<3x3x524288xf32, #tpu.memory_space<hbm>> -> memref<1x1x2048xf32, #tpu.memory_space<hbm>>
    %dma_wait3A_158 = tpu.memref_squeeze %dma_wait3A_157 : memref<1x1x2048xf32, #tpu.memory_space<hbm>> -> memref<2048xf32, #tpu.memory_space<hbm>>
    %dma_wait3A_159 = tpu.memref_slice %arg5[%select_n3A_112, %dma_wait3A_154, %mul3A_136] : memref<3x3x524288xf32, #tpu.memory_space<hbm>> -> memref<1x1x2048xf32, #tpu.memory_space<hbm>>
    %dma_wait3A_160 = tpu.memref_squeeze %dma_wait3A_159 : memref<1x1x2048xf32, #tpu.memory_space<hbm>> -> memref<2048xf32, #tpu.memory_space<hbm>>
    %dma_wait3A_161 = arith.constant 4096 : i32
    %dma_wait3A_162 = tpu.memref_slice %arg9[%dma_wait3A_161] : memref<6144xf32, #tpu.memory_space<vmem>> -> memref<2048xf32, #tpu.memory_space<vmem>>
    tpu.wait_dma2 semaphore(%arg13 : memref<!tpu.dma_semaphore, #tpu.memory_space<semaphore_mem>>) src(%dma_wait3A_162 : memref<2048xf32, #tpu.memory_space<vmem>>) dst(%dma_wait3A_160 : memref<2048xf32, #tpu.memory_space<hbm>>)
    %add3A_163 = arith.constant 0 : i32
    %add3A_164 = arith.addi %mul3A_2, %add3A_163 : i32
    %mul3A_165 = arith.constant 512 : i32
    %mul3A_166 = arith.muli %add3A_164, %mul3A_165 : i32
    %dma_wait3A_167 = tpu.memref_slice %arg4[%mul3A_166] : memref<3145728xf32, #tpu.memory_space<hbm>> -> memref<4096xf32, #tpu.memory_space<hbm>>
    %dma_wait3A_168 = tpu.memref_slice %arg4[%mul3A_166] : memref<3145728xf32, #tpu.memory_space<hbm>> -> memref<4096xf32, #tpu.memory_space<hbm>>
    tpu.wait_dma2 semaphore(%arg12 : memref<!tpu.dma_semaphore, #tpu.memory_space<semaphore_mem>>) src(%arg8 : memref<4096xf32, #tpu.memory_space<vmem>>) dst(%dma_wait3A_168 : memref<4096xf32, #tpu.memory_space<hbm>>)
    return
  }
}

module attributes {stable_mosaic.version = 14 : i64} {
  func.func @_tc_body(%arg0: i32, %arg1: i32, %arg2: memref<112xf32, #tpu.memory_space<smem>>, %arg3: memref<1x256x128xf32, #tpu.memory_space<vmem>>, %arg4: memref<1x3x256x512xf32, #tpu.memory_space<vmem>>, %arg5: memref<1x5x256x256xf32, #tpu.memory_space<vmem>>) attributes {dimension_semantics = [#tpu.dimension_semantics<arbitrary>, #tpu.dimension_semantics<arbitrary>], iteration_bounds = array<i64: 3, 8>, scalar_prefetch = 0 : i64, scratch_operands = 0 : i64, tpu.core_type = #tpu.core_type<tc>, window_params = [{transform_indices = @transform_0, window_bounds = array<i64: 112>}, {transform_indices = @transform_1, window_bounds = array<i64: 1, 256, 128>}, {transform_indices = @transform_2, window_bounds = array<i64: 1, 3, 256, 512>}, {transform_indices = @transform_3, window_bounds = array<i64: 1, 5, 256, 256>}]} {
    %get3A = arith.constant 0 : index
    %get3A_0 = arith.constant 0 : index
    %get3A_1 = arith.constant 0 : index
    %get3A_2 = vector.load %arg3[%get3A, %get3A_0, %get3A_1] : memref<1x256x128xf32, #tpu.memory_space<vmem>>, vector<1x256x128xf32>
    %get3A_3 = vector.shape_cast %get3A_2 : vector<1x256x128xf32> to vector<256x128xf32>
    %iota3A = tpu.iota {dimensions = array<i32: 0>} : vector<16x256xi32>
    %iota3A_4 = tpu.iota {dimensions = array<i32: 1>} : vector<16x256xi32>
    %jit3A = arith.constant 16 : i32
    %div3A = vector.broadcast %jit3A : i32 to vector<16x256xi32>
    %div3A_5 = arith.divsi %iota3A_4, %div3A : vector<16x256xi32>
    %sign3A = arith.constant 0 : i32
    %sign3A_6 = vector.broadcast %sign3A : i32 to vector<16x256xi32>
    %sign3A_7 = arith.cmpi sgt, %iota3A_4, %sign3A_6 : vector<16x256xi32>
    %sign3A_8 = arith.extui %sign3A_7 : vector<16x256xi1> to vector<16x256xi32>
    %sign3A_9 = arith.constant 0 : i32
    %sign3A_10 = vector.broadcast %sign3A_9 : i32 to vector<16x256xi32>
    %sign3A_11 = arith.cmpi slt, %iota3A_4, %sign3A_10 : vector<16x256xi32>
    %sign3A_12 = arith.extui %sign3A_11 : vector<16x256xi1> to vector<16x256xi32>
    %sign3A_13 = arith.subi %sign3A_8, %sign3A_12 : vector<16x256xi32>
    %sign3A_14 = arith.constant 0 : i32
    %sign3A_15 = arith.cmpi sgt, %jit3A, %sign3A_14 : i32
    %sign3A_16 = arith.extui %sign3A_15 : i1 to i32
    %sign3A_17 = arith.constant 0 : i32
    %sign3A_18 = arith.cmpi slt, %jit3A, %sign3A_17 : i32
    %sign3A_19 = arith.extui %sign3A_18 : i1 to i32
    %sign3A_20 = arith.subi %sign3A_16, %sign3A_19 : i32
    %ne3A = vector.broadcast %sign3A_20 : i32 to vector<16x256xi32>
    %ne3A_21 = arith.cmpi ne, %sign3A_13, %ne3A : vector<16x256xi32>
    %rem3A = vector.broadcast %jit3A : i32 to vector<16x256xi32>
    %rem3A_22 = arith.remsi %iota3A_4, %rem3A : vector<16x256xi32>
    %ne3A_23 = arith.constant 0 : i32
    %ne3A_24 = vector.broadcast %ne3A_23 : i32 to vector<16x256xi32>
    %ne3A_25 = arith.cmpi ne, %rem3A_22, %ne3A_24 : vector<16x256xi32>
    %and3A = arith.andi %ne3A_21, %ne3A_25 : vector<16x256xi1>
    %sub3A = arith.constant 1 : i32
    %sub3A_26 = vector.broadcast %sub3A : i32 to vector<16x256xi32>
    %sub3A_27 = arith.subi %div3A_5, %sub3A_26 : vector<16x256xi32>
    %select_n3A = arith.select %and3A, %sub3A_27, %div3A_5 : vector<16x256xi1>, vector<16x256xi32>
    %eq3A = arith.cmpi eq, %select_n3A, %iota3A : vector<16x256xi32>
    %convert_element_type3A = arith.extui %eq3A : vector<16x256xi1> to vector<16x256xi32>
    %convert_element_type3A_28 = arith.sitofp %convert_element_type3A : vector<16x256xi32> to vector<16x256xf32>
    %jit3A_29 = arith.constant 16 : i32
    %eq3A_30 = arith.constant 0 : i32
    %eq3A_31 = arith.cmpi eq, %jit3A_29, %eq3A_30 : i32
    %jit3A_32 = arith.constant 1 : i32
    %select_n3A_33 = arith.select %eq3A_31, %jit3A_32, %jit3A_29 : i32
    %rem3A_34 = vector.broadcast %select_n3A_33 : i32 to vector<16x256xi32>
    %rem3A_35 = arith.remsi %iota3A_4, %rem3A_34 : vector<16x256xi32>
    %ne3A_36 = arith.constant 0 : i32
    %ne3A_37 = vector.broadcast %ne3A_36 : i32 to vector<16x256xi32>
    %ne3A_38 = arith.cmpi ne, %rem3A_35, %ne3A_37 : vector<16x256xi32>
    %lt3A = arith.constant 0 : i32
    %lt3A_39 = vector.broadcast %lt3A : i32 to vector<16x256xi32>
    %lt3A_40 = arith.cmpi slt, %rem3A_35, %lt3A_39 : vector<16x256xi32>
    %lt3A_41 = arith.constant 0 : i32
    %lt3A_42 = arith.cmpi slt, %select_n3A_33, %lt3A_41 : i32
    %ne3A_43 = vector.broadcast %lt3A_42 : i1 to vector<16x256xi1>
    %ne3A_44 = vector.broadcast %ne3A_43 : vector<16x256xi1> to vector<16x256xi1>
    %ne3A_45 = arith.xori %lt3A_40, %ne3A_44 : vector<16x256xi1>
    %and3A_46 = arith.andi %ne3A_45, %ne3A_38 : vector<16x256xi1>
    %add3A = vector.broadcast %select_n3A_33 : i32 to vector<16x256xi32>
    %add3A_47 = arith.addi %rem3A_35, %add3A : vector<16x256xi32>
    %select_n3A_48 = arith.select %and3A_46, %add3A_47, %rem3A_35 : vector<16x256xi1>, vector<16x256xi32>
    %eq3A_49 = arith.cmpi eq, %select_n3A_48, %iota3A : vector<16x256xi32>
    %convert_element_type3A_50 = arith.extui %eq3A_49 : vector<16x256xi1> to vector<16x256xi32>
    %convert_element_type3A_51 = arith.sitofp %convert_element_type3A_50 : vector<16x256xi32> to vector<16x256xf32>
    %slice3A = vector.extract_strided_slice %get3A_3 {offsets = [0, 16], sizes = [256, 48], strides = [1, 1]} : vector<256x128xf32> to vector<256x48xf32>
    %slice3A_52 = vector.extract_strided_slice %get3A_3 {offsets = [0, 64], sizes = [256, 16], strides = [1, 1]} : vector<256x128xf32> to vector<256x16xf32>
    %slice3A_53 = vector.extract_strided_slice %get3A_3 {offsets = [0, 80], sizes = [256, 48], strides = [1, 1]} : vector<256x128xf32> to vector<256x48xf32>
    %slice3A_54 = vector.extract_strided_slice %get3A_3 {offsets = [0, 0], sizes = [256, 16], strides = [1, 1]} : vector<256x128xf32> to vector<256x16xf32>
    %dot_general3A = arith.constant dense<0.000000e+00> : vector<256x256xf32>
    %dot_general3A_55 = tpu.matmul %slice3A_54, %convert_element_type3A_28, %dot_general3A {dimension_numbers = #tpu.dot_dimension_numbers<[1], [0], [0], [1], [0, 0, 1, 1], [], []>, transpose_lhs_hint = false} : vector<256x16xf32>, vector<16x256xf32>, vector<256x256xf32> -> vector<256x256xf32>
    %dot_general3A_56 = arith.constant dense<0.000000e+00> : vector<256x256xf32>
    %dot_general3A_57 = tpu.matmul %slice3A_52, %convert_element_type3A_51, %dot_general3A_56 {dimension_numbers = #tpu.dot_dimension_numbers<[1], [0], [0], [1], [0, 0, 1, 1], [], []>, transpose_lhs_hint = false} : vector<256x16xf32>, vector<16x256xf32>, vector<256x256xf32> -> vector<256x256xf32>
    %slice3A_58 = vector.extract_strided_slice %slice3A_53 {offsets = [0, 0], sizes = [256, 16], strides = [1, 1]} : vector<256x48xf32> to vector<256x16xf32>
    %dot_general3A_59 = arith.constant dense<0.000000e+00> : vector<256x256xf32>
    %dot_general3A_60 = tpu.matmul %slice3A_58, %convert_element_type3A_51, %dot_general3A_59 {dimension_numbers = #tpu.dot_dimension_numbers<[1], [0], [0], [1], [0, 0, 1, 1], [], []>, transpose_lhs_hint = false} : vector<256x16xf32>, vector<16x256xf32>, vector<256x256xf32> -> vector<256x256xf32>
    %slice3A_61 = vector.extract_strided_slice %slice3A_53 {offsets = [0, 16], sizes = [256, 16], strides = [1, 1]} : vector<256x48xf32> to vector<256x16xf32>
    %dot_general3A_62 = arith.constant dense<0.000000e+00> : vector<256x256xf32>
    %dot_general3A_63 = tpu.matmul %slice3A_61, %convert_element_type3A_51, %dot_general3A_62 {dimension_numbers = #tpu.dot_dimension_numbers<[1], [0], [0], [1], [0, 0, 1, 1], [], []>, transpose_lhs_hint = false} : vector<256x16xf32>, vector<16x256xf32>, vector<256x256xf32> -> vector<256x256xf32>
    %slice3A_64 = vector.extract_strided_slice %slice3A_53 {offsets = [0, 32], sizes = [256, 16], strides = [1, 1]} : vector<256x48xf32> to vector<256x16xf32>
    %dot_general3A_65 = arith.constant dense<0.000000e+00> : vector<256x256xf32>
    %dot_general3A_66 = tpu.matmul %slice3A_64, %convert_element_type3A_51, %dot_general3A_65 {dimension_numbers = #tpu.dot_dimension_numbers<[1], [0], [0], [1], [0, 0, 1, 1], [], []>, transpose_lhs_hint = false} : vector<256x16xf32>, vector<16x256xf32>, vector<256x256xf32> -> vector<256x256xf32>
    %get3A_67 = arith.constant 55 : index
    %get3A_68 = memref.load %arg2[%get3A_67] : memref<112xf32, #tpu.memory_space<smem>>
    %get3A_69 = arith.constant 70 : index
    %get3A_70 = memref.load %arg2[%get3A_69] : memref<112xf32, #tpu.memory_space<smem>>
    %get3A_71 = arith.constant 85 : index
    %get3A_72 = memref.load %arg2[%get3A_71] : memref<112xf32, #tpu.memory_space<smem>>
    %mul3A = vector.broadcast %get3A_68 : f32 to vector<16x256xf32>
    %mul3A_73 = arith.mulf %mul3A, %convert_element_type3A_28 : vector<16x256xf32>
    %mul3A_74 = vector.broadcast %get3A_70 : f32 to vector<16x256xf32>
    %mul3A_75 = arith.mulf %mul3A_74, %convert_element_type3A_28 : vector<16x256xf32>
    %mul3A_76 = vector.broadcast %get3A_72 : f32 to vector<16x256xf32>
    %mul3A_77 = arith.mulf %mul3A_76, %convert_element_type3A_28 : vector<16x256xf32>
    %concatenate3A = tpu.concatenate %mul3A_73, %mul3A_75, %mul3A_77 in 0 : vector<16x256xf32>, vector<16x256xf32>, vector<16x256xf32> -> vector<48x256xf32>
    %dot_general3A_78 = arith.constant dense<0.000000e+00> : vector<256x256xf32>
    %dot_general3A_79 = tpu.matmul %slice3A, %concatenate3A, %dot_general3A_78 {dimension_numbers = #tpu.dot_dimension_numbers<[1], [0], [0], [1], [0, 0, 1, 1], [], []>, transpose_lhs_hint = false} : vector<256x48xf32>, vector<48x256xf32>, vector<256x256xf32> -> vector<256x256xf32>
    %mul3A_80 = arith.mulf %dot_general3A_79, %dot_general3A_60 : vector<256x256xf32>
    %get3A_81 = arith.constant 60 : index
    %get3A_82 = memref.load %arg2[%get3A_81] : memref<112xf32, #tpu.memory_space<smem>>
    %get3A_83 = arith.constant 75 : index
    %get3A_84 = memref.load %arg2[%get3A_83] : memref<112xf32, #tpu.memory_space<smem>>
    %get3A_85 = arith.constant 90 : index
    %get3A_86 = memref.load %arg2[%get3A_85] : memref<112xf32, #tpu.memory_space<smem>>
    %mul3A_87 = vector.broadcast %get3A_82 : f32 to vector<16x256xf32>
    %mul3A_88 = arith.mulf %mul3A_87, %convert_element_type3A_28 : vector<16x256xf32>
    %mul3A_89 = vector.broadcast %get3A_84 : f32 to vector<16x256xf32>
    %mul3A_90 = arith.mulf %mul3A_89, %convert_element_type3A_28 : vector<16x256xf32>
    %mul3A_91 = vector.broadcast %get3A_86 : f32 to vector<16x256xf32>
    %mul3A_92 = arith.mulf %mul3A_91, %convert_element_type3A_28 : vector<16x256xf32>
    %concatenate3A_93 = tpu.concatenate %mul3A_88, %mul3A_90, %mul3A_92 in 0 : vector<16x256xf32>, vector<16x256xf32>, vector<16x256xf32> -> vector<48x256xf32>
    %dot_general3A_94 = arith.constant dense<0.000000e+00> : vector<256x256xf32>
    %dot_general3A_95 = tpu.matmul %slice3A, %concatenate3A_93, %dot_general3A_94 {dimension_numbers = #tpu.dot_dimension_numbers<[1], [0], [0], [1], [0, 0, 1, 1], [], []>, transpose_lhs_hint = false} : vector<256x48xf32>, vector<48x256xf32>, vector<256x256xf32> -> vector<256x256xf32>
    %mul3A_96 = arith.mulf %dot_general3A_95, %dot_general3A_63 : vector<256x256xf32>
    %add3A_97 = arith.addf %mul3A_80, %mul3A_96 : vector<256x256xf32>
    %get3A_98 = arith.constant 65 : index
    %get3A_99 = memref.load %arg2[%get3A_98] : memref<112xf32, #tpu.memory_space<smem>>
    %get3A_100 = arith.constant 80 : index
    %get3A_101 = memref.load %arg2[%get3A_100] : memref<112xf32, #tpu.memory_space<smem>>
    %get3A_102 = arith.constant 95 : index
    %get3A_103 = memref.load %arg2[%get3A_102] : memref<112xf32, #tpu.memory_space<smem>>
    %mul3A_104 = vector.broadcast %get3A_99 : f32 to vector<16x256xf32>
    %mul3A_105 = arith.mulf %mul3A_104, %convert_element_type3A_28 : vector<16x256xf32>
    %mul3A_106 = vector.broadcast %get3A_101 : f32 to vector<16x256xf32>
    %mul3A_107 = arith.mulf %mul3A_106, %convert_element_type3A_28 : vector<16x256xf32>
    %mul3A_108 = vector.broadcast %get3A_103 : f32 to vector<16x256xf32>
    %mul3A_109 = arith.mulf %mul3A_108, %convert_element_type3A_28 : vector<16x256xf32>
    %concatenate3A_110 = tpu.concatenate %mul3A_105, %mul3A_107, %mul3A_109 in 0 : vector<16x256xf32>, vector<16x256xf32>, vector<16x256xf32> -> vector<48x256xf32>
    %dot_general3A_111 = arith.constant dense<0.000000e+00> : vector<256x256xf32>
    %dot_general3A_112 = tpu.matmul %slice3A, %concatenate3A_110, %dot_general3A_111 {dimension_numbers = #tpu.dot_dimension_numbers<[1], [0], [0], [1], [0, 0, 1, 1], [], []>, transpose_lhs_hint = false} : vector<256x48xf32>, vector<48x256xf32>, vector<256x256xf32> -> vector<256x256xf32>
    %mul3A_113 = arith.mulf %dot_general3A_112, %dot_general3A_66 : vector<256x256xf32>
    %add3A_114 = arith.addf %add3A_97, %mul3A_113 : vector<256x256xf32>
    %swap3A = arith.constant 0 : index
    %swap3A_115 = arith.constant 0 : index
    %swap3A_116 = arith.constant 0 : index
    %swap3A_117 = arith.constant 0 : index
    %swap3A_118 = vector.load %arg5[%swap3A, %swap3A_115, %swap3A_116, %swap3A_117] : memref<1x5x256x256xf32, #tpu.memory_space<vmem>>, vector<1x1x256x256xf32>
    %swap3A_119 = vector.shape_cast %swap3A_118 : vector<1x1x256x256xf32> to vector<256x256xf32>
    %swap3A_120 = vector.shape_cast %add3A_114 : vector<256x256xf32> to vector<1x1x256x256xf32>
    tpu.vector_store %arg5[%swap3A, %swap3A_115, %swap3A_116, %swap3A_117], %swap3A_120 {strides = array<i32>} : memref<1x5x256x256xf32, #tpu.memory_space<vmem>>, vector<1x1x256x256xf32>,
    %get3A_121 = arith.constant 56 : index
    %get3A_122 = memref.load %arg2[%get3A_121] : memref<112xf32, #tpu.memory_space<smem>>
    %get3A_123 = arith.constant 71 : index
    %get3A_124 = memref.load %arg2[%get3A_123] : memref<112xf32, #tpu.memory_space<smem>>
    %get3A_125 = arith.constant 86 : index
    %get3A_126 = memref.load %arg2[%get3A_125] : memref<112xf32, #tpu.memory_space<smem>>
    %mul3A_127 = vector.broadcast %get3A_122 : f32 to vector<16x256xf32>
    %mul3A_128 = arith.mulf %mul3A_127, %convert_element_type3A_28 : vector<16x256xf32>
    %mul3A_129 = vector.broadcast %get3A_124 : f32 to vector<16x256xf32>
    %mul3A_130 = arith.mulf %mul3A_129, %convert_element_type3A_28 : vector<16x256xf32>
    %mul3A_131 = vector.broadcast %get3A_126 : f32 to vector<16x256xf32>
    %mul3A_132 = arith.mulf %mul3A_131, %convert_element_type3A_28 : vector<16x256xf32>
    %concatenate3A_133 = tpu.concatenate %mul3A_128, %mul3A_130, %mul3A_132 in 0 : vector<16x256xf32>, vector<16x256xf32>, vector<16x256xf32> -> vector<48x256xf32>
    %dot_general3A_134 = arith.constant dense<0.000000e+00> : vector<256x256xf32>
    %dot_general3A_135 = tpu.matmul %slice3A, %concatenate3A_133, %dot_general3A_134 {dimension_numbers = #tpu.dot_dimension_numbers<[1], [0], [0], [1], [0, 0, 1, 1], [], []>, transpose_lhs_hint = false} : vector<256x48xf32>, vector<48x256xf32>, vector<256x256xf32> -> vector<256x256xf32>
    %mul3A_136 = arith.mulf %dot_general3A_135, %dot_general3A_60 : vector<256x256xf32>
    %get3A_137 = arith.constant 61 : index
    %get3A_138 = memref.load %arg2[%get3A_137] : memref<112xf32, #tpu.memory_space<smem>>
    %get3A_139 = arith.constant 76 : index
    %get3A_140 = memref.load %arg2[%get3A_139] : memref<112xf32, #tpu.memory_space<smem>>
    %get3A_141 = arith.constant 91 : index
    %get3A_142 = memref.load %arg2[%get3A_141] : memref<112xf32, #tpu.memory_space<smem>>
    %mul3A_143 = vector.broadcast %get3A_138 : f32 to vector<16x256xf32>
    %mul3A_144 = arith.mulf %mul3A_143, %convert_element_type3A_28 : vector<16x256xf32>
    %mul3A_145 = vector.broadcast %get3A_140 : f32 to vector<16x256xf32>
    %mul3A_146 = arith.mulf %mul3A_145, %convert_element_type3A_28 : vector<16x256xf32>
    %mul3A_147 = vector.broadcast %get3A_142 : f32 to vector<16x256xf32>
    %mul3A_148 = arith.mulf %mul3A_147, %convert_element_type3A_28 : vector<16x256xf32>
    %concatenate3A_149 = tpu.concatenate %mul3A_144, %mul3A_146, %mul3A_148 in 0 : vector<16x256xf32>, vector<16x256xf32>, vector<16x256xf32> -> vector<48x256xf32>
    %dot_general3A_150 = arith.constant dense<0.000000e+00> : vector<256x256xf32>
    %dot_general3A_151 = tpu.matmul %slice3A, %concatenate3A_149, %dot_general3A_150 {dimension_numbers = #tpu.dot_dimension_numbers<[1], [0], [0], [1], [0, 0, 1, 1], [], []>, transpose_lhs_hint = false} : vector<256x48xf32>, vector<48x256xf32>, vector<256x256xf32> -> vector<256x256xf32>
    %mul3A_152 = arith.mulf %dot_general3A_151, %dot_general3A_63 : vector<256x256xf32>
    %add3A_153 = arith.addf %mul3A_136, %mul3A_152 : vector<256x256xf32>
    %get3A_154 = arith.constant 66 : index
    %get3A_155 = memref.load %arg2[%get3A_154] : memref<112xf32, #tpu.memory_space<smem>>
    %get3A_156 = arith.constant 81 : index
    %get3A_157 = memref.load %arg2[%get3A_156] : memref<112xf32, #tpu.memory_space<smem>>
    %get3A_158 = arith.constant 96 : index
    %get3A_159 = memref.load %arg2[%get3A_158] : memref<112xf32, #tpu.memory_space<smem>>
    %mul3A_160 = vector.broadcast %get3A_155 : f32 to vector<16x256xf32>
    %mul3A_161 = arith.mulf %mul3A_160, %convert_element_type3A_28 : vector<16x256xf32>
    %mul3A_162 = vector.broadcast %get3A_157 : f32 to vector<16x256xf32>
    %mul3A_163 = arith.mulf %mul3A_162, %convert_element_type3A_28 : vector<16x256xf32>
    %mul3A_164 = vector.broadcast %get3A_159 : f32 to vector<16x256xf32>
    %mul3A_165 = arith.mulf %mul3A_164, %convert_element_type3A_28 : vector<16x256xf32>
    %concatenate3A_166 = tpu.concatenate %mul3A_161, %mul3A_163, %mul3A_165 in 0 : vector<16x256xf32>, vector<16x256xf32>, vector<16x256xf32> -> vector<48x256xf32>
    %dot_general3A_167 = arith.constant dense<0.000000e+00> : vector<256x256xf32>
    %dot_general3A_168 = tpu.matmul %slice3A, %concatenate3A_166, %dot_general3A_167 {dimension_numbers = #tpu.dot_dimension_numbers<[1], [0], [0], [1], [0, 0, 1, 1], [], []>, transpose_lhs_hint = false} : vector<256x48xf32>, vector<48x256xf32>, vector<256x256xf32> -> vector<256x256xf32>
    %mul3A_169 = arith.mulf %dot_general3A_168, %dot_general3A_66 : vector<256x256xf32>
    %add3A_170 = arith.addf %add3A_153, %mul3A_169 : vector<256x256xf32>
    %swap3A_171 = arith.constant 0 : index
    %swap3A_172 = arith.constant 1 : index
    %swap3A_173 = arith.constant 0 : index
    %swap3A_174 = arith.constant 0 : index
    %swap3A_175 = vector.load %arg5[%swap3A_171, %swap3A_172, %swap3A_173, %swap3A_174] : memref<1x5x256x256xf32, #tpu.memory_space<vmem>>, vector<1x1x256x256xf32>
    %swap3A_176 = vector.shape_cast %swap3A_175 : vector<1x1x256x256xf32> to vector<256x256xf32>
    %swap3A_177 = vector.shape_cast %add3A_170 : vector<256x256xf32> to vector<1x1x256x256xf32>
    tpu.vector_store %arg5[%swap3A_171, %swap3A_172, %swap3A_173, %swap3A_174], %swap3A_177 {strides = array<i32>} : memref<1x5x256x256xf32, #tpu.memory_space<vmem>>, vector<1x1x256x256xf32>,
    %get3A_178 = arith.constant 57 : index
    %get3A_179 = memref.load %arg2[%get3A_178] : memref<112xf32, #tpu.memory_space<smem>>
    %get3A_180 = arith.constant 72 : index
    %get3A_181 = memref.load %arg2[%get3A_180] : memref<112xf32, #tpu.memory_space<smem>>
    %get3A_182 = arith.constant 87 : index
    %get3A_183 = memref.load %arg2[%get3A_182] : memref<112xf32, #tpu.memory_space<smem>>
    %mul3A_184 = vector.broadcast %get3A_179 : f32 to vector<16x256xf32>
    %mul3A_185 = arith.mulf %mul3A_184, %convert_element_type3A_28 : vector<16x256xf32>
    %mul3A_186 = vector.broadcast %get3A_181 : f32 to vector<16x256xf32>
    %mul3A_187 = arith.mulf %mul3A_186, %convert_element_type3A_28 : vector<16x256xf32>
    %mul3A_188 = vector.broadcast %get3A_183 : f32 to vector<16x256xf32>
    %mul3A_189 = arith.mulf %mul3A_188, %convert_element_type3A_28 : vector<16x256xf32>
    %concatenate3A_190 = tpu.concatenate %mul3A_185, %mul3A_187, %mul3A_189 in 0 : vector<16x256xf32>, vector<16x256xf32>, vector<16x256xf32> -> vector<48x256xf32>
    %dot_general3A_191 = arith.constant dense<0.000000e+00> : vector<256x256xf32>
    %dot_general3A_192 = tpu.matmul %slice3A, %concatenate3A_190, %dot_general3A_191 {dimension_numbers = #tpu.dot_dimension_numbers<[1], [0], [0], [1], [0, 0, 1, 1], [], []>, transpose_lhs_hint = false} : vector<256x48xf32>, vector<48x256xf32>, vector<256x256xf32> -> vector<256x256xf32>
    %mul3A_193 = arith.mulf %dot_general3A_192, %dot_general3A_60 : vector<256x256xf32>
    %get3A_194 = arith.constant 62 : index
    %get3A_195 = memref.load %arg2[%get3A_194] : memref<112xf32, #tpu.memory_space<smem>>
    %get3A_196 = arith.constant 77 : index
    %get3A_197 = memref.load %arg2[%get3A_196] : memref<112xf32, #tpu.memory_space<smem>>
    %get3A_198 = arith.constant 92 : index
    %get3A_199 = memref.load %arg2[%get3A_198] : memref<112xf32, #tpu.memory_space<smem>>
    %mul3A_200 = vector.broadcast %get3A_195 : f32 to vector<16x256xf32>
    %mul3A_201 = arith.mulf %mul3A_200, %convert_element_type3A_28 : vector<16x256xf32>
    %mul3A_202 = vector.broadcast %get3A_197 : f32 to vector<16x256xf32>
    %mul3A_203 = arith.mulf %mul3A_202, %convert_element_type3A_28 : vector<16x256xf32>
    %mul3A_204 = vector.broadcast %get3A_199 : f32 to vector<16x256xf32>
    %mul3A_205 = arith.mulf %mul3A_204, %convert_element_type3A_28 : vector<16x256xf32>
    %concatenate3A_206 = tpu.concatenate %mul3A_201, %mul3A_203, %mul3A_205 in 0 : vector<16x256xf32>, vector<16x256xf32>, vector<16x256xf32> -> vector<48x256xf32>
    %dot_general3A_207 = arith.constant dense<0.000000e+00> : vector<256x256xf32>
    %dot_general3A_208 = tpu.matmul %slice3A, %concatenate3A_206, %dot_general3A_207 {dimension_numbers = #tpu.dot_dimension_numbers<[1], [0], [0], [1], [0, 0, 1, 1], [], []>, transpose_lhs_hint = false} : vector<256x48xf32>, vector<48x256xf32>, vector<256x256xf32> -> vector<256x256xf32>
    %mul3A_209 = arith.mulf %dot_general3A_208, %dot_general3A_63 : vector<256x256xf32>
    %add3A_210 = arith.addf %mul3A_193, %mul3A_209 : vector<256x256xf32>
    %get3A_211 = arith.constant 67 : index
    %get3A_212 = memref.load %arg2[%get3A_211] : memref<112xf32, #tpu.memory_space<smem>>
    %get3A_213 = arith.constant 82 : index
    %get3A_214 = memref.load %arg2[%get3A_213] : memref<112xf32, #tpu.memory_space<smem>>
    %get3A_215 = arith.constant 97 : index
    %get3A_216 = memref.load %arg2[%get3A_215] : memref<112xf32, #tpu.memory_space<smem>>
    %mul3A_217 = vector.broadcast %get3A_212 : f32 to vector<16x256xf32>
    %mul3A_218 = arith.mulf %mul3A_217, %convert_element_type3A_28 : vector<16x256xf32>
    %mul3A_219 = vector.broadcast %get3A_214 : f32 to vector<16x256xf32>
    %mul3A_220 = arith.mulf %mul3A_219, %convert_element_type3A_28 : vector<16x256xf32>
    %mul3A_221 = vector.broadcast %get3A_216 : f32 to vector<16x256xf32>
    %mul3A_222 = arith.mulf %mul3A_221, %convert_element_type3A_28 : vector<16x256xf32>
    %concatenate3A_223 = tpu.concatenate %mul3A_218, %mul3A_220, %mul3A_222 in 0 : vector<16x256xf32>, vector<16x256xf32>, vector<16x256xf32> -> vector<48x256xf32>
    %dot_general3A_224 = arith.constant dense<0.000000e+00> : vector<256x256xf32>
    %dot_general3A_225 = tpu.matmul %slice3A, %concatenate3A_223, %dot_general3A_224 {dimension_numbers = #tpu.dot_dimension_numbers<[1], [0], [0], [1], [0, 0, 1, 1], [], []>, transpose_lhs_hint = false} : vector<256x48xf32>, vector<48x256xf32>, vector<256x256xf32> -> vector<256x256xf32>
    %mul3A_226 = arith.mulf %dot_general3A_225, %dot_general3A_66 : vector<256x256xf32>
    %add3A_227 = arith.addf %add3A_210, %mul3A_226 : vector<256x256xf32>
    %swap3A_228 = arith.constant 0 : index
    %swap3A_229 = arith.constant 2 : index
    %swap3A_230 = arith.constant 0 : index
    %swap3A_231 = arith.constant 0 : index
    %swap3A_232 = vector.load %arg5[%swap3A_228, %swap3A_229, %swap3A_230, %swap3A_231] : memref<1x5x256x256xf32, #tpu.memory_space<vmem>>, vector<1x1x256x256xf32>
    %swap3A_233 = vector.shape_cast %swap3A_232 : vector<1x1x256x256xf32> to vector<256x256xf32>
    %swap3A_234 = vector.shape_cast %add3A_227 : vector<256x256xf32> to vector<1x1x256x256xf32>
    tpu.vector_store %arg5[%swap3A_228, %swap3A_229, %swap3A_230, %swap3A_231], %swap3A_234 {strides = array<i32>} : memref<1x5x256x256xf32, #tpu.memory_space<vmem>>, vector<1x1x256x256xf32>,
    %get3A_235 = arith.constant 58 : index
    %get3A_236 = memref.load %arg2[%get3A_235] : memref<112xf32, #tpu.memory_space<smem>>
    %get3A_237 = arith.constant 73 : index
    %get3A_238 = memref.load %arg2[%get3A_237] : memref<112xf32, #tpu.memory_space<smem>>
    %get3A_239 = arith.constant 88 : index
    %get3A_240 = memref.load %arg2[%get3A_239] : memref<112xf32, #tpu.memory_space<smem>>
    %mul3A_241 = vector.broadcast %get3A_236 : f32 to vector<16x256xf32>
    %mul3A_242 = arith.mulf %mul3A_241, %convert_element_type3A_28 : vector<16x256xf32>
    %mul3A_243 = vector.broadcast %get3A_238 : f32 to vector<16x256xf32>
    %mul3A_244 = arith.mulf %mul3A_243, %convert_element_type3A_28 : vector<16x256xf32>
    %mul3A_245 = vector.broadcast %get3A_240 : f32 to vector<16x256xf32>
    %mul3A_246 = arith.mulf %mul3A_245, %convert_element_type3A_28 : vector<16x256xf32>
    %concatenate3A_247 = tpu.concatenate %mul3A_242, %mul3A_244, %mul3A_246 in 0 : vector<16x256xf32>, vector<16x256xf32>, vector<16x256xf32> -> vector<48x256xf32>
    %dot_general3A_248 = arith.constant dense<0.000000e+00> : vector<256x256xf32>
    %dot_general3A_249 = tpu.matmul %slice3A, %concatenate3A_247, %dot_general3A_248 {dimension_numbers = #tpu.dot_dimension_numbers<[1], [0], [0], [1], [0, 0, 1, 1], [], []>, transpose_lhs_hint = false} : vector<256x48xf32>, vector<48x256xf32>, vector<256x256xf32> -> vector<256x256xf32>
    %mul3A_250 = arith.mulf %dot_general3A_249, %dot_general3A_60 : vector<256x256xf32>
    %get3A_251 = arith.constant 63 : index
    %get3A_252 = memref.load %arg2[%get3A_251] : memref<112xf32, #tpu.memory_space<smem>>
    %get3A_253 = arith.constant 78 : index
    %get3A_254 = memref.load %arg2[%get3A_253] : memref<112xf32, #tpu.memory_space<smem>>
    %get3A_255 = arith.constant 93 : index
    %get3A_256 = memref.load %arg2[%get3A_255] : memref<112xf32, #tpu.memory_space<smem>>
    %mul3A_257 = vector.broadcast %get3A_252 : f32 to vector<16x256xf32>
    %mul3A_258 = arith.mulf %mul3A_257, %convert_element_type3A_28 : vector<16x256xf32>
    %mul3A_259 = vector.broadcast %get3A_254 : f32 to vector<16x256xf32>
    %mul3A_260 = arith.mulf %mul3A_259, %convert_element_type3A_28 : vector<16x256xf32>
    %mul3A_261 = vector.broadcast %get3A_256 : f32 to vector<16x256xf32>
    %mul3A_262 = arith.mulf %mul3A_261, %convert_element_type3A_28 : vector<16x256xf32>
    %concatenate3A_263 = tpu.concatenate %mul3A_258, %mul3A_260, %mul3A_262 in 0 : vector<16x256xf32>, vector<16x256xf32>, vector<16x256xf32> -> vector<48x256xf32>
    %dot_general3A_264 = arith.constant dense<0.000000e+00> : vector<256x256xf32>
    %dot_general3A_265 = tpu.matmul %slice3A, %concatenate3A_263, %dot_general3A_264 {dimension_numbers = #tpu.dot_dimension_numbers<[1], [0], [0], [1], [0, 0, 1, 1], [], []>, transpose_lhs_hint = false} : vector<256x48xf32>, vector<48x256xf32>, vector<256x256xf32> -> vector<256x256xf32>
    %mul3A_266 = arith.mulf %dot_general3A_265, %dot_general3A_63 : vector<256x256xf32>
    %add3A_267 = arith.addf %mul3A_250, %mul3A_266 : vector<256x256xf32>
    %get3A_268 = arith.constant 68 : index
    %get3A_269 = memref.load %arg2[%get3A_268] : memref<112xf32, #tpu.memory_space<smem>>
    %get3A_270 = arith.constant 83 : index
    %get3A_271 = memref.load %arg2[%get3A_270] : memref<112xf32, #tpu.memory_space<smem>>
    %get3A_272 = arith.constant 98 : index
    %get3A_273 = memref.load %arg2[%get3A_272] : memref<112xf32, #tpu.memory_space<smem>>
    %mul3A_274 = vector.broadcast %get3A_269 : f32 to vector<16x256xf32>
    %mul3A_275 = arith.mulf %mul3A_274, %convert_element_type3A_28 : vector<16x256xf32>
    %mul3A_276 = vector.broadcast %get3A_271 : f32 to vector<16x256xf32>
    %mul3A_277 = arith.mulf %mul3A_276, %convert_element_type3A_28 : vector<16x256xf32>
    %mul3A_278 = vector.broadcast %get3A_273 : f32 to vector<16x256xf32>
    %mul3A_279 = arith.mulf %mul3A_278, %convert_element_type3A_28 : vector<16x256xf32>
    %concatenate3A_280 = tpu.concatenate %mul3A_275, %mul3A_277, %mul3A_279 in 0 : vector<16x256xf32>, vector<16x256xf32>, vector<16x256xf32> -> vector<48x256xf32>
    %dot_general3A_281 = arith.constant dense<0.000000e+00> : vector<256x256xf32>
    %dot_general3A_282 = tpu.matmul %slice3A, %concatenate3A_280, %dot_general3A_281 {dimension_numbers = #tpu.dot_dimension_numbers<[1], [0], [0], [1], [0, 0, 1, 1], [], []>, transpose_lhs_hint = false} : vector<256x48xf32>, vector<48x256xf32>, vector<256x256xf32> -> vector<256x256xf32>
    %mul3A_283 = arith.mulf %dot_general3A_282, %dot_general3A_66 : vector<256x256xf32>
    %add3A_284 = arith.addf %add3A_267, %mul3A_283 : vector<256x256xf32>
    %swap3A_285 = arith.constant 0 : index
    %swap3A_286 = arith.constant 3 : index
    %swap3A_287 = arith.constant 0 : index
    %swap3A_288 = arith.constant 0 : index
    %swap3A_289 = vector.load %arg5[%swap3A_285, %swap3A_286, %swap3A_287, %swap3A_288] : memref<1x5x256x256xf32, #tpu.memory_space<vmem>>, vector<1x1x256x256xf32>
    %swap3A_290 = vector.shape_cast %swap3A_289 : vector<1x1x256x256xf32> to vector<256x256xf32>
    %swap3A_291 = vector.shape_cast %add3A_284 : vector<256x256xf32> to vector<1x1x256x256xf32>
    tpu.vector_store %arg5[%swap3A_285, %swap3A_286, %swap3A_287, %swap3A_288], %swap3A_291 {strides = array<i32>} : memref<1x5x256x256xf32, #tpu.memory_space<vmem>>, vector<1x1x256x256xf32>,
    %get3A_292 = arith.constant 59 : index
    %get3A_293 = memref.load %arg2[%get3A_292] : memref<112xf32, #tpu.memory_space<smem>>
    %get3A_294 = arith.constant 74 : index
    %get3A_295 = memref.load %arg2[%get3A_294] : memref<112xf32, #tpu.memory_space<smem>>
    %get3A_296 = arith.constant 89 : index
    %get3A_297 = memref.load %arg2[%get3A_296] : memref<112xf32, #tpu.memory_space<smem>>
    %mul3A_298 = vector.broadcast %get3A_293 : f32 to vector<16x256xf32>
    %mul3A_299 = arith.mulf %mul3A_298, %convert_element_type3A_28 : vector<16x256xf32>
    %mul3A_300 = vector.broadcast %get3A_295 : f32 to vector<16x256xf32>
    %mul3A_301 = arith.mulf %mul3A_300, %convert_element_type3A_28 : vector<16x256xf32>
    %mul3A_302 = vector.broadcast %get3A_297 : f32 to vector<16x256xf32>
    %mul3A_303 = arith.mulf %mul3A_302, %convert_element_type3A_28 : vector<16x256xf32>
    %concatenate3A_304 = tpu.concatenate %mul3A_299, %mul3A_301, %mul3A_303 in 0 : vector<16x256xf32>, vector<16x256xf32>, vector<16x256xf32> -> vector<48x256xf32>
    %dot_general3A_305 = arith.constant dense<0.000000e+00> : vector<256x256xf32>
    %dot_general3A_306 = tpu.matmul %slice3A, %concatenate3A_304, %dot_general3A_305 {dimension_numbers = #tpu.dot_dimension_numbers<[1], [0], [0], [1], [0, 0, 1, 1], [], []>, transpose_lhs_hint = false} : vector<256x48xf32>, vector<48x256xf32>, vector<256x256xf32> -> vector<256x256xf32>
    %mul3A_307 = arith.mulf %dot_general3A_306, %dot_general3A_60 : vector<256x256xf32>
    %get3A_308 = arith.constant 64 : index
    %get3A_309 = memref.load %arg2[%get3A_308] : memref<112xf32, #tpu.memory_space<smem>>
    %get3A_310 = arith.constant 79 : index
    %get3A_311 = memref.load %arg2[%get3A_310] : memref<112xf32, #tpu.memory_space<smem>>
    %get3A_312 = arith.constant 94 : index
    %get3A_313 = memref.load %arg2[%get3A_312] : memref<112xf32, #tpu.memory_space<smem>>
    %mul3A_314 = vector.broadcast %get3A_309 : f32 to vector<16x256xf32>
    %mul3A_315 = arith.mulf %mul3A_314, %convert_element_type3A_28 : vector<16x256xf32>
    %mul3A_316 = vector.broadcast %get3A_311 : f32 to vector<16x256xf32>
    %mul3A_317 = arith.mulf %mul3A_316, %convert_element_type3A_28 : vector<16x256xf32>
    %mul3A_318 = vector.broadcast %get3A_313 : f32 to vector<16x256xf32>
    %mul3A_319 = arith.mulf %mul3A_318, %convert_element_type3A_28 : vector<16x256xf32>
    %concatenate3A_320 = tpu.concatenate %mul3A_315, %mul3A_317, %mul3A_319 in 0 : vector<16x256xf32>, vector<16x256xf32>, vector<16x256xf32> -> vector<48x256xf32>
    %dot_general3A_321 = arith.constant dense<0.000000e+00> : vector<256x256xf32>
    %dot_general3A_322 = tpu.matmul %slice3A, %concatenate3A_320, %dot_general3A_321 {dimension_numbers = #tpu.dot_dimension_numbers<[1], [0], [0], [1], [0, 0, 1, 1], [], []>, transpose_lhs_hint = false} : vector<256x48xf32>, vector<48x256xf32>, vector<256x256xf32> -> vector<256x256xf32>
    %mul3A_323 = arith.mulf %dot_general3A_322, %dot_general3A_63 : vector<256x256xf32>
    %add3A_324 = arith.addf %mul3A_307, %mul3A_323 : vector<256x256xf32>
    %get3A_325 = arith.constant 69 : index
    %get3A_326 = memref.load %arg2[%get3A_325] : memref<112xf32, #tpu.memory_space<smem>>
    %get3A_327 = arith.constant 84 : index
    %get3A_328 = memref.load %arg2[%get3A_327] : memref<112xf32, #tpu.memory_space<smem>>
    %get3A_329 = arith.constant 99 : index
    %get3A_330 = memref.load %arg2[%get3A_329] : memref<112xf32, #tpu.memory_space<smem>>
    %mul3A_331 = vector.broadcast %get3A_326 : f32 to vector<16x256xf32>
    %mul3A_332 = arith.mulf %mul3A_331, %convert_element_type3A_28 : vector<16x256xf32>
    %mul3A_333 = vector.broadcast %get3A_328 : f32 to vector<16x256xf32>
    %mul3A_334 = arith.mulf %mul3A_333, %convert_element_type3A_28 : vector<16x256xf32>
    %mul3A_335 = vector.broadcast %get3A_330 : f32 to vector<16x256xf32>
    %mul3A_336 = arith.mulf %mul3A_335, %convert_element_type3A_28 : vector<16x256xf32>
    %concatenate3A_337 = tpu.concatenate %mul3A_332, %mul3A_334, %mul3A_336 in 0 : vector<16x256xf32>, vector<16x256xf32>, vector<16x256xf32> -> vector<48x256xf32>
    %dot_general3A_338 = arith.constant dense<0.000000e+00> : vector<256x256xf32>
    %dot_general3A_339 = tpu.matmul %slice3A, %concatenate3A_337, %dot_general3A_338 {dimension_numbers = #tpu.dot_dimension_numbers<[1], [0], [0], [1], [0, 0, 1, 1], [], []>, transpose_lhs_hint = false} : vector<256x48xf32>, vector<48x256xf32>, vector<256x256xf32> -> vector<256x256xf32>
    %mul3A_340 = arith.mulf %dot_general3A_339, %dot_general3A_66 : vector<256x256xf32>
    %add3A_341 = arith.addf %add3A_324, %mul3A_340 : vector<256x256xf32>
    %swap3A_342 = arith.constant 0 : index
    %swap3A_343 = arith.constant 4 : index
    %swap3A_344 = arith.constant 0 : index
    %swap3A_345 = arith.constant 0 : index
    %swap3A_346 = vector.load %arg5[%swap3A_342, %swap3A_343, %swap3A_344, %swap3A_345] : memref<1x5x256x256xf32, #tpu.memory_space<vmem>>, vector<1x1x256x256xf32>
    %swap3A_347 = vector.shape_cast %swap3A_346 : vector<1x1x256x256xf32> to vector<256x256xf32>
    %swap3A_348 = vector.shape_cast %add3A_341 : vector<256x256xf32> to vector<1x1x256x256xf32>
    tpu.vector_store %arg5[%swap3A_342, %swap3A_343, %swap3A_344, %swap3A_345], %swap3A_348 {strides = array<i32>} : memref<1x5x256x256xf32, #tpu.memory_space<vmem>>, vector<1x1x256x256xf32>,
    %get3A_349 = arith.constant 1 : index
    %get3A_350 = memref.load %arg2[%get3A_349] : memref<112xf32, #tpu.memory_space<smem>>
    %get3A_351 = arith.constant 4 : index
    %get3A_352 = memref.load %arg2[%get3A_351] : memref<112xf32, #tpu.memory_space<smem>>
    %get3A_353 = arith.constant 7 : index
    %get3A_354 = memref.load %arg2[%get3A_353] : memref<112xf32, #tpu.memory_space<smem>>
    %mul3A_355 = vector.broadcast %get3A_350 : f32 to vector<16x256xf32>
    %mul3A_356 = arith.mulf %mul3A_355, %convert_element_type3A_51 : vector<16x256xf32>
    %mul3A_357 = vector.broadcast %get3A_352 : f32 to vector<16x256xf32>
    %mul3A_358 = arith.mulf %mul3A_357, %convert_element_type3A_51 : vector<16x256xf32>
    %mul3A_359 = vector.broadcast %get3A_354 : f32 to vector<16x256xf32>
    %mul3A_360 = arith.mulf %mul3A_359, %convert_element_type3A_51 : vector<16x256xf32>
    %concatenate3A_361 = tpu.concatenate %mul3A_356, %mul3A_358, %mul3A_360 in 0 : vector<16x256xf32>, vector<16x256xf32>, vector<16x256xf32> -> vector<48x256xf32>
    %dot_general3A_362 = arith.constant dense<0.000000e+00> : vector<256x256xf32>
    %dot_general3A_363 = tpu.matmul %slice3A_53, %concatenate3A_361, %dot_general3A_362 {dimension_numbers = #tpu.dot_dimension_numbers<[1], [0], [0], [1], [0, 0, 1, 1], [], []>, transpose_lhs_hint = false} : vector<256x48xf32>, vector<48x256xf32>, vector<256x256xf32> -> vector<256x256xf32>
    %mul3A_364 = arith.mulf %dot_general3A_55, %dot_general3A_363 : vector<256x256xf32>
    %get3A_365 = arith.constant 10 : index
    %get3A_366 = memref.load %arg2[%get3A_365] : memref<112xf32, #tpu.memory_space<smem>>
    %get3A_367 = arith.constant 13 : index
    %get3A_368 = memref.load %arg2[%get3A_367] : memref<112xf32, #tpu.memory_space<smem>>
    %get3A_369 = arith.constant 16 : index
    %get3A_370 = memref.load %arg2[%get3A_369] : memref<112xf32, #tpu.memory_space<smem>>
    %mul3A_371 = vector.broadcast %get3A_366 : f32 to vector<16x256xf32>
    %mul3A_372 = arith.mulf %mul3A_371, %convert_element_type3A_28 : vector<16x256xf32>
    %mul3A_373 = vector.broadcast %get3A_368 : f32 to vector<16x256xf32>
    %mul3A_374 = arith.mulf %mul3A_373, %convert_element_type3A_28 : vector<16x256xf32>
    %mul3A_375 = vector.broadcast %get3A_370 : f32 to vector<16x256xf32>
    %mul3A_376 = arith.mulf %mul3A_375, %convert_element_type3A_28 : vector<16x256xf32>
    %concatenate3A_377 = tpu.concatenate %mul3A_372, %mul3A_374, %mul3A_376 in 0 : vector<16x256xf32>, vector<16x256xf32>, vector<16x256xf32> -> vector<48x256xf32>
    %dot_general3A_378 = arith.constant dense<0.000000e+00> : vector<256x256xf32>
    %dot_general3A_379 = tpu.matmul %slice3A, %concatenate3A_377, %dot_general3A_378 {dimension_numbers = #tpu.dot_dimension_numbers<[1], [0], [0], [1], [0, 0, 1, 1], [], []>, transpose_lhs_hint = false} : vector<256x48xf32>, vector<48x256xf32>, vector<256x256xf32> -> vector<256x256xf32>
    %mul3A_380 = arith.mulf %dot_general3A_379, %dot_general3A_57 : vector<256x256xf32>
    %concatenate3A_381 = tpu.concatenate %mul3A_364, %mul3A_380 in 1 : vector<256x256xf32>, vector<256x256xf32> -> vector<256x512xf32>
    %swap3A_382 = arith.constant 0 : index
    %swap3A_383 = arith.constant 0 : index
    %swap3A_384 = arith.constant 0 : index
    %swap3A_385 = arith.constant 0 : index
    %swap3A_386 = vector.load %arg4[%swap3A_382, %swap3A_383, %swap3A_384, %swap3A_385] : memref<1x3x256x512xf32, #tpu.memory_space<vmem>>, vector<1x1x256x512xf32>
    %swap3A_387 = vector.shape_cast %swap3A_386 : vector<1x1x256x512xf32> to vector<256x512xf32>
    %swap3A_388 = vector.shape_cast %concatenate3A_381 : vector<256x512xf32> to vector<1x1x256x512xf32>
    tpu.vector_store %arg4[%swap3A_382, %swap3A_383, %swap3A_384, %swap3A_385], %swap3A_388 {strides = array<i32>} : memref<1x3x256x512xf32, #tpu.memory_space<vmem>>, vector<1x1x256x512xf32>,
    %get3A_389 = arith.constant 2 : index
    %get3A_390 = memref.load %arg2[%get3A_389] : memref<112xf32, #tpu.memory_space<smem>>
    %get3A_391 = arith.constant 5 : index
    %get3A_392 = memref.load %arg2[%get3A_391] : memref<112xf32, #tpu.memory_space<smem>>
    %get3A_393 = arith.constant 8 : index
    %get3A_394 = memref.load %arg2[%get3A_393] : memref<112xf32, #tpu.memory_space<smem>>
    %mul3A_395 = vector.broadcast %get3A_390 : f32 to vector<16x256xf32>
    %mul3A_396 = arith.mulf %mul3A_395, %convert_element_type3A_51 : vector<16x256xf32>
    %mul3A_397 = vector.broadcast %get3A_392 : f32 to vector<16x256xf32>
    %mul3A_398 = arith.mulf %mul3A_397, %convert_element_type3A_51 : vector<16x256xf32>
    %mul3A_399 = vector.broadcast %get3A_394 : f32 to vector<16x256xf32>
    %mul3A_400 = arith.mulf %mul3A_399, %convert_element_type3A_51 : vector<16x256xf32>
    %concatenate3A_401 = tpu.concatenate %mul3A_396, %mul3A_398, %mul3A_400 in 0 : vector<16x256xf32>, vector<16x256xf32>, vector<16x256xf32> -> vector<48x256xf32>
    %dot_general3A_402 = arith.constant dense<0.000000e+00> : vector<256x256xf32>
    %dot_general3A_403 = tpu.matmul %slice3A_53, %concatenate3A_401, %dot_general3A_402 {dimension_numbers = #tpu.dot_dimension_numbers<[1], [0], [0], [1], [0, 0, 1, 1], [], []>, transpose_lhs_hint = false} : vector<256x48xf32>, vector<48x256xf32>, vector<256x256xf32> -> vector<256x256xf32>
    %mul3A_404 = arith.mulf %dot_general3A_55, %dot_general3A_403 : vector<256x256xf32>
    %get3A_405 = arith.constant 11 : index
    %get3A_406 = memref.load %arg2[%get3A_405] : memref<112xf32, #tpu.memory_space<smem>>
    %get3A_407 = arith.constant 14 : index
    %get3A_408 = memref.load %arg2[%get3A_407] : memref<112xf32, #tpu.memory_space<smem>>
    %get3A_409 = arith.constant 17 : index
    %get3A_410 = memref.load %arg2[%get3A_409] : memref<112xf32, #tpu.memory_space<smem>>
    %mul3A_411 = vector.broadcast %get3A_406 : f32 to vector<16x256xf32>
    %mul3A_412 = arith.mulf %mul3A_411, %convert_element_type3A_28 : vector<16x256xf32>
    %mul3A_413 = vector.broadcast %get3A_408 : f32 to vector<16x256xf32>
    %mul3A_414 = arith.mulf %mul3A_413, %convert_element_type3A_28 : vector<16x256xf32>
    %mul3A_415 = vector.broadcast %get3A_410 : f32 to vector<16x256xf32>
    %mul3A_416 = arith.mulf %mul3A_415, %convert_element_type3A_28 : vector<16x256xf32>
    %concatenate3A_417 = tpu.concatenate %mul3A_412, %mul3A_414, %mul3A_416 in 0 : vector<16x256xf32>, vector<16x256xf32>, vector<16x256xf32> -> vector<48x256xf32>
    %dot_general3A_418 = arith.constant dense<0.000000e+00> : vector<256x256xf32>
    %dot_general3A_419 = tpu.matmul %slice3A, %concatenate3A_417, %dot_general3A_418 {dimension_numbers = #tpu.dot_dimension_numbers<[1], [0], [0], [1], [0, 0, 1, 1], [], []>, transpose_lhs_hint = false} : vector<256x48xf32>, vector<48x256xf32>, vector<256x256xf32> -> vector<256x256xf32>
    %mul3A_420 = arith.mulf %dot_general3A_419, %dot_general3A_57 : vector<256x256xf32>
    %concatenate3A_421 = tpu.concatenate %mul3A_404, %mul3A_420 in 1 : vector<256x256xf32>, vector<256x256xf32> -> vector<256x512xf32>
    %swap3A_422 = arith.constant 0 : index
    %swap3A_423 = arith.constant 1 : index
    %swap3A_424 = arith.constant 0 : index
    %swap3A_425 = arith.constant 0 : index
    %swap3A_426 = vector.load %arg4[%swap3A_422, %swap3A_423, %swap3A_424, %swap3A_425] : memref<1x3x256x512xf32, #tpu.memory_space<vmem>>, vector<1x1x256x512xf32>
    %swap3A_427 = vector.shape_cast %swap3A_426 : vector<1x1x256x512xf32> to vector<256x512xf32>
    %swap3A_428 = vector.shape_cast %concatenate3A_421 : vector<256x512xf32> to vector<1x1x256x512xf32>
    tpu.vector_store %arg4[%swap3A_422, %swap3A_423, %swap3A_424, %swap3A_425], %swap3A_428 {strides = array<i32>} : memref<1x3x256x512xf32, #tpu.memory_space<vmem>>, vector<1x1x256x512xf32>,
    %get3A_429 = arith.constant 3 : index
    %get3A_430 = memref.load %arg2[%get3A_429] : memref<112xf32, #tpu.memory_space<smem>>
    %get3A_431 = arith.constant 6 : index
    %get3A_432 = memref.load %arg2[%get3A_431] : memref<112xf32, #tpu.memory_space<smem>>
    %get3A_433 = arith.constant 9 : index
    %get3A_434 = memref.load %arg2[%get3A_433] : memref<112xf32, #tpu.memory_space<smem>>
    %mul3A_435 = vector.broadcast %get3A_430 : f32 to vector<16x256xf32>
    %mul3A_436 = arith.mulf %mul3A_435, %convert_element_type3A_51 : vector<16x256xf32>
    %mul3A_437 = vector.broadcast %get3A_432 : f32 to vector<16x256xf32>
    %mul3A_438 = arith.mulf %mul3A_437, %convert_element_type3A_51 : vector<16x256xf32>
    %mul3A_439 = vector.broadcast %get3A_434 : f32 to vector<16x256xf32>
    %mul3A_440 = arith.mulf %mul3A_439, %convert_element_type3A_51 : vector<16x256xf32>
    %concatenate3A_441 = tpu.concatenate %mul3A_436, %mul3A_438, %mul3A_440 in 0 : vector<16x256xf32>, vector<16x256xf32>, vector<16x256xf32> -> vector<48x256xf32>
    %dot_general3A_442 = arith.constant dense<0.000000e+00> : vector<256x256xf32>
    %dot_general3A_443 = tpu.matmul %slice3A_53, %concatenate3A_441, %dot_general3A_442 {dimension_numbers = #tpu.dot_dimension_numbers<[1], [0], [0], [1], [0, 0, 1, 1], [], []>, transpose_lhs_hint = false} : vector<256x48xf32>, vector<48x256xf32>, vector<256x256xf32> -> vector<256x256xf32>
    %mul3A_444 = arith.mulf %dot_general3A_55, %dot_general3A_443 : vector<256x256xf32>
    %get3A_445 = arith.constant 12 : index
    %get3A_446 = memref.load %arg2[%get3A_445] : memref<112xf32, #tpu.memory_space<smem>>
    %get3A_447 = arith.constant 15 : index
    %get3A_448 = memref.load %arg2[%get3A_447] : memref<112xf32, #tpu.memory_space<smem>>
    %get3A_449 = arith.constant 18 : index
    %get3A_450 = memref.load %arg2[%get3A_449] : memref<112xf32, #tpu.memory_space<smem>>
    %mul3A_451 = vector.broadcast %get3A_446 : f32 to vector<16x256xf32>
    %mul3A_452 = arith.mulf %mul3A_451, %convert_element_type3A_28 : vector<16x256xf32>
    %mul3A_453 = vector.broadcast %get3A_448 : f32 to vector<16x256xf32>
    %mul3A_454 = arith.mulf %mul3A_453, %convert_element_type3A_28 : vector<16x256xf32>
    %mul3A_455 = vector.broadcast %get3A_450 : f32 to vector<16x256xf32>
    %mul3A_456 = arith.mulf %mul3A_455, %convert_element_type3A_28 : vector<16x256xf32>
    %concatenate3A_457 = tpu.concatenate %mul3A_452, %mul3A_454, %mul3A_456 in 0 : vector<16x256xf32>, vector<16x256xf32>, vector<16x256xf32> -> vector<48x256xf32>
    %dot_general3A_458 = arith.constant dense<0.000000e+00> : vector<256x256xf32>
    %dot_general3A_459 = tpu.matmul %slice3A, %concatenate3A_457, %dot_general3A_458 {dimension_numbers = #tpu.dot_dimension_numbers<[1], [0], [0], [1], [0, 0, 1, 1], [], []>, transpose_lhs_hint = false} : vector<256x48xf32>, vector<48x256xf32>, vector<256x256xf32> -> vector<256x256xf32>
    %mul3A_460 = arith.mulf %dot_general3A_459, %dot_general3A_57 : vector<256x256xf32>
    %concatenate3A_461 = tpu.concatenate %mul3A_444, %mul3A_460 in 1 : vector<256x256xf32>, vector<256x256xf32> -> vector<256x512xf32>
    %swap3A_462 = arith.constant 0 : index
    %swap3A_463 = arith.constant 2 : index
    %swap3A_464 = arith.constant 0 : index
    %swap3A_465 = arith.constant 0 : index
    %swap3A_466 = vector.load %arg4[%swap3A_462, %swap3A_463, %swap3A_464, %swap3A_465] : memref<1x3x256x512xf32, #tpu.memory_space<vmem>>, vector<1x1x256x512xf32>
    %swap3A_467 = vector.shape_cast %swap3A_466 : vector<1x1x256x512xf32> to vector<256x512xf32>
    %swap3A_468 = vector.shape_cast %concatenate3A_461 : vector<256x512xf32> to vector<1x1x256x512xf32>
    tpu.vector_store %arg4[%swap3A_462, %swap3A_463, %swap3A_464, %swap3A_465], %swap3A_468 {strides = array<i32>} : memref<1x3x256x512xf32, #tpu.memory_space<vmem>>, vector<1x1x256x512xf32>,
    return
  }
  func.func @transform_0(%arg0: i32, %arg1: i32) -> i32 {
    %c0_i32 = arith.constant 0 : i32
    %c0_i32_0 = arith.constant 0 : i32
    return %c0_i32 : i32
  }
  func.func @transform_1(%arg0: i32, %arg1: i32) -> (i32, i32, i32) {
    %c0_i32 = arith.constant 0 : i32
    %c0_i32_0 = arith.constant 0 : i32
    return %arg0, %arg1, %c0_i32 : i32, i32, i32
  }
  func.func @transform_2(%arg0: i32, %arg1: i32) -> (i32, i32, i32, i32) {
    %c0_i32 = arith.constant 0 : i32
    %c0_i32_0 = arith.constant 0 : i32
    %c0_i32_1 = arith.constant 0 : i32
    return %arg0, %c0_i32, %arg1, %c0_i32_0 : i32, i32, i32, i32
  }
  func.func @transform_3(%arg0: i32, %arg1: i32) -> (i32, i32, i32, i32) {
    %c0_i32 = arith.constant 0 : i32
    %c0_i32_0 = arith.constant 0 : i32
    %c0_i32_1 = arith.constant 0 : i32
    return %arg0, %c0_i32, %arg1, %c0_i32_0 : i32, i32, i32, i32
  }
}

</mosaic_0001>

<sc_bundles>
// kernel: _run.4.cloned.1.call-start
scs
__scs_entry_jumppad:
0x0: {  	(pc) =	sbr.rel $0x88, $3  }
0x1: {  	(tag) =	ssettag $0x0;
	lr =	simm.s32 $0x1  }
0x2: {  	[smem:$0x3F9F] =	sst lr;
	_ =	strace $0xD0000000  }
0x3: {  	_ = 	snop  }
0x4: {  	_ = 	snop  }
0x5: {  	_ = 	snop  }
0x6: {  	_ = 	snop  }
0x7: {  	_ = 	snop  }
__scs_overlays_trampoline_lowered:
0x8: {  	[smem:$0x3FAE] =	sst s0  }
0x9: {  	[smem:$0x3FAF] =	sst s1  }
0xa: {  	[smem:$0x3FB0] =	sst s2  }
0xb: {  	[smem:$0x3FB1] =	sst s3  }
0xc: {  	[smem:$0x3FB2] =	sst s4  }
0xd: {  	[smem:$0x3FB3] =	sst s5  }
0xe: {  	[smem:$0x3FB4] =	sst s6  }
0xf: {  	[smem:$0x3FB5] =	sst s7  }
0x10: {  	[smem:$0x3FB6] =	sst s8  }
0x11: {  	[smem:$0x3FB7] =	sst s9;
	s0 =	simm.s32 @!p0 $0x0  }
0x12: {  	s1 =	sld [smem:$0x3F9D];
	s0 =	simm.s32 @p0 $0x1  }
0x13: {  	[smem:$0x3FB8] =	sst s0;
	s0 =	simm.s32 @!p1 $0x0  }
0x14: {  	s2 =	sld [smem:$0x3F9C];
	s0 =	simm.s32 @p1 $0x1  }
0x15: {  	[smem:$0x3FB9] =	sst s0;
	s0 =	simm.s32 @!p2 $0x0  }
0x16: {  	s3 =	sld [smem:$0x3FDB];
	s0 =	simm.s32 @p2 $0x1  }
0x17: {  	s4 =	simm.s32 $0x1BF5;
	[smem:$0x3FBB] =	sst s0  }
0x18: {  	s0 =	sld [smem:$0x3F9E];
	_ =	swait.ge [sflag:s4], $0x0  }
0x19: {  	s7 =	sld [smem:$0x3F9F]  }
0x1a: {  	s8 =	sadd.s32 $0xFFFFE003, lr  }
0x1b: {  	s9 =	sadd.s32 $0xFFFFFEF7, lr;
	s5 =	simm.s32 $0xFFFFFFFF;
	p2 =	slt.u32 s8, $0xFFFFF086  }
0x1c: {  	p1 =	slt.u32 s9, $0xF7A;
	s5 =	simm.s32 @!p2 $0x0  }
0x1d: {  	s5 =	simm.s32 @p1 $0x1;
	p0 =	seq.s32 s7, s2  }
0x1e: {  	s7 =	smul.u32 @!p0 $0xF7A, s2;
	p2 =	seq.s32 @!p0 s5, $0x0  }
0x1f: {  	s9 =	smul.u32 $0xF7A, s1;
	s8 =	simm.s32 @!p0 $0x1BF5;
	p2 =	por !p2, p0  }
0x20: {  	[sflag:s8] =	ssyncset.s32 @!p0 $0xFFFFF086;
	s6 =	sadd.s32 @!p0 s3, s7;
	s7 =	simm.s32 @!p0 $0x108  }
0x21: {  	s3 =	sadd.s32 s3, s9;
	s6 =	sadd.s32 @!p0 $0x88, s6;
	s7 =	simm.s32 @p2 $0x1082  }
0x22: {  	[simem:s7], [sflag:s8] =	dma.local @!p0 [hbm:s6], $0xF7A  }
0x23: {  	s9 =	sor.u32 $0xD0000000, s2;
	s6 =	simm.s32 $0x108;
	_ =	swait.ge @!p0 [sflag:s8], $0x0  }
0x24: {  	s3 =	sadd.s32 $0x88, s3;
	s6 =	simm.s32 @!p1 $0x1082;
	[sflag:s4] =	ssyncset.s32 $0xFFFFF086  }
0x25: {  	[simem:s6], [sflag:s4] =	dma.local [hbm:s3], $0xF7A  }
0x26: {  	[smem:$0x3F9F] =	sst s1;
	(tag) =	ssettag s2;
	_ =	strace s9  }
0x27: {  	s1 =	sld [smem:$0x3FAF]  }
0x28: {  	s2 =	sld [smem:$0x3FB0]  }
0x29: {  	s4 =	sld [smem:$0x3FB2]  }
0x2a: {  	p0 =	seq.s32 s5, $0x0;
	s5 =	sld [smem:$0x3FB3]  }
0x2b: {  	s6 =	sld [smem:$0x3FB4]  }
0x2c: {  	s7 =	sld [smem:$0x3FB5]  }
0x2d: {  	s3 =	simm.s32 $0x108;
	s8 =	sld [smem:$0x3FB6]  }
0x2e: {  	s3 =	simm.s32 @!p0 $0x1082;
	s9 =	sld [smem:$0x3FB7]  }
0x2f: {  	lr =	sadd.s32 s0, s3;
	s0 =	sld [smem:$0x3FAE]  }
0x30: {  	s3 =	sld [smem:$0x3FB1]  }
0x31: {  	[smem:$0x3FBA] =	sst s10  }
0x32: {  	s10 =	sld [smem:$0x3FB8];
	_ =	sdelay $0x3  }
0x33: {  	p0 =	seq.s32 s10, $0x1;
	s10 =	sld [smem:$0x3FBA];
	_ =	sdelay $0x3  }
0x34: {  	[smem:$0x3FBA] =	sst s10  }
0x35: {  	s10 =	sld [smem:$0x3FB9];
	_ =	sdelay $0x3  }
0x36: {  	p1 =	seq.s32 s10, $0x1;
	s10 =	sld [smem:$0x3FBA];
	_ =	sdelay $0x3  }
0x37: {  	[smem:$0x3FBA] =	sst s10  }
0x38: {  	s10 =	sld [smem:$0x3FBB]  }
0x39: {  	_ = 	snop;
	(pc) =	sbr.ind lr, $3  }
0x3a: {  	_ = 	snop  }
0x3b: {  	_ = 	snop  }
0x3c: {  	p2 =	seq.s32 s10, $0x1;
	s10 =	sld [smem:$0x3FBA]  }
0x3d: {  	_ =	shalt  }
0x3e: {  	_ =	shalt  }
0x3f: {  	_ =	shalt  }
0x40: {  	_ =	shalt  }
0x41: {  	_ =	shalt  }
0x42: {  	_ =	shalt  }
0x43: {  	_ =	shalt  }
0x44: {  	_ =	shalt  }
0x45: {  	_ =	shalt  }
0x46: {  	_ =	shalt  }
0x47: {  	_ =	shalt  }
0x48: {  	_ =	shalt  }
0x49: {  	_ =	shalt  }
0x4a: {  	_ =	shalt  }
0x4b: {  	_ =	shalt  }
0x4c: {  	_ =	shalt  }
0x4d: {  	_ =	shalt  }
0x4e: {  	_ =	shalt  }
0x4f: {  	_ =	shalt  }
0x50: {  	_ =	shalt  }
0x51: {  	_ =	shalt  }
0x52: {  	_ =	shalt  }
0x53: {  	_ =	shalt  }
0x54: {  	_ =	shalt  }
0x55: {  	_ =	shalt  }
0x56: {  	_ =	shalt  }
0x57: {  	_ =	shalt  }
0x58: {  	_ =	shalt  }
0x59: {  	_ =	shalt  }
0x5a: {  	_ =	shalt  }
0x5b: {  	_ =	shalt  }
0x5c: {  	_ =	shalt  }
0x5d: {  	_ =	shalt  }
0x5e: {  	_ =	shalt  }
0x5f: {  	_ =	shalt  }
0x60: {  	_ =	shalt  }
0x61: {  	_ =	shalt  }
0x62: {  	_ =	shalt  }
0x63: {  	_ =	shalt  }
0x64: {  	_ =	shalt  }
0x65: {  	_ =	shalt  }
0x66: {  	_ =	shalt  }
0x67: {  	_ =	shalt  }
0x68: {  	_ =	shalt  }
0x69: {  	_ =	shalt  }
0x6a: {  	_ =	shalt  }
0x6b: {  	_ =	shalt  }
0x6c: {  	_ =	shalt  }
0x6d: {  	_ =	shalt  }
0x6e: {  	_ =	shalt  }
0x6f: {  	_ =	shalt  }
0x70: {  	_ =	shalt  }
0x71: {  	_ =	shalt  }
0x72: {  	_ =	shalt  }
0x73: {  	_ =	shalt  }
0x74: {  	_ =	shalt  }
0x75: {  	_ =	shalt  }
0x76: {  	_ =	shalt  }
0x77: {  	_ =	shalt  }
0x78: {  	_ =	shalt  }
0x79: {  	_ =	shalt  }
0x7a: {  	_ =	shalt  }
0x7b: {  	_ =	shalt  }
0x7c: {  	_ =	shalt  }
0x7d: {  	_ =	shalt  }
0x7e: {  	_ =	shalt  }
0x7f: {  	_ =	shalt  }
0x80: {  	_ =	shalt  }
0x81: {  	_ =	shalt  }
0x82: {  	_ =	shalt  }
0x83: {  	_ =	shalt  }
0x84: {  	_ =	shalt  }
0x85: {  	_ =	shalt  }
0x86: {  	_ =	shalt  }
0x87: {  	_ =	shalt  }
.Lfunc_end0:
.L_simem_size_0:
called_computation_lowered:
.L_overlay_start_0:
0x88: {  	s2 =	sld [smem:$0x3FD9]  }
0x89: {  	s3 =	sld [smem:$0x3FFE];
	_ =	sdelay $0x1  }
0x8a: {  	s1 =	srdreg.scid  }
0x8b: {  	s0 =	sand.u32 $0x1, s1  }
0x8c: {  	s14 =	sshll.u32 s0, $0xA;
	s2 =	sadd.s32 s3, s2  }
0x8d: {  	s2 =	sadd.s32 s2, s14  }
0x8e: {  	[smem:$0x3FC6] =	sst s2  }
0x8f: {  	_ = 	snop  }
0x90: {  	s2 =	sld [smem:$0x3FD0];
	_ =	sdelay $0x1  }
0x91: {  	s15 =	sld [smem:$0x3FC9]  }
0x92: {  	s5 =	simm.s32 $0xA;
	s6 =	simm.s32 $0x10;
	s4 =	sld [smem:$0x3FC8]  }
0x93: {  	[smem:s6], [sflag:s5] =	dma.local [hbm:s2], $0x1  }
0x94: {  	_ =	swait.eq [sflag:s5], $0x1  }
0x95: {  	[sflag:s5] =	ssyncset.done $0x0  }
0x96: {  	[sflag:s5] =	ssyncadd.s32 $0xFFFFFFFF  }
0x97: {  	s16 =	sld [smem:$0x10];
	(tm) =	ssettm $0x1  }
0x98: {  	s17 =	sld [smem:$0x3FFB];
	_ =	sdelay $0x3  }
0x99: {  	_ =	strace s17  }
0x9a: {  	s5 =	sld [smem:$0x3FFC];
	_ =	sdelay $0x3  }
0x9b: {  	_ =	strace s5  }
0x9c: {  	s5 =	sld [smem:$0x3FFD];
	_ =	sdelay $0x3  }
0x9d: {  	_ =	strace s5  }
0x9e: {  	_ =	strace $0x8FFFFFFF  }
0x9f: {  	s18 =	sld [smem:$0x3FDB];
	_ =	sdelay $0x1  }
0xa0: {  	s19 =	simm.s32 $_scs_section_size  }
0xa1: {  	s7 =	simm.s32 $_size__tile_overlayer_lowered;
	s8 =	simm.s32 $_tile_overlayer_lowered  }
0xa2: {  	s22 =	simm.s32 $0x1BFF;
	s21 =	sshll.u32 s8, $0x1;
	s5 =	sadd.s32 s19, s18  }
0xa3: {  	s9 =	simm.s32 $0x0;
	s20 =	sshll.u32 s7, $0x1;
	s7 =	sadd.s32 s21, s5  }
0xa4: {  	[timem:s9], [sflag:s22] =	dma.local [hbm:s7], s20  }
0xa5: {  	_ =	swait.ge [sflag:s22], s20  }
0xa6: {  	s6 =	ssub.s32 $0x0, s20;
	[sflag:s22] =	ssyncset.done $0x0  }
0xa7: {  	[sflag:s22] =	ssyncadd.s32 s6;
	_ =	sdelay $0x1  }
0xa8: {  	s23 =	simm.s32 $0x1B8B  }
0xa9: {  	_ =	swait.ge [sflag:s23], $0x1  }
0xaa: {  	[sflag:s23] =	ssyncset.done $0x0  }
0xab: {  	s25 =	simm.s32 $0x1B8E;
	s24 =	sld [smem:$0x3FFE];
	[sflag:s23] =	ssyncadd.s32 $0xFFFFFFFF  }
0xac: {  	s26 =	simm.s32 $execute0_lowered;
	[smem:$0x3FD2] =	sst s25  }
0xad: {  	s7 =	sshll.u32 s26, $0x1;
	_ =	strace $0x80000046;
	[dreg:$0x1] =	wrdreg $0xFFFFFFFF  }
0xae: {  	s28 =	simm.s32 $_size_execute0_lowered;
	s5 =	sadd.s32 s5, s7;
	[dreg:$0x0] =	wrdreg $0x0  }
0xaf: {  	s7 =	sshll.u32 s28, $0x1;
	[dreg:$0x2] =	wrdreg s5  }
0xb0: {  	[dreg:$0x3] =	wrdreg s7  }
0xb1: {  	[dreg:$0x4] =	wrdreg $0xC0  }
0xb2: {  	_ =	task [dreg:s9], $0x5FFFF  }
0xb3: {  	[dreg:$0x1] =	wrdreg $0xFFFFFFFF  }
0xb4: {  	[dreg:$0x0] =	wrdreg $0x60  }
0xb5: {  	[dreg:$0x2] =	wrdreg s15  }
0xb6: {  	[dreg:$0x3] =	wrdreg s4  }
0xb7: {  	[dreg:$0x4] =	wrdreg s16  }
0xb8: {  	[dreg:$0x5] =	wrdreg s24  }
0xb9: {  	[dreg:$0x6] =	wrdreg $0x9  }
0xba: {  	_ =	task.clear_ibuf [dreg:s9], $0x7FFFF;
	_ =	strace $0x90000046  }
0xbb: {  	s29 =	simm.s32 $0x9;
	_ =	strace $0x80000048  }
0xbc: {  	_ =	swait.ge [sflag:s29], $0x1  }
0xbd: {  	[sflag:s29] =	ssyncadd.s32 $0xFFFFFFFF  }
0xbe: {  	_ =	strace $0x90000048  }
0xbf: {  	_ =	sfence  }
0xc0: {  	s30 =	sld [smem:$0x0];
	_ =	sdelay $0x2  }
0xc1: {  	s31 =	sshll.u32 s1, $0xD;
	s1 =	sshrl.u32 s1, $0x2  }
0xc2: {  	s3 =	sand.u32 $0x4000, s31;
	s1 =	sadd.s32 s1, s30  }
0xc3: {  	s0 =	sor.u32 s3, s0;
	s1 =	sshll.u32 s1, $0x11  }
0xc4: {  	s0 =	sor.u32 s1, s0  }
0xc5: {  	s0 =	sadd.s32 $0x8F2B, s0  }
0xc6: {  	[sflag:s0] =	ssyncadd.remote.s32 $0x1  }
0xc7: {  	_ =	sfence.sel $0xFFFF  }
0xc8: {  	[dreg:$0x0] =	wrdreg $0xFFFFFFFF;
	(pc) =	sbr.abs _section_cstart, $3  }
0xc9: {  	[dreg:$0x1] =	wrdreg $0xFFFFFFFF  }
0xca: {  	_ =	task.clear_ibuf [dreg:s9], $0x2FFFF;
	_ =	strace $0x9FFFFFFF  }
0xcb: {  	(tm) =	ssettm $0x7FFFFFFF  }
tec
execute0_lowered:
.L_overlay_start_1:
0x0: {  	(tag) =	ssettag $0x1  }
0x1: {  	v0 =	vimm.s32 $0x30201000  }
0x2: {  	v1 =	vimm.s32 $0x70605040;
	vm3 =	vcmask $0xF00;
	vm4 =	vcmask $0x1F10  }
0x3: {  	vm2 =	vcmask $0x2320;
	vm1 =	vcmask $0x2724;
	vm0 =	vcmask $0x2B28  }
0x4: {  	v37 =	vimm.s32 $0xC70;
	v2 =	vimm.s32 $0x31211101;
	v3 =	vimm.s32 $0x32221202  }
0x5: {  	v4 =	vimm.s32 $0x33231303;
	v5 =	vimm.s32 $0x71615141;
	v6 =	vimm.s32 $0x72625242  }
0x6: {  	v7 =	vimm.s32 $0x34241404;
	v9 =	vimm.s32 $0x35251505;
	v10 =	vimm.s32 $0x36261606  }
0x7: {  	v11 =	vimm.s32 $0x37271707;
	v12 =	vimm.s32 $0x38281808;
	v13 =	vimm.s32 $0x39291909  }
0x8: {  	v39 =	vimm.s32 $0x3B2B1B0B;
	v16 =	vimm.s32 $0x3C2C1C0C;
	v17 =	vimm.s32 $0x3D2D1D0D  }
0x9: {  	v18 =	vimm.s32 $0x3E2E1E0E;
	v19 =	vimm.s32 $0x3F2F1F0F;
	vm12 =	vcmask $0x300  }
0xa: {  	v41 =	vimm.s32 $0x74645444;
	v42 =	vimm.s32 $0x75655545;
	v44 =	vimm.s32 $0x7A6A5A4A  }
0xb: {  	v45 =	vimm.s32 $0x7C6C5C4C;
	v46 =	vimm.s32 $0x7D6D5D4D;
	v47 =	vimm.s32 $0x7E6E5E4E  }
0xc: {  	v49 =	vimm.s32 $0x7F6F5F4F;
	vm13 =	vcmask $0x704;
	v55 =	vimm.s32 $0x1470  }
0xd: {  	v57 =	vimm.s32 $0xC71;
	v58 =	vimm.s32 $0x1471;
	v59 =	vimm.s32 $0xC72  }
0xe: {  	v60 =	vimm.s32 $0x1472;
	v61 =	vimm.s32 $0xC73;
	v62 =	vimm.s32 $0x1473  }
0xf: {  	v63 =	vimm.s32 $0xC74;
	v25 =	vimm.s32 $0x1474;
	v26 =	vimm.s32 $0xC75  }
0x10: {  	v27 =	vimm.s32 $0x1475;
	v28 =	vimm.s32 $0xC76;
	v29 =	vimm.s32 $0x1476  }
0x11: {  	v30 =	vimm.s32 $0xC77;
	v31 =	vimm.s32 $0x1477;
	v32 =	vimm.s32 $0xC78  }
0x12: {  	v33 =	vimm.s32 $0x1478;
	v34 =	vimm.s32 $0xC79;
	v35 =	vimm.s32 $0x1479  }
0x13: {  	v36 =	vimm.s32 $0xC7A;
	vm14 =	vcmask $0xB08;
	vm15 =	vcmask $0xF0C  }
0x14: {  	vm8 =	vcmask $0x1310;
	vm9 =	vcmask $0x1714;
	vm10 =	vcmask $0x1B18  }
0x15: {  	vm11 =	vcmask $0x1F1C;
	v0 =	vunpack.c.0.s8.s32 v0;
	v1 =	vunpack.c.0.s8.s32 v1  }
0x16: {  	v2 =	vunpack.c.0.s8.s32 v2;
	v3 =	vunpack.c.0.s8.s32 v3;
	v4 =	vunpack.c.0.s8.s32 v4  }
0x17: {  	v5 =	vunpack.c.0.s8.s32 v5;
	v6 =	vunpack.c.0.s8.s32 v6;
	v7 =	vunpack.c.0.s8.s32 v7  }
0x18: {  	v9 =	vunpack.c.0.s8.s32 v9;
	v10 =	vunpack.c.0.s8.s32 v10;
	v11 =	vunpack.c.0.s8.s32 v11  }
0x19: {  	v12 =	vunpack.c.0.s8.s32 v12;
	v16 =	vunpack.c.0.s8.s32 v16;
	v17 =	vunpack.c.0.s8.s32 v17  }
0x1a: {  	v18 =	vunpack.c.0.s8.s32 v18;
	v22 =	vsel vm12, $0x800, v37;
	v48 =	vunpack.c.0.s8.s32 v46  }
0x1b: {  	v24 =	vunpack.c.0.s8.s32 v47;
	v52 =	vunpack.c.0.s8.s32 v49;
	v25 =	vsel vm12, $0x1004, v25  }
0x1c: {  	v26 =	vsel vm12, $0x805, v26;
	v27 =	vsel vm12, $0x1005, v27;
	v28 =	vsel vm12, $0x806, v28  }
0x1d: {  	v29 =	vsel vm12, $0x1006, v29;
	v30 =	vsel vm12, $0x807, v30;
	v31 =	vsel vm12, $0x1007, v31  }
0x1e: {  	v32 =	vsel vm12, $0x808, v32;
	v33 =	vsel vm12, $0x1008, v33;
	v34 =	vsel vm12, $0x809, v34  }
0x1f: {  	v35 =	vsel vm12, $0x1009, v35;
	v36 =	vsel vm12, $0x80A, v36;
	v37 =	vimm.s32 $0x147A  }
0x20: {  	v46 =	vimm.s32 $0xC7F;
	v47 =	vimm.s32 $0x147F;
	v56 =	vsel vm13, $0x810, v22  }
0x21: {  	v22 =	vsel vm12, $0x803, v61;
	v37 =	vsel vm12, $0x100A, v37;
	v46 =	vsel vm12, $0x80F, v46  }
0x22: {  	v47 =	vsel vm12, $0x100F, v47;
	v25 =	vsel vm13, $0x1014, v25;
	v26 =	vsel vm13, $0x815, v26  }
0x23: {  	v27 =	vsel vm13, $0x1015, v27;
	v28 =	vsel vm13, $0x816, v28;
	v29 =	vsel vm13, $0x1016, v29  }
0x24: {  	v30 =	vsel vm13, $0x817, v30;
	v31 =	vsel vm13, $0x1017, v31;
	v32 =	vsel vm13, $0x818, v32  }
0x25: {  	v33 =	vsel vm13, $0x1018, v33;
	v34 =	vsel vm13, $0x819, v34;
	v35 =	vsel vm13, $0x1019, v35  }
0x26: {  	v36 =	vsel vm13, $0x81A, v36;
	v0 =	vnsel vm3, $0x470, v0;
	v2 =	vnsel vm3, $0x471, v2  }
0x27: {  	v3 =	vnsel vm3, $0x472, v3;
	v8 =	vnsel vm3, $0x473, v4;
	v4 =	vimm.s32 $0x73635343  }
0x28: {  	v14 =	vnsel vm3, $0x474, v7;
	v9 =	vnsel vm3, $0x475, v9;
	v7 =	vunpack.c.0.s8.s32 v13  }
0x29: {  	v10 =	vnsel vm3, $0x476, v10;
	v11 =	vnsel vm3, $0x477, v11;
	v38 =	vnsel vm3, $0x478, v12  }
0x2a: {  	v12 =	vunpack.c.0.s8.s32 v39;
	v16 =	vnsel vm3, $0x47C, v16;
	v17 =	vnsel vm3, $0x47D, v17  }
0x2b: {  	v18 =	vnsel vm3, $0x47E, v18;
	v39 =	vimm.s32 $0x147B;
	v22 =	vsel vm13, $0x813, v22  }
0x2c: {  	v37 =	vsel vm13, $0x101A, v37;
	v46 =	vsel vm13, $0x81F, v46;
	v47 =	vsel vm13, $0x101F, v47  }
0x2d: {  	v25 =	vsel vm14, $0x1024, v25;
	v26 =	vsel vm14, $0x825, v26;
	v27 =	vsel vm14, $0x1025, v27  }
0x2e: {  	v28 =	vsel vm14, $0x826, v28;
	v29 =	vsel vm14, $0x1026, v29;
	v30 =	vsel vm14, $0x827, v30  }
0x2f: {  	v31 =	vsel vm14, $0x1027, v31;
	v32 =	vsel vm14, $0x828, v32;
	v33 =	vsel vm14, $0x1028, v33  }
0x30: {  	v34 =	vsel vm14, $0x829, v34;
	v35 =	vsel vm14, $0x1029, v35;
	v36 =	vsel vm14, $0x82A, v36  }
0x31: {  	v0 =	vsel vm4, v1, v0;
	v40 =	vunpack.c.0.s8.s32 v4;
	v4 =	vsel vm4, v6, v3  }
0x32: {  	v3 =	vunpack.c.0.s8.s32 v42;
	v6 =	vimm.s32 $0x77675747;
	v54 =	vsel vm4, v48, v17  }
0x33: {  	v39 =	vsel vm12, $0x100B, v39;
	v42 =	vimm.s32 $0xC7D;
	v17 =	vsel vm14, $0x820, v56  }
0x34: {  	v22 =	vsel vm14, $0x823, v22;
	v37 =	vsel vm14, $0x102A, v37;
	v46 =	vsel vm14, $0x82F, v46  }
0x35: {  	v47 =	vsel vm14, $0x102F, v47;
	v25 =	vsel vm15, $0x1034, v25;
	v26 =	vsel vm15, $0x835, v26  }
0x36: {  	v27 =	vsel vm15, $0x1035, v27;
	v28 =	vsel vm15, $0x836, v28;
	v29 =	vsel vm15, $0x1036, v29  }
0x37: {  	v30 =	vsel vm15, $0x837, v30;
	v31 =	vsel vm15, $0x1037, v31;
	v32 =	vsel vm15, $0x838, v32  }
0x38: {  	v33 =	vsel vm15, $0x1038, v33;
	v34 =	vsel vm15, $0x839, v34;
	v35 =	vsel vm15, $0x1039, v35  }
0x39: {  	v36 =	vsel vm15, $0x83A, v36;
	v0 =	vsel vm2, $0x400, v0;
	v15 =	vnsel vm3, $0x479, v7  }
0x3a: {  	v7 =	vimm.s32 $0x3A2A1A0A;
	v21 =	vnsel vm3, $0x47B, v12;
	v6 =	vunpack.c.0.s8.s32 v6  }
0x3b: {  	v42 =	vsel vm12, $0x80D, v42;
	v39 =	vsel vm13, $0x101B, v39;
	v17 =	vsel vm15, $0x830, v17  }
0x3c: {  	v22 =	vsel vm15, $0x833, v22;
	v37 =	vsel vm15, $0x103A, v37;
	v46 =	vsel vm15, $0x83F, v46  }
0x3d: {  	v47 =	vsel vm15, $0x103F, v47;
	v25 =	vsel vm8, $0x1044, v25;
	v26 =	vsel vm8, $0x845, v26  }
0x3e: {  	v27 =	vsel vm8, $0x1045, v27;
	v28 =	vsel vm8, $0x846, v28;
	v29 =	vsel vm8, $0x1046, v29  }
0x3f: {  	v30 =	vsel vm8, $0x847, v30;
	v31 =	vsel vm8, $0x1047, v31;
	v32 =	vsel vm8, $0x848, v32  }
0x40: {  	v33 =	vsel vm8, $0x1048, v33;
	v34 =	vsel vm8, $0x849, v34;
	v35 =	vsel vm8, $0x1049, v35  }
0x41: {  	v36 =	vsel vm8, $0x84A, v36;
	v0 =	vsel vm1, $0x410, v0;
	v7 =	vunpack.c.0.s8.s32 v7  }
0x42: {  	v1 =	vsel vm4, v40, v8;
	v8 =	vimm.s32 $0x78685848;
	v12 =	vsel vm4, v3, v9  }
0x43: {  	v3 =	vunpack.c.0.s8.s32 v44;
	v9 =	vunpack.c.0.s8.s32 v45;
	v40 =	vimm.s32 $0xC7C  }
0x44: {  	v44 =	vimm.s32 $0xC7E;
	v45 =	vimm.s32 $0x147E;
	v42 =	vsel vm13, $0x81D, v42  }
0x45: {  	v39 =	vsel vm14, $0x102B, v39;
	v17 =	vsel vm8, $0x840, v17;
	v22 =	vsel vm8, $0x843, v22  }
0x46: {  	v37 =	vsel vm8, $0x104A, v37;
	v46 =	vsel vm8, $0x84F, v46;
	v47 =	vsel vm8, $0x104F, v47  }
0x47: {  	v25 =	vsel vm9, $0x1054, v25;
	v26 =	vsel vm9, $0x855, v26;
	v27 =	vsel vm9, $0x1055, v27  }
0x48: {  	v28 =	vsel vm9, $0x856, v28;
	v29 =	vsel vm9, $0x1056, v29;
	v30 =	vsel vm9, $0x857, v30  }
0x49: {  	v31 =	vsel vm9, $0x1057, v31;
	v32 =	vsel vm9, $0x858, v32;
	v33 =	vsel vm9, $0x1058, v33  }
0x4a: {  	v34 =	vsel vm9, $0x859, v34;
	v35 =	vsel vm9, $0x1059, v35;
	v36 =	vsel vm9, $0x85A, v36  }
0x4b: {  	v0 =	vsel vm0, $0x420, v0;
	v23 =	vunpack.c.0.s8.s32 v8;
	v8 =	vimm.s32 $0x79695949  }
0x4c: {  	v40 =	vsel vm12, $0x80C, v40;
	v44 =	vsel vm12, $0x80E, v44;
	v45 =	vsel vm12, $0x100E, v45  }
0x4d: {  	v42 =	vsel vm14, $0x82D, v42;
	v39 =	vsel vm15, $0x103B, v39;
	v17 =	vsel vm9, $0x850, v17  }
0x4e: {  	v22 =	vsel vm9, $0x853, v22;
	v37 =	vsel vm9, $0x105A, v37;
	v46 =	vsel vm9, $0x85F, v46  }
0x4f: {  	v47 =	vsel vm9, $0x105F, v47;
	v25 =	vsel vm10, $0x1064, v25;
	v26 =	vsel vm10, $0x865, v26  }
0x50: {  	v27 =	vsel vm10, $0x1065, v27;
	v28 =	vsel vm10, $0x866, v28;
	v29 =	vsel vm10, $0x1066, v29  }
0x51: {  	v30 =	vsel vm10, $0x867, v30;
	v31 =	vsel vm10, $0x1067, v31;
	v32 =	vsel vm10, $0x868, v32  }
0x52: {  	v33 =	vsel vm10, $0x1068, v33;
	v34 =	vsel vm10, $0x869, v34;
	v35 =	vsel vm10, $0x1069, v35  }
0x53: {  	v36 =	vsel vm10, $0x86A, v36;
	v1 =	vsel vm2, $0x403, v1;
	v12 =	vsel vm2, $0x405, v12  }
0x54: {  	v20 =	vnsel vm3, $0x47A, v7;
	v7 =	vunpack.c.0.s8.s32 v19;
	v43 =	vunpack.c.0.s8.s32 v8  }
0x55: {  	v8 =	vsel vm4, v6, v11;
	v6 =	vimm.s32 $0x7B6B5B4B;
	v53 =	vsel vm4, v9, v16  }
0x56: {  	v16 =	vsel vm12, $0x1000, v55;
	v40 =	vsel vm13, $0x81C, v40;
	v44 =	vsel vm13, $0x81E, v44  }
0x57: {  	v45 =	vsel vm13, $0x101E, v45;
	v42 =	vsel vm15, $0x83D, v42;
	v39 =	vsel vm8, $0x104B, v39  }
0x58: {  	v17 =	vsel vm10, $0x860, v17;
	v22 =	vsel vm10, $0x863, v22;
	v37 =	vsel vm10, $0x106A, v37  }
0x59: {  	v46 =	vsel vm10, $0x86F, v46;
	v47 =	vsel vm10, $0x106F, v47;
	v25 =	vsel vm11, $0x1074, v25  }
0x5a: {  	v26 =	vsel vm11, $0x875, v26;
	v27 =	vsel vm11, $0x1075, v27;
	v28 =	vsel vm11, $0x876, v28  }
0x5b: {  	v29 =	vsel vm11, $0x1076, v29;
	v30 =	vsel vm11, $0x877, v30;
	v31 =	vsel vm11, $0x1077, v31  }
0x5c: {  	v32 =	vsel vm11, $0x878, v32;
	v33 =	vsel vm11, $0x1078, v33;
	v34 =	vsel vm11, $0x879, v34  }
0x5d: {  	v35 =	vsel vm11, $0x1079, v35;
	v36 =	vsel vm11, $0x87A, v36;
	v9 =	vsel vm2, $0x40D, v54  }
0x5e: {  	v1 =	vsel vm1, $0x413, v1;
	v12 =	vsel vm1, $0x415, v12;
	v6 =	vunpack.c.0.s8.s32 v6  }
0x5f: {  	v50 =	vsel vm4, v3, v20;
	v20 =	vsel vm12, $0x802, v59;
	v16 =	vsel vm13, $0x1010, v16  }
0x60: {  	v40 =	vsel vm14, $0x82C, v40;
	v44 =	vsel vm14, $0x82E, v44;
	v45 =	vsel vm14, $0x102E, v45  }
0x61: {  	v42 =	vsel vm8, $0x84D, v42;
	v39 =	vsel vm9, $0x105B, v39;
	v17 =	vsel vm11, $0x870, v17  }
0x62: {  	v22 =	vsel vm11, $0x873, v22;
	v37 =	vsel vm11, $0x107A, v37;
	v46 =	vsel vm11, $0x87F, v46  }
0x63: {  	v47 =	vsel vm11, $0x107F, v47;
	v25 =	vsel vm2, $0x1404, v25;
	v26 =	vsel vm2, $0xC05, v26  }
0x64: {  	v27 =	vsel vm2, $0x1405, v27;
	v28 =	vsel vm2, $0xC06, v28;
	v29 =	vsel vm2, $0x1406, v29  }
0x65: {  	v8 =	vsel vm2, $0x407, v8;
	v30 =	vsel vm2, $0xC07, v30;
	v31 =	vsel vm2, $0x1407, v31  }
0x66: {  	v32 =	vsel vm2, $0xC08, v32;
	v33 =	vsel vm2, $0x1408, v33;
	v34 =	vsel vm2, $0xC09, v34  }
0x67: {  	v35 =	vsel vm2, $0x1409, v35;
	v36 =	vsel vm2, $0xC0A, v36;
	v11 =	vsel vm2, $0x40C, v53  }
0x68: {  	v9 =	vsel vm1, $0x41D, v9;
	v1 =	vsel vm0, $0x423, v1;
	v12 =	vsel vm0, $0x425, v12  }
0x69: {  	v19 =	vnsel vm3, $0x47F, v7;
	v7 =	vsel vm4, v5, v2;
	v2 =	vunpack.c.0.s8.s32 v41  }
0x6a: {  	v5 =	vimm.s32 $0x76665646;
	v41 =	vimm.s32 $0x147C;
	v20 =	vsel vm13, $0x812, v20  }
0x6b: {  	v16 =	vsel vm14, $0x1020, v16;
	v40 =	vsel vm15, $0x83C, v40;
	v44 =	vsel vm15, $0x83E, v44  }
0x6c: {  	v45 =	vsel vm15, $0x103E, v45;
	v42 =	vsel vm9, $0x85D, v42;
	v39 =	vsel vm10, $0x106B, v39  }
0x6d: {  	v17 =	vsel vm2, $0xC00, v17;
	v22 =	vsel vm2, $0xC03, v22;
	v37 =	vsel vm2, $0x140A, v37  }
0x6e: {  	v46 =	vsel vm2, $0xC0F, v46;
	v47 =	vsel vm2, $0x140F, v47;
	v25 =	vsel vm1, $0x1414, v25  }
0x6f: {  	v26 =	vsel vm1, $0xC15, v26;
	v27 =	vsel vm1, $0x1415, v27;
	v28 =	vsel vm1, $0xC16, v28  }
0x70: {  	v29 =	vsel vm1, $0x1416, v29;
	v8 =	vsel vm1, $0x417, v8;
	v30 =	vsel vm1, $0xC17, v30  }
0x71: {  	v31 =	vsel vm1, $0x1417, v31;
	v32 =	vsel vm1, $0xC18, v32;
	v33 =	vsel vm1, $0x1418, v33  }
0x72: {  	v34 =	vsel vm1, $0xC19, v34;
	v35 =	vsel vm1, $0x1419, v35;
	v36 =	vsel vm1, $0xC1A, v36  }
0x73: {  	v11 =	vsel vm1, $0x41C, v11;
	v9 =	vsel vm0, $0x42D, v9;
	v5 =	vunpack.c.0.s8.s32 v5  }
0x74: {  	v51 =	vsel vm4, v6, v21;
	v6 =	vsel vm4, v24, v18;
	v3 =	vsel vm4, v52, v19  }
0x75: {  	v18 =	vsel vm12, $0x801, v57;
	v19 =	vsel vm12, $0x1001, v58;
	v21 =	vsel vm12, $0x1002, v60  }
0x76: {  	v24 =	vsel vm12, $0x804, v63;
	v41 =	vsel vm12, $0x100C, v41;
	v20 =	vsel vm14, $0x822, v20  }
0x77: {  	v16 =	vsel vm15, $0x1030, v16;
	v40 =	vsel vm8, $0x84C, v40;
	v44 =	vsel vm8, $0x84E, v44  }
0x78: {  	v45 =	vsel vm8, $0x104E, v45;
	v42 =	vsel vm10, $0x86D, v42;
	v39 =	vsel vm11, $0x107B, v39  }
0x79: {  	v7 =	vsel vm2, $0x401, v7;
	v17 =	vsel vm1, $0xC10, v17;
	v22 =	vsel vm1, $0xC13, v22  }
0x7a: {  	v37 =	vsel vm1, $0x141A, v37;
	v46 =	vsel vm1, $0xC1F, v46;
	v47 =	vsel vm1, $0x141F, v47  }
0x7b: {  	v25 =	vsel vm0, $0x1424, v25;
	v26 =	vsel vm0, $0xC25, v26;
	v27 =	vsel vm0, $0x1425, v27  }
0x7c: {  	v28 =	vsel vm0, $0xC26, v28;
	v29 =	vsel vm0, $0x1426, v29;
	v8 =	vsel vm0, $0x427, v8  }
0x7d: {  	v30 =	vsel vm0, $0xC27, v30;
	v31 =	vsel vm0, $0x1427, v31;
	v32 =	vsel vm0, $0xC28, v32  }
0x7e: {  	v33 =	vsel vm0, $0x1428, v33;
	v34 =	vsel vm0, $0xC29, v34;
	v35 =	vsel vm0, $0x1429, v35  }
0x7f: {  	v36 =	vsel vm0, $0xC2A, v36;
	v11 =	vsel vm0, $0x42C, v11;
	v14 =	vsel vm4, v2, v14  }
0x80: {  	v2 =	vsel vm4, v43, v15;
	v43 =	vimm.s32 $0x147D;
	v18 =	vsel vm13, $0x811, v18  }
0x81: {  	v19 =	vsel vm13, $0x1011, v19;
	v21 =	vsel vm13, $0x1012, v21;
	v24 =	vsel vm13, $0x814, v24  }
0x82: {  	v41 =	vsel vm13, $0x101C, v41;
	v20 =	vsel vm15, $0x832, v20;
	v16 =	vsel vm8, $0x1040, v16  }
0x83: {  	v40 =	vsel vm9, $0x85C, v40;
	v44 =	vsel vm9, $0x85E, v44;
	v45 =	vsel vm9, $0x105E, v45  }
0x84: {  	v42 =	vsel vm11, $0x87D, v42;
	v15 =	vsel vm2, $0x40A, v50;
	v13 =	vsel vm2, $0x40B, v51  }
0x85: {  	v39 =	vsel vm2, $0x140B, v39;
	v6 =	vsel vm2, $0x40E, v6;
	v3 =	vsel vm2, $0x40F, v3  }
0x86: {  	v7 =	vsel vm1, $0x411, v7;
	v17 =	vsel vm0, $0xC20, v17;
	v22 =	vsel vm0, $0xC23, v22  }
0x87: {  	v37 =	vsel vm0, $0x142A, v37;
	v46 =	vsel vm0, $0xC2F, v46;
	v47 =	vsel vm0, $0x142F, v47  }
0x88: {  	v10 =	vsel vm4, v5, v10;
	v5 =	vsel vm4, v23, v38;
	v23 =	vsel vm12, $0x1003, v62  }
0x89: {  	v38 =	vimm.s32 $0xC7B;
	v43 =	vsel vm12, $0x100D, v43;
	v18 =	vsel vm14, $0x821, v18  }
0x8a: {  	v19 =	vsel vm14, $0x1021, v19;
	v21 =	vsel vm14, $0x1022, v21;
	v24 =	vsel vm14, $0x824, v24  }
0x8b: {  	v41 =	vsel vm14, $0x102C, v41;
	v20 =	vsel vm8, $0x842, v20;
	v16 =	vsel vm9, $0x1050, v16  }
0x8c: {  	v40 =	vsel vm10, $0x86C, v40;
	v44 =	vsel vm10, $0x86E, v44;
	v45 =	vsel vm10, $0x106E, v45  }
0x8d: {  	v14 =	vsel vm2, $0x404, v14;
	v2 =	vsel vm2, $0x409, v2;
	v42 =	vsel vm2, $0xC0D, v42  }
0x8e: {  	v15 =	vsel vm1, $0x41A, v15;
	v13 =	vsel vm1, $0x41B, v13;
	v39 =	vsel vm1, $0x141B, v39  }
0x8f: {  	v6 =	vsel vm1, $0x41E, v6;
	v3 =	vsel vm1, $0x41F, v3;
	v7 =	vsel vm0, $0x421, v7  }
0x90: {  	v38 =	vsel vm12, $0x80B, v38;
	v23 =	vsel vm13, $0x1013, v23;
	v43 =	vsel vm13, $0x101D, v43  }
0x91: {  	v18 =	vsel vm15, $0x831, v18;
	v19 =	vsel vm15, $0x1031, v19;
	v21 =	vsel vm15, $0x1032, v21  }
0x92: {  	v24 =	vsel vm15, $0x834, v24;
	v41 =	vsel vm15, $0x103C, v41;
	v20 =	vsel vm9, $0x852, v20  }
0x93: {  	v16 =	vsel vm10, $0x1060, v16;
	vm12 =	vcmask $0x2F2C;
	v40 =	vsel vm11, $0x87C, v40  }
0x94: {  	v44 =	vsel vm11, $0x87E, v44;
	v45 =	vsel vm11, $0x107E, v45;
	v10 =	vsel vm2, $0x406, v10  }
0x95: {  	v5 =	vsel vm2, $0x408, v5;
	v14 =	vsel vm1, $0x414, v14;
	v2 =	vsel vm1, $0x419, v2  }
0x96: {  	v42 =	vsel vm1, $0xC1D, v42;
	v15 =	vsel vm0, $0x42A, v15;
	v13 =	vsel vm0, $0x42B, v13  }
0x97: {  	v39 =	vsel vm0, $0x142B, v39;
	v6 =	vsel vm0, $0x42E, v6;
	v3 =	vsel vm0, $0x42F, v3  }
0x98: {  	v38 =	vsel vm13, $0x81B, v38;
	v23 =	vsel vm14, $0x1023, v23;
	v43 =	vsel vm14, $0x102D, v43  }
0x99: {  	v18 =	vsel vm8, $0x841, v18;
	v19 =	vsel vm8, $0x1041, v19;
	v21 =	vsel vm8, $0x1042, v21  }
0x9a: {  	v24 =	vsel vm8, $0x844, v24;
	v41 =	vsel vm8, $0x104C, v41;
	v20 =	vsel vm10, $0x862, v20  }
0x9b: {  	v16 =	vsel vm11, $0x1070, v16;
	v0 =	vsel vm12, $0x430, v0;
	v40 =	vsel vm2, $0xC0C, v40  }
0x9c: {  	v44 =	vsel vm2, $0xC0E, v44;
	v45 =	vsel vm2, $0x140E, v45;
	vm13 =	vcmask $0x3330  }
0x9d: {  	v10 =	vsel vm1, $0x416, v10;
	v5 =	vsel vm1, $0x418, v5;
	v14 =	vsel vm0, $0x424, v14  }
0x9e: {  	v2 =	vsel vm0, $0x429, v2;
	v42 =	vsel vm0, $0xC2D, v42;
	v17 =	vsel vm12, $0xC30, v17  }
0x9f: {  	v7 =	vsel vm12, $0x431, v7;
	v1 =	vsel vm12, $0x433, v1;
	v22 =	vsel vm12, $0xC33, v22  }
0xa0: {  	v25 =	vsel vm12, $0x1434, v25;
	v12 =	vsel vm12, $0x435, v12;
	v26 =	vsel vm12, $0xC35, v26  }
0xa1: {  	v27 =	vsel vm12, $0x1435, v27;
	v28 =	vsel vm12, $0xC36, v28;
	v29 =	vsel vm12, $0x1436, v29  }
0xa2: {  	v8 =	vsel vm12, $0x437, v8;
	v30 =	vsel vm12, $0xC37, v30;
	v31 =	vsel vm12, $0x1437, v31  }
0xa3: {  	v32 =	vsel vm12, $0xC38, v32;
	v33 =	vsel vm12, $0x1438, v33;
	v34 =	vsel vm12, $0xC39, v34  }
0xa4: {  	v35 =	vsel vm12, $0x1439, v35;
	v15 =	vsel vm12, $0x43A, v15;
	v36 =	vsel vm12, $0xC3A, v36  }
0xa5: {  	v37 =	vsel vm12, $0x143A, v37;
	v13 =	vsel vm12, $0x43B, v13;
	v39 =	vsel vm12, $0x143B, v39  }
0xa6: {  	v11 =	vsel vm12, $0x43C, v11;
	v9 =	vsel vm12, $0x43D, v9;
	v6 =	vsel vm12, $0x43E, v6  }
0xa7: {  	v3 =	vsel vm12, $0x43F, v3;
	v46 =	vsel vm12, $0xC3F, v46;
	v47 =	vsel vm12, $0x143F, v47  }
0xa8: {  	v38 =	vsel vm14, $0x82B, v38;
	v23 =	vsel vm15, $0x1033, v23;
	v43 =	vsel vm15, $0x103D, v43  }
0xa9: {  	v18 =	vsel vm9, $0x851, v18;
	v19 =	vsel vm9, $0x1051, v19;
	v21 =	vsel vm9, $0x1052, v21  }
0xaa: {  	v24 =	vsel vm9, $0x854, v24;
	v41 =	vsel vm9, $0x105C, v41;
	v20 =	vsel vm11, $0x872, v20  }
0xab: {  	v16 =	vsel vm2, $0x1400, v16;
	v40 =	vsel vm1, $0xC1C, v40;
	v44 =	vsel vm1, $0xC1E, v44  }
0xac: {  	v45 =	vsel vm1, $0x141E, v45;
	v10 =	vsel vm0, $0x426, v10;
	v5 =	vsel vm0, $0x428, v5  }
0xad: {  	vm14 =	vcmask $0x3734;
	v14 =	vsel vm12, $0x434, v14;
	v2 =	vsel vm12, $0x439, v2  }
0xae: {  	v42 =	vsel vm12, $0xC3D, v42;
	v7 =	vsel vm13, $0x441, v7;
	v1 =	vsel vm13, $0x443, v1  }
0xaf: {  	v22 =	vsel vm13, $0xC43, v22;
	v25 =	vsel vm13, $0x1444, v25;
	v12 =	vsel vm13, $0x445, v12  }
0xb0: {  	v26 =	vsel vm13, $0xC45, v26;
	v27 =	vsel vm13, $0x1445, v27;
	v28 =	vsel vm13, $0xC46, v28  }
0xb1: {  	v29 =	vsel vm13, $0x1446, v29;
	v8 =	vsel vm13, $0x447, v8;
	v30 =	vsel vm13, $0xC47, v30  }
0xb2: {  	v31 =	vsel vm13, $0x1447, v31;
	v32 =	vsel vm13, $0xC48, v32;
	v33 =	vsel vm13, $0x1448, v33  }
0xb3: {  	v34 =	vsel vm13, $0xC49, v34;
	v35 =	vsel vm13, $0x1449, v35;
	v15 =	vsel vm13, $0x44A, v15  }
0xb4: {  	v36 =	vsel vm13, $0xC4A, v36;
	v37 =	vsel vm13, $0x144A, v37;
	v13 =	vsel vm13, $0x44B, v13  }
0xb5: {  	v39 =	vsel vm13, $0x144B, v39;
	v11 =	vsel vm13, $0x44C, v11;
	v9 =	vsel vm13, $0x44D, v9  }
0xb6: {  	v6 =	vsel vm13, $0x44E, v6;
	v38 =	vsel vm15, $0x83B, v38;
	v23 =	vsel vm8, $0x1043, v23  }
0xb7: {  	v43 =	vsel vm8, $0x104D, v43;
	v18 =	vsel vm10, $0x861, v18;
	v19 =	vsel vm10, $0x1061, v19  }
0xb8: {  	v21 =	vsel vm10, $0x1062, v21;
	v24 =	vsel vm10, $0x864, v24;
	v41 =	vsel vm10, $0x106C, v41  }
0xb9: {  	v20 =	vsel vm2, $0xC02, v20;
	v16 =	vsel vm1, $0x1410, v16;
	v40 =	vsel vm0, $0xC2C, v40  }
0xba: {  	v44 =	vsel vm0, $0xC2E, v44;
	v45 =	vsel vm0, $0x142E, v45;
	v10 =	vsel vm12, $0x436, v10  }
0xbb: {  	v5 =	vsel vm12, $0x438, v5;
	v14 =	vsel vm13, $0x444, v14;
	v2 =	vsel vm13, $0x449, v2  }
0xbc: {  	v42 =	vsel vm13, $0xC4D, v42;
	vm15 =	vcmask $0x3B38;
	v7 =	vsel vm14, $0x451, v7  }
0xbd: {  	v1 =	vsel vm14, $0x453, v1;
	v22 =	vsel vm14, $0xC53, v22;
	v25 =	vsel vm14, $0x1454, v25  }
0xbe: {  	v12 =	vsel vm14, $0x455, v12;
	v26 =	vsel vm14, $0xC55, v26;
	v27 =	vsel vm14, $0x1455, v27  }
0xbf: {  	v28 =	vsel vm14, $0xC56, v28;
	v29 =	vsel vm14, $0x1456, v29;
	v8 =	vsel vm14, $0x457, v8  }
0xc0: {  	v30 =	vsel vm14, $0xC57, v30;
	v31 =	vsel vm14, $0x1457, v31;
	v32 =	vsel vm14, $0xC58, v32  }
0xc1: {  	v33 =	vsel vm14, $0x1458, v33;
	v34 =	vsel vm14, $0xC59, v34;
	v35 =	vsel vm14, $0x1459, v35  }
0xc2: {  	v15 =	vsel vm14, $0x45A, v15;
	v36 =	vsel vm14, $0xC5A, v36;
	v37 =	vsel vm14, $0x145A, v37  }
0xc3: {  	v13 =	vsel vm14, $0x45B, v13;
	v39 =	vsel vm14, $0x145B, v39;
	v11 =	vsel vm14, $0x45C, v11  }
0xc4: {  	v9 =	vsel vm14, $0x45D, v9;
	v38 =	vsel vm8, $0x84B, v38;
	v23 =	vsel vm9, $0x1053, v23  }
0xc5: {  	v43 =	vsel vm9, $0x105D, v43;
	v18 =	vsel vm11, $0x871, v18;
	v19 =	vsel vm11, $0x1071, v19  }
0xc6: {  	v21 =	vsel vm11, $0x1072, v21;
	v24 =	vsel vm11, $0x874, v24;
	v41 =	vsel vm11, $0x107C, v41  }
0xc7: {  	v20 =	vsel vm1, $0xC12, v20;
	v16 =	vsel vm0, $0x1420, v16;
	v40 =	vsel vm12, $0xC3C, v40  }
0xc8: {  	v10 =	vsel vm13, $0x446, v10;
	v5 =	vsel vm13, $0x448, v5;
	v14 =	vsel vm14, $0x454, v14  }
0xc9: {  	v2 =	vsel vm14, $0x459, v2;
	v62 =	vsel vm15, $0x461, v7;
	v51 =	vsel vm15, $0x463, v1  }
0xca: {  	v54 =	vsel vm15, $0xC63, v22;
	v58 =	vsel vm15, $0x1464, v25;
	v7 =	vsel vm15, $0x465, v12  }
0xcb: {  	v60 =	vsel vm15, $0xC65, v26;
	v55 =	vsel vm15, $0x1465, v27;
	v12 =	vsel vm15, $0xC66, v28  }
0xcc: {  	v22 =	vsel vm15, $0xC68, v32;
	v25 =	vsel vm15, $0xC69, v34;
	v38 =	vsel vm9, $0x85B, v38  }
0xcd: {  	v23 =	vsel vm10, $0x1063, v23;
	v18 =	vsel vm2, $0xC01, v18;
	v19 =	vsel vm2, $0x1401, v19  }
0xce: {  	v21 =	vsel vm2, $0x1402, v21;
	v24 =	vsel vm2, $0xC04, v24;
	v20 =	vsel vm0, $0xC22, v20  }
0xcf: {  	v16 =	vsel vm12, $0x1430, v16;
	v10 =	vsel vm14, $0x456, v10;
	v5 =	vsel vm14, $0x458, v5  }
0xd0: {  	v56 =	vsel vm15, $0x464, v14;
	v14 =	vsel vm15, $0x1466, v29;
	v38 =	vsel vm10, $0x86B, v38  }
0xd1: {  	v23 =	vsel vm11, $0x1073, v23;
	v18 =	vsel vm1, $0xC11, v18;
	v19 =	vsel vm1, $0x1411, v19  }
0xd2: {  	v21 =	vsel vm1, $0x1412, v21;
	v24 =	vsel vm1, $0xC14, v24;
	v20 =	vsel vm12, $0xC32, v20  }
0xd3: {  	v16 =	vsel vm13, $0x1440, v16;
	v10 =	vsel vm15, $0x466, v10;
	v38 =	vsel vm11, $0x87B, v38  }
0xd4: {  	v23 =	vsel vm2, $0x1403, v23;
	v18 =	vsel vm0, $0xC21, v18;
	v19 =	vsel vm0, $0x1421, v19  }
0xd5: {  	v21 =	vsel vm0, $0x1422, v21;
	v24 =	vsel vm0, $0xC24, v24;
	v20 =	vsel vm13, $0xC42, v20  }
0xd6: {  	v16 =	vsel vm14, $0x1450, v16;
	v23 =	vsel vm1, $0x1413, v23;
	v18 =	vsel vm12, $0xC31, v18  }
0xd7: {  	[tilespmem:$0x1FD00] =	vst v12;
	v19 =	vsel vm12, $0x1431, v19;
	v21 =	vsel vm12, $0x1432, v21;
	v24 =	vsel vm12, $0xC34, v24  }
0xd8: {  	[tilespmem:$0x1FD60] =	vst v22;
	v20 =	vsel vm14, $0xC52, v20;
	v48 =	vsel vm15, $0x1460, v16;
	v23 =	vsel vm0, $0x1423, v23  }
0xd9: {  	[tilespmem:$0x1FD90] =	vst v25;
	v18 =	vsel vm13, $0xC41, v18;
	v19 =	vsel vm13, $0x1441, v19;
	v21 =	vsel vm13, $0x1442, v21  }
0xda: {  	[tilespmem:$0x1FD10] =	vst v14;
	v24 =	vsel vm13, $0xC44, v24;
	v50 =	vsel vm15, $0xC62, v20;
	v20 =	vsel vm15, $0x1467, v31  }
0xdb: {  	[tilespmem:$0x1FCF0] =	vst v10;
	v23 =	vsel vm12, $0x1433, v23;
	v18 =	vsel vm14, $0xC51, v18;
	v19 =	vsel vm14, $0x1451, v19  }
0xdc: {  	v21 =	vsel vm14, $0x1452, v21;
	[tilespmem:$0x1FD40] =	vst v20;
	v61 =	vsel vm15, $0xC61, v18;
	v18 =	vsel vm15, $0x467, v8  }
0xdd: {  	s0 =	rddreg [dreg:$0x0];
	v24 =	vsel vm14, $0xC54, v24;
	v16 =	vsel vm15, $0x1461, v19;
	v19 =	vsel vm15, $0xC67, v30;
	[tilespmem:$0x1FD20] =	vst v18  }
0xde: {  	s1 =	rddreg [dreg:$0x1];
	v23 =	vsel vm13, $0x1443, v23;
	v49 =	vsel vm15, $0x1462, v21;
	v21 =	vsel vm15, $0x468, v5;
	[tilespmem:$0x1FD30] =	vst v19  }
0xdf: {  	s2 =	rddreg [dreg:$0x2];
	v57 =	vsel vm15, $0xC64, v24;
	v24 =	vsel vm15, $0x469, v2;
	v23 =	vsel vm14, $0x1453, v23;
	[tilespmem:$0x1FD50] =	vst v21  }
0xe0: {  	s7 =	rddreg [dreg:$0x3];
	s5 =	simm.s32 $0x0;
	v38 =	vsel vm2, $0xC0B, v38;
	[tilespmem:$0x1FD80] =	vst v24;
	v1 =	vsel vm15, $0x1463, v23;
	v23 =	vsel vm15, $0x1468, v33  }
0xe1: {  	s4 =	srdreg.scid;
	[smem:$0x7FF] =	sst s5;
	v26 =	vsel vm15, $0x1469, v35;
	v27 =	vsel vm15, $0x46A, v15;
	v38 =	vsel vm1, $0xC1B, v38;
	[tilespmem:$0x1FD70] =	vst v23  }
0xe2: {  	s6 =	sand.u32 $0x1, s4;
	s4 =	rddreg [dreg:$0x4];
	v28 =	vsel vm15, $0xC6A, v36;
	v32 =	vsel vm15, $0x146B, v39;
	v38 =	vsel vm0, $0xC2B, v38;
	_ =	strace $0x80000047;
	[tilespmem:$0x1FDA0] =	vst v26  }
0xe3: {  	v43 =	vsel vm10, $0x106D, v43;
	v41 =	vsel vm2, $0x140C, v41;
	v38 =	vsel vm12, $0xC3B, v38;
	[tilespmem:$0x1FDB0] =	vst v27  }
0xe4: {  	v40 =	vsel vm13, $0xC4C, v40;
	v29 =	vsel vm15, $0x146A, v37;
	v38 =	vsel vm13, $0xC4B, v38;
	[tilespmem:$0x1FDC0] =	vst v28  }
0xe5: {  	v41 =	vsel vm1, $0x141C, v41;
	v30 =	vsel vm15, $0x46B, v13;
	v38 =	vsel vm14, $0xC5B, v38;
	[tilespmem:$0x1FDD0] =	vst v29  }
0xe6: {  	v43 =	vsel vm11, $0x107D, v43;
	v41 =	vsel vm0, $0x142C, v41;
	v31 =	vsel vm15, $0xC6B, v38;
	[tilespmem:$0x1FDE0] =	vst v30  }
0xe7: {  	v40 =	vsel vm14, $0xC5C, v40;
	v43 =	vsel vm2, $0x140D, v43;
	v41 =	vsel vm12, $0x143C, v41;
	[tilespmem:$0x1FDF0] =	vst v31  }
0xe8: {  	v43 =	vsel vm1, $0x141D, v43;
	v41 =	vsel vm13, $0x144C, v41;
	v33 =	vsel vm15, $0x46C, v11;
	[tilespmem:$0x1FE00] =	vst v32  }
0xe9: {  	v34 =	vsel vm15, $0xC6C, v40;
	v43 =	vsel vm0, $0x142D, v43;
	v41 =	vsel vm14, $0x145C, v41;
	[tilespmem:$0x1FE10] =	vst v33  }
0xea: {  	v6 =	vsel vm14, $0x45E, v6;
	v43 =	vsel vm12, $0x143D, v43;
	v35 =	vsel vm15, $0x146C, v41;
	[tilespmem:$0x1FE20] =	vst v34  }
0xeb: {  	v42 =	vsel vm14, $0xC5D, v42;
	v36 =	vsel vm15, $0x46D, v9;
	v43 =	vsel vm13, $0x144D, v43;
	[tilespmem:$0x1FE30] =	vst v35  }
0xec: {  	v44 =	vsel vm12, $0xC3E, v44;
	v37 =	vsel vm15, $0xC6D, v42;
	v43 =	vsel vm14, $0x145D, v43;
	[tilespmem:$0x1FE40] =	vst v36  }
0xed: {  	v45 =	vsel vm12, $0x143E, v45;
	v44 =	vsel vm13, $0xC4E, v44;
	v38 =	vsel vm15, $0x146D, v43;
	[tilespmem:$0x1FE50] =	vst v37  }
0xee: {  	v39 =	vsel vm15, $0x46E, v6;
	v45 =	vsel vm13, $0x144E, v45;
	v44 =	vsel vm14, $0xC5E, v44;
	[tilespmem:$0x1FE60] =	vst v38  }
0xef: {  	v3 =	vsel vm13, $0x44F, v3;
	v45 =	vsel vm14, $0x145E, v45;
	v40 =	vsel vm15, $0xC6E, v44;
	[tilespmem:$0x1FE70] =	vst v39  }
0xf0: {  	v46 =	vsel vm13, $0xC4F, v46;
	v3 =	vsel vm14, $0x45F, v3;
	v41 =	vsel vm15, $0x146E, v45;
	[tilespmem:$0x1FE80] =	vst v40  }
0xf1: {  	v47 =	vsel vm13, $0x144F, v47;
	v46 =	vsel vm14, $0xC5F, v46;
	v44 =	vsel vm15, $0x46F, v3;
	[tilespmem:$0x1FE90] =	vst v41  }
0xf2: {  	v0 =	vsel vm13, $0x440, v0;
	v47 =	vsel vm14, $0x145F, v47;
	v46 =	vsel vm15, $0xC6F, v46;
	[tilespmem:$0x1FEA0] =	vst v44  }
0xf3: {  	v17 =	vsel vm13, $0xC40, v17;
	v0 =	vsel vm14, $0x450, v0;
	v53 =	vsel vm15, $0x146F, v47;
	[tilespmem:$0x1FEB0] =	vst v46  }
0xf4: {  	v4 =	vsel vm2, $0x402, v4;
	v17 =	vsel vm14, $0xC50, v17;
	v59 =	vsel vm15, $0x460, v0;
	[tilespmem:$0x1FEC0] =	vst v53  }
0xf5: {  	v4 =	vsel vm1, $0x412, v4;
	v17 =	vsel vm15, $0xC60, v17;
	[tilespmem:$0x1FED0] =	vst v59  }
0xf6: {  	v4 =	vsel vm0, $0x422, v4;
	[tilespmem:$0x1FEE0] =	vst v17  }
0xf7: {  	v4 =	vsel vm12, $0x432, v4;
	[tilespmem:$0x1FEF0] =	vst v48  }
0xf8: {  	v4 =	vsel vm13, $0x442, v4;
	[tilespmem:$0x1FF00] =	vst v62  }
0xf9: {  	v4 =	vsel vm14, $0x452, v4;
	[tilespmem:$0x1FF10] =	vst v61  }
0xfa: {  	v52 =	vsel vm15, $0x462, v4;
	[tilespmem:$0x1FF20] =	vst v16  }
0xfb: {  	[tilespmem:$0x1FF30] =	vst v52  }
0xfc: {  	[tilespmem:$0x1FF40] =	vst v50  }
0xfd: {  	[tilespmem:$0x1FF50] =	vst v49  }
0xfe: {  	[tilespmem:$0x1FF60] =	vst v51  }
0xff: {  	s3 =	stileid.u32;
	[tilespmem:$0x1FF70] =	vst v54  }
0x100: {  	s12 =	simm.s32 $0x800;
	s13 =	simm.s32 $0x5;
	s14 =	simm.s32 $0x1;
	[tilespmem:$0x1FF90] =	vst v56  }
0x101: {  	s15 =	simm.s32 $0x400;
	s16 =	simm.s32 $0x1870;
	s17 =	simm.s32 $0x2070;
	[tilespmem:$0x1FFA0] =	vst v57  }
0x102: {  	s18 =	simm.s32 $0x2870;
	s19 =	simm.s32 $0x870;
	s8 =	sshll.u32 s3, $0x1;
	[tilespmem:$0x1FFB0] =	vst v58  }
0x103: {  	s20 =	simm.s32 $0x2;
	s21 =	simm.s32 $0x4;
	s8 =	sor.u32 s6, s8;
	v45 =	vlaneseq.u32;
	[tilespmem:$0x1FFC0] =	vst v7  }
0x104: {  	s22 =	simm.s32 $0x3;
	s9 =	ssub.s32 $0x2, s6;
	s10 =	smul.u32 $0xC00, s8;
	v63 =	vmul.u32 $0x10, v45;
	[tilespmem:$0x1FFD0] =	vst v60  }
0x105: {  	s23 =	simm.s32 $0x0;
	s11 =	sshrl.u32 s9, $0x1;
	s6 =	smul.u32 $0x6000, s8;
	[tilespmem:$0x1FFE0] =	vst v55  }
0x106: {  	s7 =	sadd.s32 $0xE00, s7;
	s8 =	smul.u32 $0xC0, s8;
	s11 =	ssub.s32 s9, s11;
	v43 =	vmov v1;
	[tilespmem:$0x1FFF0] =	vst v63  }
0x107: {  	s9 =	sadd.s32 s0, s10;
	s10 =	sor.u32 $0x800, s6;
	s11 =	smax.u32 s11, $0x1;
	v42 =	vmov v16;
	[tilespmem:$0x1FF80] =	vst v43  }
.LBB2_1:
0x108: {  	[tilespmem:s12], [sflag:$0x5] =	stream.linear.gather [hbm4b:s1+s5], $0x70, $0x38;
	[tilespmem:$0x3070] =	vst v63  }
0x109: {  	_ =	swait.ge [sflag:s13], $0x70  }
0x10a: {  	[sflag:s13] =	ssyncset.done $0x0  }
0x10b: {  	[sflag:s13] =	ssyncadd.s32 $0xFFFFFF90  }
0x10c: {  	v0 =	vld [tilespmem:$0x810];
	_ =	sdelay $0x1  }
0x10d: {  	v1 =	vld [tilespmem:$0x820];
	_ =	sdelay $0x2  }
0x10e: {  	v4 =	vbroadcast v0, $0xC;
	_ =	sdelay $0x1  }
0x10f: {  	[tilespmem:$0x1FAA0] =	vst v4;
	v4 =	vbroadcast v1, $0x5;
	_ =	sdelay $0x1  }
0x110: {  	[tilespmem:$0x1FAB0] =	vst v4;
	v4 =	vbroadcast v1, $0xE  }
0x111: {  	v2 =	vld [tilespmem:$0x830]  }
0x112: {  	[tilespmem:$0x1FAC0] =	vst v4;
	v4 =	vbroadcast v0, $0xF;
	_ =	sdelay $0x1  }
0x113: {  	[tilespmem:$0x1FAD0] =	vst v4;
	v4 =	vbroadcast v1, $0x8;
	_ =	sdelay $0x1  }
0x114: {  	[tilespmem:$0x1FAE0] =	vst v4;
	v4 =	vbroadcast v2, $0x1;
	_ =	sdelay $0x1  }
0x115: {  	[tilespmem:$0x1FAF0] =	vst v4;
	v4 =	vbroadcast v1, $0x2;
	_ =	sdelay $0x1  }
0x116: {  	[tilespmem:$0x1FB00] =	vst v4;
	v4 =	vbroadcast v1, $0xB;
	_ =	sdelay $0x1  }
0x117: {  	[tilespmem:$0x1FB10] =	vst v4;
	v4 =	vbroadcast v2, $0x4;
	_ =	sdelay $0x1  }
0x118: {  	[tilespmem:$0x1FB20] =	vst v4;
	v4 =	vbroadcast v0, $0xD;
	_ =	sdelay $0x1  }
0x119: {  	[tilespmem:$0x1FB30] =	vst v4;
	v4 =	vbroadcast v1, $0x6;
	_ =	sdelay $0x1  }
0x11a: {  	[tilespmem:$0x1FB40] =	vst v4;
	v4 =	vbroadcast v1, $0xF;
	_ =	sdelay $0x1  }
0x11b: {  	v40 =	vld.msk [tilespmem:$0x800 ss:$0x0], $0xffff;
	[tilespmem:$0x1FB50] =	vst v4;
	v4 =	vbroadcast v1, $0x0;
	_ =	sdelay $0x1  }
0x11c: {  	[tilespmem:$0x1FB60] =	vst v4;
	v4 =	vbroadcast v1, $0x9  }
0x11d: {  	[tilespmem:s5], [sflag:$0x1] =	stream.linear.gather [hbm4b:s9+s5], $0x400, $0x38;
	[tilespmem:$0x3070] =	vst v63  }
0x11e: {  	[tilespmem:$0x1FB70] =	vst v4;
	v4 =	vbroadcast v2, $0x2  }
0x11f: {  	v39 =	vbroadcast v2, $0x6;
	[tilespmem:$0x1FC50] =	vst v40  }
0x120: {  	[tilespmem:$0x1FB80] =	vst v4;
	v4 =	vbroadcast v1, $0x3  }
0x121: {  	v41 =	vbroadcast v0, $0x6;
	[tilespmem:$0x1FC40] =	vst v39  }
0x122: {  	[tilespmem:$0x1FB90] =	vst v4;
	v4 =	vbroadcast v1, $0xC  }
0x123: {  	v44 =	vbroadcast v0, $0x9;
	[tilespmem:$0x1FC60] =	vst v41  }
0x124: {  	[tilespmem:$0x1FBA0] =	vst v4;
	v4 =	vbroadcast v2, $0x5  }
0x125: {  	v45 =	vbroadcast v0, $0x4;
	[tilespmem:$0x1FC70] =	vst v44  }
0x126: {  	[tilespmem:$0x1FBB0] =	vst v4;
	v4 =	vbroadcast v0, $0xE  }
0x127: {  	v46 =	vbroadcast v0, $0x7;
	[tilespmem:$0x1FC80] =	vst v45  }
0x128: {  	[tilespmem:$0x1FBC0] =	vst v4;
	v4 =	vbroadcast v1, $0x7  }
0x129: {  	v47 =	vbroadcast v0, $0xA;
	[tilespmem:$0x1FC90] =	vst v46  }
0x12a: {  	[tilespmem:$0x1FBD0] =	vst v4;
	v4 =	vbroadcast v2, $0x0  }
0x12b: {  	v53 =	vbroadcast v0, $0x5;
	[tilespmem:$0x1FCA0] =	vst v47  }
0x12c: {  	[tilespmem:$0x1FBE0] =	vst v4;
	v4 =	vbroadcast v1, $0x1  }
0x12d: {  	v59 =	vbroadcast v0, $0x8;
	[tilespmem:$0x1FCB0] =	vst v53  }
0x12e: {  	[tilespmem:$0x1FBF0] =	vst v4;
	v4 =	vbroadcast v1, $0xA  }
0x12f: {  	v63 =	vbroadcast v0, $0x3;
	[tilespmem:$0x1FCC0] =	vst v59  }
0x130: {  	[tilespmem:$0x1FC00] =	vst v4;
	v4 =	vbroadcast v2, $0x3  }
0x131: {  	[tilespmem:$0x1FCE0] =	vst v63;
	v0 =	vbroadcast v0, $0xB  }
0x132: {  	[tilespmem:$0x1FC10] =	vst v4;
	v4 =	vbroadcast v1, $0x4  }
0x133: {  	[tilespmem:$0x1FCD0] =	vst v0;
	v1 =	vbroadcast v1, $0xD  }
0x134: {  	[tilespmem:$0x1FC20] =	vst v4  }
0x135: {  	s24 =	simm.s32 $0x0;
	[tilespmem:$0x1FC30] =	vst v1  }
.LBB2_2:
0x136: {  	s25 =	sshllo.u32 s24, $0x1  }
0x137: {  	s26 =	sshll.u32 s25, $0xA  }
0x138: {  	_ =	swait.ge [sflag:s14], $0x400;
	s26 =	sadd.s32 s6, s26  }
0x139: {  	[sflag:s14] =	ssyncset.done $0x0;
	s26 =	sshrl.u32 s26, $0x3  }
0x13a: {  	p0 =	seq.s32 s24, $0x0;
	[sflag:s14] =	ssyncadd.s32 $0xFFFFFC00;
	s26 =	sadd.s32 s0, s26  }
0x13b: {  	[tilespmem:s15], [sflag:$0x2] =	stream.linear.gather [hbm4b:s26+s5], $0x400, $0x38;
	[tilespmem:$0x3070] =	vst v63  }
0x13c: {  	s26 =	simm.s32 @!p0 $0x4  }
0x13d: {  	_ =	swait.ge @!p0 [sflag:s26], $0x800  }
0x13e: {  	[sflag:s26] =	ssyncset.done @!p0 $0x0  }
0x13f: {  	[sflag:s26] =	ssyncadd.s32 @!p0 $0xFFFFF800  }
0x140: {  	_ =	swait.ge @!p0 [sflag:s26], $0x800  }
0x141: {  	[sflag:s26] =	ssyncset.done @!p0 $0x0  }
0x142: {  	[sflag:s26] =	ssyncadd.s32 @!p0 $0xFFFFF800  }
0x143: {  	_ =	swait.ge @!p0 [sflag:s26], $0x800  }
0x144: {  	[sflag:s26] =	ssyncset.done @!p0 $0x0  }
0x145: {  	s28 =	simm.s32 $0x50;
	v59 =	vmov v7;
	[sflag:s26] =	ssyncadd.s32 @!p0 $0xFFFFF800;
	s26 =	simm.s32 $0x0  }
.LBB2_3:
0x146: {  	v7 =	vld [tilespmem:s28+$0xFFFFFFC0]  }
0x147: {  	v8 =	vld [tilespmem:s28+$0xFFFFFFD0]  }
0x148: {  	v9 =	vld [tilespmem:s28+$0xFFFFFFE0]  }
0x149: {  	v0 =	vld [tilespmem:$0x1FAA0]  }
0x14a: {  	v1 =	vld [tilespmem:$0x1FAB0]  }
0x14b: {  	v2 =	vld [tilespmem:$0x1FAC0]  }
0x14c: {  	v11 =	vld [tilespmem:$0x1FAD0]  }
0x14d: {  	v12 =	vld [tilespmem:$0x1FAE0]  }
0x14e: {  	v13 =	vld [tilespmem:$0x1FAF0]  }
0x14f: {  	v14 =	vld [tilespmem:$0x1FB00]  }
0x150: {  	v15 =	vld [tilespmem:$0x1FB10]  }
0x151: {  	v16 =	vld [tilespmem:$0x1FB20]  }
0x152: {  	v17 =	vld [tilespmem:$0x1FB30]  }
0x153: {  	v10 =	vld [tilespmem:$0x1FB40]  }
0x154: {  	v18 =	vld [tilespmem:$0x1FB60]  }
0x155: {  	v22 =	vld [tilespmem:s28+$0x0]  }
0x156: {  	v29 =	vld [tilespmem:$0x1FB80]  }
0x157: {  	v31 =	vld [tilespmem:$0x1FB90]  }
0x158: {  	v33 =	vld [tilespmem:$0x1FBA0];
	v0 =	vmul.f32 v7, v0  }
0x159: {  	v24 =	vld [tilespmem:s28+$0x10];
	v1 =	vmul.f32 v8, v1;
	v2 =	vmul.f32 v9, v2  }
0x15a: {  	v27 =	vld [tilespmem:$0x1FB50];
	v3 =	vmul.f32 v7, v11;
	v4 =	vmul.f32 v8, v12  }
0x15b: {  	v34 =	vld [tilespmem:$0x1FBC0];
	v5 =	vmul.f32 v9, v13;
	v6 =	vmul.f32 v7, v14  }
0x15c: {  	v10 =	vmul.f32 v8, v10;
	v11 =	vld [tilespmem:$0x1FB70];
	v30 =	vmul.f32 v9, v29  }
0x15d: {  	v32 =	vmul.f32 v7, v31;
	v12 =	vmul.f32 v8, v33;
	v13 =	vld [tilespmem:$0x1FBE0]  }
0x15e: {  	v14 =	vld [tilespmem:$0x1FC00];
	v40 =	vbroadcast v22, $0x0;
	v41 =	vbroadcast v24, $0x0;
	v0 =	vadd.f32 v1, v0  }
0x15f: {  	v35 =	vld [tilespmem:$0x1FBD0];
	v20 =	vbroadcast v24, $0x1;
	v3 =	vadd.f32 v4, v3;
	v4 =	vmul.f32 v7, v17  }
0x160: {  	v36 =	vld [tilespmem:$0x1FBB0];
	v1 =	vadd.f32 v2, v0;
	v0 =	vmul.f32 v8, v15;
	v2 =	vmul.f32 v9, v16  }
0x161: {  	v37 =	vld [tilespmem:$0x1FBF0];
	v19 =	vadd.f32 v10, v4;
	v4 =	vmul.f32 v9, v27;
	v10 =	vmul.f32 v7, v34  }
0x162: {  	v38 =	vld [tilespmem:$0x1FC10];
	v5 =	vadd.f32 v5, v3;
	v11 =	vmul.f32 v8, v11;
	v13 =	vmul.f32 v9, v13  }
0x163: {  	v39 =	vld [tilespmem:$0x1FC30];
	v14 =	vmul.f32 v8, v14;
	v0 =	vadd.f32 v0, v6;
	v6 =	vmul.f32 v7, v18  }
0x164: {  	v15 =	vld [tilespmem:$0x1FC20];
	v46 =	vmul.f32 v40, v1;
	v47 =	vmul.f32 v41, v5  }
0x165: {  	v18 =	vbroadcast v22, $0x1;
	v29 =	vmul.f32 v20, v5  }
0x166: {  	v0 =	vadd.f32 v2, v0;
	v28 =	vadd.f32 v11, v6;
	v11 =	vmul.f32 v8, v35  }
0x167: {  	v45 =	vld [tilespmem:$0x1FC40];
	v2 =	vadd.f32 v4, v19;
	v4 =	vadd.f32 v12, v32;
	v12 =	vmul.f32 v9, v36  }
0x168: {  	v8 =	vmul.f32 v8, v39;
	v10 =	vadd.f32 v11, v10;
	v11 =	vmul.f32 v7, v37  }
0x169: {  	v6 =	vld [tilespmem:s28+$0x20];
	v4 =	vadd.f32 v12, v4;
	v12 =	vmul.f32 v9, v38;
	v7 =	vmul.f32 v7, v15  }
0x16a: {  	v3 =	vadd.f32 v30, v28;
	v63 =	vmul.f32 v40, v2;
	v28 =	vmul.f32 v18, v1  }
0x16b: {  	v26 =	vld [tilespmem:$0x1FED0];
	v15 =	vor.u32 s26, v48;
	v35 =	vmul.f32 v18, v2;
	v48 =	vbroadcast v22, $0x4  }
0x16c: {  	v23 =	vadd.f32 v13, v10;
	v7 =	vadd.f32 v8, v7;
	v8 =	vmul.f32 v9, v45  }
0x16d: {  	v11 =	vadd.f32 v14, v11;
	v16 =	vmul.f32 v41, v3;
	v36 =	vmul.f32 v20, v3  }
0x16e: {  	v44 =	vbroadcast v6, $0x0;
	v30 =	vbroadcast v6, $0x1  }
0x16f: {  	v33 =	vld [tilespmem:$0x1FEE0];
	v25 =	vadd.f32 v12, v11;
	v7 =	vadd.f32 v8, v7;
	v19 =	vmul.f32 v40, v23  }
0x170: {  	v8 =	vor.u32 s26, v26;
	v18 =	vmul.f32 v18, v23;
	v26 =	vbroadcast v22, $0x2  }
0x171: {  	v27 =	vadd.f32 v16, v63;
	v63 =	vbroadcast v24, $0x5;
	v53 =	vmul.f32 v44, v0  }
0x172: {  	v17 =	vmul.f32 v44, v4;
	v34 =	vmul.f32 v30, v0  }
0x173: {  	v9 =	vadd.f32 v47, v46;
	v21 =	vmul.f32 v30, v4;
	v13 =	vmul.f32 v41, v25  }
0x174: {  	v14 =	vor.u32 s26, v33;
	v32 =	vmul.f32 v44, v7;
	v20 =	vmul.f32 v20, v25  }
0x175: {  	v12 =	vor.u32 s26, v62;
	v37 =	vmul.f32 v30, v7;
	v38 =	vmul.f32 v26, v1  }
0x176: {  	v40 =	vmul.f32 v26, v2;
	v33 =	vmul.f32 v26, v23;
	v11 =	vadd.f32 v53, v9  }
0x177: {  	v26 =	vor.u32 s26, v52;
	v10 =	vadd.f32 v17, v27;
	v9 =	vadd.f32 v29, v28  }
0x178: {  	v17 =	vadd.f32 v36, v35;
	v27 =	vbroadcast v24, $0x2;
	v28 =	vbroadcast v6, $0x2  }
0x179: {  	v36 =	vbroadcast v6, $0x3;
	v53 =	vmul.f32 v48, v2;
	v31 =	vadd.f32 v13, v19  }
0x17a: {  	v18 =	vadd.f32 v20, v18;
	v19 =	vor.u32 s26, v61;
	v29 =	vmul.f32 v27, v5  }
0x17b: {  	v9 =	vadd.f32 v34, v9;
	v39 =	vmul.f32 v28, v0;
	v30 =	vmul.f32 v27, v3  }
0x17c: {  	v16 =	vadd.f32 v21, v17;
	v34 =	vbroadcast v24, $0x3;
	v27 =	vmul.f32 v27, v25  }
0x17d: {  	v45 =	vmul.f32 v36, v0;
	v13 =	vadd.f32 v32, v31;
	v31 =	vmul.f32 v28, v4  }
0x17e: {  	[tilespmem:v8+s16+$0x0] =	vst.idx.msk $0xffff, v11;
	v17 =	vadd.f32 v37, v18;
	v32 =	vbroadcast v22, $0x3;
	v28 =	vmul.f32 v28, v7  }
0x17f: {  	v37 =	vmul.f32 v36, v4;
	[tilespmem:v14+s16+$0x0] =	vst.idx.msk $0xffff, v10;
	v14 =	vbroadcast v24, $0x8;
	v21 =	vadd.f32 v29, v38  }
0x180: {  	v41 =	vadd.f32 v30, v40;
	v35 =	vmul.f32 v34, v5;
	v47 =	vmul.f32 v34, v3  }
0x181: {  	v29 =	vor.u32 s26, v50;
	v34 =	vmul.f32 v34, v25;
	v38 =	vbroadcast v24, $0x4  }
0x182: {  	v30 =	vor.u32 s26, v49;
	v49 =	vmul.f32 v36, v7;
	v50 =	vbroadcast v6, $0x4  }
0x183: {  	v20 =	vor.u32 s26, v42;
	v42 =	vmul.f32 v32, v1;
	v46 =	vmul.f32 v32, v2  }
0x184: {  	v32 =	vmul.f32 v32, v23;
	v18 =	vadd.f32 v39, v21;
	v21 =	vadd.f32 v31, v41  }
0x185: {  	v31 =	vor.u32 s26, v51;
	v51 =	vmul.f32 v48, v1;
	v39 =	vmul.f32 v38, v5  }
0x186: {  	v27 =	vadd.f32 v27, v33;
	v52 =	vmul.f32 v50, v0;
	v41 =	vmul.f32 v38, v3  }
0x187: {  	v40 =	vor.u32 s26, v54;
	v54 =	vmul.f32 v50, v4;
	v38 =	vmul.f32 v38, v25  }
0x188: {  	[tilespmem:v15+s16+$0x0] =	vst.idx.msk $0xffff, v13;
	v28 =	vadd.f32 v28, v27;
	v36 =	vmul.f32 v50, v7;
	v50 =	vbroadcast v24, $0x6  }
0x189: {  	v44 =	vadd.f32 v35, v42;
	v33 =	vadd.f32 v47, v46;
	v35 =	vmul.f32 v48, v23  }
0x18a: {  	[tilespmem:v12+s16+$0x0] =	vst.idx.msk $0xffff, v9;
	v32 =	vadd.f32 v34, v32;
	v46 =	vmul.f32 v63, v5;
	v47 =	vbroadcast v6, $0x5  }
0x18b: {  	[tilespmem:v19+s16+$0x0] =	vst.idx.msk $0xffff, v16;
	v16 =	vbroadcast v22, $0x9;
	v27 =	vadd.f32 v45, v44;
	v33 =	vadd.f32 v37, v33  }
0x18c: {  	v19 =	vbroadcast v24, $0x9;
	v32 =	vadd.f32 v49, v32;
	v37 =	vadd.f32 v39, v51  }
0x18d: {  	v44 =	vbroadcast v22, $0x5;
	v45 =	vor.u32 s26, v56;
	v35 =	vadd.f32 v38, v35  }
0x18e: {  	v38 =	vor.u32 s26, v57;
	v56 =	vmul.f32 v47, v4;
	v57 =	vmul.f32 v47, v7  }
0x18f: {  	[tilespmem:v20+s16+$0x0] =	vst.idx.msk $0xffff, v17;
	v49 =	vor.u32 s26, v59;
	v59 =	vmul.f32 v50, v5;
	v20 =	vmul.f32 v16, v1  }
0x190: {  	v39 =	vadd.f32 v41, v53;
	[tilespmem:v26+s16+$0x0] =	vst.idx.msk $0xffff, v18;
	v18 =	vbroadcast v6, $0x9;
	v51 =	vmul.f32 v44, v1  }
0x191: {  	v34 =	vadd.f32 v52, v37;
	v52 =	vmul.f32 v47, v0;
	v53 =	vmul.f32 v44, v2  }
0x192: {  	v39 =	vadd.f32 v54, v39;
	v54 =	vmul.f32 v63, v3;
	v44 =	vmul.f32 v44, v23  }
0x193: {  	[tilespmem:v29+s16+$0x0] =	vst.idx.msk $0xffff, v21;
	v35 =	vadd.f32 v36, v35;
	v37 =	vmul.f32 v63, v25;
	v47 =	vbroadcast v6, $0x6  }
0x194: {  	v42 =	vor.u32 s26, v43;
	[tilespmem:v30+s16+$0x0] =	vst.idx.msk $0xffff, v28;
	v30 =	vmul.f32 v18, v0;
	v28 =	vmul.f32 v18, v4  }
0x195: {  	v36 =	vor.u32 s26, v58;
	v18 =	vmul.f32 v18, v7;
	[tilespmem:v31+s16+$0x0] =	vst.idx.msk $0xffff, v27;
	v27 =	vmul.f32 v16, v2  }
0x196: {  	v16 =	vmul.f32 v16, v23;
	v41 =	vadd.f32 v46, v51;
	v46 =	vbroadcast v22, $0x6  }
0x197: {  	v43 =	vadd.f32 v54, v53;
	v37 =	vadd.f32 v37, v44;
	v53 =	vmul.f32 v50, v3  }
0x198: {  	v54 =	vor.u32 s26, v55;
	v55 =	vmul.f32 v47, v4;
	v63 =	vmul.f32 v46, v2  }
0x199: {  	v50 =	vmul.f32 v50, v25;
	v41 =	vadd.f32 v52, v41;
	v58 =	vmul.f32 v46, v1  }
0x19a: {  	v43 =	vadd.f32 v56, v43;
	v52 =	vor.u32 s26, v60;
	v51 =	vadd.f32 v53, v63  }
0x19b: {  	v37 =	vadd.f32 v57, v37;
	v60 =	vmul.f32 v47, v0;
	v48 =	vadd.f32 v59, v58  }
0x19c: {  	[tilespmem:v40+s16+$0x0] =	vst.idx.msk $0xffff, v33;
	v56 =	vbroadcast v22, $0x7;
	v46 =	vmul.f32 v46, v23;
	v51 =	vadd.f32 v55, v51;
	v55 =	vld [tilespmem:$0x1FD00]  }
0x19d: {  	[tilespmem:v42+s16+$0x0] =	vst.idx.msk $0xffff, v32;
	v47 =	vmul.f32 v47, v7;
	v44 =	vadd.f32 v60, v48;
	v48 =	vbroadcast v24, $0x7;
	v60 =	vld [tilespmem:$0x1FCF0]  }
0x19e: {  	[tilespmem:v45+s16+$0x0] =	vst.idx.msk $0xffff, v34;
	v53 =	vmul.f32 v56, v1;
	v59 =	vbroadcast v6, $0x7;
	v46 =	vadd.f32 v50, v46  }
0x19f: {  	v12 =	vld [tilespmem:$0x1FD40];
	[tilespmem:v38+s16+$0x0] =	vst.idx.msk $0xffff, v39;
	v58 =	vmul.f32 v56, v2;
	v63 =	vmul.f32 v48, v5  }
0x1a0: {  	v56 =	vmul.f32 v56, v23;
	[tilespmem:v36+s16+$0x0] =	vst.idx.msk $0xffff, v35;
	v36 =	vbroadcast v22, $0xB;
	v46 =	vadd.f32 v47, v46  }
0x1a1: {  	v53 =	vadd.f32 v63, v53;
	v63 =	vld [tilespmem:$0x1FD10];
	v50 =	vor.u32 s26, v55;
	v55 =	vmul.f32 v48, v3  }
0x1a2: {  	[tilespmem:v49+s16+$0x0] =	vst.idx.msk $0xffff, v41;
	v11 =	vmul.f32 v59, v7;
	v57 =	vor.u32 s26, v60;
	v60 =	vmul.f32 v59, v0  }
0x1a3: {  	v40 =	vmul.f32 v36, v1;
	v48 =	vmul.f32 v48, v25;
	v8 =	vadd.f32 v55, v58;
	v58 =	vld [tilespmem:$0x1FD30]  }
0x1a4: {  	v9 =	vor.u32 s26, v12;
	[tilespmem:v52+s16+$0x0] =	vst.idx.msk $0xffff, v43;
	v53 =	vadd.f32 v60, v53;
	v60 =	vmul.f32 v59, v4  }
0x1a5: {  	v26 =	vld [tilespmem:$0x1FD50];
	[tilespmem:v54+s16+$0x0] =	vst.idx.msk $0xffff, v37;
	v37 =	vbroadcast v6, $0xB;
	v55 =	vbroadcast v22, $0x8;
	v56 =	vadd.f32 v48, v56  }
0x1a6: {  	v48 =	vbroadcast v6, $0x8;
	v47 =	vor.u32 s26, v63;
	v63 =	vld [tilespmem:$0x1FD20];
	v8 =	vadd.f32 v60, v8  }
0x1a7: {  	v29 =	vld [tilespmem:$0x1FD60];
	v15 =	vmul.f32 v55, v1;
	v10 =	vadd.f32 v11, v56;
	v11 =	vmul.f32 v14, v5  }
0x1a8: {  	v33 =	vld [tilespmem:$0x1FD80];
	v12 =	vmul.f32 v55, v2;
	v13 =	vor.u32 s26, v58;
	v58 =	vmul.f32 v14, v3  }
0x1a9: {  	v56 =	vmul.f32 v48, v0;
	v17 =	vmul.f32 v55, v23;
	v55 =	vld [tilespmem:$0x1FF80];
	v11 =	vadd.f32 v11, v15  }
0x1aa: {  	v42 =	vld [tilespmem:$0x1FDA0];
	v15 =	vmul.f32 v48, v4;
	v14 =	vmul.f32 v14, v25;
	v12 =	vadd.f32 v58, v12  }
0x1ab: {  	v31 =	vld [tilespmem:$0x1FD70];
	v21 =	vmul.f32 v48, v7;
	[tilespmem:v57+s16+$0x0] =	vst.idx.msk $0xffff, v44;
	v11 =	vadd.f32 v56, v11;
	v63 =	vor.u32 s26, v63  }
0x1ac: {  	v14 =	vadd.f32 v14, v17;
	v12 =	vadd.f32 v15, v12;
	v15 =	vmul.f32 v19, v5  }
0x1ad: {  	[tilespmem:v50+s16+$0x0] =	vst.idx.msk $0xffff, v51;
	v17 =	vor.u32 s26, v26;
	v26 =	vor.u32 s26, v29;
	v29 =	vor.u32 s26, v33  }
0x1ae: {  	v43 =	vmovc v55;
	v55 =	vmul.f32 v37, v0;
	v15 =	vadd.f32 v15, v20;
	v20 =	vmul.f32 v19, v3  }
0x1af: {  	v34 =	vld [tilespmem:$0x1FD90];
	v33 =	vor.u32 s26, v42;
	[tilespmem:v47+s16+$0x0] =	vst.idx.msk $0xffff, v46;
	v47 =	vmul.f32 v37, v4;
	v19 =	vmul.f32 v19, v25  }
0x1b0: {  	v14 =	vadd.f32 v21, v14;
	v21 =	vor.u32 s26, v31;
	[tilespmem:v63+s16+$0x0] =	vst.idx.msk $0xffff, v53;
	v20 =	vadd.f32 v20, v27  }
0x1b1: {  	v27 =	vbroadcast v22, $0xA;
	v16 =	vadd.f32 v19, v16;
	v19 =	vbroadcast v24, $0xA;
	[tilespmem:v13+s16+$0x0] =	vst.idx.msk $0xffff, v8  }
0x1b2: {  	v15 =	vadd.f32 v30, v15;
	v30 =	vbroadcast v6, $0xA;
	[tilespmem:v9+s16+$0x0] =	vst.idx.msk $0xffff, v10;
	v10 =	vbroadcast v24, $0xC  }
0x1b3: {  	v20 =	vadd.f32 v28, v20;
	v38 =	vmul.f32 v27, v1;
	v39 =	vmul.f32 v19, v5  }
0x1b4: {  	v28 =	vor.u32 s26, v34;
	v34 =	vmul.f32 v27, v2;
	v35 =	vmul.f32 v19, v3  }
0x1b5: {  	v44 =	vld [tilespmem:$0x1FDD0];
	v16 =	vadd.f32 v18, v16;
	v32 =	vmul.f32 v30, v0;
	v45 =	vmul.f32 v30, v4  }
0x1b6: {  	v27 =	vmul.f32 v27, v23;
	v19 =	vmul.f32 v19, v25;
	v34 =	vadd.f32 v35, v34  }
0x1b7: {  	v63 =	vld [tilespmem:$0x1FDE0];
	v30 =	vmul.f32 v30, v7;
	[tilespmem:v17+s16+$0x0] =	vst.idx.msk $0xffff, v11;
	v18 =	vadd.f32 v39, v38;
	v35 =	vbroadcast v24, $0xB  }
0x1b8: {  	v17 =	vbroadcast v22, $0xD;
	[tilespmem:v26+s16+$0x0] =	vst.idx.msk $0xffff, v12;
	v19 =	vadd.f32 v19, v27;
	v31 =	vadd.f32 v45, v34;
	v45 =	vld [tilespmem:$0x1FDB0]  }
0x1b9: {  	[tilespmem:v21+s16+$0x0] =	vst.idx.msk $0xffff, v14;
	v39 =	vbroadcast v6, $0xD;
	v18 =	vadd.f32 v32, v18;
	v41 =	vmul.f32 v35, v5  }
0x1ba: {  	[tilespmem:v29+s16+$0x0] =	vst.idx.msk $0xffff, v15;
	v19 =	vadd.f32 v30, v19;
	v30 =	vor.u32 s26, v44;
	v34 =	vbroadcast v22, $0xC  }
0x1bb: {  	v51 =	vld [tilespmem:$0x1FDC0];
	v46 =	vmul.f32 v35, v3;
	v35 =	vmul.f32 v35, v25;
	v32 =	vadd.f32 v41, v40  }
0x1bc: {  	[tilespmem:v28+s16+$0x0] =	vst.idx.msk $0xffff, v20;
	v41 =	vor.u32 s26, v63;
	v53 =	vmul.f32 v34, v1;
	v63 =	vmul.f32 v10, v5  }
0x1bd: {  	[tilespmem:v33+s16+$0x0] =	vst.idx.msk $0xffff, v16;
	v27 =	vor.u32 s26, v45;
	v45 =	vmul.f32 v36, v2;
	v36 =	vmul.f32 v36, v23  }
0x1be: {  	v33 =	vmul.f32 v39, v4;
	v13 =	vadd.f32 v63, v53;
	v63 =	vmul.f32 v34, v23  }
0x1bf: {  	v44 =	vadd.f32 v46, v45;
	v45 =	vmul.f32 v37, v7;
	v46 =	vadd.f32 v35, v36  }
0x1c0: {  	v38 =	vor.u32 s26, v51;
	v35 =	vbroadcast v6, $0xC;
	v36 =	vmul.f32 v17, v1  }
0x1c1: {  	v9 =	vadd.f32 v45, v46;
	v45 =	vmul.f32 v34, v2;
	v34 =	vbroadcast v24, $0xD  }
0x1c2: {  	v32 =	vadd.f32 v55, v32;
	v40 =	vmul.f32 v35, v0;
	v46 =	vmul.f32 v10, v3  }
0x1c3: {  	v8 =	vadd.f32 v47, v44;
	v47 =	vld [tilespmem:$0x1FDF0];
	v10 =	vmul.f32 v10, v25;
	v37 =	vmul.f32 v34, v5  }
0x1c4: {  	v44 =	vld [tilespmem:$0x1FE00];
	v53 =	vadd.f32 v46, v45;
	v45 =	vmul.f32 v39, v0;
	v46 =	vmul.f32 v17, v2  }
0x1c5: {  	[tilespmem:v27+s16+$0x0] =	vst.idx.msk $0xffff, v18;
	v10 =	vadd.f32 v10, v63;
	v17 =	vmul.f32 v17, v23;
	v63 =	vbroadcast v22, $0xE  }
0x1c6: {  	v49 =	vld [tilespmem:$0x1FF50];
	v13 =	vadd.f32 v40, v13;
	[tilespmem:v38+s16+$0x0] =	vst.idx.msk $0xffff, v31;
	v38 =	vbroadcast v6, $0xE;
	v31 =	vbroadcast v22, $0xF  }
0x1c7: {  	v52 =	vld [tilespmem:$0x1FF30];
	v6 =	vbroadcast v6, $0xF;
	[tilespmem:v30+s16+$0x0] =	vst.idx.msk $0xffff, v19;
	v15 =	vadd.f32 v37, v36;
	v36 =	vmul.f32 v63, v1  }
0x1c8: {  	v54 =	vld [tilespmem:$0x1FF70];
	[tilespmem:v41+s16+$0x0] =	vst.idx.msk $0xffff, v32;
	v32 =	vbroadcast v24, $0xF;
	v1 =	vmul.f32 v31, v1;
	v11 =	vor.u32 s26, v47  }
0x1c9: {  	v40 =	vld [tilespmem:$0x1FE10];
	v12 =	vor.u32 s26, v44;
	v47 =	vmul.f32 v35, v4;
	v44 =	vmul.f32 v35, v7  }
0x1ca: {  	v41 =	vld [tilespmem:$0x1FE20];
	v35 =	vmul.f32 v39, v7;
	v39 =	vmul.f32 v63, v2  }
0x1cb: {  	v14 =	vadd.f32 v47, v53;
	v10 =	vadd.f32 v44, v10;
	v53 =	vmul.f32 v34, v25;
	v44 =	vld [tilespmem:$0x1FE30]  }
0x1cc: {  	v15 =	vadd.f32 v45, v15;
	v45 =	vld [tilespmem:$0x1FE40];
	v47 =	vmul.f32 v34, v3;
	v34 =	vbroadcast v24, $0xE  }
0x1cd: {  	v63 =	vmul.f32 v63, v23;
	v2 =	vmul.f32 v31, v2;
	v17 =	vadd.f32 v53, v17;
	v53 =	vld [tilespmem:$0x1FE50]  }
0x1ce: {  	v29 =	vld [tilespmem:$0x1FE60];
	v16 =	vor.u32 s26, v40;
	v21 =	vadd.f32 v47, v46;
	v37 =	vmul.f32 v34, v5  }
0x1cf: {  	v40 =	vmul.f32 v34, v3;
	v30 =	vor.u32 s26, v41;
	v17 =	vadd.f32 v35, v17;
	v35 =	vld [tilespmem:$0x1FE70]  }
0x1d0: {  	v19 =	vadd.f32 v33, v21;
	v20 =	vadd.f32 v37, v36;
	v37 =	vld [tilespmem:$0x1FE80];
	v21 =	vor.u32 s26, v44  }
0x1d1: {  	v47 =	vmul.f32 v38, v0;
	[tilespmem:v11+s16+$0x0] =	vst.idx.msk $0xffff, v8;
	v8 =	vor.u32 s26, v45;
	v46 =	vadd.f32 v40, v39;
	v39 =	vld [tilespmem:$0x1FE90]  }
0x1d2: {  	v28 =	vmul.f32 v34, v25;
	v34 =	vmul.f32 v38, v7;
	v41 =	vld [tilespmem:$0x1FEA0];
	[tilespmem:v12+s16+$0x0] =	vst.idx.msk $0xffff, v9;
	v9 =	vor.u32 s26, v53  }
0x1d3: {  	v5 =	vmul.f32 v32, v5;
	v3 =	vmul.f32 v32, v3;
	v45 =	vld [tilespmem:$0x1FEB0];
	[tilespmem:v16+s16+$0x0] =	vst.idx.msk $0xffff, v13;
	v13 =	vor.u32 s26, v29  }
0x1d4: {  	v0 =	vmul.f32 v6, v0;
	v36 =	vadd.f32 v47, v20;
	v47 =	vld [tilespmem:$0x1FEC0];
	[tilespmem:v30+s16+$0x0] =	vst.idx.msk $0xffff, v14;
	v14 =	vor.u32 s26, v35  }
0x1d5: {  	v59 =	vld [tilespmem:$0x1FFC0];
	v12 =	vadd.f32 v28, v63;
	v33 =	vmul.f32 v38, v4;
	v18 =	vor.u32 s26, v37;
	[tilespmem:v21+s16+$0x0] =	vst.idx.msk $0xffff, v10  }
0x1d6: {  	v60 =	vld [tilespmem:$0x1FFD0];
	v1 =	vadd.f32 v5, v1;
	v40 =	vmul.f32 v31, v23;
	v5 =	vor.u32 s26, v39;
	[tilespmem:v8+s16+$0x0] =	vst.idx.msk $0xffff, v15  }
0x1d7: {  	v57 =	vld [tilespmem:$0x1FFA0];
	v2 =	vadd.f32 v3, v2;
	v38 =	vadd.f32 v34, v12;
	v12 =	vor.u32 s26, v41;
	[tilespmem:v9+s16+$0x0] =	vst.idx.msk $0xffff, v19  }
0x1d8: {  	v48 =	vld [tilespmem:$0x1FEF0];
	v44 =	vmul.f32 v32, v25;
	v11 =	vadd.f32 v33, v46;
	[tilespmem:v13+s16+$0x0] =	vst.idx.msk $0xffff, v17;
	v13 =	vor.u32 s26, v45  }
0x1d9: {  	p1 =	sne.s32 s26, $0x380;
	v50 =	vld [tilespmem:$0x1FF40];
	v46 =	vmul.f32 v6, v4;
	v0 =	vadd.f32 v0, v1;
	v4 =	vor.u32 s26, v47;
	[tilespmem:v14+s16+$0x0] =	vst.idx.msk $0xffff, v36  }
.Ltmp0:
0x1da: {  	v56 =	vld [tilespmem:$0x1FF90];
	v6 =	vmul.f32 v6, v7;
	v53 =	vadd.f32 v44, v40;
	[tilespmem:v18+s16+$0x0] =	vst.idx.msk $0xffff, v11;
	(pc) =	sbr.rel @p1 .LBB2_3-.Ltmp0, $4  }
0x1db: {  	v58 =	vld [tilespmem:$0x1FFB0];
	v2 =	vadd.f32 v46, v2;
	[tilespmem:v5+s16+$0x0] =	vst.idx.msk $0xffff, v38  }
0x1dc: {  	v42 =	vld [tilespmem:$0x1FF20];
	v63 =	vadd.f32 v6, v53;
	[tilespmem:v12+s16+$0x0] =	vst.idx.msk $0xffff, v0  }
0x1dd: {  	v51 =	vld [tilespmem:$0x1FF60];
	[tilespmem:v13+s16+$0x0] =	vst.idx.msk $0xffff, v2  }
0x1de: {  	s28 =	sadd.s32 $0x80, s28;
	v55 =	vld [tilespmem:$0x1FFE0];
	s26 =	sadd.s32 $0x80, s26;
	[tilespmem:v4+s16+$0x0] =	vst.idx.msk $0xffff, v63  }
0x1df: {  	s26 =	sshll.u32 s24, $0x4  }
0x1e0: {  	s26 =	sadd.s32 s8, s26  }
0x1e1: {  	s28 =	sshrl.u32 s26, $0xB  }
0x1e2: {  	s29 =	sshll.u32 s26, $0x8;
	s28 =	smul.u32 $0x180000, s28  }
0x1e3: {  	s29 =	sand.u32 $0x7F000, s29  }
0x1e4: {  	s28 =	sor.u32 s29, s28  }
0x1e5: {  	s28 =	sshrl.u32 s28, $0x3  }
0x1e6: {  	s28 =	sadd.s32 s7, s28  }
0x1e7: {  	[hbm4b:s28+s5] =	stream.linear.scatter [tilespmem:s16], [sflag:$0x4], $0x800, $0x38;
	[tilespmem:$0x3070] =	vst v63  }
0x1e8: {  	s31 =	sadd.s32 $0x10000, s28  }
0x1e9: {  	[hbm4b:s31+s5] =	stream.linear.scatter [tilespmem:s17], [sflag:$0x4], $0x800, $0x38;
	[tilespmem:$0x3070] =	vst v63  }
0x1ea: {  	s28 =	sadd.s32 $0x20000, s28  }
0x1eb: {  	[hbm4b:s28+s5] =	stream.linear.scatter [tilespmem:s18], [sflag:$0x4], $0x800, $0x38;
	[tilespmem:$0x3070] =	vst v63  }
0x1ec: {  	s28 =	simm.s32 @!p0 $0x3  }
0x1ed: {  	_ =	swait.ge @!p0 [sflag:s28], $0x1000  }
0x1ee: {  	[sflag:s28] =	ssyncset.done @!p0 $0x0  }
0x1ef: {  	v54 =	vld [tilespmem:$0x1FFF0];
	[sflag:s28] =	ssyncadd.s32 @!p0 $0xFFFFF000;
	s28 =	simm.s32 $0x0  }
.LBB2_5:
0x1f0: {  	v0 =	vld [tilespmem:$0x1FCE0]  }
0x1f1: {  	v1 =	vld [tilespmem:$0x1FC60]  }
0x1f2: {  	v6 =	vld [tilespmem:$0x1FC80]  }
0x1f3: {  	v7 =	vld [tilespmem:$0x1FC90]  }
0x1f4: {  	v33 =	vld [tilespmem:$0x1FC70]  }
0x1f5: {  	v34 =	vld [tilespmem:$0x1FCA0]  }
0x1f6: {  	s29 =	sshra.s32 s28, $0x2;
	v35 =	vld [tilespmem:$0x1FCB0]  }
0x1f7: {  	v4 =	vld [tilespmem:s29+$0x10]  }
0x1f8: {  	v5 =	vld [tilespmem:s29+$0x20]  }
0x1f9: {  	v36 =	vld [tilespmem:$0x1FCC0]  }
0x1fa: {  	v8 =	vld [tilespmem:s29+$0x30]  }
0x1fb: {  	v3 =	vld [tilespmem:s29+$0x50]  }
0x1fc: {  	v14 =	vor.u32 $0x100, v54;
	v16 =	vor.u32 $0x1, v54;
	v57 =	vor.u32 $0x101, v54;
	v2 =	vld [tilespmem:s29+$0x60]  }
0x1fd: {  	v62 =	vor.u32 $0x2, v54;
	v0 =	vmul.f32 v4, v0;
	v1 =	vmul.f32 v5, v1  }
0x1fe: {  	v63 =	vor.u32 $0x102, v54;
	v6 =	vmul.f32 v4, v6;
	v7 =	vmul.f32 v5, v7  }
0x1ff: {  	v59 =	vor.u32 $0x3, v54;
	v11 =	vmul.f32 v8, v33;
	v12 =	vmul.f32 v8, v34  }
0x200: {  	v60 =	vor.u32 $0x103, v54;
	v4 =	vmul.f32 v4, v35;
	v5 =	vmul.f32 v5, v36  }
0x201: {  	v52 =	vor.u32 $0x4, v54;
	v13 =	vbroadcast v2, $0x1;
	v17 =	vbroadcast v3, $0x2  }
0x202: {  	v37 =	vld [tilespmem:$0x1FCD0];
	v49 =	vor.u32 $0x104, v54;
	v41 =	vbroadcast v2, $0x2;
	v20 =	vbroadcast v3, $0x3  }
0x203: {  	v38 =	vld [tilespmem:$0x1FC50];
	v58 =	vor.u32 $0x5, v54;
	v21 =	vbroadcast v2, $0x3;
	v43 =	vbroadcast v3, $0x4  }
0x204: {  	v61 =	vor.u32 $0x105, v54;
	v9 =	vld [tilespmem:s29+$0x0];
	v24 =	vbroadcast v2, $0x4;
	v28 =	vbroadcast v3, $0x5  }
0x205: {  	v51 =	vor.u32 $0x6, v54;
	v29 =	vbroadcast v2, $0x5;
	v33 =	vbroadcast v2, $0x6  }
0x206: {  	v36 =	vbroadcast v3, $0x7;
	v10 =	vadd.f32 v1, v0;
	v6 =	vadd.f32 v7, v6  }
0x207: {  	v4 =	vadd.f32 v5, v4;
	v5 =	vmul.f32 v8, v37;
	v8 =	vbroadcast v2, $0x0  }
0x208: {  	v7 =	vadd.f32 v11, v10;
	v6 =	vadd.f32 v12, v6;
	v10 =	vbroadcast v3, $0x0  }
0x209: {  	v1 =	vld [tilespmem:s29+$0x70];
	v4 =	vadd.f32 v5, v4;
	v5 =	vmul.f32 v9, v38;
	v38 =	vbroadcast v2, $0x7  }
0x20a: {  	v50 =	vor.u32 $0x106, v54;
	v0 =	vld [tilespmem:s29+$0x40];
	v10 =	vmul.f32 v10, v7;
	v8 =	vmul.f32 v8, v6  }
0x20b: {  	v53 =	vor.u32 $0x7, v54;
	v17 =	vmul.f32 v17, v7;
	v20 =	vmul.f32 v20, v7  }
0x20c: {  	v48 =	vor.u32 $0x107, v54;
	v21 =	vmul.f32 v21, v6;
	v24 =	vmul.f32 v24, v6  }
0x20d: {  	v55 =	vor.u32 $0x8, v54;
	v29 =	vmul.f32 v29, v6;
	v33 =	vmul.f32 v33, v6  }
0x20e: {  	v56 =	vor.u32 $0x108, v54;
	v36 =	vmul.f32 v36, v7;
	v38 =	vmul.f32 v38, v6  }
0x20f: {  	[tilespmem:$0x1FA80] =	vst v14;
	v14 =	vor.u32 s28, v14;
	v11 =	vbroadcast v1, $0x0;
	v9 =	vbroadcast v0, $0x0  }
0x210: {  	[tilespmem:$0x1FA90] =	vst v16;
	v16 =	vor.u32 s28, v16;
	v39 =	vbroadcast v1, $0x1;
	v15 =	vbroadcast v0, $0x1  }
0x211: {  	v19 =	vor.u32 s28, v57;
	v40 =	vbroadcast v0, $0x2;
	v18 =	vbroadcast v1, $0x2  }
0x212: {  	v23 =	vor.u32 s28, v62;
	v22 =	vbroadcast v1, $0x3;
	v44 =	vbroadcast v0, $0x4  }
0x213: {  	v25 =	vor.u32 s28, v59;
	v27 =	vbroadcast v1, $0x4;
	v30 =	vbroadcast v1, $0x5  }
0x214: {  	v26 =	vor.u32 s28, v60;
	v35 =	vbroadcast v1, $0x6;
	v45 =	vbroadcast v0, $0x7  }
0x215: {  	v47 =	vbroadcast v0, $0x9;
	v36 =	vadd.f32 v38, v36;
	v38 =	vbroadcast v0, $0x8  }
0x216: {  	v8 =	vadd.f32 v8, v10;
	v10 =	vmul.f32 v11, v4;
	v11 =	vbroadcast v3, $0x1  }
0x217: {  	v31 =	vor.u32 s28, v49;
	v9 =	vmul.f32 v9, v5;
	v15 =	vmul.f32 v15, v5  }
0x218: {  	v32 =	vor.u32 s28, v58;
	v18 =	vmul.f32 v18, v4;
	v42 =	vmul.f32 v22, v4  }
0x219: {  	v20 =	vadd.f32 v21, v20;
	v22 =	vmul.f32 v43, v7;
	v21 =	vmul.f32 v44, v5  }
0x21a: {  	v34 =	vor.u32 s28, v61;
	v35 =	vmul.f32 v35, v4;
	v43 =	vbroadcast v1, $0x8  }
0x21b: {  	v12 =	vor.u32 s28, v54;
	v44 =	vbroadcast v3, $0x9;
	v38 =	vmul.f32 v38, v5  }
0x21c: {  	v8 =	vadd.f32 v10, v8;
	v10 =	vmul.f32 v11, v7;
	v11 =	vmul.f32 v13, v6  }
0x21d: {  	v13 =	vmul.f32 v41, v6;
	v22 =	vadd.f32 v24, v22;
	v24 =	vmul.f32 v27, v4  }
0x21e: {  	v37 =	vor.u32 s28, v51;
	v27 =	vmul.f32 v28, v7;
	v41 =	vbroadcast v2, $0x8  }
0x21f: {  	v10 =	vadd.f32 v11, v10;
	v11 =	vmul.f32 v39, v4;
	v13 =	vadd.f32 v13, v17  }
0x220: {  	v17 =	vbroadcast v0, $0x3;
	v22 =	vadd.f32 v24, v22;
	v24 =	vbroadcast v0, $0x5  }
0x221: {  	v27 =	vadd.f32 v29, v27;
	v29 =	vmul.f32 v30, v4;
	v30 =	vbroadcast v0, $0x6  }
0x222: {  	v20 =	vadd.f32 v42, v20;
	[tilespmem:v12+s19+$0x0] =	vst.idx.msk $0xffff, v9;
	v39 =	vbroadcast v1, $0x7;
	v41 =	vmul.f32 v41, v6  }
0x223: {  	v28 =	vor.u32 s28, v52;
	[tilespmem:v14+s19+$0x0] =	vst.idx.msk $0xffff, v8;
	v8 =	vmul.f32 v47, v5;
	v14 =	vbroadcast v2, $0xA  }
0x224: {  	v42 =	vor.u32 s28, v48;
	v47 =	vbroadcast v1, $0xA;
	[tilespmem:v16+s19+$0x0] =	vst.idx.msk $0xffff, v15;
	v16 =	vbroadcast v0, $0xA  }
0x225: {  	v10 =	vadd.f32 v11, v10;
	v11 =	vmul.f32 v40, v5;
	v17 =	vmul.f32 v17, v5  }
0x226: {  	v24 =	vmul.f32 v24, v5;
	v27 =	vadd.f32 v29, v27;
	v29 =	vbroadcast v3, $0x6  }
0x227: {  	v13 =	vadd.f32 v18, v13;
	v46 =	vmul.f32 v39, v4;
	v40 =	vbroadcast v3, $0x8  }
0x228: {  	v18 =	vor.u32 s28, v63;
	v30 =	vmul.f32 v30, v5;
	v29 =	vmul.f32 v29, v7  }
0x229: {  	v36 =	vadd.f32 v46, v36;
	v40 =	vmul.f32 v40, v7;
	v46 =	vbroadcast v2, $0x9  }
0x22a: {  	v39 =	vor.u32 s28, v53;
	[tilespmem:v19+s19+$0x0] =	vst.idx.msk $0xffff, v10;
	v10 =	vmul.f32 v14, v6;
	v14 =	vmul.f32 v16, v5  }
0x22b: {  	[tilespmem:v23+s19+$0x0] =	vst.idx.msk $0xffff, v11;
	v23 =	vmul.f32 v47, v4;
	v47 =	vbroadcast v0, $0xB;
	v29 =	vadd.f32 v33, v29  }
0x22c: {  	v33 =	vmul.f32 v45, v5;
	v40 =	vadd.f32 v41, v40;
	v41 =	vmul.f32 v43, v4  }
0x22d: {  	v45 =	vor.u32 s28, v55;
	v43 =	vmul.f32 v44, v7;
	v44 =	vmul.f32 v46, v6  }
0x22e: {  	v46 =	vbroadcast v1, $0x9;
	[tilespmem:v18+s19+$0x0] =	vst.idx.msk $0xffff, v13;
	v18 =	vbroadcast v1, $0xB;
	v29 =	vadd.f32 v35, v29  }
0x22f: {  	v35 =	vor.u32 s28, v50;
	v40 =	vadd.f32 v41, v40;
	v41 =	vor.u32 s28, v56  }
0x230: {  	v9 =	vadd.f32 v44, v43;
	v12 =	vmul.f32 v46, v4;
	v43 =	vbroadcast v3, $0xA  }
0x231: {  	v44 =	vor.u32 $0x9, v54;
	v46 =	vor.u32 $0x109, v54;
	[tilespmem:v25+s19+$0x0] =	vst.idx.msk $0xffff, v17;
	v17 =	vbroadcast v3, $0xB  }
0x232: {  	v15 =	vor.u32 s28, v44;
	v11 =	vor.u32 s28, v46;
	[tilespmem:v26+s19+$0x0] =	vst.idx.msk $0xffff, v20;
	v20 =	vbroadcast v3, $0xC  }
0x233: {  	v18 =	vmul.f32 v18, v4;
	v9 =	vadd.f32 v12, v9;
	v12 =	vmul.f32 v43, v7  }
0x234: {  	v43 =	vor.u32 $0xA, v54;
	[tilespmem:v28+s19+$0x0] =	vst.idx.msk $0xffff, v21;
	v28 =	vor.u32 $0x10A, v54;
	v17 =	vmul.f32 v17, v7  }
0x235: {  	v16 =	vor.u32 s28, v43;
	[tilespmem:v31+s19+$0x0] =	vst.idx.msk $0xffff, v22;
	v19 =	vor.u32 s28, v28;
	v31 =	vor.u32 $0xB, v54  }
0x236: {  	v20 =	vmul.f32 v20, v7;
	v10 =	vadd.f32 v10, v12;
	v12 =	vmul.f32 v47, v5  }
0x237: {  	[tilespmem:v32+s19+$0x0] =	vst.idx.msk $0xffff, v24;
	v47 =	vbroadcast v2, $0xC;
	v24 =	vbroadcast v3, $0xD;
	v32 =	vor.u32 $0x10C, v54  }
0x238: {  	[tilespmem:v34+s19+$0x0] =	vst.idx.msk $0xffff, v27;
	v34 =	vbroadcast v1, $0xC;
	v26 =	vor.u32 s28, v32;
	v27 =	vbroadcast v1, $0xD  }
0x239: {  	v10 =	vadd.f32 v23, v10;
	v23 =	vbroadcast v2, $0xB;
	v21 =	vmul.f32 v47, v6  }
0x23a: {  	[tilespmem:v37+s19+$0x0] =	vst.idx.msk $0xffff, v30;
	v30 =	vor.u32 $0x10B, v54;
	v47 =	vbroadcast v0, $0xD;
	v24 =	vmul.f32 v24, v7  }
0x23b: {  	[tilespmem:v35+s19+$0x0] =	vst.idx.msk $0xffff, v29;
	v37 =	vmul.f32 v34, v4;
	v29 =	vor.u32 $0xC, v54;
	v13 =	vmul.f32 v23, v6  }
0x23c: {  	v23 =	vor.u32 s28, v31;
	v20 =	vadd.f32 v21, v20;
	[tilespmem:v39+s19+$0x0] =	vst.idx.msk $0xffff, v33;
	v25 =	vor.u32 s28, v29  }
0x23d: {  	v22 =	vmul.f32 v47, v5;
	[tilespmem:v42+s19+$0x0] =	vst.idx.msk $0xffff, v36;
	v13 =	vadd.f32 v13, v17;
	v17 =	vbroadcast v0, $0xC  }
0x23e: {  	v20 =	vadd.f32 v37, v20;
	v37 =	vbroadcast v2, $0xD;
	[tilespmem:v45+s19+$0x0] =	vst.idx.msk $0xffff, v38;
	v38 =	vmul.f32 v27, v4  }
0x23f: {  	[tilespmem:v41+s19+$0x0] =	vst.idx.msk $0xffff, v40;
	v40 =	vbroadcast v0, $0xE;
	v13 =	vadd.f32 v18, v13;
	v17 =	vmul.f32 v17, v5  }
0x240: {  	v18 =	vor.u32 s28, v30;
	v21 =	vmul.f32 v37, v6;
	[tilespmem:v15+s19+$0x0] =	vst.idx.msk $0xffff, v8;
	v8 =	vbroadcast v3, $0xE  }
0x241: {  	v33 =	vor.u32 $0xD, v54;
	v15 =	vbroadcast v2, $0xE;
	v3 =	vbroadcast v3, $0xF;
	[tilespmem:v11+s19+$0x0] =	vst.idx.msk $0xffff, v9  }
0x242: {  	v2 =	vbroadcast v2, $0xF;
	v11 =	vor.u32 s28, v33;
	v9 =	vadd.f32 v21, v24;
	[tilespmem:v16+s19+$0x0] =	vst.idx.msk $0xffff, v14  }
0x243: {  	v24 =	vor.u32 $0x10D, v54;
	v8 =	vmul.f32 v8, v7;
	v39 =	vmul.f32 v15, v6;
	[tilespmem:v19+s19+$0x0] =	vst.idx.msk $0xffff, v10  }
0x244: {  	v15 =	vbroadcast v1, $0xE;
	v16 =	vor.u32 $0x10E, v54;
	v10 =	vor.u32 s28, v24;
	[tilespmem:v23+s19+$0x0] =	vst.idx.msk $0xffff, v12  }
0x245: {  	v3 =	vmul.f32 v3, v7;
	v2 =	vmul.f32 v2, v6;
	v19 =	vor.u32 $0xE, v54;
	[tilespmem:v18+s19+$0x0] =	vst.idx.msk $0xffff, v13  }
0x246: {  	v1 =	vbroadcast v1, $0xF;
	v9 =	vadd.f32 v38, v9;
	v41 =	vor.u32 s28, v19;
	[tilespmem:v25+s19+$0x0] =	vst.idx.msk $0xffff, v17  }
0x247: {  	v42 =	vmul.f32 v15, v4;
	v15 =	vor.u32 s28, v16;
	v17 =	vor.u32 $0xF, v54;
	[tilespmem:v26+s19+$0x0] =	vst.idx.msk $0xffff, v20  }
0x248: {  	v8 =	vadd.f32 v39, v8;
	v45 =	vor.u32 s28, v17;
	[tilespmem:v11+s19+$0x0] =	vst.idx.msk $0xffff, v22;
	v11 =	vor.u32 $0x10F, v54  }
0x249: {  	p0 =	sne.s32 s28, $0xE00;
	v0 =	vbroadcast v0, $0xF;
	v47 =	vmul.f32 v40, v5;
	[tilespmem:v10+s19+$0x0] =	vst.idx.msk $0xffff, v9;
	v9 =	vor.u32 s28, v11  }
.Ltmp1:
0x24a: {  	v2 =	vadd.f32 v2, v3;
	v1 =	vmul.f32 v1, v4;
	v8 =	vadd.f32 v42, v8;
	(pc) =	sbr.rel @p0 .LBB2_5-.Ltmp1, $4  }
0x24b: {  	v0 =	vmul.f32 v0, v5;
	[tilespmem:v41+s19+$0x0] =	vst.idx.msk $0xffff, v47  }
0x24c: {  	v1 =	vadd.f32 v1, v2;
	[tilespmem:v15+s19+$0x0] =	vst.idx.msk $0xffff, v8  }
0x24d: {  	[tilespmem:v45+s19+$0x0] =	vst.idx.msk $0xffff, v0  }
0x24e: {  	s28 =	sadd.s32 $0x200, s28;
	[tilespmem:v9+s19+$0x0] =	vst.idx.msk $0xffff, v1  }
0x24f: {  	[tilespmem:$0x1F8B0] =	vst v17  }
0x250: {  	[tilespmem:$0x1F8C0] =	vst v19  }
0x251: {  	[tilespmem:$0x1F8D0] =	vst v24  }
0x252: {  	[tilespmem:$0x1F8E0] =	vst v33  }
0x253: {  	[tilespmem:$0x1F8F0] =	vst v32  }
0x254: {  	[tilespmem:$0x1F900] =	vst v29  }
0x255: {  	[tilespmem:$0x1F910] =	vst v30  }
0x256: {  	[tilespmem:$0x1F920] =	vst v31  }
0x257: {  	[tilespmem:$0x1F930] =	vst v28  }
0x258: {  	[tilespmem:$0x1F940] =	vst v56  }
0x259: {  	[tilespmem:$0x1F950] =	vst v11  }
0x25a: {  	[tilespmem:$0x1F960] =	vst v55  }
0x25b: {  	[tilespmem:$0x1F970] =	vst v16  }
0x25c: {  	[tilespmem:$0x1F980] =	vst v53  }
0x25d: {  	[tilespmem:$0x1F990] =	vst v50  }
0x25e: {  	[tilespmem:$0x1F9A0] =	vst v51  }
0x25f: {  	[tilespmem:$0x1F9B0] =	vst v61  }
0x260: {  	[tilespmem:$0x1F9C0] =	vst v46  }
0x261: {  	[tilespmem:$0x1F9D0] =	vst v43  }
0x262: {  	[tilespmem:$0x1F9E0] =	vst v44  }
0x263: {  	[tilespmem:$0x1F9F0] =	vst v49  }
0x264: {  	[tilespmem:$0x1FA00] =	vst v52  }
0x265: {  	[tilespmem:$0x1FA10] =	vst v48  }
0x266: {  	[tilespmem:$0x1FA20] =	vst v58  }
0x267: {  	[tilespmem:$0x1FA30] =	vst v59  }
0x268: {  	[tilespmem:$0x1FA40] =	vst v60  }
0x269: {  	[tilespmem:$0x1FA50] =	vst v63;
	s26 =	sshll.u32 s26, $0x6  }
0x26a: {  	[tilespmem:$0x1FA60] =	vst v62;
	p0 =	seq.s32 s24, $0xB;
	s26 =	sadd.s32 s2, s26  }
0x26b: {  	[hbm4b:s26+s5] =	stream.linear.scatter [tilespmem:s19], [sflag:$0x3], $0x1000, $0x38;
	[tilespmem:$0x3070] =	vst v63  }
0x26c: {  	[tilespmem:$0x1FA70] =	vst v57;
	s26 =	sshll.u32 @!p0 s24, $0xB  }
0x26d: {  	_ =	swait.ge [sflag:s20], $0x400;
	s26 =	sadd.s32 @!p0 s26, s10  }
0x26e: {  	[sflag:s20] =	ssyncset.done $0x0;
	s26 =	sshrl.u32 @!p0 s26, $0x3  }
0x26f: {  	s28 =	simm.s32 @!p0 $0x0;
	[sflag:s20] =	ssyncadd.s32 $0xFFFFFC00;
	s26 =	sadd.s32 @!p0 s0, s26  }
0x270: {  	[tilespmem:s28], [sflag:$0x1] =	stream.linear.gather @!p0 [hbm4b:s26+s28], $0x400, $0x38;
	[tilespmem:$0x3070] =	vst v63  }
0x271: {  	_ =	swait.ge [sflag:s21], $0x800  }
0x272: {  	[sflag:s21] =	ssyncset.done $0x0  }
0x273: {  	[sflag:s21] =	ssyncadd.s32 $0xFFFFF800  }
0x274: {  	_ =	swait.ge [sflag:s21], $0x800  }
0x275: {  	[sflag:s21] =	ssyncset.done $0x0  }
0x276: {  	[sflag:s21] =	ssyncadd.s32 $0xFFFFF800  }
0x277: {  	_ =	swait.ge [sflag:s21], $0x800  }
0x278: {  	[sflag:s21] =	ssyncset.done $0x0;
	v63 =	vld [tilespmem:$0x1FC30]  }
0x279: {  	s26 =	simm.s32 $0x0;
	s28 =	simm.s32 $0x470;
	v62 =	vld [tilespmem:$0x1FC40];
	[sflag:s21] =	ssyncadd.s32 $0xFFFFF800  }
.LBB2_7:
0x27a: {  	v7 =	vld [tilespmem:s28+$0xFFFFFFA0]  }
0x27b: {  	v8 =	vld [tilespmem:s28+$0xFFFFFFB0]  }
0x27c: {  	v9 =	vld [tilespmem:s28+$0xFFFFFFC0]  }
0x27d: {  	v0 =	vld [tilespmem:$0x1FAA0]  }
0x27e: {  	v1 =	vld [tilespmem:$0x1FAB0]  }
0x27f: {  	v2 =	vld [tilespmem:$0x1FAC0]  }
0x280: {  	v5 =	vld [tilespmem:$0x1FAD0]  }
0x281: {  	v6 =	vld [tilespmem:$0x1FAE0]  }
0x282: {  	v10 =	vld [tilespmem:$0x1FAF0]  }
0x283: {  	v11 =	vld [tilespmem:$0x1FB00]  }
0x284: {  	v12 =	vld [tilespmem:$0x1FB10]  }
0x285: {  	v13 =	vld [tilespmem:$0x1FB20]  }
0x286: {  	v14 =	vld [tilespmem:$0x1FB30]  }
0x287: {  	v54 =	vld [tilespmem:s28+$0xFFFFFFE0]  }
0x288: {  	v19 =	vld [tilespmem:$0x1FB80]  }
0x289: {  	v21 =	vld [tilespmem:$0x1FB90]  }
0x28a: {  	v56 =	vld [tilespmem:s28+$0xFFFFFFF0];
	v0 =	vmul.f32 v7, v0  }
0x28b: {  	v15 =	vld [tilespmem:$0x1FB60];
	v1 =	vmul.f32 v8, v1;
	v2 =	vmul.f32 v9, v2  }
0x28c: {  	v23 =	vld [tilespmem:$0x1FBA0];
	v3 =	vmul.f32 v7, v5;
	v4 =	vmul.f32 v8, v6  }
0x28d: {  	v5 =	vmul.f32 v9, v10;
	v6 =	vmul.f32 v7, v11;
	v10 =	vld [tilespmem:$0x1FB40]  }
0x28e: {  	v11 =	vld [tilespmem:$0x1FB70];
	v20 =	vmul.f32 v9, v19;
	v22 =	vmul.f32 v7, v21  }
0x28f: {  	v17 =	vld [tilespmem:$0x1FB50];
	v29 =	vbroadcast v54, $0x0;
	v30 =	vbroadcast v56, $0x0;
	v0 =	vadd.f32 v1, v0  }
0x290: {  	v24 =	vld [tilespmem:$0x1FBC0];
	v32 =	vmul.f32 v9, v62;
	v3 =	vadd.f32 v4, v3;
	v4 =	vmul.f32 v7, v14  }
0x291: {  	v14 =	vld [tilespmem:$0x1FC00];
	v1 =	vadd.f32 v2, v0;
	v0 =	vmul.f32 v8, v12;
	v2 =	vmul.f32 v9, v13  }
0x292: {  	v25 =	vld [tilespmem:$0x1FBD0];
	v12 =	vmul.f32 v8, v23;
	v23 =	vbroadcast v56, $0x2  }
0x293: {  	v26 =	vld [tilespmem:$0x1FBB0];
	v5 =	vadd.f32 v5, v3;
	v10 =	vmul.f32 v8, v10;
	v11 =	vmul.f32 v8, v11  }
0x294: {  	v13 =	vld [tilespmem:$0x1FBE0];
	v0 =	vadd.f32 v0, v6;
	v6 =	vmul.f32 v7, v15;
	v33 =	vmul.f32 v29, v1  }
0x295: {  	v27 =	vld [tilespmem:$0x1FBF0];
	v34 =	vmul.f32 v30, v5;
	v16 =	vadd.f32 v10, v4;
	v4 =	vmul.f32 v9, v17  }
0x296: {  	v28 =	vld [tilespmem:$0x1FC10];
	v10 =	vmul.f32 v7, v24;
	v14 =	vmul.f32 v8, v14  }
0x297: {  	v15 =	vld [tilespmem:$0x1FC20];
	v0 =	vadd.f32 v2, v0;
	v18 =	vadd.f32 v11, v6;
	v11 =	vmul.f32 v8, v25  }
0x298: {  	v8 =	vmul.f32 v8, v63;
	v25 =	vmul.f32 v23, v5;
	v2 =	vadd.f32 v4, v16  }
0x299: {  	v4 =	vadd.f32 v12, v22;
	v12 =	vmul.f32 v9, v26;
	v13 =	vmul.f32 v9, v13  }
0x29a: {  	v22 =	vbroadcast v54, $0x2;
	v10 =	vadd.f32 v11, v10;
	v11 =	vmul.f32 v7, v27  }
0x29b: {  	v3 =	vadd.f32 v20, v18;
	v18 =	vbroadcast v54, $0x1;
	v20 =	vbroadcast v56, $0x1  }
0x29c: {  	v4 =	vadd.f32 v12, v4;
	v12 =	vmul.f32 v9, v28;
	v7 =	vmul.f32 v7, v15  }
0x29d: {  	v44 =	vld [tilespmem:$0x1FEE0];
	v36 =	vmul.f32 v29, v2;
	v51 =	vmul.f32 v22, v1  }
0x29e: {  	v6 =	vld [tilespmem:s28+$0x0];
	v58 =	vmul.f32 v22, v2;
	v28 =	vbroadcast v54, $0x3  }
0x29f: {  	v9 =	vadd.f32 v34, v33;
	v34 =	vbroadcast v56, $0x4;
	v16 =	vmul.f32 v30, v3  }
0x2a0: {  	v46 =	vld [tilespmem:$0x1FEF0];
	v39 =	vmul.f32 v18, v1;
	v40 =	vmul.f32 v20, v5  }
0x2a1: {  	v11 =	vadd.f32 v14, v11;
	v47 =	vmul.f32 v18, v2;
	v48 =	vmul.f32 v20, v3  }
0x2a2: {  	v49 =	vld [tilespmem:$0x1FF00];
	v14 =	vor.u32 s26, v44;
	v26 =	vmul.f32 v23, v3;
	v44 =	vbroadcast v54, $0x4  }
0x2a3: {  	v55 =	vadd.f32 v13, v10;
	v31 =	vbroadcast v6, $0x0;
	v41 =	vbroadcast v6, $0x1  }
0x2a4: {  	v37 =	vld [tilespmem:$0x1FED0];
	v24 =	vbroadcast v6, $0x2;
	v61 =	vmul.f32 v28, v1  }
0x2a5: {  	v15 =	vor.u32 s26, v46;
	v46 =	vbroadcast v6, $0x4;
	v19 =	vmul.f32 v29, v55  }
0x2a6: {  	v57 =	vadd.f32 v12, v11;
	v18 =	vmul.f32 v18, v55;
	v29 =	vmul.f32 v22, v55  }
0x2a7: {  	v12 =	vor.u32 s26, v49;
	v49 =	vmul.f32 v44, v2;
	v35 =	vmul.f32 v31, v0  }
0x2a8: {  	v7 =	vadd.f32 v8, v7;
	v17 =	vmul.f32 v31, v4;
	v45 =	vmul.f32 v41, v0  }
0x2a9: {  	v8 =	vor.u32 s26, v37;
	v21 =	vmul.f32 v41, v4;
	v53 =	vmul.f32 v24, v0  }
0x2aa: {  	v7 =	vadd.f32 v32, v7;
	v27 =	vmul.f32 v24, v4;
	v32 =	vbroadcast v6, $0x3  }
0x2ab: {  	v38 =	vadd.f32 v16, v36;
	v13 =	vmul.f32 v30, v57;
	v20 =	vmul.f32 v20, v57  }
0x2ac: {  	v52 =	vld [tilespmem:$0x1FF10];
	v60 =	vadd.f32 v26, v58;
	v30 =	vbroadcast v56, $0x3;
	v23 =	vmul.f32 v23, v57  }
0x2ad: {  	v59 =	vld [tilespmem:$0x1FF20];
	v11 =	vadd.f32 v35, v9;
	v43 =	vmul.f32 v31, v7;
	v50 =	vmul.f32 v41, v7  }
0x2ae: {  	v9 =	vadd.f32 v40, v39;
	v24 =	vmul.f32 v24, v7;
	v39 =	vmul.f32 v32, v0  }
0x2af: {  	v36 =	vld [tilespmem:$0x1FF30];
	v10 =	vadd.f32 v17, v38;
	v41 =	vmul.f32 v28, v2;
	v33 =	vmul.f32 v32, v4  }
0x2b0: {  	v37 =	vld [tilespmem:$0x1FF40];
	v17 =	vadd.f32 v48, v47;
	v28 =	vmul.f32 v28, v55;
	v47 =	vmul.f32 v44, v1  }
0x2b1: {  	v35 =	vmul.f32 v34, v5;
	v48 =	vmul.f32 v46, v0;
	v42 =	vadd.f32 v13, v19  }
0x2b2: {  	v18 =	vadd.f32 v20, v18;
	v19 =	vor.u32 s26, v52;
	v20 =	vor.u32 s26, v59  }
0x2b3: {  	v31 =	vmul.f32 v30, v5;
	v23 =	vadd.f32 v23, v29;
	v9 =	vadd.f32 v45, v9  }
0x2b4: {  	v16 =	vadd.f32 v21, v17;
	v21 =	vadd.f32 v25, v51;
	v22 =	vor.u32 s26, v36  }
0x2b5: {  	v40 =	vld [tilespmem:$0x1FF50];
	v25 =	vor.u32 s26, v37;
	v45 =	vmul.f32 v32, v7;
	v37 =	vmul.f32 v34, v3  }
0x2b6: {  	v34 =	vmul.f32 v34, v57;
	v32 =	vmul.f32 v46, v7;
	v13 =	vadd.f32 v43, v42  }
0x2b7: {  	v17 =	vadd.f32 v50, v18;
	v42 =	vmul.f32 v30, v3;
	v30 =	vmul.f32 v30, v57  }
0x2b8: {  	[tilespmem:v8+s16+$0x0] =	vst.idx.msk $0xffff, v11;
	v38 =	vadd.f32 v31, v61;
	v31 =	vmul.f32 v44, v55;
	v50 =	vbroadcast v56, $0x5  }
0x2b9: {  	v52 =	vld [tilespmem:$0x1FFA0];
	v24 =	vadd.f32 v24, v23;
	v61 =	vbroadcast v54, $0x6;
	[tilespmem:v14+s16+$0x0] =	vst.idx.msk $0xffff, v10;
	v14 =	vbroadcast v56, $0x8  }
0x2ba: {  	v36 =	vld [tilespmem:$0x1FF70];
	v18 =	vadd.f32 v53, v21;
	v21 =	vadd.f32 v27, v60;
	v26 =	vor.u32 s26, v40  }
0x2bb: {  	v23 =	vadd.f32 v39, v38;
	v29 =	vadd.f32 v42, v41;
	v39 =	vmul.f32 v46, v4  }
0x2bc: {  	v58 =	vld [tilespmem:$0x1FFB0];
	v28 =	vadd.f32 v30, v28;
	v40 =	vbroadcast v54, $0x5;
	v42 =	vmul.f32 v50, v5  }
0x2bd: {  	v31 =	vadd.f32 v34, v31;
	v60 =	vmul.f32 v50, v3;
	v46 =	vbroadcast v56, $0x6  }
0x2be: {  	v43 =	vld [tilespmem:$0x1FF60];
	v34 =	vor.u32 s26, v52;
	v52 =	vbroadcast v54, $0x7;
	v29 =	vadd.f32 v33, v29  }
0x2bf: {  	[tilespmem:v15+s16+$0x0] =	vst.idx.msk $0xffff, v13;
	v36 =	vor.u32 s26, v36;
	v33 =	vadd.f32 v35, v47;
	v51 =	vmul.f32 v40, v1  }
0x2c0: {  	v31 =	vadd.f32 v32, v31;
	v59 =	vmul.f32 v40, v2;
	v40 =	vmul.f32 v40, v55  }
0x2c1: {  	[tilespmem:v12+s16+$0x0] =	vst.idx.msk $0xffff, v9;
	v32 =	vor.u32 s26, v58;
	v58 =	vmul.f32 v61, v1;
	v47 =	vmul.f32 v46, v5  }
0x2c2: {  	v35 =	vadd.f32 v37, v49;
	v49 =	vmul.f32 v46, v3;
	v46 =	vmul.f32 v46, v57  }
0x2c3: {  	v38 =	vld [tilespmem:$0x1FF80];
	[tilespmem:v19+s16+$0x0] =	vst.idx.msk $0xffff, v16;
	v16 =	vbroadcast v54, $0x9;
	v19 =	vbroadcast v56, $0x9;
	v27 =	vor.u32 s26, v43  }
0x2c4: {  	v43 =	vbroadcast v6, $0x5;
	[tilespmem:v20+s16+$0x0] =	vst.idx.msk $0xffff, v17;
	v30 =	vadd.f32 v48, v33;
	v35 =	vadd.f32 v39, v35  }
0x2c5: {  	v41 =	vld [tilespmem:$0x1FF90];
	v33 =	vmul.f32 v50, v57;
	v39 =	vadd.f32 v60, v59;
	v60 =	vmul.f32 v61, v2  }
0x2c6: {  	v37 =	vadd.f32 v42, v51;
	v42 =	vmul.f32 v61, v55;
	v61 =	vmul.f32 v52, v1  }
0x2c7: {  	v28 =	vadd.f32 v45, v28;
	v45 =	vld [tilespmem:$0x1FFC0];
	[tilespmem:v22+s16+$0x0] =	vst.idx.msk $0xffff, v18;
	v18 =	vbroadcast v6, $0x9;
	v53 =	vmul.f32 v43, v0  }
0x2c8: {  	v38 =	vor.u32 s26, v38;
	v44 =	vmul.f32 v43, v4;
	v33 =	vadd.f32 v33, v40  }
0x2c9: {  	v48 =	vld [tilespmem:$0x1FFD0];
	[tilespmem:v25+s16+$0x0] =	vst.idx.msk $0xffff, v21;
	v37 =	vadd.f32 v53, v37;
	v53 =	vmul.f32 v43, v7;
	v43 =	vbroadcast v6, $0x6  }
0x2ca: {  	v50 =	vld [tilespmem:$0x1FFE0];
	v41 =	vor.u32 s26, v41;
	[tilespmem:v26+s16+$0x0] =	vst.idx.msk $0xffff, v24;
	v39 =	vadd.f32 v44, v39;
	v44 =	vadd.f32 v47, v58  }
0x2cb: {  	v25 =	vld [tilespmem:$0x1FD60];
	v47 =	vadd.f32 v49, v60;
	v59 =	vmul.f32 v43, v0;
	v51 =	vmul.f32 v43, v4  }
0x2cc: {  	v26 =	vmul.f32 v18, v0;
	v45 =	vor.u32 s26, v45;
	[tilespmem:v27+s16+$0x0] =	vst.idx.msk $0xffff, v23;
	v33 =	vadd.f32 v53, v33;
	v53 =	vld [tilespmem:$0x1FCF0]  }
0x2cd: {  	[tilespmem:v36+s16+$0x0] =	vst.idx.msk $0xffff, v29;
	v40 =	vadd.f32 v59, v44;
	v44 =	vbroadcast v56, $0x7;
	v47 =	vadd.f32 v51, v47;
	v51 =	vld [tilespmem:$0x1FD00]  }
0x2ce: {  	v42 =	vadd.f32 v46, v42;
	v43 =	vmul.f32 v43, v7;
	[tilespmem:v38+s16+$0x0] =	vst.idx.msk $0xffff, v28;
	v59 =	vbroadcast v6, $0x7  }
0x2cf: {  	v48 =	vor.u32 s26, v48;
	v50 =	vor.u32 s26, v50;
	[tilespmem:v41+s16+$0x0] =	vst.idx.msk $0xffff, v30;
	v58 =	vmul.f32 v44, v5  }
0x2d0: {  	v27 =	vld [tilespmem:$0x1FD70];
	v22 =	vor.u32 s26, v25;
	v42 =	vadd.f32 v43, v42;
	[tilespmem:v34+s16+$0x0] =	vst.idx.msk $0xffff, v35;
	v60 =	vmul.f32 v59, v0  }
0x2d1: {  	v11 =	vmul.f32 v59, v7;
	[tilespmem:v32+s16+$0x0] =	vst.idx.msk $0xffff, v31;
	v53 =	vor.u32 s26, v53;
	v49 =	vadd.f32 v58, v61  }
0x2d2: {  	[tilespmem:v45+s16+$0x0] =	vst.idx.msk $0xffff, v37;
	v58 =	vmul.f32 v52, v2;
	v46 =	vor.u32 s26, v51;
	v51 =	vmul.f32 v44, v3  }
0x2d3: {  	v61 =	vld [tilespmem:$0x1FD10];
	v52 =	vmul.f32 v52, v55;
	v44 =	vmul.f32 v44, v57;
	v49 =	vadd.f32 v60, v49  }
0x2d4: {  	[tilespmem:v48+s16+$0x0] =	vst.idx.msk $0xffff, v39;
	v60 =	vmul.f32 v59, v4;
	v8 =	vadd.f32 v51, v58;
	v51 =	vbroadcast v54, $0x8  }
0x2d5: {  	v21 =	vor.u32 s26, v27;
	[tilespmem:v50+s16+$0x0] =	vst.idx.msk $0xffff, v33;
	v58 =	vadd.f32 v44, v52;
	v44 =	vbroadcast v6, $0x8  }
0x2d6: {  	v8 =	vadd.f32 v60, v8;
	v15 =	vmul.f32 v51, v1;
	v60 =	vmul.f32 v14, v5  }
0x2d7: {  	v10 =	vadd.f32 v11, v58;
	v12 =	vmul.f32 v51, v2;
	v58 =	vmul.f32 v14, v3  }
0x2d8: {  	v59 =	vld [tilespmem:$0x1FD30];
	[tilespmem:v53+s16+$0x0] =	vst.idx.msk $0xffff, v40;
	v43 =	vor.u32 s26, v61;
	v51 =	vmul.f32 v51, v55;
	v14 =	vmul.f32 v14, v57  }
0x2d9: {  	v52 =	vmul.f32 v44, v0;
	v11 =	vadd.f32 v60, v15;
	v60 =	vmul.f32 v44, v4  }
0x2da: {  	v12 =	vadd.f32 v58, v12;
	v58 =	vmul.f32 v19, v5;
	v14 =	vadd.f32 v14, v51  }
0x2db: {  	v51 =	vmul.f32 v19, v3;
	v19 =	vmul.f32 v19, v57;
	v11 =	vadd.f32 v52, v11  }
0x2dc: {  	v52 =	vmul.f32 v16, v1;
	v12 =	vadd.f32 v60, v12;
	v60 =	vmul.f32 v44, v7  }
0x2dd: {  	[tilespmem:v46+s16+$0x0] =	vst.idx.msk $0xffff, v47;
	v13 =	vor.u32 s26, v59;
	v44 =	vmul.f32 v16, v2;
	v16 =	vmul.f32 v16, v55  }
0x2de: {  	v59 =	vld [tilespmem:$0x1FD40];
	[tilespmem:v43+s16+$0x0] =	vst.idx.msk $0xffff, v42;
	v43 =	vbroadcast v54, $0xD;
	v15 =	vadd.f32 v58, v52;
	v14 =	vadd.f32 v60, v14  }
0x2df: {  	v61 =	vld [tilespmem:$0x1FD20];
	v52 =	vmul.f32 v18, v4;
	v20 =	vadd.f32 v51, v44;
	v60 =	vbroadcast v56, $0xA  }
0x2e0: {  	v38 =	vld [tilespmem:$0x1FDA0];
	v18 =	vmul.f32 v18, v7;
	v16 =	vadd.f32 v19, v16;
	v51 =	vbroadcast v54, $0xB  }
0x2e1: {  	v15 =	vadd.f32 v26, v15;
	v26 =	vbroadcast v6, $0xA;
	v35 =	vmul.f32 v60, v5  }
0x2e2: {  	v58 =	vld [tilespmem:$0x1FD80];
	v20 =	vadd.f32 v52, v20;
	v44 =	vmul.f32 v60, v3;
	v52 =	vbroadcast v56, $0xB  }
0x2e3: {  	v9 =	vor.u32 s26, v59;
	v59 =	vld [tilespmem:$0x1FD50];
	v19 =	vmul.f32 v60, v57;
	v60 =	vbroadcast v6, $0xB  }
0x2e4: {  	v61 =	vor.u32 s26, v61;
	v46 =	vmul.f32 v51, v2;
	v32 =	vmul.f32 v51, v55  }
0x2e5: {  	v30 =	vld [tilespmem:$0x1FD90];
	v29 =	vor.u32 s26, v38;
	v36 =	vmul.f32 v26, v0;
	v45 =	vmul.f32 v26, v4  }
0x2e6: {  	v16 =	vadd.f32 v18, v16;
	v26 =	vmul.f32 v26, v7;
	v47 =	vmul.f32 v52, v3  }
0x2e7: {  	v48 =	vmul.f32 v60, v4;
	v31 =	vmul.f32 v52, v57;
	v25 =	vor.u32 s26, v58  }
0x2e8: {  	v58 =	vmul.f32 v51, v1;
	v17 =	vor.u32 s26, v59;
	v59 =	vbroadcast v54, $0xA  }
0x2e9: {  	[tilespmem:v61+s16+$0x0] =	vst.idx.msk $0xffff, v49;
	v49 =	vld [tilespmem:$0x1FDE0];
	v51 =	vmul.f32 v60, v7;
	v50 =	vadd.f32 v47, v46;
	v46 =	vbroadcast v56, $0xD  }
0x2ea: {  	v24 =	vor.u32 s26, v30;
	v40 =	vld [tilespmem:$0x1FDB0];
	[tilespmem:v13+s16+$0x0] =	vst.idx.msk $0xffff, v8;
	v47 =	vmul.f32 v43, v1;
	v34 =	vmul.f32 v59, v1  }
0x2eb: {  	v53 =	vadd.f32 v31, v32;
	v41 =	vmul.f32 v59, v2;
	v23 =	vmul.f32 v59, v55  }
0x2ec: {  	[tilespmem:v9+s16+$0x0] =	vst.idx.msk $0xffff, v10;
	v59 =	vmul.f32 v52, v5;
	v52 =	vbroadcast v54, $0xC;
	v8 =	vadd.f32 v48, v50  }
0x2ed: {  	v9 =	vadd.f32 v51, v53;
	v48 =	vmul.f32 v46, v5;
	v53 =	vmul.f32 v43, v2  }
0x2ee: {  	v37 =	vor.u32 s26, v49;
	v49 =	vbroadcast v6, $0xD;
	v18 =	vadd.f32 v35, v34  }
0x2ef: {  	v30 =	vadd.f32 v44, v41;
	v19 =	vadd.f32 v19, v23;
	v23 =	vor.u32 s26, v40  }
0x2f0: {  	v41 =	vld [tilespmem:$0x1FDC0];
	v28 =	vadd.f32 v59, v58;
	v44 =	vmul.f32 v60, v0;
	v58 =	vbroadcast v56, $0xC  }
0x2f1: {  	v61 =	vmul.f32 v52, v1;
	v40 =	vmul.f32 v52, v2;
	v27 =	vadd.f32 v45, v30;
	v45 =	vld [tilespmem:$0x1FDD0]  }
0x2f2: {  	v39 =	vld [tilespmem:$0x1FE00];
	v59 =	vbroadcast v6, $0xC;
	[tilespmem:v17+s16+$0x0] =	vst.idx.msk $0xffff, v11;
	v17 =	vmul.f32 v43, v55;
	v18 =	vadd.f32 v36, v18  }
0x2f3: {  	v19 =	vadd.f32 v26, v19;
	v28 =	vadd.f32 v44, v28;
	v36 =	vmul.f32 v58, v5  }
0x2f4: {  	v60 =	vld [tilespmem:$0x1FDF0];
	v38 =	vmul.f32 v59, v0;
	[tilespmem:v22+s16+$0x0] =	vst.idx.msk $0xffff, v12;
	v42 =	vmul.f32 v59, v4  }
0x2f5: {  	v10 =	vmul.f32 v58, v57;
	v51 =	vmul.f32 v59, v7;
	[tilespmem:v21+s16+$0x0] =	vst.idx.msk $0xffff, v14;
	v34 =	vor.u32 s26, v41  }
0x2f6: {  	v59 =	vmul.f32 v46, v57;
	v30 =	vmul.f32 v49, v7;
	[tilespmem:v25+s16+$0x0] =	vst.idx.msk $0xffff, v15;
	v26 =	vor.u32 s26, v45  }
0x2f7: {  	v50 =	vld [tilespmem:$0x1FE10];
	v12 =	vor.u32 s26, v39;
	v13 =	vadd.f32 v36, v61;
	v15 =	vadd.f32 v48, v47;
	[tilespmem:v24+s16+$0x0] =	vst.idx.msk $0xffff, v20  }
0x2f8: {  	v61 =	vmul.f32 v49, v4;
	v17 =	vadd.f32 v59, v17;
	v47 =	vbroadcast v56, $0xF;
	[tilespmem:v29+s16+$0x0] =	vst.idx.msk $0xffff, v16  }
0x2f9: {  	v11 =	vor.u32 s26, v60;
	v41 =	vmul.f32 v58, v3;
	v58 =	vmul.f32 v46, v3;
	[tilespmem:v23+s16+$0x0] =	vst.idx.msk $0xffff, v18  }
0x2fa: {  	v60 =	vbroadcast v54, $0xE;
	v46 =	vbroadcast v54, $0xF;
	v13 =	vadd.f32 v38, v13;
	[tilespmem:v34+s16+$0x0] =	vst.idx.msk $0xffff, v27  }
0x2fb: {  	v29 =	vbroadcast v56, $0xE;
	v17 =	vadd.f32 v30, v17;
	v56 =	vmul.f32 v47, v57;
	[tilespmem:v26+s16+$0x0] =	vst.idx.msk $0xffff, v19  }
0x2fc: {  	v16 =	vor.u32 s26, v50;
	v45 =	vmul.f32 v52, v55;
	v52 =	vmul.f32 v49, v0;
	[tilespmem:v37+s16+$0x0] =	vst.idx.msk $0xffff, v28;
	v37 =	vld [tilespmem:$0x1FE20]  }
0x2fd: {  	v38 =	vld [tilespmem:$0x1FE30];
	v44 =	vadd.f32 v41, v40;
	v31 =	vmul.f32 v60, v1;
	v35 =	vmul.f32 v60, v2  }
0x2fe: {  	v39 =	vld [tilespmem:$0x1FE40];
	v21 =	vadd.f32 v58, v53;
	v43 =	vmul.f32 v60, v55;
	v1 =	vmul.f32 v46, v1  }
0x2ff: {  	v2 =	vmul.f32 v46, v2;
	v54 =	vmul.f32 v46, v55;
	v14 =	vadd.f32 v42, v44;
	v42 =	vld [tilespmem:$0x1FE50]  }
0x300: {  	v33 =	vmul.f32 v29, v5;
	v36 =	vmul.f32 v29, v3;
	v10 =	vadd.f32 v10, v45;
	v45 =	vld [tilespmem:$0x1FE60]  }
0x301: {  	v49 =	vld [tilespmem:$0x1FE70];
	v5 =	vmul.f32 v47, v5;
	v3 =	vmul.f32 v47, v3;
	v26 =	vor.u32 s26, v37  }
0x302: {  	v32 =	vadd.f32 v61, v21;
	v10 =	vadd.f32 v51, v10;
	v21 =	vor.u32 s26, v38;
	v51 =	vld [tilespmem:$0x1FE80]  }
0x303: {  	v53 =	vld [tilespmem:$0x1FE90];
	v15 =	vadd.f32 v52, v15;
	v44 =	vmul.f32 v29, v57;
	[tilespmem:v11+s16+$0x0] =	vst.idx.msk $0xffff, v8;
	v8 =	vor.u32 s26, v39  }
0x304: {  	v55 =	vld [tilespmem:$0x1FEA0];
	v60 =	vadd.f32 v56, v54;
	v34 =	vbroadcast v6, $0xE;
	[tilespmem:v12+s16+$0x0] =	vst.idx.msk $0xffff, v9;
	v9 =	vor.u32 s26, v42  }
0x305: {  	v57 =	vld [tilespmem:$0x1FEB0];
	v20 =	vadd.f32 v33, v31;
	v40 =	vadd.f32 v36, v35;
	[tilespmem:v16+s16+$0x0] =	vst.idx.msk $0xffff, v13;
	v13 =	vor.u32 s26, v45  }
0x306: {  	v59 =	vld [tilespmem:$0x1FEC0];
	v1 =	vadd.f32 v5, v1;
	v41 =	vmul.f32 v34, v0;
	[tilespmem:v26+s16+$0x0] =	vst.idx.msk $0xffff, v14;
	v14 =	vor.u32 s26, v49  }
0x307: {  	v23 =	vmul.f32 v34, v7;
	v12 =	vadd.f32 v44, v43;
	v18 =	vor.u32 s26, v51;
	[tilespmem:v21+s16+$0x0] =	vst.idx.msk $0xffff, v10  }
0x308: {  	v6 =	vbroadcast v6, $0xF;
	v48 =	vmul.f32 v34, v4;
	v5 =	vor.u32 s26, v53;
	[tilespmem:v8+s16+$0x0] =	vst.idx.msk $0xffff, v15  }
0x309: {  	v50 =	vadd.f32 v41, v20;
	v52 =	vadd.f32 v23, v12;
	v12 =	vor.u32 s26, v55;
	[tilespmem:v9+s16+$0x0] =	vst.idx.msk $0xffff, v32  }
0x30a: {  	v0 =	vmul.f32 v6, v0;
	v11 =	vadd.f32 v48, v40;
	[tilespmem:v13+s16+$0x0] =	vst.idx.msk $0xffff, v17;
	v13 =	vor.u32 s26, v57  }
0x30b: {  	p0 =	sne.s32 s26, $0x380;
	v2 =	vadd.f32 v3, v2;
	v58 =	vmul.f32 v6, v4;
	v4 =	vor.u32 s26, v59;
	[tilespmem:v14+s16+$0x0] =	vst.idx.msk $0xffff, v50  }
.Ltmp2:
0x30c: {  	v6 =	vmul.f32 v6, v7;
	v0 =	vadd.f32 v0, v1;
	[tilespmem:v18+s16+$0x0] =	vst.idx.msk $0xffff, v11;
	(pc) =	sbr.rel @p0 .LBB2_7-.Ltmp2, $4  }
0x30d: {  	v2 =	vadd.f32 v58, v2;
	[tilespmem:v5+s16+$0x0] =	vst.idx.msk $0xffff, v52  }
0x30e: {  	v61 =	vadd.f32 v6, v60;
	[tilespmem:v12+s16+$0x0] =	vst.idx.msk $0xffff, v0  }
0x30f: {  	[tilespmem:v13+s16+$0x0] =	vst.idx.msk $0xffff, v2  }
0x310: {  	s28 =	sadd.s32 $0x80, s28;
	s26 =	sadd.s32 $0x80, s26;
	[tilespmem:v4+s16+$0x0] =	vst.idx.msk $0xffff, v61  }
0x311: {  	s25 =	sshll.u32 s25, $0x3  }
0x312: {  	s25 =	sadd.s32 s8, s25  }
0x313: {  	s26 =	sshrl.u32 s25, $0xB  }
0x314: {  	s28 =	sshll.u32 s25, $0x8;
	s26 =	smul.u32 $0x180000, s26  }
0x315: {  	s28 =	sand.u32 $0x7F800, s28  }
0x316: {  	s26 =	sor.u32 s28, s26  }
0x317: {  	s26 =	sshrl.u32 s26, $0x3  }
0x318: {  	s28 =	sadd.s32 s7, s26;
	s26 =	simm.s32 $0x0  }
0x319: {  	[hbm4b:s28+s26] =	stream.linear.scatter [tilespmem:s16], [sflag:$0x4], $0x800, $0x38;
	[tilespmem:$0x3070] =	vst v63  }
0x31a: {  	s29 =	sadd.s32 $0x10000, s28  }
0x31b: {  	[hbm4b:s29+s26] =	stream.linear.scatter [tilespmem:s17], [sflag:$0x4], $0x800, $0x38;
	[tilespmem:$0x3070] =	vst v63  }
0x31c: {  	s28 =	sadd.s32 $0x20000, s28  }
0x31d: {  	[hbm4b:s28+s26] =	stream.linear.scatter [tilespmem:s18], [sflag:$0x4], $0x800, $0x38;
	[tilespmem:$0x3070] =	vst v63  }
0x31e: {  	_ =	swait.ge [sflag:s22], $0x1000  }
0x31f: {  	[sflag:s22] =	ssyncset.done $0x0  }
0x320: {  	s28 =	simm.s32 $0x0;
	v3 =	vld [tilespmem:$0x1FCA0];
	[sflag:s22] =	ssyncadd.s32 $0xFFFFF000  }
0x321: {  	v0 =	vld [tilespmem:s28+$0x430];
	_ =	sdelay $0x4  }
0x322: {  	v4 =	vmul.f32 v0, v3;
	v3 =	vld [tilespmem:$0x1FC70];
	_ =	sdelay $0x3  }
0x323: {  	v1 =	vld [tilespmem:s28+$0x410]  }
0x324: {  	v5 =	vmul.f32 v0, v3;
	v3 =	vld [tilespmem:$0x1FCB0];
	_ =	sdelay $0x3  }
0x325: {  	v2 =	vld [tilespmem:s28+$0x420]  }
0x326: {  	v7 =	vmul.f32 v1, v3;
	v3 =	vld [tilespmem:$0x1FC60];
	_ =	sdelay $0x4  }
0x327: {  	v8 =	vmul.f32 v2, v3;
	v3 =	vld [tilespmem:$0x1FC90];
	_ =	sdelay $0x4  }
0x328: {  	v9 =	vmul.f32 v2, v3;
	v3 =	vld [tilespmem:$0x1FCE0];
	_ =	sdelay $0x4  }
0x329: {  	v11 =	vmul.f32 v1, v3;
	v3 =	vld [tilespmem:$0x1FCC0];
	_ =	sdelay $0x4  }
0x32a: {  	v12 =	vmul.f32 v2, v3;
	v2 =	vld [tilespmem:$0x1FC80];
	_ =	sdelay $0x4  }
0x32b: {  	v1 =	vmul.f32 v1, v2;
	v2 =	vld [tilespmem:$0x1FCD0];
	_ =	sdelay $0x4  }
0x32c: {  	v7 =	vadd.f32 v12, v7;
	v0 =	vmul.f32 v0, v2;
	_ =	sdelay $0x1  }
0x32d: {  	v62 =	vadd.f32 v0, v7;
	v0 =	vld [tilespmem:$0x1F8E0];
	_ =	sdelay $0x4  }
0x32e: {  	v0 =	vor.u32 s26, v0  }
0x32f: {  	[tilespmem:$0x1F880] =	vst v0;
	v0 =	vld [tilespmem:$0x1F8F0];
	_ =	sdelay $0x4  }
0x330: {  	v9 =	vadd.f32 v9, v1;
	v1 =	vld [tilespmem:$0x1F8B0];
	v0 =	vor.u32 s26, v0  }
0x331: {  	[tilespmem:$0x1F890] =	vst v0;
	v0 =	vld [tilespmem:$0x1F900];
	_ =	sdelay $0x3  }
0x332: {  	v13 =	vld [tilespmem:s28+$0x400];
	v1 =	vor.u32 s26, v1  }
0x333: {  	[tilespmem:$0x1F850] =	vst v1;
	v1 =	vld [tilespmem:$0x1FC50];
	v0 =	vor.u32 s26, v0  }
0x334: {  	[tilespmem:$0x1F8A0] =	vst v0;
	v0 =	vld [tilespmem:$0x1F910];
	_ =	sdelay $0x2  }
0x335: {  	v8 =	vadd.f32 v8, v11;
	_ =	sdelay $0x1  }
0x336: {  	v60 =	vmul.f32 v13, v1;
	v1 =	vadd.f32 v5, v8;
	v8 =	vor.u32 s26, v0;
	v0 =	vld [tilespmem:$0x1F920];
	_ =	sdelay $0x2  }
0x337: {  	v56 =	vld [tilespmem:s28+$0x450];
	_ =	sdelay $0x1  }
0x338: {  	v5 =	vadd.f32 v4, v9;
	v9 =	vor.u32 s26, v0;
	v0 =	vld [tilespmem:$0x1F930];
	_ =	sdelay $0x2  }
0x339: {  	v55 =	vld [tilespmem:s28+$0x460];
	v19 =	vbroadcast v56, $0x0;
	v11 =	vbroadcast v56, $0x7;
	_ =	sdelay $0x1  }
0x33a: {  	v33 =	vmul.f32 v19, v1;
	v19 =	vmul.f32 v11, v1;
	v11 =	vor.u32 s26, v0;
	v0 =	vld [tilespmem:$0x1F940];
	_ =	sdelay $0x2  }
0x33b: {  	v15 =	vbroadcast v55, $0xA;
	v17 =	vbroadcast v56, $0x8;
	_ =	sdelay $0x1  }
0x33c: {  	v22 =	vmul.f32 v17, v1;
	v17 =	vmul.f32 v15, v5;
	v15 =	vor.u32 s26, v0;
	v0 =	vld [tilespmem:$0x1F960]  }
0x33d: {  	v16 =	vbroadcast v56, $0x9  }
0x33e: {  	v31 =	vbroadcast v56, $0x4  }
0x33f: {  	v12 =	vmul.f32 v16, v1;
	v16 =	vbroadcast v55, $0x6;
	_ =	sdelay $0x1  }
0x340: {  	v32 =	vmul.f32 v31, v1;
	v31 =	vmul.f32 v16, v5;
	v16 =	vor.u32 s26, v0;
	v0 =	vld [tilespmem:$0x1F980];
	_ =	sdelay $0x2  }
0x341: {  	v54 =	vld [tilespmem:s28+$0x470];
	v18 =	vbroadcast v56, $0x2;
	_ =	sdelay $0x1  }
0x342: {  	v43 =	vmul.f32 v18, v1;
	v18 =	vor.u32 s26, v0;
	v0 =	vld [tilespmem:$0x1F990];
	_ =	sdelay $0x2  }
0x343: {  	v21 =	vbroadcast v54, $0x2;
	_ =	sdelay $0x1  }
0x344: {  	v41 =	vmul.f32 v21, v62;
	v21 =	vor.u32 s26, v0;
	v0 =	vld [tilespmem:$0x1F9A0];
	_ =	sdelay $0x2  }
0x345: {  	v28 =	vbroadcast v55, $0x3  }
0x346: {  	v30 =	vbroadcast v54, $0x1  }
0x347: {  	v48 =	vmul.f32 v28, v5;
	v28 =	vor.u32 s26, v0;
	v0 =	vld [tilespmem:$0x1F9B0]  }
0x348: {  	v35 =	vmul.f32 v30, v62;
	v30 =	vbroadcast v55, $0x4;
	_ =	sdelay $0x1  }
0x349: {  	v59 =	vld [tilespmem:s28+$0x440];
	v36 =	vmul.f32 v30, v5;
	_ =	sdelay $0x1  }
0x34a: {  	v36 =	vadd.f32 v36, v32;
	v32 =	vor.u32 s26, v0;
	v0 =	vld [tilespmem:$0x1F9F0];
	_ =	sdelay $0x2  }
0x34b: {  	v26 =	vbroadcast v56, $0x3;
	v37 =	vbroadcast v59, $0x7;
	_ =	sdelay $0x1  }
0x34c: {  	v46 =	vmul.f32 v26, v1;
	v26 =	vmul.f32 v37, v60;
	v37 =	vor.u32 s26, v0;
	v0 =	vld [tilespmem:$0x1FA00];
	_ =	sdelay $0x4  }
0x34d: {  	v2 =	vbroadcast v55, $0xD;
	v40 =	vor.u32 s26, v0;
	v0 =	vld [tilespmem:$0x1FA30]  }
0x34e: {  	v24 =	vbroadcast v55, $0x1;
	v42 =	vbroadcast v55, $0x2  }
0x34f: {  	v14 =	vbroadcast v55, $0x7;
	[tilespmem:$0x1F810] =	vst v2;
	v2 =	vbroadcast v55, $0xC  }
0x350: {  	v10 =	vbroadcast v55, $0x9;
	v45 =	vbroadcast v56, $0x1  }
0x351: {  	v50 =	vbroadcast v55, $0x0;
	[tilespmem:$0x1F820] =	vst v2;
	v2 =	vbroadcast v54, $0x9  }
0x352: {  	v20 =	vbroadcast v54, $0x3;
	v57 =	vmul.f32 v45, v1;
	v45 =	vor.u32 s26, v0;
	v0 =	vld [tilespmem:$0x1FA50]  }
0x353: {  	v23 =	vbroadcast v56, $0x6;
	[tilespmem:$0x1F830] =	vst v2;
	v2 =	vbroadcast v55, $0xB  }
0x354: {  	v38 =	vbroadcast v59, $0x8;
	v29 =	vbroadcast v55, $0x5  }
0x355: {  	v47 =	vbroadcast v59, $0x2;
	v49 =	vbroadcast v54, $0x0;
	[tilespmem:$0x1F840] =	vst v2;
	v2 =	vld [tilespmem:$0x1F8C0]  }
0x356: {  	v25 =	vbroadcast v54, $0x5;
	v39 =	vbroadcast v59, $0x1  }
0x357: {  	v53 =	vmul.f32 v49, v62;
	v49 =	vmul.f32 v47, v60;
	v47 =	vor.u32 s26, v0;
	v0 =	vld [tilespmem:$0x1FA60]  }
0x358: {  	v34 =	vbroadcast v56, $0x5;
	v44 =	vbroadcast v59, $0x3  }
0x359: {  	v52 =	vbroadcast v54, $0x6;
	v58 =	vbroadcast v59, $0x5  }
0x35a: {  	v7 =	vbroadcast v54, $0x4;
	v27 =	vmul.f32 v20, v62;
	v2 =	vor.u32 s26, v2  }
0x35b: {  	v13 =	vbroadcast v54, $0x7;
	v20 =	vmul.f32 v23, v1;
	[tilespmem:$0x1F860] =	vst v2;
	v2 =	vld [tilespmem:$0x1F8D0]  }
0x35c: {  	v23 =	vmul.f32 v7, v62;
	v61 =	vmul.f32 v50, v5;
	v50 =	vor.u32 s26, v0;
	v0 =	vld [tilespmem:$0x1FA70]  }
0x35d: {  	v29 =	vmul.f32 v29, v5;
	v30 =	vbroadcast v59, $0x6  }
0x35e: {  	v51 =	vmul.f32 v24, v5;
	v24 =	vmul.f32 v38, v60  }
0x35f: {  	v38 =	vmul.f32 v52, v62;
	v30 =	vmul.f32 v30, v60  }
0x360: {  	v51 =	vadd.f32 v51, v57;
	v57 =	vmul.f32 v42, v5;
	v2 =	vor.u32 s26, v2  }
0x361: {  	s28 =	simm.s32 $0x200;
	v42 =	vmul.f32 v58, v60;
	v58 =	vbroadcast v55, $0x8;
	[tilespmem:$0x1F870] =	vst v2;
	v52 =	vor.u32 s26, v0  }
.LBB2_9:
0x362: {  	v2 =	vld [tilespmem:$0x1FFF0]  }
0x363: {  	v7 =	vld [tilespmem:$0x1FA80]  }
0x364: {  	v0 =	vld [tilespmem:$0x1FA90];
	_ =	sdelay $0x2  }
0x365: {  	v2 =	vor.u32 s26, v2  }
0x366: {  	v6 =	vbroadcast v59, $0x0;
	v7 =	vor.u32 s26, v7  }
0x367: {  	v33 =	vadd.f32 v61, v33;
	v63 =	vor.u32 s26, v0  }
0x368: {  	v6 =	vmul.f32 v6, v60  }
0x369: {  	v33 =	vadd.f32 v53, v33  }
0x36a: {  	v39 =	vmul.f32 v39, v60;
	[tilespmem:v2+s19+$0x0] =	vst.idx.msk $0xffff, v6  }
0x36b: {  	v2 =	vadd.f32 v57, v43;
	[tilespmem:v7+s19+$0x0] =	vst.idx.msk $0xffff, v33;
	v7 =	vadd.f32 v35, v51  }
0x36c: {  	v51 =	vld [tilespmem:$0x1FA40];
	[tilespmem:v63+s19+$0x0] =	vst.idx.msk $0xffff, v39  }
0x36d: {  	v48 =	vadd.f32 v48, v46;
	v2 =	vadd.f32 v41, v2;
	[tilespmem:v52+s19+$0x0] =	vst.idx.msk $0xffff, v7  }
0x36e: {  	[tilespmem:v50+s19+$0x0] =	vst.idx.msk $0xffff, v49  }
0x36f: {  	[tilespmem:v47+s19+$0x0] =	vst.idx.msk $0xffff, v2;
	v2 =	vadd.f32 v27, v48;
	v27 =	vld [tilespmem:$0x1FA20];
	_ =	sdelay $0x1  }
0x370: {  	v39 =	vor.u32 s26, v51;
	_ =	sdelay $0x1  }
0x371: {  	v3 =	vbroadcast v59, $0x4;
	v44 =	vmul.f32 v44, v60  }
0x372: {  	v27 =	vor.u32 s26, v27  }
0x373: {  	v3 =	vmul.f32 v3, v60;
	[tilespmem:v45+s19+$0x0] =	vst.idx.msk $0xffff, v44  }
0x374: {  	[tilespmem:v39+s19+$0x0] =	vst.idx.msk $0xffff, v2;
	v2 =	vadd.f32 v23, v36  }
0x375: {  	[tilespmem:v40+s19+$0x0] =	vst.idx.msk $0xffff, v3  }
0x376: {  	v34 =	vmul.f32 v34, v1;
	[tilespmem:v37+s19+$0x0] =	vst.idx.msk $0xffff, v2  }
0x377: {  	[tilespmem:v27+s19+$0x0] =	vst.idx.msk $0xffff, v42;
	v27 =	vld [tilespmem:$0x1FA10]  }
0x378: {  	v25 =	vmul.f32 v25, v62;
	v29 =	vadd.f32 v29, v34;
	_ =	sdelay $0x1  }
0x379: {  	v6 =	vmul.f32 v14, v5;
	v3 =	vadd.f32 v31, v20;
	v2 =	vadd.f32 v25, v29  }
0x37a: {  	v13 =	vmul.f32 v13, v62  }
0x37b: {  	v6 =	vadd.f32 v6, v19;
	[tilespmem:v32+s19+$0x0] =	vst.idx.msk $0xffff, v2;
	v2 =	vadd.f32 v38, v3;
	v27 =	vor.u32 s26, v27  }
0x37c: {  	[tilespmem:v28+s19+$0x0] =	vst.idx.msk $0xffff, v30  }
0x37d: {  	[tilespmem:v21+s19+$0x0] =	vst.idx.msk $0xffff, v2;
	v2 =	vadd.f32 v13, v6;
	v6 =	vld [tilespmem:$0x1F9E0]  }
0x37e: {  	v58 =	vmul.f32 v58, v5;
	v0 =	vbroadcast v54, $0x8;
	v13 =	vld [tilespmem:$0x1F830]  }
0x37f: {  	v4 =	vbroadcast v59, $0x9;
	v10 =	vmul.f32 v10, v5;
	[tilespmem:v18+s19+$0x0] =	vst.idx.msk $0xffff, v26;
	v18 =	vld [tilespmem:$0x1F9C0]  }
0x380: {  	v22 =	vadd.f32 v58, v22;
	v0 =	vmul.f32 v0, v62;
	[tilespmem:v27+s19+$0x0] =	vst.idx.msk $0xffff, v2;
	v2 =	vld [tilespmem:$0x1F9D0]  }
0x381: {  	v4 =	vmul.f32 v4, v60;
	v58 =	vbroadcast v59, $0xA;
	v21 =	vld [tilespmem:$0x1F840]  }
0x382: {  	v53 =	vbroadcast v56, $0xA;
	v10 =	vadd.f32 v10, v12;
	v0 =	vadd.f32 v0, v22  }
0x383: {  	v7 =	vmul.f32 v58, v60;
	v58 =	vbroadcast v56, $0xB;
	v6 =	vor.u32 s26, v6  }
0x384: {  	v14 =	vbroadcast v54, $0xA;
	v57 =	vmul.f32 v53, v1;
	v18 =	vor.u32 s26, v18  }
0x385: {  	v33 =	vmul.f32 v58, v1;
	v13 =	vmul.f32 v13, v62;
	v2 =	vor.u32 s26, v2  }
0x386: {  	v17 =	vadd.f32 v17, v57;
	v23 =	vbroadcast v54, $0xB;
	v21 =	vmul.f32 v21, v5;
	[tilespmem:v16+s19+$0x0] =	vst.idx.msk $0xffff, v24  }
0x387: {  	[tilespmem:v15+s19+$0x0] =	vst.idx.msk $0xffff, v0;
	v0 =	vadd.f32 v13, v10;
	v10 =	vmul.f32 v14, v62  }
0x388: {  	v19 =	vbroadcast v59, $0xB;
	v23 =	vmul.f32 v23, v62;
	[tilespmem:v6+s19+$0x0] =	vst.idx.msk $0xffff, v4  }
0x389: {  	v4 =	vadd.f32 v21, v33;
	[tilespmem:v18+s19+$0x0] =	vst.idx.msk $0xffff, v0;
	v0 =	vadd.f32 v10, v17  }
0x38a: {  	v19 =	vmul.f32 v19, v60;
	[tilespmem:v2+s19+$0x0] =	vst.idx.msk $0xffff, v7  }
0x38b: {  	v12 =	vbroadcast v56, $0xD;
	v25 =	vbroadcast v56, $0xC;
	v16 =	vld [tilespmem:$0x1F820];
	v2 =	vadd.f32 v23, v4;
	[tilespmem:v11+s19+$0x0] =	vst.idx.msk $0xffff, v0  }
0x38c: {  	v13 =	vbroadcast v56, $0xE;
	[tilespmem:v9+s19+$0x0] =	vst.idx.msk $0xffff, v19;
	v9 =	vbroadcast v56, $0xF  }
0x38d: {  	v12 =	vmul.f32 v12, v1;
	v3 =	vmul.f32 v25, v1;
	[tilespmem:v8+s19+$0x0] =	vst.idx.msk $0xffff, v2;
	v8 =	vld [tilespmem:$0x1F8A0]  }
0x38e: {  	v13 =	vmul.f32 v13, v1;
	v1 =	vmul.f32 v9, v1;
	v9 =	vld [tilespmem:$0x1F890];
	_ =	sdelay $0x1  }
0x38f: {  	v25 =	vbroadcast v54, $0xC;
	v16 =	vmul.f32 v16, v5  }
0x390: {  	v61 =	vbroadcast v59, $0xC  }
0x391: {  	v4 =	vmul.f32 v25, v62;
	v0 =	vadd.f32 v16, v3  }
0x392: {  	v20 =	vmul.f32 v61, v60  }
0x393: {  	v0 =	vadd.f32 v4, v0  }
0x394: {  	[tilespmem:v8+s19+$0x0] =	vst.idx.msk $0xffff, v20  }
0x395: {  	[tilespmem:v9+s19+$0x0] =	vst.idx.msk $0xffff, v0;
	v9 =	vld [tilespmem:$0x1F880];
	_ =	sdelay $0x3  }
0x396: {  	v31 =	vbroadcast v59, $0xD  }
0x397: {  	v28 =	vld [tilespmem:$0x1F810]  }
0x398: {  	v29 =	vmul.f32 v31, v60;
	_ =	sdelay $0x1  }
0x399: {  	[tilespmem:v9+s19+$0x0] =	vst.idx.msk $0xffff, v29;
	v9 =	vld [tilespmem:$0x1F870]  }
0x39a: {  	v22 =	vbroadcast v55, $0xE  }
0x39b: {  	v28 =	vmul.f32 v28, v5;
	v7 =	vbroadcast v54, $0xD  }
0x39c: {  	v6 =	vmul.f32 v22, v5  }
0x39d: {  	v12 =	vadd.f32 v28, v12;
	v7 =	vmul.f32 v7, v62;
	v2 =	vbroadcast v54, $0xE;
	_ =	sdelay $0x1  }
0x39e: {  	v6 =	vadd.f32 v6, v13;
	v2 =	vmul.f32 v2, v62;
	v0 =	vadd.f32 v7, v12  }
0x39f: {  	v8 =	vld [tilespmem:$0x1F970]  }
0x3a0: {  	[tilespmem:v9+s19+$0x0] =	vst.idx.msk $0xffff, v0;
	v0 =	vadd.f32 v2, v6;
	v6 =	vld [tilespmem:$0x1F860];
	_ =	sdelay $0x2  }
0x3a1: {  	v14 =	vbroadcast v55, $0xF  }
0x3a2: {  	v10 =	vbroadcast v59, $0xE;
	v8 =	vor.u32 s26, v8  }
0x3a3: {  	v5 =	vmul.f32 v14, v5;
	v7 =	vbroadcast v54, $0xF  }
0x3a4: {  	v3 =	vmul.f32 v10, v60  }
0x3a5: {  	v1 =	vadd.f32 v5, v1;
	v2 =	vmul.f32 v7, v62  }
0x3a6: {  	v5 =	vld [tilespmem:$0x1F950];
	[tilespmem:v6+s19+$0x0] =	vst.idx.msk $0xffff, v3  }
0x3a7: {  	[tilespmem:v8+s19+$0x0] =	vst.idx.msk $0xffff, v0;
	v0 =	vadd.f32 v2, v1;
	v1 =	vld [tilespmem:$0x1F850];
	_ =	sdelay $0x3  }
0x3a8: {  	v10 =	vbroadcast v59, $0xF;
	v5 =	vor.u32 s26, v5;
	_ =	sdelay $0x1  }
0x3a9: {  	v4 =	vmul.f32 v10, v60  }
0x3aa: {  	s29 =	smov.u32 s28  }
0x3ab: {  	s26 =	smov.u32 s29;
	v7 =	vld [tilespmem:$0x1FC90];
	[tilespmem:v1+s19+$0x0] =	vst.idx.msk $0xffff, v4  }
0x3ac: {  	s29 =	sshra.s32 s26, $0x2;
	v6 =	vld [tilespmem:$0x1FC60];
	[tilespmem:v5+s19+$0x0] =	vst.idx.msk $0xffff, v0  }
0x3ad: {  	v2 =	vld [tilespmem:s29+$0x420]  }
0x3ae: {  	v9 =	vld [tilespmem:$0x1FCC0];
	_ =	sdelay $0x1  }
0x3af: {  	v63 =	vld [tilespmem:$0x1FCE0]  }
0x3b0: {  	v5 =	vld [tilespmem:$0x1FCB0]  }
0x3b1: {  	v1 =	vld [tilespmem:s29+$0x410];
	v6 =	vmul.f32 v2, v6  }
0x3b2: {  	v7 =	vmul.f32 v2, v7;
	v2 =	vmul.f32 v2, v9;
	v9 =	vld [tilespmem:$0x1FC80]  }
0x3b3: {  	v13 =	vld [tilespmem:$0x1F8B0]  }
0x3b4: {  	v55 =	vld [tilespmem:s29+$0x460];
	_ =	sdelay $0x1  }
0x3b5: {  	v5 =	vmul.f32 v1, v5  }
0x3b6: {  	v8 =	vmul.f32 v1, v63;
	v1 =	vmul.f32 v1, v9  }
0x3b7: {  	v54 =	vld [tilespmem:s29+$0x470]  }
0x3b8: {  	v13 =	vor.u32 s26, v13;
	v7 =	vadd.f32 v7, v1;
	v1 =	vbroadcast v55, $0xD  }
0x3b9: {  	[tilespmem:$0x1F850] =	vst v13;
	v13 =	vld [tilespmem:$0x1F8C0]  }
0x3ba: {  	[tilespmem:$0x1F810] =	vst v1;
	v1 =	vbroadcast v55, $0xC;
	_ =	sdelay $0x1  }
0x3bb: {  	[tilespmem:$0x1F820] =	vst v1;
	v1 =	vbroadcast v54, $0x9;
	_ =	sdelay $0x1  }
0x3bc: {  	v13 =	vor.u32 s26, v13;
	[tilespmem:$0x1F830] =	vst v1;
	v1 =	vbroadcast v55, $0xB  }
0x3bd: {  	[tilespmem:$0x1F860] =	vst v13;
	v13 =	vld [tilespmem:$0x1FC50]  }
0x3be: {  	[tilespmem:$0x1F840] =	vst v1;
	v1 =	vld [tilespmem:s29+$0x400];
	_ =	sdelay $0x1  }
0x3bf: {  	v4 =	vld [tilespmem:$0x1FC70]  }
0x3c0: {  	v0 =	vld [tilespmem:s29+$0x430]  }
0x3c1: {  	v56 =	vld [tilespmem:s29+$0x450]  }
0x3c2: {  	v60 =	vmul.f32 v1, v13;
	v1 =	vld [tilespmem:$0x1F8D0]  }
0x3c3: {  	v3 =	vld [tilespmem:$0x1FCA0]  }
0x3c4: {  	v6 =	vadd.f32 v6, v8;
	v8 =	vld [tilespmem:$0x1FCD0];
	_ =	sdelay $0x1  }
0x3c5: {  	v4 =	vmul.f32 v0, v4  }
0x3c6: {  	v12 =	vbroadcast v56, $0x0;
	v1 =	vor.u32 s26, v1  }
0x3c7: {  	v2 =	vadd.f32 v2, v5;
	v5 =	vbroadcast v56, $0x9;
	[tilespmem:$0x1F870] =	vst v1;
	v1 =	vadd.f32 v4, v6  }
0x3c8: {  	v3 =	vmul.f32 v0, v3;
	v0 =	vmul.f32 v0, v8  }
0x3c9: {  	v33 =	vmul.f32 v12, v1;
	v12 =	vmul.f32 v5, v1;
	v5 =	vld [tilespmem:$0x1F8F0]  }
0x3ca: {  	v62 =	vadd.f32 v0, v2;
	v0 =	vbroadcast v54, $0x4;
	_ =	sdelay $0x1  }
0x3cb: {  	v23 =	vmul.f32 v0, v62;
	v0 =	vld [tilespmem:$0x1F910];
	_ =	sdelay $0x1  }
0x3cc: {  	v5 =	vor.u32 s26, v5  }
0x3cd: {  	v17 =	vbroadcast v56, $0x6;
	v8 =	vbroadcast v55, $0xA;
	[tilespmem:$0x1F890] =	vst v5;
	v5 =	vadd.f32 v3, v7;
	_ =	sdelay $0x1  }
0x3ce: {  	v20 =	vmul.f32 v17, v1;
	v17 =	vmul.f32 v8, v5;
	v8 =	vor.u32 s26, v0;
	v0 =	vld [tilespmem:$0x1F920];
	_ =	sdelay $0x2  }
0x3cf: {  	v9 =	vbroadcast v56, $0x8  }
0x3d0: {  	v19 =	vld [tilespmem:$0x1F8E0]  }
0x3d1: {  	v22 =	vmul.f32 v9, v1;
	v9 =	vor.u32 s26, v0;
	v0 =	vld [tilespmem:$0x1F930];
	_ =	sdelay $0x2  }
0x3d2: {  	v11 =	vbroadcast v56, $0x7;
	v4 =	vbroadcast v56, $0x4  }
0x3d3: {  	v19 =	vor.u32 s26, v19;
	v24 =	vbroadcast v55, $0x1;
	v42 =	vbroadcast v55, $0x2  }
0x3d4: {  	[tilespmem:$0x1F880] =	vst v19;
	v19 =	vmul.f32 v11, v1;
	v11 =	vor.u32 s26, v0;
	v0 =	vmul.f32 v4, v1;
	v4 =	vld [tilespmem:$0x1F940]  }
0x3d5: {  	v18 =	vbroadcast v56, $0x2;
	v14 =	vbroadcast v55, $0x7;
	v3 =	vld [tilespmem:$0x1F900]  }
0x3d6: {  	v26 =	vbroadcast v56, $0x3;
	v10 =	vbroadcast v55, $0x9  }
0x3d7: {  	v52 =	vbroadcast v55, $0x0;
	v15 =	vbroadcast v54, $0x3;
	v7 =	vld [tilespmem:$0x1F990]  }
0x3d8: {  	v59 =	vld [tilespmem:s29+$0x440];
	v28 =	vbroadcast v54, $0x2;
	v30 =	vbroadcast v55, $0x3  }
0x3d9: {  	v2 =	vbroadcast v55, $0x6;
	v27 =	vmul.f32 v15, v62;
	v15 =	vor.u32 s26, v4;
	v4 =	vld [tilespmem:$0x1F980]  }
0x3da: {  	v16 =	vbroadcast v54, $0x1;
	v21 =	vbroadcast v55, $0x5;
	v3 =	vor.u32 s26, v3  }
0x3db: {  	v31 =	vmul.f32 v2, v5;
	v2 =	vld [tilespmem:$0x1F960];
	[tilespmem:$0x1F8A0] =	vst v3;
	v3 =	vbroadcast v55, $0x4  }
0x3dc: {  	v25 =	vbroadcast v54, $0x5;
	v29 =	vmul.f32 v21, v5;
	v21 =	vor.u32 s26, v7;
	v7 =	vld [tilespmem:$0x1F9A0]  }
0x3dd: {  	v39 =	vbroadcast v59, $0x1;
	v3 =	vmul.f32 v3, v5  }
0x3de: {  	v43 =	vmul.f32 v18, v1;
	v18 =	vor.u32 s26, v4;
	v4 =	vbroadcast v59, $0x6  }
0x3df: {  	v35 =	vmul.f32 v16, v62;
	v41 =	vmul.f32 v28, v62;
	v36 =	vadd.f32 v3, v0;
	v3 =	vld [tilespmem:$0x1F9B0]  }
0x3e0: {  	v48 =	vmul.f32 v30, v5;
	v16 =	vor.u32 s26, v2;
	v30 =	vmul.f32 v4, v60;
	v4 =	vld [tilespmem:$0x1F9F0]  }
0x3e1: {  	v2 =	vbroadcast v59, $0x2;
	v28 =	vor.u32 s26, v7;
	v7 =	vbroadcast v59, $0x7  }
0x3e2: {  	v46 =	vmul.f32 v26, v1;
	v0 =	vbroadcast v56, $0x1  }
0x3e3: {  	v49 =	vmul.f32 v2, v60;
	v2 =	vld [tilespmem:$0x1FA60];
	v26 =	vmul.f32 v7, v60  }
0x3e4: {  	v7 =	vld [tilespmem:$0x1FA00];
	v0 =	vmul.f32 v0, v1;
	v32 =	vor.u32 s26, v3;
	v3 =	vmul.f32 v24, v5  }
0x3e5: {  	v34 =	vbroadcast v56, $0x5;
	v24 =	vld [tilespmem:$0x1FA30];
	v37 =	vor.u32 s26, v4;
	v4 =	vbroadcast v54, $0x0  }
0x3e6: {  	v44 =	vbroadcast v59, $0x3;
	v63 =	vbroadcast v59, $0x5;
	v51 =	vadd.f32 v3, v0;
	v0 =	vld [tilespmem:$0x1FA70]  }
0x3e7: {  	p0 =	sne.s32 s28, $0xE00;
	v58 =	vbroadcast v55, $0x8;
	v53 =	vmul.f32 v4, v62;
	v4 =	vld [tilespmem:$0x1FA50]  }
.Ltmp3:
0x3e8: {  	v13 =	vbroadcast v54, $0x7;
	v6 =	vbroadcast v59, $0x8;
	(pc) =	sbr.rel @p0 .LBB2_9-.Ltmp3, $4  }
0x3e9: {  	v57 =	vmul.f32 v42, v5;
	v40 =	vor.u32 s26, v7;
	v7 =	vbroadcast v54, $0x6  }
0x3ea: {  	v42 =	vmul.f32 v63, v60;
	v61 =	vmul.f32 v52, v5  }
0x3eb: {  	v50 =	vor.u32 s26, v2;
	v38 =	vmul.f32 v7, v62;
	v45 =	vor.u32 s26, v24  }
0x3ec: {  	s28 =	sadd.s32 $0x200, s28;
	v24 =	vmul.f32 v6, v60;
	v52 =	vor.u32 s26, v0;
	v47 =	vor.u32 s26, v4  }
0x3ed: {  	v0 =	vld [tilespmem:$0x1FFF0]  }
0x3ee: {  	v2 =	vld [tilespmem:$0x1FA80]  }
0x3ef: {  	v6 =	vld [tilespmem:$0x1FA90];
	_ =	sdelay $0x2  }
0x3f0: {  	v0 =	vor.u32 s26, v0  }
0x3f1: {  	v3 =	vbroadcast v59, $0x0;
	v2 =	vor.u32 s26, v2  }
0x3f2: {  	v4 =	vadd.f32 v61, v33;
	v6 =	vor.u32 s26, v6  }
0x3f3: {  	v3 =	vmul.f32 v3, v60  }
0x3f4: {  	v4 =	vadd.f32 v53, v4  }
0x3f5: {  	v63 =	vmul.f32 v39, v60;
	v33 =	vadd.f32 v57, v43;
	v43 =	vld [tilespmem:$0x1FA40];
	[tilespmem:v0+s19+$0x0] =	vst.idx.msk $0xffff, v3  }
0x3f6: {  	v39 =	vadd.f32 v35, v51;
	[tilespmem:v2+s19+$0x0] =	vst.idx.msk $0xffff, v4  }
0x3f7: {  	[tilespmem:v6+s19+$0x0] =	vst.idx.msk $0xffff, v63  }
0x3f8: {  	v2 =	vadd.f32 v41, v33;
	[tilespmem:v52+s19+$0x0] =	vst.idx.msk $0xffff, v39  }
0x3f9: {  	v4 =	vmul.f32 v44, v60;
	v6 =	vbroadcast v59, $0x4;
	[tilespmem:v50+s19+$0x0] =	vst.idx.msk $0xffff, v49  }
0x3fa: {  	v0 =	vor.u32 s26, v43;
	[tilespmem:v47+s19+$0x0] =	vst.idx.msk $0xffff, v2  }
0x3fb: {  	v48 =	vadd.f32 v48, v46;
	[tilespmem:v45+s19+$0x0] =	vst.idx.msk $0xffff, v4;
	v4 =	vmul.f32 v6, v60;
	v6 =	vld [tilespmem:$0x1FA20];
	_ =	sdelay $0x1  }
0x3fc: {  	v49 =	vadd.f32 v27, v48  }
0x3fd: {  	v50 =	vmul.f32 v34, v1  }
0x3fe: {  	[tilespmem:v0+s19+$0x0] =	vst.idx.msk $0xffff, v49  }
0x3ff: {  	v52 =	vadd.f32 v29, v50;
	[tilespmem:v40+s19+$0x0] =	vst.idx.msk $0xffff, v4;
	v4 =	vmul.f32 v25, v62;
	v6 =	vor.u32 s26, v6  }
0x400: {  	v51 =	vadd.f32 v23, v36;
	v29 =	vld [tilespmem:$0x1FA10]  }
0x401: {  	v7 =	vbroadcast v54, $0x8;
	v2 =	vadd.f32 v4, v52;
	v4 =	vmul.f32 v58, v5;
	_ =	sdelay $0x1  }
0x402: {  	v7 =	vmul.f32 v7, v62;
	[tilespmem:v37+s19+$0x0] =	vst.idx.msk $0xffff, v51;
	v4 =	vadd.f32 v4, v22  }
0x403: {  	v57 =	vadd.f32 v31, v20;
	v14 =	vmul.f32 v14, v5;
	v36 =	vld [tilespmem:$0x1F9E0];
	[tilespmem:v6+s19+$0x0] =	vst.idx.msk $0xffff, v42  }
0x404: {  	v13 =	vmul.f32 v13, v62;
	v25 =	vor.u32 s26, v29;
	v37 =	vadd.f32 v7, v4;
	v7 =	vld [tilespmem:$0x1F9C0];
	[tilespmem:v32+s19+$0x0] =	vst.idx.msk $0xffff, v2  }
0x405: {  	v39 =	vld [tilespmem:$0x1F830];
	v0 =	vadd.f32 v38, v57;
	[tilespmem:v28+s19+$0x0] =	vst.idx.msk $0xffff, v30;
	v30 =	vadd.f32 v14, v19;
	_ =	sdelay $0x1  }
0x406: {  	v61 =	vbroadcast v54, $0xA;
	v53 =	vbroadcast v59, $0x9;
	v42 =	vld [tilespmem:$0x1F9D0];
	[tilespmem:v21+s19+$0x0] =	vst.idx.msk $0xffff, v0;
	v0 =	vadd.f32 v13, v30  }
0x407: {  	v31 =	vbroadcast v59, $0xB;
	v10 =	vmul.f32 v10, v5;
	[tilespmem:v18+s19+$0x0] =	vst.idx.msk $0xffff, v26;
	v18 =	vor.u32 s26, v36  }
0x408: {  	v3 =	vmul.f32 v53, v60;
	v44 =	vld [tilespmem:$0x1F840];
	v63 =	vbroadcast v59, $0xA;
	v7 =	vor.u32 s26, v7;
	[tilespmem:v25+s19+$0x0] =	vst.idx.msk $0xffff, v0  }
0x409: {  	v10 =	vadd.f32 v10, v12;
	v6 =	vbroadcast v56, $0xA;
	[tilespmem:v16+s19+$0x0] =	vst.idx.msk $0xffff, v24;
	v16 =	vmul.f32 v39, v62  }
0x40a: {  	v34 =	vmul.f32 v31, v60;
	v28 =	vbroadcast v56, $0xB  }
0x40b: {  	v45 =	vld [tilespmem:$0x1F810];
	v6 =	vmul.f32 v6, v1;
	[tilespmem:v15+s19+$0x0] =	vst.idx.msk $0xffff, v37;
	v15 =	vor.u32 s26, v42;
	v10 =	vadd.f32 v16, v10  }
0x40c: {  	v2 =	vmul.f32 v61, v62;
	v33 =	vmul.f32 v28, v1;
	[tilespmem:v18+s19+$0x0] =	vst.idx.msk $0xffff, v3  }
0x40d: {  	v4 =	vbroadcast v54, $0xB;
	v43 =	vadd.f32 v17, v6;
	[tilespmem:v7+s19+$0x0] =	vst.idx.msk $0xffff, v10;
	v10 =	vmul.f32 v44, v5  }
0x40e: {  	v32 =	vmul.f32 v63, v60;
	v6 =	vbroadcast v56, $0xD  }
0x40f: {  	v4 =	vmul.f32 v4, v62;
	v2 =	vadd.f32 v2, v43;
	v10 =	vadd.f32 v10, v33  }
0x410: {  	v6 =	vmul.f32 v6, v1;
	v3 =	vmul.f32 v45, v5;
	[tilespmem:v15+s19+$0x0] =	vst.idx.msk $0xffff, v32  }
0x411: {  	v46 =	vld [tilespmem:$0x1F820];
	v53 =	vbroadcast v54, $0xD;
	v47 =	vbroadcast v56, $0xE;
	[tilespmem:v11+s19+$0x0] =	vst.idx.msk $0xffff, v2;
	v4 =	vadd.f32 v4, v10  }
0x412: {  	v38 =	vbroadcast v56, $0xC;
	v3 =	vadd.f32 v3, v6;
	v6 =	vbroadcast v55, $0xF;
	[tilespmem:v9+s19+$0x0] =	vst.idx.msk $0xffff, v34  }
0x413: {  	v49 =	vbroadcast v56, $0xF;
	v56 =	vld [tilespmem:$0x1F8A0];
	[tilespmem:v8+s19+$0x0] =	vst.idx.msk $0xffff, v4;
	v8 =	vmul.f32 v53, v62  }
0x414: {  	v57 =	vmul.f32 v6, v5;
	v6 =	vld [tilespmem:$0x1F890]  }
0x415: {  	v12 =	vmul.f32 v38, v1;
	v3 =	vadd.f32 v8, v3;
	v8 =	vld [tilespmem:$0x1F880]  }
0x416: {  	v7 =	vbroadcast v54, $0xC;
	v15 =	vmul.f32 v46, v5  }
0x417: {  	v35 =	vbroadcast v59, $0xC  }
0x418: {  	v7 =	vmul.f32 v7, v62;
	v51 =	vadd.f32 v15, v12  }
0x419: {  	v41 =	vbroadcast v59, $0xD;
	v40 =	vmul.f32 v35, v60  }
0x41a: {  	v7 =	vadd.f32 v7, v51  }
0x41b: {  	v4 =	vmul.f32 v41, v60;
	[tilespmem:v56+s19+$0x0] =	vst.idx.msk $0xffff, v40  }
0x41c: {  	v52 =	vmul.f32 v49, v1;
	v49 =	vld [tilespmem:$0x1FF50];
	[tilespmem:v6+s19+$0x0] =	vst.idx.msk $0xffff, v7  }
0x41d: {  	[tilespmem:v8+s19+$0x0] =	vst.idx.msk $0xffff, v4;
	v8 =	vld [tilespmem:$0x1F870]  }
0x41e: {  	v48 =	vbroadcast v55, $0xE;
	v63 =	vld [tilespmem:$0x1F850]  }
0x41f: {  	v50 =	vmul.f32 v47, v1;
	v43 =	vld [tilespmem:$0x1FF80]  }
0x420: {  	v42 =	vld [tilespmem:$0x1FF20];
	v2 =	vmul.f32 v48, v5;
	v5 =	vbroadcast v54, $0xE  }
0x421: {  	v55 =	vld [tilespmem:$0x1FFE0]  }
0x422: {  	v48 =	vld [tilespmem:$0x1FEF0];
	v2 =	vadd.f32 v2, v50;
	v6 =	vbroadcast v59, $0xE;
	v4 =	vmul.f32 v5, v62  }
0x423: {  	v7 =	vld [tilespmem:$0x1F970]  }
0x424: {  	v58 =	vmul.f32 v6, v60;
	v6 =	vbroadcast v59, $0xF;
	v59 =	vadd.f32 v4, v2;
	v4 =	vld [tilespmem:$0x1F860]  }
0x425: {  	[tilespmem:v8+s19+$0x0] =	vst.idx.msk $0xffff, v3;
	v8 =	vld [tilespmem:$0x1F950]  }
0x426: {  	v0 =	vadd.f32 v57, v52;
	v52 =	vld [tilespmem:$0x1FF30]  }
0x427: {  	v57 =	vld [tilespmem:$0x1FFA0]  }
0x428: {  	v50 =	vld [tilespmem:$0x1FF40];
	v7 =	vor.u32 s26, v7  }
0x429: {  	v51 =	vld [tilespmem:$0x1FF60];
	v5 =	vbroadcast v54, $0xF  }
0x42a: {  	s24 =	sadd.s32 $0x1, s24;
	v56 =	vld [tilespmem:$0x1FF90];
	v8 =	vor.u32 s26, v8  }
0x42b: {  	p0 =	sne.s32 s24, $0xC;
	v54 =	vld [tilespmem:$0x1FF70];
	v61 =	vmul.f32 v5, v62  }
.Ltmp4:
0x42c: {  	v62 =	vmul.f32 v6, v60;
	v60 =	vld [tilespmem:$0x1FFD0];
	[tilespmem:v4+s19+$0x0] =	vst.idx.msk $0xffff, v58;
	(pc) =	sbr.rel @p0 .LBB2_2-.Ltmp4, $4  }
0x42d: {  	s25 =	sshll.u32 s25, $0x6;
	v0 =	vadd.f32 v61, v0;
	v61 =	vld [tilespmem:$0x1FF10];
	[tilespmem:v7+s19+$0x0] =	vst.idx.msk $0xffff, v59  }
0x42e: {  	s25 =	sand.u32 $0x1FFFFE00, s25;
	v58 =	vld [tilespmem:$0x1FFB0];
	[tilespmem:v63+s19+$0x0] =	vst.idx.msk $0xffff, v62  }
0x42f: {  	s25 =	sadd.s32 s2, s25;
	v7 =	vld [tilespmem:$0x1FFC0];
	[tilespmem:v8+s19+$0x0] =	vst.idx.msk $0xffff, v0  }
0x430: {  	v62 =	vld [tilespmem:$0x1FF00];
	[hbm4b:s25+s5] =	stream.linear.scatter [tilespmem:s19], [sflag:$0x3], $0x1000, $0x38  }
0x431: {  	_ =	swait.ge [sflag:s21], $0x800  }
0x432: {  	[sflag:s21] =	ssyncset.done $0x0  }
0x433: {  	[sflag:s21] =	ssyncadd.s32 $0xFFFFF800  }
0x434: {  	_ =	swait.ge [sflag:s21], $0x800  }
0x435: {  	[sflag:s21] =	ssyncset.done $0x0  }
0x436: {  	s23 =	sadd.s32 $0x1, s23;
	[sflag:s21] =	ssyncadd.s32 $0xFFFFF800  }
0x437: {  	p0 =	sne.s32 s23, s11;
	_ =	swait.ge [sflag:s21], $0x800  }
.Ltmp5:
0x438: {  	[sflag:s21] =	ssyncset.done $0x0;
	(pc) =	sbr.rel @p0 .LBB2_1-.Ltmp5, $4  }
0x439: {  	[sflag:s21] =	ssyncadd.s32 $0xFFFFF800  }
0x43a: {  	_ =	swait.ge [sflag:s22], $0x1000  }
0x43b: {  	[sflag:s22] =	ssyncset.done $0x0  }
0x43c: {  	[sflag:s22] =	ssyncadd.s32 $0xFFFFF000  }
0x43d: {  	_ =	sfence.sel $0x180000  }
0x43e: {  	[bflag:$0x0] =	sbarrier.arrive $0xFFFF  }
0x43f: {  	p0 =	sne.s32 s3, $0x0;
	_ =	strace $0x90000047  }
0x440: {  	s0 =	sadd.s32 @!p0 $0x100000, s4;
	[bflag:$0x2] =	sbarrier.arrive $0xFFFF  }
0x441: {  	[sflag:s0] =	ssyncadd.tile.s32 @!p0 $0x1;
	_ =	shalt  }
.Lfunc_end2:
_tile_overlayer_lowered:
.L_overlay_start_2:
0x442: {  	(tag) =	ssettag $0x2  }
0x443: {  	s0 =	rddreg [dreg:$0x0];
	s2 =	stileid.u32  }
0x444: {  	s1 =	rddreg [dreg:$0x1];
	p0 =	sne.s32 s2, $0x0  }
0x445: {  	s3 =	rddreg [dreg:$0x2];
	[bflag:$0x3] =	sbarrier.arrive $0xFFFF;
	s2 =	simm.s32 @!p0 $0x1C05  }
0x446: {  	[timem:s3], [sflag:s2] =	dma.local @!p0 [hbm:s0], s1  }
0x447: {  	s0 =	simm.s32 @!p0 $0x5  }
0x448: {  	_ =	swait.ge @!p0 [sflag:s0], s1  }
0x449: {  	s1 =	ssub.s32 @!p0 $0x0, s1;
	[sflag:s0] =	ssyncset.done @!p0 $0x0  }
0x44a: {  	[sflag:s0] =	ssyncadd.s32 @!p0 s1  }
0x44b: {  	[bflag:$0x3] =	sbarrier.arrive $0xFFFF  }
0x44c: {  	_ =	shalt  }

</sc_bundles>
